<compile_context>
chip_gen: v7x
topology: tpu7x:2x2x1
jax: 0.10.2.dev20260603
libtpu: 0.0.44.dev20260713+nightly
codegen_flags: <defaults>
</compile_context>

<pallas_src>
import functools

import jax
import jax.numpy as jnp
from jax import lax
from jax.experimental import pallas as pl
from jax.experimental.pallas import tpu as pltpu
from jax.experimental.pallas import tpu_sc as plsc

N = 10000
E = 160000
D = 256
H = 128
G = 64
NC = 2
NS = 16
R_MAIN = 624
R_EXTRA_OFF = NS * R_MAIN
R_EXTRA = N - R_EXTRA_OFF
EDGES_PER_TILE = E // NS
CH = 80
N_CHUNKS = EDGES_PER_TILE // CH
N_PHASES = 5
PH_CHUNKS = N_CHUNKS // N_PHASES
DEG_EDGES_PER_SC = E // NC
DEG_EDGES_PER_TILE = DEG_EDGES_PER_SC // NS
DCH = 40
N_DEG_CHUNKS = DEG_EDGES_PER_TILE // DCH
RB = 2000
N_RB = N // RB

_sc_mesh = plsc.VectorSubcoreMesh(core_axis_name="c", subcore_axis_name="s")


NP = 10240
NPH = NP // 2
DEG_E_TILE = E // (NC * NS)
COLS = 640


def _deg_body(dst_hbm, deg_out, dstbuf_v, hist_v, tmp_v, red_v, hist_sh):
    c = lax.axis_index("c")
    s = lax.axis_index("s")
    wid = c * NS + s

    def initz(i, _):
        hist_v[pl.ds(i * 16, 16)] = jnp.zeros((16,), jnp.float32)
        return _

    lax.fori_loop(0, NP // 16, initz, None)

    dstbuf_v[pl.ds((DEG_E_TILE // 16) * 16, 16)] = jnp.full((16,), N, jnp.int32)
    pltpu.sync_copy(dst_hbm.at[pl.ds(wid * DEG_E_TILE, DEG_E_TILE)],
                    dstbuf_v.at[pl.ds(0, DEG_E_TILE)])
    ones16 = jnp.ones((16,), jnp.float32)

    def scat(j, _):
        idx = dstbuf_v[pl.ds(j * 16, 16)]
        plsc.addupdate_scatter(hist_v, [idx], ones16)
        return _

    lax.fori_loop(0, DEG_E_TILE // 16 + 1, scat, None)

    for p in range(2):
        pltpu.sync_copy(hist_v.at[pl.ds(p * NPH, NPH)], hist_sh.at[s, 0])
        plsc.subcore_barrier()

        @pl.when(s // 8 == p)
        def _():
            def initr(i, _):
                red_v[pl.ds(i * 16, 16)] = jnp.zeros((16,), jnp.float32)
                return _

            lax.fori_loop(0, COLS // 16, initr, None)

            def redk(k, _):
                pltpu.sync_copy(
                    hist_sh.at[k, 0, pl.ds((s % 8) * COLS, COLS)], tmp_v)

                def add16(i, __):
                    red_v[pl.ds(i * 16, 16)] += tmp_v[pl.ds(i * 16, 16)]
                    return __

                lax.fori_loop(0, COLS // 16, add16, None)
                return _

            lax.fori_loop(0, NS, redk, None)
            pltpu.sync_copy(red_v,
                            deg_out.at[pl.ds(c * NP + s * COLS, COLS)])

        plsc.subcore_barrier()


_deg_call = pl.kernel(
    _deg_body,
    out_type=jax.ShapeDtypeStruct((NC * NP,), jnp.float32),
    mesh=_sc_mesh,
    scratch_types=[
        pltpu.VMEM((DEG_E_TILE + 8,), jnp.int32),
        pltpu.VMEM((NP,), jnp.float32),
        pltpu.VMEM((COLS,), jnp.float32),
        pltpu.VMEM((COLS,), jnp.float32),
        pltpu.VMEM_SHARED((NS, 1, NPH), jnp.float32),
    ],
    compiler_params=pltpu.CompilerParams(needs_layout_passes=False),
)




def _spmm_body(tbl_hbm, src3_hbm, dst3_hbm, out_hbm, src_v, dst_v,
               rows0_v, rows1_v, sem0, sem1, acc_sh):
    c = lax.axis_index("c")
    s = lax.axis_index("s")

    row0 = s * R_MAIN
    pltpu.sync_copy(tbl_hbm.at[pl.ds(c * N + row0, R_MAIN)],
                    acc_sh.at[pl.ds(row0, R_MAIN)])

    @pl.when(s == NS - 1)
    def _():
        pltpu.sync_copy(tbl_hbm.at[pl.ds(c * N + R_EXTRA_OFF, R_EXTRA)],
                        acc_sh.at[pl.ds(R_EXTRA_OFF, R_EXTRA)])

    plsc.subcore_barrier()

    for ph in range(N_PHASES):
        cbase = ph * PH_CHUNKS
        pltpu.sync_copy(
            src3_hbm.at[pl.ds(c * E + s * EDGES_PER_TILE + cbase * CH,
                              PH_CHUNKS * CH)], src_v)
        pltpu.sync_copy(
            dst3_hbm.at[pl.ds(s * N_CHUNKS + cbase, PH_CHUNKS)], dst_v)

        def g(j, buf, sem):
            return pltpu.async_copy(
                tbl_hbm.at[src_v.at[pl.ds(j * CH, CH)]], buf, sem)

        def gwait(j, buf, sem):
            pltpu.make_async_copy(
                tbl_hbm.at[src_v.at[pl.ds(j * CH, CH)]], buf,
                sem).wait()

        def scat(j, buf):
            pltpu.sync_copy(buf, acc_sh.at[dst_v.at[j, 0]], add=True)

        g(0, rows0_v, sem0)
        g(1, rows1_v, sem1)

        def pair(jj, _):
            j0 = 2 * jj
            j1 = j0 + 1
            gwait(j0, rows0_v, sem0)
            scat(j0, rows0_v)

            @pl.when(j0 + 2 < PH_CHUNKS)
            def _():
                g(j0 + 2, rows0_v, sem0)

            gwait(j1, rows1_v, sem1)
            scat(j1, rows1_v)

            @pl.when(j1 + 2 < PH_CHUNKS)
            def _():
                g(j1 + 2, rows1_v, sem1)

            return _

        lax.fori_loop(0, PH_CHUNKS // 2, pair, None)
        gwait(PH_CHUNKS - 1, rows0_v, sem0)
        scat(PH_CHUNKS - 1, rows0_v)

    plsc.subcore_barrier()
    pltpu.sync_copy(acc_sh.at[pl.ds(row0, R_MAIN)],
                    out_hbm.at[c, pl.ds(row0, R_MAIN)])

    @pl.when(s == NS - 1)
    def _():
        pltpu.sync_copy(acc_sh.at[pl.ds(R_EXTRA_OFF, R_EXTRA)],
                        out_hbm.at[c, pl.ds(R_EXTRA_OFF, R_EXTRA)])


_spmm_call = pl.kernel(
    _spmm_body,
    out_type=jax.ShapeDtypeStruct((NC, N, H), jnp.float32),
    mesh=_sc_mesh,
    scratch_types=[
        pltpu.VMEM((PH_CHUNKS * CH,), jnp.int32),
        pltpu.VMEM((PH_CHUNKS, 1, CH), jnp.int32),
        pltpu.VMEM((CH, H), jnp.float32),
        pltpu.VMEM((CH, H), jnp.float32),
        pltpu.SemaphoreType.DMA,
        pltpu.SemaphoreType.DMA,
        pltpu.VMEM_SHARED((N, H), jnp.float32),
    ],
)


def _dinv_block(deg_ref):
    degsum = deg_ref[:, 0:1] + deg_ref[:, 1:2] + 1.0
    return lax.rsqrt(degsum)


def _mm1_body(x_ref, w_ref, deg_ref, o_ref):
    dinv = _dinv_block(deg_ref)
    t = jnp.dot(x_ref[...], w_ref[...], preferred_element_type=jnp.float32)
    o_ref[0] = t * dinv


_mm1_call = pl.pallas_call(
    _mm1_body,
    grid=(N_RB, 2),
    in_specs=[
        pl.BlockSpec((RB, D), lambda i, j: (i, 0)),
        pl.BlockSpec((D, H), lambda i, j: (0, j)),
        pl.BlockSpec((RB, NC), lambda i, j: (i, 0)),
    ],
    out_specs=pl.BlockSpec((1, RB, H), lambda i, j: (j, i, 0)),
    out_shape=jax.ShapeDtypeStruct((NC, N, H), jnp.float32),
)


def _mm2_body(acc_ref, w_ref, b_ref, deg_ref, o_ref):
    dinv = _dinv_block(deg_ref)
    h1a = jax.nn.relu(acc_ref[0] * dinv + b_ref[0, 0][None, :])
    h1b = jax.nn.relu(acc_ref[1] * dinv + b_ref[0, 1][None, :])
    t = (jnp.dot(h1a, w_ref[0, 0], preferred_element_type=jnp.float32)
         + jnp.dot(h1b, w_ref[0, 1], preferred_element_type=jnp.float32))
    o_ref[0] = t * dinv


_mm2_call = pl.pallas_call(
    _mm2_body,
    grid=(N_RB, 2),
    in_specs=[
        pl.BlockSpec((NC, RB, H), lambda i, j: (0, i, 0)),
        pl.BlockSpec((1, NC, H, H), lambda i, j: (0, 0, 0, j)),
        pl.BlockSpec((1, NC, H), lambda i, j: (0, 0, 0)),
        pl.BlockSpec((RB, NC), lambda i, j: (i, 0)),
    ],
    out_specs=pl.BlockSpec((1, RB, H), lambda i, j: (j, i, 0)),
    out_shape=jax.ShapeDtypeStruct((NC, N, H), jnp.float32),
)


def _pool_body(acc_ref, b_ref, deg_ref, batch_ref, wl_ref, bl_ref, o_ref,
               pooled_acc, cnt_acc):
    i = pl.program_id(0)

    @pl.when(i == 0)
    def _():
        pooled_acc[...] = jnp.zeros_like(pooled_acc)
        cnt_acc[...] = jnp.zeros_like(cnt_acc)

    dinv = _dinv_block(deg_ref)
    h2a = jax.nn.relu(acc_ref[0] * dinv + b_ref[0, 0][None, :])
    h2b = jax.nn.relu(acc_ref[1] * dinv + b_ref[0, 1][None, :])
    h2 = jnp.concatenate([h2a, h2b], axis=1)
    bvec = batch_ref[0, 0, :]
    iota = lax.broadcasted_iota(jnp.int32, (RB, G), 1)
    onehot = (bvec[:, None] == iota).astype(jnp.float32)
    pooled_acc[...] += lax.dot_general(
        onehot, h2, (((0,), (0,)), ((), ())),
        preferred_element_type=jnp.float32)
    cnt_acc[...] += jnp.sum(onehot, axis=0, keepdims=True)

    @pl.when(i == N_RB - 1)
    def _():
        cnt = jnp.maximum(cnt_acc[0, :], 1.0)
        pooled = pooled_acc[...] / cnt[:, None]
        o_ref[...] = (jnp.dot(pooled, wl_ref[...],
                              preferred_element_type=jnp.float32)
                      + bl_ref[0, :][None, :])


_pool_call = pl.pallas_call(
    _pool_body,
    grid=(N_RB,),
    in_specs=[
        pl.BlockSpec((NC, RB, H), lambda i: (0, i, 0)),
        pl.BlockSpec((1, NC, H), lambda i: (0, 0, 0)),
        pl.BlockSpec((RB, NC), lambda i: (i, 0)),
        pl.BlockSpec((1, 1, RB), lambda i: (i, 0, 0)),
        pl.BlockSpec((D, 12), lambda i: (0, 0)),
        pl.BlockSpec((1, 12), lambda i: (0, 0)),
    ],
    out_specs=pl.BlockSpec((G, 12), lambda i: (0, 0)),
    out_shape=jax.ShapeDtypeStruct((G, 12), jnp.float32),
    scratch_shapes=[
        pltpu.VMEM((G, D), jnp.float32),
        pltpu.VMEM((1, G), jnp.float32),
    ],
)


def kernel(x, W1, b1, W2, b2, Wl, bl, edge_index, batch):
    src = edge_index[0].astype(jnp.int32)
    dst = edge_index[1].astype(jnp.int32)
    src3 = jnp.concatenate([src, src + N])
    dst3 = dst.reshape(NS * N_CHUNKS, 1, CH)
    batch3 = batch.astype(jnp.int32).reshape(N_RB, 1, RB)
    b1r = b1.reshape(1, NC, H)
    b2r = b2.reshape(1, NC, H)
    W2r = W2.reshape(1, NC, H, D)
    blr = bl.reshape(1, 12)

    deg_flat = _deg_call(dst)
    deg = jnp.stack([deg_flat[:N], deg_flat[NP:NP + N]], axis=1)
    t1 = _mm1_call(x, W1, deg)
    acc1 = _spmm_call(t1.reshape(NC * N, H), src3, dst3)
    t2 = _mm2_call(acc1, W2r, b1r, deg)
    acc2 = _spmm_call(t2.reshape(NC * N, H), src3, dst3)
    return _pool_call(acc2, b2r, deg, batch3, Wl, blr)

# --- scband reference (transcript-rebuilt; emitter-appended) ---
"""Pipeline reference for scband-gcnglobal-71167608094894 (READ-ONLY COPY).

The authoritative reference and input builder live on the scoring server;
editing this copy changes nothing except your own understanding.
"""

import jax, jax.numpy as jnp
import numpy as np

N = 10000
E = 160000
D_IN = 256
D_HID = 256
D_OUT = 12
NUM_GRAPHS = 64


def setup_inputs(seed: int = 0) -> dict:
    key = jax.random.key(seed)
    ks = jax.random.split(key, 10)
    x = jax.random.normal(ks[0], (N, D_IN), dtype=jnp.float32)
    edge_index = jax.random.randint(ks[1], (2, E), 0, N, dtype=jnp.int64)
    batch = jnp.sort(jax.random.randint(ks[2], (N,), 0, NUM_GRAPHS, dtype=jnp.int64))
    s1 = 1.0 / np.sqrt(D_IN)
    s2 = 1.0 / np.sqrt(D_HID)
    W1 = jax.random.uniform(ks[3], (D_IN, D_HID), dtype=jnp.float32, minval=-s1, maxval=s1)
    b1 = jnp.zeros((D_HID,), dtype=jnp.float32)
    W2 = jax.random.uniform(ks[4], (D_HID, D_HID), dtype=jnp.float32, minval=-s2, maxval=s2)
    b2 = jnp.zeros((D_HID,), dtype=jnp.float32)
    Wl = jax.random.uniform(ks[5], (D_HID, D_OUT), dtype=jnp.float32, minval=-s2, maxval=s2)
    bl = jax.random.uniform(ks[6], (D_OUT,), dtype=jnp.float32, minval=-s2, maxval=s2)
    return {"x": x, "W1": W1, "b1": b1, "W2": W2, "b2": b2, "Wl": Wl, "bl": bl,
            "edge_index": edge_index, "batch": batch}


def gcn_conv(x, W, b, edge_index):
    # GCNConv: add self-loops, symmetric normalization D^-1/2 A D^-1/2, then linear
    n = x.shape[0]
    ar = jnp.arange(n, dtype=edge_index.dtype)
    ei = jnp.concatenate([edge_index, jnp.stack([ar, ar])], axis=1)
    src, dst = ei[0], ei[1]
    h = x @ W
    ones = jnp.ones((src.shape[0],), dtype=x.dtype)
    deg = jax.ops.segment_sum(ones, dst, num_segments=n)
    dinv = jnp.where(deg > 0, deg ** -0.5, 0.0)
    norm = dinv[src] * dinv[dst]
    msg = h[src] * norm[:, None]
    out = jax.ops.segment_sum(msg, dst, num_segments=n)
    return out + b


def reference(x, W1, b1, W2, b2, Wl, bl, edge_index, batch):
    h = jax.nn.relu(gcn_conv(x, W1, b1, edge_index))
    h = jax.nn.relu(gcn_conv(h, W2, b2, edge_index))
    # F.dropout is identity in eval mode (deterministic reference)
    sums = jax.ops.segment_sum(h, batch, num_segments=NUM_GRAPHS)
    cnt = jax.ops.segment_sum(jnp.ones((h.shape[0],), dtype=h.dtype), batch, num_segments=NUM_GRAPHS)
    pooled = sums / jnp.clip(cnt, 1.0, None)[:, None]
    return pooled @ Wl + bl

if __name__ == "__main__":
    import jax
    _d = setup_inputs()
    print(jax.jit(kernel)(*tuple(_d.values())))

</pallas_src>

<mosaic_0001>
#map = affine_map<(d0, d1) -> (0)>
module attributes {stable_mosaic.version = 14 : i64} {
  func.func @_deg_body(%arg0: i32, %arg1: i32, %arg2: memref<160000xi32, #tpu.memory_space<hbm>>, %arg3: memref<20480xf32, #tpu.memory_space<hbm>>, %arg4: memref<5008xi32, #tpu.memory_space<vmem>>, %arg5: memref<10240xf32, #tpu.memory_space<vmem>>, %arg6: memref<640xf32, #tpu.memory_space<vmem>>, %arg7: memref<640xf32, #tpu.memory_space<vmem>>, %arg8: memref<16x1x5120xf32, #tpu.memory_space<vmem_shared>>) attributes {dimension_semantics = [#tpu.dimension_semantics<core_parallel>, #tpu.dimension_semantics<subcore_parallel>], iteration_bounds = array<i64: 2, 16>, scalar_prefetch = 0 : i64, scratch_operands = 5 : i64, tpu.core_type = #tpu.core_type<sc_vector_subcore>, window_params = [{transform_indices = #map}, {transform_indices = #map}]} {
    %mul3A = arith.constant 16 : i32
    %mul3A_0 = arith.muli %arg0, %mul3A : i32
    %add3A = arith.addi %mul3A_0, %arg1 : i32
    %scan3A = arith.constant 0 : i32
    %scan3A_1 = arith.constant 640 : i32
    %scan3A_2 = arith.addi %scan3A, %scan3A_1 : i32
    %scan3A_3 = arith.constant 1 : i32
    scf.for %scan3A_67 = %scan3A to %scan3A_2 step %scan3A_3  : i32 {
      %broadcast_in_dim3A_68 = arith.constant 0.000000e+00 : f32
      %broadcast_in_dim3A_69 = vector.broadcast %broadcast_in_dim3A_68 : f32 to vector<16xf32>
      %mul3A_70 = arith.constant 16 : i32
      %mul3A_71 = arith.muli %scan3A_67, %mul3A_70 : i32
      %swap3A_72 = arith.index_cast %mul3A_71 : i32 to index
      %swap3A_73 = tpu.vector_load %arg5[%swap3A_72] {strides = array<i32>} : memref<10240xf32, #tpu.memory_space<vmem>>, vector<16xf32>,
      tpu.vector_store %arg5[%swap3A_72], %broadcast_in_dim3A_69 {strides = array<i32>} : memref<10240xf32, #tpu.memory_space<vmem>>, vector<16xf32>,
    }
    %scan3A_4 = arith.constant 640 : i32
    %broadcast_in_dim3A = arith.constant 10000 : i32
    %broadcast_in_dim3A_5 = vector.broadcast %broadcast_in_dim3A : i32 to vector<16xi32>
    %swap3A = arith.constant 4992 : index
    %swap3A_6 = tpu.vector_load %arg4[%swap3A] {strides = array<i32>} : memref<5008xi32, #tpu.memory_space<vmem>>, vector<16xi32>,
    tpu.vector_store %arg4[%swap3A], %broadcast_in_dim3A_5 {strides = array<i32>} : memref<5008xi32, #tpu.memory_space<vmem>>, vector<16xi32>,
    %mul3A_7 = arith.constant 5000 : i32
    %mul3A_8 = arith.muli %add3A, %mul3A_7 : i32
    "tpu.region"() ({
      %run_scoped3A_67 = tpu.sem_alloc : memref<!tpu.dma_semaphore, #tpu.memory_space<semaphore_mem>>
      %dma_start3A = arith.constant 0 : i32
      %dma_start3A_68 = tpu.memref_slice %arg4[%dma_start3A] : memref<5008xi32, #tpu.memory_space<vmem>> -> memref<5000xi32, #tpu.memory_space<vmem>>
      %dma_start3A_69 = tpu.memref_slice %arg2[%mul3A_8] : memref<160000xi32, #tpu.memory_space<hbm>> -> memref<5000xi32, #tpu.memory_space<hbm>>
      %dma_start3A_70 = arith.constant 0 : i32
      %dma_start3A_71 = tpu.memref_slice %arg4[%dma_start3A_70] : memref<5008xi32, #tpu.memory_space<vmem>> -> memref<5000xi32, #tpu.memory_space<vmem>>
      %dma_start3A_72 = tpu.memref_slice %arg2[%mul3A_8] : memref<160000xi32, #tpu.memory_space<hbm>> -> memref<5000xi32, #tpu.memory_space<hbm>>
      tpu.enqueue_dma source(%dma_start3A_72 : memref<5000xi32, #tpu.memory_space<hbm>>) target(%dma_start3A_71 : memref<5000xi32, #tpu.memory_space<vmem>>) target_semaphore(%run_scoped3A_67 : memref<!tpu.dma_semaphore, #tpu.memory_space<semaphore_mem>>)
      %dma_wait3A = arith.constant 0 : i32
      %dma_wait3A_73 = tpu.memref_slice %arg4[%dma_wait3A] : memref<5008xi32, #tpu.memory_space<vmem>> -> memref<5000xi32, #tpu.memory_space<vmem>>
      %dma_wait3A_74 = tpu.memref_slice %arg2[%mul3A_8] : memref<160000xi32, #tpu.memory_space<hbm>> -> memref<5000xi32, #tpu.memory_space<hbm>>
      %dma_wait3A_75 = arith.constant 0 : i32
      %dma_wait3A_76 = tpu.memref_slice %arg4[%dma_wait3A_75] : memref<5008xi32, #tpu.memory_space<vmem>> -> memref<5000xi32, #tpu.memory_space<vmem>>
      %dma_wait3A_77 = tpu.memref_slice %arg2[%mul3A_8] : memref<160000xi32, #tpu.memory_space<hbm>> -> memref<5000xi32, #tpu.memory_space<hbm>>
      tpu.wait_dma2 semaphore(%run_scoped3A_67 : memref<!tpu.dma_semaphore, #tpu.memory_space<semaphore_mem>>) src(%dma_wait3A_77 : memref<5000xi32, #tpu.memory_space<hbm>>) dst(%dma_wait3A_76 : memref<5000xi32, #tpu.memory_space<vmem>>)
      tpu.yield
    }) : () -> ()
    %broadcast_in_dim3A_9 = arith.constant 1.000000e+00 : f32
    %broadcast_in_dim3A_10 = vector.broadcast %broadcast_in_dim3A_9 : f32 to vector<16xf32>
    %scan3A_11 = arith.constant 0 : i32
    %scan3A_12 = arith.constant 313 : i32
    %scan3A_13 = arith.addi %scan3A_11, %scan3A_12 : i32
    %scan3A_14 = arith.constant 1 : i32
    scf.for %scan3A_67 = %scan3A_11 to %scan3A_13 step %scan3A_14  : i32 {
      %mul3A_68 = arith.constant 16 : i32
      %mul3A_69 = arith.muli %scan3A_67, %mul3A_68 : i32
      %get3A = arith.index_cast %mul3A_69 : i32 to index
      %get3A_70 = tpu.vector_load %arg4[%get3A] {strides = array<i32>} : memref<5008xi32, #tpu.memory_space<vmem>>, vector<16xi32>,
      tpu.vector_store_idx %arg5[%get3A_70], %broadcast_in_dim3A_10 {add = true} : memref<10240xf32, #tpu.memory_space<vmem>>[vector<16xi32>], vector<16xf32>,
    }
    %scan3A_15 = arith.constant 313 : i32
    %run_scoped3A = arith.constant 0 : i32
    "tpu.region"() ({
      %run_scoped3A_67 = tpu.sem_alloc : memref<!tpu.dma_semaphore, #tpu.memory_space<semaphore_mem>>
      %dma_start3A = arith.constant 0 : i32
      %dma_start3A_68 = tpu.memref_slice %arg5[%dma_start3A] : memref<10240xf32, #tpu.memory_space<vmem>> -> memref<5120xf32, #tpu.memory_space<vmem>>
      %dma_start3A_69 = arith.constant 0 : i32
      %dma_start3A_70 = tpu.memref_slice %arg8[%arg1, %run_scoped3A, %dma_start3A_69] : memref<16x1x5120xf32, #tpu.memory_space<vmem_shared>> -> memref<1x1x5120xf32, #tpu.memory_space<vmem_shared>>
      %dma_start3A_71 = tpu.memref_squeeze %dma_start3A_70 : memref<1x1x5120xf32, #tpu.memory_space<vmem_shared>> -> memref<5120xf32, #tpu.memory_space<vmem_shared>>
      %dma_start3A_72 = arith.constant 0 : i32
      %dma_start3A_73 = tpu.memref_slice %arg8[%arg1, %run_scoped3A, %dma_start3A_72] : memref<16x1x5120xf32, #tpu.memory_space<vmem_shared>> -> memref<1x1x5120xf32, #tpu.memory_space<vmem_shared>>
      %dma_start3A_74 = tpu.memref_squeeze %dma_start3A_73 : memref<1x1x5120xf32, #tpu.memory_space<vmem_shared>> -> memref<5120xf32, #tpu.memory_space<vmem_shared>>
      %dma_start3A_75 = arith.constant 0 : i32
      %dma_start3A_76 = tpu.memref_slice %arg5[%dma_start3A_75] : memref<10240xf32, #tpu.memory_space<vmem>> -> memref<5120xf32, #tpu.memory_space<vmem>>
      tpu.enqueue_dma source(%dma_start3A_76 : memref<5120xf32, #tpu.memory_space<vmem>>) target(%dma_start3A_74 : memref<5120xf32, #tpu.memory_space<vmem_shared>>) target_semaphore(%run_scoped3A_67 : memref<!tpu.dma_semaphore, #tpu.memory_space<semaphore_mem>>)
      %dma_wait3A = arith.constant 0 : i32
      %dma_wait3A_77 = tpu.memref_slice %arg5[%dma_wait3A] : memref<10240xf32, #tpu.memory_space<vmem>> -> memref<5120xf32, #tpu.memory_space<vmem>>
      %dma_wait3A_78 = arith.constant 0 : i32
      %dma_wait3A_79 = tpu.memref_slice %arg8[%arg1, %run_scoped3A, %dma_wait3A_78] : memref<16x1x5120xf32, #tpu.memory_space<vmem_shared>> -> memref<1x1x5120xf32, #tpu.memory_space<vmem_shared>>
      %dma_wait3A_80 = tpu.memref_squeeze %dma_wait3A_79 : memref<1x1x5120xf32, #tpu.memory_space<vmem_shared>> -> memref<5120xf32, #tpu.memory_space<vmem_shared>>
      %dma_wait3A_81 = arith.constant 0 : i32
      %dma_wait3A_82 = tpu.memref_slice %arg8[%arg1, %run_scoped3A, %dma_wait3A_81] : memref<16x1x5120xf32, #tpu.memory_space<vmem_shared>> -> memref<1x1x5120xf32, #tpu.memory_space<vmem_shared>>
      %dma_wait3A_83 = tpu.memref_squeeze %dma_wait3A_82 : memref<1x1x5120xf32, #tpu.memory_space<vmem_shared>> -> memref<5120xf32, #tpu.memory_space<vmem_shared>>
      %dma_wait3A_84 = arith.constant 0 : i32
      %dma_wait3A_85 = tpu.memref_slice %arg5[%dma_wait3A_84] : memref<10240xf32, #tpu.memory_space<vmem>> -> memref<5120xf32, #tpu.memory_space<vmem>>
      tpu.wait_dma2 semaphore(%run_scoped3A_67 : memref<!tpu.dma_semaphore, #tpu.memory_space<semaphore_mem>>) src(%dma_wait3A_85 : memref<5120xf32, #tpu.memory_space<vmem>>) dst(%dma_wait3A_83 : memref<5120xf32, #tpu.memory_space<vmem_shared>>)
      tpu.yield
    }) : () -> ()
    %barrier3A = arith.constant 0 : index
    tpu.barrier barrier_id(%barrier3A)
    %jit3A = arith.constant 8 : i32
    %div3A = arith.divsi %arg1, %jit3A : i32
    %sign3A = arith.constant 0 : i32
    %sign3A_16 = arith.cmpi sgt, %arg1, %sign3A : i32
    %sign3A_17 = arith.extui %sign3A_16 : i1 to i32
    %sign3A_18 = arith.constant 0 : i32
    %sign3A_19 = arith.cmpi slt, %arg1, %sign3A_18 : i32
    %sign3A_20 = arith.extui %sign3A_19 : i1 to i32
    %sign3A_21 = arith.subi %sign3A_17, %sign3A_20 : i32
    %sign3A_22 = arith.constant 0 : i32
    %sign3A_23 = arith.cmpi sgt, %jit3A, %sign3A_22 : i32
    %sign3A_24 = arith.extui %sign3A_23 : i1 to i32
    %sign3A_25 = arith.constant 0 : i32
    %sign3A_26 = arith.cmpi slt, %jit3A, %sign3A_25 : i32
    %sign3A_27 = arith.extui %sign3A_26 : i1 to i32
    %sign3A_28 = arith.subi %sign3A_24, %sign3A_27 : i32
    %ne3A = arith.cmpi ne, %sign3A_21, %sign3A_28 : i32
    %rem3A = arith.remsi %arg1, %jit3A : i32
    %ne3A_29 = arith.constant 0 : i32
    %ne3A_30 = arith.cmpi ne, %rem3A, %ne3A_29 : i32
    %and3A = arith.andi %ne3A, %ne3A_30 : i1
    %sub3A = arith.constant 1 : i32
    %sub3A_31 = arith.subi %div3A, %sub3A : i32
    %select_n3A = arith.select %and3A, %sub3A_31, %div3A : i32
    %eq3A = arith.constant 0 : i32
    %eq3A_32 = arith.cmpi eq, %select_n3A, %eq3A : i32
    %convert_element_type3A = arith.extui %eq3A_32 : i1 to i32
    %cond3A = arith.constant 0 : i32
    %cond3A_33 = arith.cmpi ne, %convert_element_type3A, %cond3A : i32
    scf.if %cond3A_33 {
      %scan3A_67 = arith.constant 0 : i32
      %scan3A_68 = arith.constant 40 : i32
      %scan3A_69 = arith.addi %scan3A_67, %scan3A_68 : i32
      %scan3A_70 = arith.constant 1 : i32
      scf.for %scan3A_82 = %scan3A_67 to %scan3A_69 step %scan3A_70  : i32 {
        %broadcast_in_dim3A_83 = arith.constant 0.000000e+00 : f32
        %broadcast_in_dim3A_84 = vector.broadcast %broadcast_in_dim3A_83 : f32 to vector<16xf32>
        %mul3A_85 = arith.constant 16 : i32
        %mul3A_86 = arith.muli %scan3A_82, %mul3A_85 : i32
        %swap3A_87 = arith.index_cast %mul3A_86 : i32 to index
        %swap3A_88 = tpu.vector_load %arg7[%swap3A_87] {strides = array<i32>} : memref<640xf32, #tpu.memory_space<vmem>>, vector<16xf32>,
        tpu.vector_store %arg7[%swap3A_87], %broadcast_in_dim3A_84 {strides = array<i32>} : memref<640xf32, #tpu.memory_space<vmem>>, vector<16xf32>,
      }
      %scan3A_71 = arith.constant 40 : i32
      %scan3A_72 = arith.constant 0 : i32
      %scan3A_73 = arith.constant 16 : i32
      %scan3A_74 = arith.addi %scan3A_72, %scan3A_73 : i32
      %scan3A_75 = arith.constant 1 : i32
      scf.for %scan3A_82 = %scan3A_72 to %scan3A_74 step %scan3A_75  : i32 {
        %jit3A_83 = arith.constant 8 : i32
        %eq3A_84 = arith.constant 0 : i32
        %eq3A_85 = arith.cmpi eq, %jit3A_83, %eq3A_84 : i32
        %jit3A_86 = arith.constant 1 : i32
        %select_n3A_87 = arith.select %eq3A_85, %jit3A_86, %jit3A_83 : i32
        %rem3A_88 = arith.remsi %arg1, %select_n3A_87 : i32
        %ne3A_89 = arith.constant 0 : i32
        %ne3A_90 = arith.cmpi ne, %rem3A_88, %ne3A_89 : i32
        %lt3A = arith.constant 0 : i32
        %lt3A_91 = arith.cmpi slt, %rem3A_88, %lt3A : i32
        %lt3A_92 = arith.constant 0 : i32
        %lt3A_93 = arith.cmpi slt, %select_n3A_87, %lt3A_92 : i32
        %ne3A_94 = arith.xori %lt3A_91, %lt3A_93 : i1
        %and3A_95 = arith.andi %ne3A_94, %ne3A_90 : i1
        %add3A_96 = arith.addi %rem3A_88, %select_n3A_87 : i32
        %select_n3A_97 = arith.select %and3A_95, %add3A_96, %rem3A_88 : i32
        %mul3A_98 = arith.constant 640 : i32
        %mul3A_99 = arith.muli %select_n3A_97, %mul3A_98 : i32
        %run_scoped3A_100 = arith.constant 0 : i32
        "tpu.region"() ({
          %run_scoped3A_106 = tpu.sem_alloc : memref<!tpu.dma_semaphore, #tpu.memory_space<semaphore_mem>>
          %dma_start3A = tpu.memref_slice %arg8[%scan3A_82, %run_scoped3A_100, %mul3A_99] : memref<16x1x5120xf32, #tpu.memory_space<vmem_shared>> -> memref<1x1x640xf32, #tpu.memory_space<vmem_shared>>
          %dma_start3A_107 = tpu.memref_squeeze %dma_start3A : memref<1x1x640xf32, #tpu.memory_space<vmem_shared>> -> memref<640xf32, #tpu.memory_space<vmem_shared>>
          %dma_start3A_108 = tpu.memref_slice %arg8[%scan3A_82, %run_scoped3A_100, %mul3A_99] : memref<16x1x5120xf32, #tpu.memory_space<vmem_shared>> -> memref<1x1x640xf32, #tpu.memory_space<vmem_shared>>
          %dma_start3A_109 = tpu.memref_squeeze %dma_start3A_108 : memref<1x1x640xf32, #tpu.memory_space<vmem_shared>> -> memref<640xf32, #tpu.memory_space<vmem_shared>>
          tpu.enqueue_dma source(%dma_start3A_109 : memref<640xf32, #tpu.memory_space<vmem_shared>>) target(%arg6 : memref<640xf32, #tpu.memory_space<vmem>>) target_semaphore(%run_scoped3A_106 : memref<!tpu.dma_semaphore, #tpu.memory_space<semaphore_mem>>)
          %dma_wait3A = tpu.memref_slice %arg8[%scan3A_82, %run_scoped3A_100, %mul3A_99] : memref<16x1x5120xf32, #tpu.memory_space<vmem_shared>> -> memref<1x1x640xf32, #tpu.memory_space<vmem_shared>>
          %dma_wait3A_110 = tpu.memref_squeeze %dma_wait3A : memref<1x1x640xf32, #tpu.memory_space<vmem_shared>> -> memref<640xf32, #tpu.memory_space<vmem_shared>>
          %dma_wait3A_111 = tpu.memref_slice %arg8[%scan3A_82, %run_scoped3A_100, %mul3A_99] : memref<16x1x5120xf32, #tpu.memory_space<vmem_shared>> -> memref<1x1x640xf32, #tpu.memory_space<vmem_shared>>
          %dma_wait3A_112 = tpu.memref_squeeze %dma_wait3A_111 : memref<1x1x640xf32, #tpu.memory_space<vmem_shared>> -> memref<640xf32, #tpu.memory_space<vmem_shared>>
          tpu.wait_dma2 semaphore(%run_scoped3A_106 : memref<!tpu.dma_semaphore, #tpu.memory_space<semaphore_mem>>) src(%dma_wait3A_112 : memref<640xf32, #tpu.memory_space<vmem_shared>>) dst(%arg6 : memref<640xf32, #tpu.memory_space<vmem>>)
          tpu.yield
        }) : () -> ()
        %scan3A_101 = arith.constant 0 : i32
        %scan3A_102 = arith.constant 40 : i32
        %scan3A_103 = arith.addi %scan3A_101, %scan3A_102 : i32
        %scan3A_104 = arith.constant 1 : i32
        scf.for %scan3A_106 = %scan3A_101 to %scan3A_103 step %scan3A_104  : i32 {
          %mul3A_107 = arith.constant 16 : i32
          %mul3A_108 = arith.muli %scan3A_106, %mul3A_107 : i32
          %get3A = arith.index_cast %mul3A_108 : i32 to index
          %get3A_109 = tpu.vector_load %arg7[%get3A] {strides = array<i32>} : memref<640xf32, #tpu.memory_space<vmem>>, vector<16xf32>,
          %mul3A_110 = arith.constant 16 : i32
          %mul3A_111 = arith.muli %scan3A_106, %mul3A_110 : i32
          %get3A_112 = arith.index_cast %mul3A_111 : i32 to index
          %get3A_113 = tpu.vector_load %arg6[%get3A_112] {strides = array<i32>} : memref<640xf32, #tpu.memory_space<vmem>>, vector<16xf32>,
          %add3A_114 = arith.addf %get3A_109, %get3A_113 : vector<16xf32>
          %swap3A_115 = arith.index_cast %mul3A_108 : i32 to index
          %swap3A_116 = tpu.vector_load %arg7[%swap3A_115] {strides = array<i32>} : memref<640xf32, #tpu.memory_space<vmem>>, vector<16xf32>,
          tpu.vector_store %arg7[%swap3A_115], %add3A_114 {strides = array<i32>} : memref<640xf32, #tpu.memory_space<vmem>>, vector<16xf32>,
        }
        %scan3A_105 = arith.constant 40 : i32
      }
      %scan3A_76 = arith.constant 16 : i32
      %mul3A_77 = arith.constant 10240 : i32
      %mul3A_78 = arith.muli %arg0, %mul3A_77 : i32
      %mul3A_79 = arith.constant 640 : i32
      %mul3A_80 = arith.muli %arg1, %mul3A_79 : i32
      %add3A_81 = arith.addi %mul3A_78, %mul3A_80 : i32
      "tpu.region"() ({
        %run_scoped3A_82 = tpu.sem_alloc : memref<!tpu.dma_semaphore, #tpu.memory_space<semaphore_mem>>
        %dma_start3A = tpu.memref_slice %arg3[%add3A_81] : memref<20480xf32, #tpu.memory_space<hbm>> -> memref<640xf32, #tpu.memory_space<hbm>>
        %dma_start3A_83 = tpu.memref_slice %arg3[%add3A_81] : memref<20480xf32, #tpu.memory_space<hbm>> -> memref<640xf32, #tpu.memory_space<hbm>>
        tpu.enqueue_dma source(%arg7 : memref<640xf32, #tpu.memory_space<vmem>>) target(%dma_start3A_83 : memref<640xf32, #tpu.memory_space<hbm>>) target_semaphore(%run_scoped3A_82 : memref<!tpu.dma_semaphore, #tpu.memory_space<semaphore_mem>>)
        %dma_wait3A = tpu.memref_slice %arg3[%add3A_81] : memref<20480xf32, #tpu.memory_space<hbm>> -> memref<640xf32, #tpu.memory_space<hbm>>
        %dma_wait3A_84 = tpu.memref_slice %arg3[%add3A_81] : memref<20480xf32, #tpu.memory_space<hbm>> -> memref<640xf32, #tpu.memory_space<hbm>>
        tpu.wait_dma2 semaphore(%run_scoped3A_82 : memref<!tpu.dma_semaphore, #tpu.memory_space<semaphore_mem>>) src(%arg7 : memref<640xf32, #tpu.memory_space<vmem>>) dst(%dma_wait3A_84 : memref<640xf32, #tpu.memory_space<hbm>>)
        tpu.yield
      }) : () -> ()
    } else {
    }
    %barrier3A_34 = arith.constant 0 : index
    tpu.barrier barrier_id(%barrier3A_34)
    %run_scoped3A_35 = arith.constant 0 : i32
    "tpu.region"() ({
      %run_scoped3A_67 = tpu.sem_alloc : memref<!tpu.dma_semaphore, #tpu.memory_space<semaphore_mem>>
      %dma_start3A = arith.constant 5120 : i32
      %dma_start3A_68 = tpu.memref_slice %arg5[%dma_start3A] : memref<10240xf32, #tpu.memory_space<vmem>> -> memref<5120xf32, #tpu.memory_space<vmem>>
      %dma_start3A_69 = arith.constant 0 : i32
      %dma_start3A_70 = tpu.memref_slice %arg8[%arg1, %run_scoped3A_35, %dma_start3A_69] : memref<16x1x5120xf32, #tpu.memory_space<vmem_shared>> -> memref<1x1x5120xf32, #tpu.memory_space<vmem_shared>>
      %dma_start3A_71 = tpu.memref_squeeze %dma_start3A_70 : memref<1x1x5120xf32, #tpu.memory_space<vmem_shared>> -> memref<5120xf32, #tpu.memory_space<vmem_shared>>
      %dma_start3A_72 = arith.constant 0 : i32
      %dma_start3A_73 = tpu.memref_slice %arg8[%arg1, %run_scoped3A_35, %dma_start3A_72] : memref<16x1x5120xf32, #tpu.memory_space<vmem_shared>> -> memref<1x1x5120xf32, #tpu.memory_space<vmem_shared>>
      %dma_start3A_74 = tpu.memref_squeeze %dma_start3A_73 : memref<1x1x5120xf32, #tpu.memory_space<vmem_shared>> -> memref<5120xf32, #tpu.memory_space<vmem_shared>>
      %dma_start3A_75 = arith.constant 5120 : i32
      %dma_start3A_76 = tpu.memref_slice %arg5[%dma_start3A_75] : memref<10240xf32, #tpu.memory_space<vmem>> -> memref<5120xf32, #tpu.memory_space<vmem>>
      tpu.enqueue_dma source(%dma_start3A_76 : memref<5120xf32, #tpu.memory_space<vmem>>) target(%dma_start3A_74 : memref<5120xf32, #tpu.memory_space<vmem_shared>>) target_semaphore(%run_scoped3A_67 : memref<!tpu.dma_semaphore, #tpu.memory_space<semaphore_mem>>)
      %dma_wait3A = arith.constant 5120 : i32
      %dma_wait3A_77 = tpu.memref_slice %arg5[%dma_wait3A] : memref<10240xf32, #tpu.memory_space<vmem>> -> memref<5120xf32, #tpu.memory_space<vmem>>
      %dma_wait3A_78 = arith.constant 0 : i32
      %dma_wait3A_79 = tpu.memref_slice %arg8[%arg1, %run_scoped3A_35, %dma_wait3A_78] : memref<16x1x5120xf32, #tpu.memory_space<vmem_shared>> -> memref<1x1x5120xf32, #tpu.memory_space<vmem_shared>>
      %dma_wait3A_80 = tpu.memref_squeeze %dma_wait3A_79 : memref<1x1x5120xf32, #tpu.memory_space<vmem_shared>> -> memref<5120xf32, #tpu.memory_space<vmem_shared>>
      %dma_wait3A_81 = arith.constant 0 : i32
      %dma_wait3A_82 = tpu.memref_slice %arg8[%arg1, %run_scoped3A_35, %dma_wait3A_81] : memref<16x1x5120xf32, #tpu.memory_space<vmem_shared>> -> memref<1x1x5120xf32, #tpu.memory_space<vmem_shared>>
      %dma_wait3A_83 = tpu.memref_squeeze %dma_wait3A_82 : memref<1x1x5120xf32, #tpu.memory_space<vmem_shared>> -> memref<5120xf32, #tpu.memory_space<vmem_shared>>
      %dma_wait3A_84 = arith.constant 5120 : i32
      %dma_wait3A_85 = tpu.memref_slice %arg5[%dma_wait3A_84] : memref<10240xf32, #tpu.memory_space<vmem>> -> memref<5120xf32, #tpu.memory_space<vmem>>
      tpu.wait_dma2 semaphore(%run_scoped3A_67 : memref<!tpu.dma_semaphore, #tpu.memory_space<semaphore_mem>>) src(%dma_wait3A_85 : memref<5120xf32, #tpu.memory_space<vmem>>) dst(%dma_wait3A_83 : memref<5120xf32, #tpu.memory_space<vmem_shared>>)
      tpu.yield
    }) : () -> ()
    %barrier3A_36 = arith.constant 0 : index
    tpu.barrier barrier_id(%barrier3A_36)
    %jit3A_37 = arith.constant 8 : i32
    %div3A_38 = arith.divsi %arg1, %jit3A_37 : i32
    %sign3A_39 = arith.constant 0 : i32
    %sign3A_40 = arith.cmpi sgt, %arg1, %sign3A_39 : i32
    %sign3A_41 = arith.extui %sign3A_40 : i1 to i32
    %sign3A_42 = arith.constant 0 : i32
    %sign3A_43 = arith.cmpi slt, %arg1, %sign3A_42 : i32
    %sign3A_44 = arith.extui %sign3A_43 : i1 to i32
    %sign3A_45 = arith.subi %sign3A_41, %sign3A_44 : i32
    %sign3A_46 = arith.constant 0 : i32
    %sign3A_47 = arith.cmpi sgt, %jit3A_37, %sign3A_46 : i32
    %sign3A_48 = arith.extui %sign3A_47 : i1 to i32
    %sign3A_49 = arith.constant 0 : i32
    %sign3A_50 = arith.cmpi slt, %jit3A_37, %sign3A_49 : i32
    %sign3A_51 = arith.extui %sign3A_50 : i1 to i32
    %sign3A_52 = arith.subi %sign3A_48, %sign3A_51 : i32
    %ne3A_53 = arith.cmpi ne, %sign3A_45, %sign3A_52 : i32
    %rem3A_54 = arith.remsi %arg1, %jit3A_37 : i32
    %ne3A_55 = arith.constant 0 : i32
    %ne3A_56 = arith.cmpi ne, %rem3A_54, %ne3A_55 : i32
    %and3A_57 = arith.andi %ne3A_53, %ne3A_56 : i1
    %sub3A_58 = arith.constant 1 : i32
    %sub3A_59 = arith.subi %div3A_38, %sub3A_58 : i32
    %select_n3A_60 = arith.select %and3A_57, %sub3A_59, %div3A_38 : i32
    %eq3A_61 = arith.constant 1 : i32
    %eq3A_62 = arith.cmpi eq, %select_n3A_60, %eq3A_61 : i32
    %convert_element_type3A_63 = arith.extui %eq3A_62 : i1 to i32
    %cond3A_64 = arith.constant 0 : i32
    %cond3A_65 = arith.cmpi ne, %convert_element_type3A_63, %cond3A_64 : i32
    scf.if %cond3A_65 {
      %scan3A_67 = arith.constant 0 : i32
      %scan3A_68 = arith.constant 40 : i32
      %scan3A_69 = arith.addi %scan3A_67, %scan3A_68 : i32
      %scan3A_70 = arith.constant 1 : i32
      scf.for %scan3A_82 = %scan3A_67 to %scan3A_69 step %scan3A_70  : i32 {
        %broadcast_in_dim3A_83 = arith.constant 0.000000e+00 : f32
        %broadcast_in_dim3A_84 = vector.broadcast %broadcast_in_dim3A_83 : f32 to vector<16xf32>
        %mul3A_85 = arith.constant 16 : i32
        %mul3A_86 = arith.muli %scan3A_82, %mul3A_85 : i32
        %swap3A_87 = arith.index_cast %mul3A_86 : i32 to index
        %swap3A_88 = tpu.vector_load %arg7[%swap3A_87] {strides = array<i32>} : memref<640xf32, #tpu.memory_space<vmem>>, vector<16xf32>,
        tpu.vector_store %arg7[%swap3A_87], %broadcast_in_dim3A_84 {strides = array<i32>} : memref<640xf32, #tpu.memory_space<vmem>>, vector<16xf32>,
      }
      %scan3A_71 = arith.constant 40 : i32
      %scan3A_72 = arith.constant 0 : i32
      %scan3A_73 = arith.constant 16 : i32
      %scan3A_74 = arith.addi %scan3A_72, %scan3A_73 : i32
      %scan3A_75 = arith.constant 1 : i32
      scf.for %scan3A_82 = %scan3A_72 to %scan3A_74 step %scan3A_75  : i32 {
        %jit3A_83 = arith.constant 8 : i32
        %eq3A_84 = arith.constant 0 : i32
        %eq3A_85 = arith.cmpi eq, %jit3A_83, %eq3A_84 : i32
        %jit3A_86 = arith.constant 1 : i32
        %select_n3A_87 = arith.select %eq3A_85, %jit3A_86, %jit3A_83 : i32
        %rem3A_88 = arith.remsi %arg1, %select_n3A_87 : i32
        %ne3A_89 = arith.constant 0 : i32
        %ne3A_90 = arith.cmpi ne, %rem3A_88, %ne3A_89 : i32
        %lt3A = arith.constant 0 : i32
        %lt3A_91 = arith.cmpi slt, %rem3A_88, %lt3A : i32
        %lt3A_92 = arith.constant 0 : i32
        %lt3A_93 = arith.cmpi slt, %select_n3A_87, %lt3A_92 : i32
        %ne3A_94 = arith.xori %lt3A_91, %lt3A_93 : i1
        %and3A_95 = arith.andi %ne3A_94, %ne3A_90 : i1
        %add3A_96 = arith.addi %rem3A_88, %select_n3A_87 : i32
        %select_n3A_97 = arith.select %and3A_95, %add3A_96, %rem3A_88 : i32
        %mul3A_98 = arith.constant 640 : i32
        %mul3A_99 = arith.muli %select_n3A_97, %mul3A_98 : i32
        %run_scoped3A_100 = arith.constant 0 : i32
        "tpu.region"() ({
          %run_scoped3A_106 = tpu.sem_alloc : memref<!tpu.dma_semaphore, #tpu.memory_space<semaphore_mem>>
          %dma_start3A = tpu.memref_slice %arg8[%scan3A_82, %run_scoped3A_100, %mul3A_99] : memref<16x1x5120xf32, #tpu.memory_space<vmem_shared>> -> memref<1x1x640xf32, #tpu.memory_space<vmem_shared>>
          %dma_start3A_107 = tpu.memref_squeeze %dma_start3A : memref<1x1x640xf32, #tpu.memory_space<vmem_shared>> -> memref<640xf32, #tpu.memory_space<vmem_shared>>
          %dma_start3A_108 = tpu.memref_slice %arg8[%scan3A_82, %run_scoped3A_100, %mul3A_99] : memref<16x1x5120xf32, #tpu.memory_space<vmem_shared>> -> memref<1x1x640xf32, #tpu.memory_space<vmem_shared>>
          %dma_start3A_109 = tpu.memref_squeeze %dma_start3A_108 : memref<1x1x640xf32, #tpu.memory_space<vmem_shared>> -> memref<640xf32, #tpu.memory_space<vmem_shared>>
          tpu.enqueue_dma source(%dma_start3A_109 : memref<640xf32, #tpu.memory_space<vmem_shared>>) target(%arg6 : memref<640xf32, #tpu.memory_space<vmem>>) target_semaphore(%run_scoped3A_106 : memref<!tpu.dma_semaphore, #tpu.memory_space<semaphore_mem>>)
          %dma_wait3A = tpu.memref_slice %arg8[%scan3A_82, %run_scoped3A_100, %mul3A_99] : memref<16x1x5120xf32, #tpu.memory_space<vmem_shared>> -> memref<1x1x640xf32, #tpu.memory_space<vmem_shared>>
          %dma_wait3A_110 = tpu.memref_squeeze %dma_wait3A : memref<1x1x640xf32, #tpu.memory_space<vmem_shared>> -> memref<640xf32, #tpu.memory_space<vmem_shared>>
          %dma_wait3A_111 = tpu.memref_slice %arg8[%scan3A_82, %run_scoped3A_100, %mul3A_99] : memref<16x1x5120xf32, #tpu.memory_space<vmem_shared>> -> memref<1x1x640xf32, #tpu.memory_space<vmem_shared>>
          %dma_wait3A_112 = tpu.memref_squeeze %dma_wait3A_111 : memref<1x1x640xf32, #tpu.memory_space<vmem_shared>> -> memref<640xf32, #tpu.memory_space<vmem_shared>>
          tpu.wait_dma2 semaphore(%run_scoped3A_106 : memref<!tpu.dma_semaphore, #tpu.memory_space<semaphore_mem>>) src(%dma_wait3A_112 : memref<640xf32, #tpu.memory_space<vmem_shared>>) dst(%arg6 : memref<640xf32, #tpu.memory_space<vmem>>)
          tpu.yield
        }) : () -> ()
        %scan3A_101 = arith.constant 0 : i32
        %scan3A_102 = arith.constant 40 : i32
        %scan3A_103 = arith.addi %scan3A_101, %scan3A_102 : i32
        %scan3A_104 = arith.constant 1 : i32
        scf.for %scan3A_106 = %scan3A_101 to %scan3A_103 step %scan3A_104  : i32 {
          %mul3A_107 = arith.constant 16 : i32
          %mul3A_108 = arith.muli %scan3A_106, %mul3A_107 : i32
          %get3A = arith.index_cast %mul3A_108 : i32 to index
          %get3A_109 = tpu.vector_load %arg7[%get3A] {strides = array<i32>} : memref<640xf32, #tpu.memory_space<vmem>>, vector<16xf32>,
          %mul3A_110 = arith.constant 16 : i32
          %mul3A_111 = arith.muli %scan3A_106, %mul3A_110 : i32
          %get3A_112 = arith.index_cast %mul3A_111 : i32 to index
          %get3A_113 = tpu.vector_load %arg6[%get3A_112] {strides = array<i32>} : memref<640xf32, #tpu.memory_space<vmem>>, vector<16xf32>,
          %add3A_114 = arith.addf %get3A_109, %get3A_113 : vector<16xf32>
          %swap3A_115 = arith.index_cast %mul3A_108 : i32 to index
          %swap3A_116 = tpu.vector_load %arg7[%swap3A_115] {strides = array<i32>} : memref<640xf32, #tpu.memory_space<vmem>>, vector<16xf32>,
          tpu.vector_store %arg7[%swap3A_115], %add3A_114 {strides = array<i32>} : memref<640xf32, #tpu.memory_space<vmem>>, vector<16xf32>,
        }
        %scan3A_105 = arith.constant 40 : i32
      }
      %scan3A_76 = arith.constant 16 : i32
      %mul3A_77 = arith.constant 10240 : i32
      %mul3A_78 = arith.muli %arg0, %mul3A_77 : i32
      %mul3A_79 = arith.constant 640 : i32
      %mul3A_80 = arith.muli %arg1, %mul3A_79 : i32
      %add3A_81 = arith.addi %mul3A_78, %mul3A_80 : i32
      "tpu.region"() ({
        %run_scoped3A_82 = tpu.sem_alloc : memref<!tpu.dma_semaphore, #tpu.memory_space<semaphore_mem>>
        %dma_start3A = tpu.memref_slice %arg3[%add3A_81] : memref<20480xf32, #tpu.memory_space<hbm>> -> memref<640xf32, #tpu.memory_space<hbm>>
        %dma_start3A_83 = tpu.memref_slice %arg3[%add3A_81] : memref<20480xf32, #tpu.memory_space<hbm>> -> memref<640xf32, #tpu.memory_space<hbm>>
        tpu.enqueue_dma source(%arg7 : memref<640xf32, #tpu.memory_space<vmem>>) target(%dma_start3A_83 : memref<640xf32, #tpu.memory_space<hbm>>) target_semaphore(%run_scoped3A_82 : memref<!tpu.dma_semaphore, #tpu.memory_space<semaphore_mem>>)
        %dma_wait3A = tpu.memref_slice %arg3[%add3A_81] : memref<20480xf32, #tpu.memory_space<hbm>> -> memref<640xf32, #tpu.memory_space<hbm>>
        %dma_wait3A_84 = tpu.memref_slice %arg3[%add3A_81] : memref<20480xf32, #tpu.memory_space<hbm>> -> memref<640xf32, #tpu.memory_space<hbm>>
        tpu.wait_dma2 semaphore(%run_scoped3A_82 : memref<!tpu.dma_semaphore, #tpu.memory_space<semaphore_mem>>) src(%arg7 : memref<640xf32, #tpu.memory_space<vmem>>) dst(%dma_wait3A_84 : memref<640xf32, #tpu.memory_space<hbm>>)
        tpu.yield
      }) : () -> ()
    } else {
    }
    %barrier3A_66 = arith.constant 0 : index
    tpu.barrier barrier_id(%barrier3A_66)
    return
  }
}

#map = affine_map<(d0, d1) -> (0, 0)>
#map1 = affine_map<(d0, d1) -> (0)>
#map2 = affine_map<(d0, d1) -> (0, 0, 0)>
module attributes {stable_mosaic.version = 14 : i64} {
  func.func @_spmm_body(%arg0: i32, %arg1: i32, %arg2: memref<20000x128xf32, #tpu.memory_space<hbm>>, %arg3: memref<320000xi32, #tpu.memory_space<hbm>>, %arg4: memref<2000x1x80xi32, #tpu.memory_space<hbm>>, %arg5: memref<2x10000x128xf32, #tpu.memory_space<hbm>>, %arg6: memref<2000xi32, #tpu.memory_space<vmem>>, %arg7: memref<25x1x80xi32, #tpu.memory_space<vmem>>, %arg8: memref<80x128xf32, #tpu.memory_space<vmem>>, %arg9: memref<80x128xf32, #tpu.memory_space<vmem>>, %arg10: memref<!tpu.dma_semaphore, #tpu.memory_space<semaphore_mem>>, %arg11: memref<!tpu.dma_semaphore, #tpu.memory_space<semaphore_mem>>, %arg12: memref<10000x128xf32, #tpu.memory_space<vmem_shared>>) attributes {dimension_semantics = [#tpu.dimension_semantics<core_parallel>, #tpu.dimension_semantics<subcore_parallel>], iteration_bounds = array<i64: 2, 16>, scalar_prefetch = 0 : i64, scratch_operands = 7 : i64, tpu.core_type = #tpu.core_type<sc_vector_subcore>, window_params = [{transform_indices = #map}, {transform_indices = #map1}, {transform_indices = #map2}, {transform_indices = #map2}]} {
    %mul3A = arith.constant 624 : i32
    %mul3A_0 = arith.muli %arg1, %mul3A : i32
    %mul3A_1 = arith.constant 10000 : i32
    %mul3A_2 = arith.muli %arg0, %mul3A_1 : i32
    %add3A = arith.addi %mul3A_2, %mul3A_0 : i32
    "tpu.region"() ({
      %run_scoped3A_172 = tpu.sem_alloc : memref<!tpu.dma_semaphore, #tpu.memory_space<semaphore_mem>>
      %dma_start3A_173 = arith.constant 0 : i32
      %dma_start3A_174 = tpu.memref_slice %arg12[%mul3A_0, %dma_start3A_173] : memref<10000x128xf32, #tpu.memory_space<vmem_shared>> -> memref<624x128xf32, #tpu.memory_space<vmem_shared>>
      %dma_start3A_175 = arith.constant 0 : i32
      %dma_start3A_176 = tpu.memref_slice %arg2[%add3A, %dma_start3A_175] : memref<20000x128xf32, #tpu.memory_space<hbm>> -> memref<624x128xf32, #tpu.memory_space<hbm>>
      tpu.enqueue_dma source(%dma_start3A_176 : memref<624x128xf32, #tpu.memory_space<hbm>>) target(%dma_start3A_174 : memref<624x128xf32, #tpu.memory_space<vmem_shared>>) target_semaphore(%run_scoped3A_172 : memref<!tpu.dma_semaphore, #tpu.memory_space<semaphore_mem>>)
      %dma_wait3A_177 = arith.constant 0 : i32
      %dma_wait3A_178 = tpu.memref_slice %arg12[%mul3A_0, %dma_wait3A_177] : memref<10000x128xf32, #tpu.memory_space<vmem_shared>> -> memref<624x128xf32, #tpu.memory_space<vmem_shared>>
      %dma_wait3A_179 = arith.constant 0 : i32
      %dma_wait3A_180 = tpu.memref_slice %arg2[%add3A, %dma_wait3A_179] : memref<20000x128xf32, #tpu.memory_space<hbm>> -> memref<624x128xf32, #tpu.memory_space<hbm>>
      tpu.wait_dma2 semaphore(%run_scoped3A_172 : memref<!tpu.dma_semaphore, #tpu.memory_space<semaphore_mem>>) src(%dma_wait3A_180 : memref<624x128xf32, #tpu.memory_space<hbm>>) dst(%dma_wait3A_178 : memref<624x128xf32, #tpu.memory_space<vmem_shared>>)
      tpu.yield
    }) : () -> ()
    %eq3A = arith.constant 15 : i32
    %eq3A_3 = arith.cmpi eq, %arg1, %eq3A : i32
    %convert_element_type3A = arith.extui %eq3A_3 : i1 to i32
    %cond3A = arith.constant 0 : i32
    %cond3A_4 = arith.cmpi ne, %convert_element_type3A, %cond3A : i32
    scf.if %cond3A_4 {
      %mul3A_172 = arith.constant 10000 : i32
      %mul3A_173 = arith.muli %arg0, %mul3A_172 : i32
      %add3A_174 = arith.constant 9984 : i32
      %add3A_175 = arith.addi %mul3A_173, %add3A_174 : i32
      "tpu.region"() ({
        %run_scoped3A_176 = tpu.sem_alloc : memref<!tpu.dma_semaphore, #tpu.memory_space<semaphore_mem>>
        %dma_start3A_177 = arith.constant 9984 : i32
        %dma_start3A_178 = arith.constant 0 : i32
        %dma_start3A_179 = tpu.memref_slice %arg12[%dma_start3A_177, %dma_start3A_178] : memref<10000x128xf32, #tpu.memory_space<vmem_shared>> -> memref<16x128xf32, #tpu.memory_space<vmem_shared>>
        %dma_start3A_180 = arith.constant 0 : i32
        %dma_start3A_181 = tpu.memref_slice %arg2[%add3A_175, %dma_start3A_180] : memref<20000x128xf32, #tpu.memory_space<hbm>> -> memref<16x128xf32, #tpu.memory_space<hbm>>
        tpu.enqueue_dma source(%dma_start3A_181 : memref<16x128xf32, #tpu.memory_space<hbm>>) target(%dma_start3A_179 : memref<16x128xf32, #tpu.memory_space<vmem_shared>>) target_semaphore(%run_scoped3A_176 : memref<!tpu.dma_semaphore, #tpu.memory_space<semaphore_mem>>)
        %dma_wait3A_182 = arith.constant 9984 : i32
        %dma_wait3A_183 = arith.constant 0 : i32
        %dma_wait3A_184 = tpu.memref_slice %arg12[%dma_wait3A_182, %dma_wait3A_183] : memref<10000x128xf32, #tpu.memory_space<vmem_shared>> -> memref<16x128xf32, #tpu.memory_space<vmem_shared>>
        %dma_wait3A_185 = arith.constant 0 : i32
        %dma_wait3A_186 = tpu.memref_slice %arg2[%add3A_175, %dma_wait3A_185] : memref<20000x128xf32, #tpu.memory_space<hbm>> -> memref<16x128xf32, #tpu.memory_space<hbm>>
        tpu.wait_dma2 semaphore(%run_scoped3A_176 : memref<!tpu.dma_semaphore, #tpu.memory_space<semaphore_mem>>) src(%dma_wait3A_186 : memref<16x128xf32, #tpu.memory_space<hbm>>) dst(%dma_wait3A_184 : memref<16x128xf32, #tpu.memory_space<vmem_shared>>)
        tpu.yield
      }) : () -> ()
    } else {
    }
    %barrier3A = arith.constant 0 : index
    tpu.barrier barrier_id(%barrier3A)
    %mul3A_5 = arith.constant 160000 : i32
    %mul3A_6 = arith.muli %arg0, %mul3A_5 : i32
    %mul3A_7 = arith.constant 10000 : i32
    %mul3A_8 = arith.muli %arg1, %mul3A_7 : i32
    %add3A_9 = arith.addi %mul3A_6, %mul3A_8 : i32
    %add3A_10 = arith.constant 0 : i32
    %add3A_11 = arith.addi %add3A_9, %add3A_10 : i32
    "tpu.region"() ({
      %run_scoped3A_172 = tpu.sem_alloc : memref<!tpu.dma_semaphore, #tpu.memory_space<semaphore_mem>>
      %dma_start3A_173 = tpu.memref_slice %arg3[%add3A_11] : memref<320000xi32, #tpu.memory_space<hbm>> -> memref<2000xi32, #tpu.memory_space<hbm>>
      %dma_start3A_174 = tpu.memref_slice %arg3[%add3A_11] : memref<320000xi32, #tpu.memory_space<hbm>> -> memref<2000xi32, #tpu.memory_space<hbm>>
      tpu.enqueue_dma source(%dma_start3A_174 : memref<2000xi32, #tpu.memory_space<hbm>>) target(%arg6 : memref<2000xi32, #tpu.memory_space<vmem>>) target_semaphore(%run_scoped3A_172 : memref<!tpu.dma_semaphore, #tpu.memory_space<semaphore_mem>>)
      %dma_wait3A_175 = tpu.memref_slice %arg3[%add3A_11] : memref<320000xi32, #tpu.memory_space<hbm>> -> memref<2000xi32, #tpu.memory_space<hbm>>
      %dma_wait3A_176 = tpu.memref_slice %arg3[%add3A_11] : memref<320000xi32, #tpu.memory_space<hbm>> -> memref<2000xi32, #tpu.memory_space<hbm>>
      tpu.wait_dma2 semaphore(%run_scoped3A_172 : memref<!tpu.dma_semaphore, #tpu.memory_space<semaphore_mem>>) src(%dma_wait3A_176 : memref<2000xi32, #tpu.memory_space<hbm>>) dst(%arg6 : memref<2000xi32, #tpu.memory_space<vmem>>)
      tpu.yield
    }) : () -> ()
    %mul3A_12 = arith.constant 125 : i32
    %mul3A_13 = arith.muli %arg1, %mul3A_12 : i32
    %add3A_14 = arith.constant 0 : i32
    %add3A_15 = arith.addi %mul3A_13, %add3A_14 : i32
    "tpu.region"() ({
      %run_scoped3A_172 = tpu.sem_alloc : memref<!tpu.dma_semaphore, #tpu.memory_space<semaphore_mem>>
      %dma_start3A_173 = arith.constant 0 : i32
      %dma_start3A_174 = arith.constant 0 : i32
      %dma_start3A_175 = tpu.memref_slice %arg4[%add3A_15, %dma_start3A_173, %dma_start3A_174] : memref<2000x1x80xi32, #tpu.memory_space<hbm>> -> memref<25x1x80xi32, #tpu.memory_space<hbm>>
      %dma_start3A_176 = arith.constant 0 : i32
      %dma_start3A_177 = arith.constant 0 : i32
      %dma_start3A_178 = tpu.memref_slice %arg4[%add3A_15, %dma_start3A_176, %dma_start3A_177] : memref<2000x1x80xi32, #tpu.memory_space<hbm>> -> memref<25x1x80xi32, #tpu.memory_space<hbm>>
      tpu.enqueue_dma source(%dma_start3A_178 : memref<25x1x80xi32, #tpu.memory_space<hbm>>) target(%arg7 : memref<25x1x80xi32, #tpu.memory_space<vmem>>) target_semaphore(%run_scoped3A_172 : memref<!tpu.dma_semaphore, #tpu.memory_space<semaphore_mem>>)
      %dma_wait3A_179 = arith.constant 0 : i32
      %dma_wait3A_180 = arith.constant 0 : i32
      %dma_wait3A_181 = tpu.memref_slice %arg4[%add3A_15, %dma_wait3A_179, %dma_wait3A_180] : memref<2000x1x80xi32, #tpu.memory_space<hbm>> -> memref<25x1x80xi32, #tpu.memory_space<hbm>>
      %dma_wait3A_182 = arith.constant 0 : i32
      %dma_wait3A_183 = arith.constant 0 : i32
      %dma_wait3A_184 = tpu.memref_slice %arg4[%add3A_15, %dma_wait3A_182, %dma_wait3A_183] : memref<2000x1x80xi32, #tpu.memory_space<hbm>> -> memref<25x1x80xi32, #tpu.memory_space<hbm>>
      tpu.wait_dma2 semaphore(%run_scoped3A_172 : memref<!tpu.dma_semaphore, #tpu.memory_space<semaphore_mem>>) src(%dma_wait3A_184 : memref<25x1x80xi32, #tpu.memory_space<hbm>>) dst(%arg7 : memref<25x1x80xi32, #tpu.memory_space<vmem>>)
      tpu.yield
    }) : () -> ()
    %dma_start3A = arith.constant 0 : i32
    %dma_start3A_16 = tpu.memref_slice %arg6[%dma_start3A] : memref<2000xi32, #tpu.memory_space<vmem>> -> memref<80xi32, #tpu.memory_space<vmem>>
    %dma_start3A_17 = arith.constant 0 : i32
    %dma_start3A_18 = arith.constant 0 : i32
    %dma_start3A_19 = tpu.memref_slice %arg2[%dma_start3A_17, %dma_start3A_18] : memref<20000x128xf32, #tpu.memory_space<hbm>> -> memref<20000x128xf32, #tpu.memory_space<hbm>>
    tpu.enqueue_indirect_dma source(%dma_start3A_19 : memref<20000x128xf32, #tpu.memory_space<hbm>>) target(%arg8 : memref<80x128xf32, #tpu.memory_space<vmem>>) offsets(%dma_start3A_16 : memref<80xi32, #tpu.memory_space<vmem>>) semaphore(%arg10 : memref<!tpu.dma_semaphore, #tpu.memory_space<semaphore_mem>>)
    %dma_start3A_20 = arith.constant 80 : i32
    %dma_start3A_21 = tpu.memref_slice %arg6[%dma_start3A_20] : memref<2000xi32, #tpu.memory_space<vmem>> -> memref<80xi32, #tpu.memory_space<vmem>>
    %dma_start3A_22 = arith.constant 0 : i32
    %dma_start3A_23 = arith.constant 0 : i32
    %dma_start3A_24 = tpu.memref_slice %arg2[%dma_start3A_22, %dma_start3A_23] : memref<20000x128xf32, #tpu.memory_space<hbm>> -> memref<20000x128xf32, #tpu.memory_space<hbm>>
    tpu.enqueue_indirect_dma source(%dma_start3A_24 : memref<20000x128xf32, #tpu.memory_space<hbm>>) target(%arg9 : memref<80x128xf32, #tpu.memory_space<vmem>>) offsets(%dma_start3A_21 : memref<80xi32, #tpu.memory_space<vmem>>) semaphore(%arg11 : memref<!tpu.dma_semaphore, #tpu.memory_space<semaphore_mem>>)
    %scan3A = arith.constant 0 : i32
    %scan3A_25 = arith.constant 12 : i32
    %scan3A_26 = arith.addi %scan3A, %scan3A_25 : i32
    %scan3A_27 = arith.constant 1 : i32
    scf.for %scan3A_172 = %scan3A to %scan3A_26 step %scan3A_27  : i32 {
      %mul3A_173 = arith.constant 2 : i32
      %mul3A_174 = arith.muli %mul3A_173, %scan3A_172 : i32
      %add3A_175 = arith.constant 1 : i32
      %add3A_176 = arith.addi %mul3A_174, %add3A_175 : i32
      %mul3A_177 = arith.constant 80 : i32
      %mul3A_178 = arith.muli %mul3A_174, %mul3A_177 : i32
      %dma_wait3A_179 = tpu.memref_slice %arg6[%mul3A_178] : memref<2000xi32, #tpu.memory_space<vmem>> -> memref<80xi32, #tpu.memory_space<vmem>>
      %dma_wait3A_180 = arith.constant 0 : i32
      %dma_wait3A_181 = arith.constant 0 : i32
      %dma_wait3A_182 = tpu.memref_slice %arg2[%dma_wait3A_180, %dma_wait3A_181] : memref<20000x128xf32, #tpu.memory_space<hbm>> -> memref<20000x128xf32, #tpu.memory_space<hbm>>
      tpu.wait_indirect_dma semaphore(%arg10 : memref<!tpu.dma_semaphore, #tpu.memory_space<semaphore_mem>>) src(%dma_wait3A_182 : memref<20000x128xf32, #tpu.memory_space<hbm>>) dst(%arg8 : memref<80x128xf32, #tpu.memory_space<vmem>>)
      %run_scoped3A_183 = arith.constant 0 : i32
      "tpu.region"() ({
        %run_scoped3A_204 = tpu.sem_alloc : memref<!tpu.dma_semaphore, #tpu.memory_space<semaphore_mem>>
        %dma_start3A_205 = arith.constant 0 : i32
        %dma_start3A_206 = tpu.memref_slice %arg7[%mul3A_174, %run_scoped3A_183, %dma_start3A_205] : memref<25x1x80xi32, #tpu.memory_space<vmem>> -> memref<1x1x80xi32, #tpu.memory_space<vmem>>
        %dma_start3A_207 = tpu.memref_squeeze %dma_start3A_206 : memref<1x1x80xi32, #tpu.memory_space<vmem>> -> memref<80xi32, #tpu.memory_space<vmem>>
        %dma_start3A_208 = arith.constant 0 : i32
        %dma_start3A_209 = arith.constant 0 : i32
        %dma_start3A_210 = tpu.memref_slice %arg12[%dma_start3A_208, %dma_start3A_209] : memref<10000x128xf32, #tpu.memory_space<vmem_shared>> -> memref<10000x128xf32, #tpu.memory_space<vmem_shared>>
        tpu.enqueue_indirect_dma source(%arg8 : memref<80x128xf32, #tpu.memory_space<vmem>>) target(%dma_start3A_210 : memref<10000x128xf32, #tpu.memory_space<vmem_shared>>) offsets(%dma_start3A_207 : memref<80xi32, #tpu.memory_space<vmem>>) semaphore(%run_scoped3A_204 : memref<!tpu.dma_semaphore, #tpu.memory_space<semaphore_mem>>) {add = true}
        %dma_wait3A_211 = arith.constant 0 : i32
        %dma_wait3A_212 = tpu.memref_slice %arg7[%mul3A_174, %run_scoped3A_183, %dma_wait3A_211] : memref<25x1x80xi32, #tpu.memory_space<vmem>> -> memref<1x1x80xi32, #tpu.memory_space<vmem>>
        %dma_wait3A_213 = tpu.memref_squeeze %dma_wait3A_212 : memref<1x1x80xi32, #tpu.memory_space<vmem>> -> memref<80xi32, #tpu.memory_space<vmem>>
        %dma_wait3A_214 = arith.constant 0 : i32
        %dma_wait3A_215 = arith.constant 0 : i32
        %dma_wait3A_216 = tpu.memref_slice %arg12[%dma_wait3A_214, %dma_wait3A_215] : memref<10000x128xf32, #tpu.memory_space<vmem_shared>> -> memref<10000x128xf32, #tpu.memory_space<vmem_shared>>
        tpu.wait_indirect_dma semaphore(%run_scoped3A_204 : memref<!tpu.dma_semaphore, #tpu.memory_space<semaphore_mem>>) src(%arg8 : memref<80x128xf32, #tpu.memory_space<vmem>>) dst(%dma_wait3A_216 : memref<10000x128xf32, #tpu.memory_space<vmem_shared>>)
        tpu.yield
      }) : () -> ()
      %add3A_184 = arith.constant 2 : i32
      %add3A_185 = arith.addi %mul3A_174, %add3A_184 : i32
      %lt3A = arith.constant 25 : i32
      %lt3A_186 = arith.cmpi slt, %add3A_185, %lt3A : i32
      %convert_element_type3A_187 = arith.extui %lt3A_186 : i1 to i32
      %cond3A_188 = arith.constant 0 : i32
      %cond3A_189 = arith.cmpi ne, %convert_element_type3A_187, %cond3A_188 : i32
      scf.if %cond3A_189 {
        %add3A_204 = arith.constant 2 : i32
        %add3A_205 = arith.addi %mul3A_174, %add3A_204 : i32
        %mul3A_206 = arith.constant 80 : i32
        %mul3A_207 = arith.muli %add3A_205, %mul3A_206 : i32
        %dma_start3A_208 = tpu.memref_slice %arg6[%mul3A_207] : memref<2000xi32, #tpu.memory_space<vmem>> -> memref<80xi32, #tpu.memory_space<vmem>>
        %dma_start3A_209 = arith.constant 0 : i32
        %dma_start3A_210 = arith.constant 0 : i32
        %dma_start3A_211 = tpu.memref_slice %arg2[%dma_start3A_209, %dma_start3A_210] : memref<20000x128xf32, #tpu.memory_space<hbm>> -> memref<20000x128xf32, #tpu.memory_space<hbm>>
        tpu.enqueue_indirect_dma source(%dma_start3A_211 : memref<20000x128xf32, #tpu.memory_space<hbm>>) target(%arg8 : memref<80x128xf32, #tpu.memory_space<vmem>>) offsets(%dma_start3A_208 : memref<80xi32, #tpu.memory_space<vmem>>) semaphore(%arg10 : memref<!tpu.dma_semaphore, #tpu.memory_space<semaphore_mem>>)
      } else {
      }
      %mul3A_190 = arith.constant 80 : i32
      %mul3A_191 = arith.muli %add3A_176, %mul3A_190 : i32
      %dma_wait3A_192 = tpu.memref_slice %arg6[%mul3A_191] : memref<2000xi32, #tpu.memory_space<vmem>> -> memref<80xi32, #tpu.memory_space<vmem>>
      %dma_wait3A_193 = arith.constant 0 : i32
      %dma_wait3A_194 = arith.constant 0 : i32
      %dma_wait3A_195 = tpu.memref_slice %arg2[%dma_wait3A_193, %dma_wait3A_194] : memref<20000x128xf32, #tpu.memory_space<hbm>> -> memref<20000x128xf32, #tpu.memory_space<hbm>>
      tpu.wait_indirect_dma semaphore(%arg11 : memref<!tpu.dma_semaphore, #tpu.memory_space<semaphore_mem>>) src(%dma_wait3A_195 : memref<20000x128xf32, #tpu.memory_space<hbm>>) dst(%arg9 : memref<80x128xf32, #tpu.memory_space<vmem>>)
      %run_scoped3A_196 = arith.constant 0 : i32
      "tpu.region"() ({
        %run_scoped3A_204 = tpu.sem_alloc : memref<!tpu.dma_semaphore, #tpu.memory_space<semaphore_mem>>
        %dma_start3A_205 = arith.constant 0 : i32
        %dma_start3A_206 = tpu.memref_slice %arg7[%add3A_176, %run_scoped3A_196, %dma_start3A_205] : memref<25x1x80xi32, #tpu.memory_space<vmem>> -> memref<1x1x80xi32, #tpu.memory_space<vmem>>
        %dma_start3A_207 = tpu.memref_squeeze %dma_start3A_206 : memref<1x1x80xi32, #tpu.memory_space<vmem>> -> memref<80xi32, #tpu.memory_space<vmem>>
        %dma_start3A_208 = arith.constant 0 : i32
        %dma_start3A_209 = arith.constant 0 : i32
        %dma_start3A_210 = tpu.memref_slice %arg12[%dma_start3A_208, %dma_start3A_209] : memref<10000x128xf32, #tpu.memory_space<vmem_shared>> -> memref<10000x128xf32, #tpu.memory_space<vmem_shared>>
        tpu.enqueue_indirect_dma source(%arg9 : memref<80x128xf32, #tpu.memory_space<vmem>>) target(%dma_start3A_210 : memref<10000x128xf32, #tpu.memory_space<vmem_shared>>) offsets(%dma_start3A_207 : memref<80xi32, #tpu.memory_space<vmem>>) semaphore(%run_scoped3A_204 : memref<!tpu.dma_semaphore, #tpu.memory_space<semaphore_mem>>) {add = true}
        %dma_wait3A_211 = arith.constant 0 : i32
        %dma_wait3A_212 = tpu.memref_slice %arg7[%add3A_176, %run_scoped3A_196, %dma_wait3A_211] : memref<25x1x80xi32, #tpu.memory_space<vmem>> -> memref<1x1x80xi32, #tpu.memory_space<vmem>>
        %dma_wait3A_213 = tpu.memref_squeeze %dma_wait3A_212 : memref<1x1x80xi32, #tpu.memory_space<vmem>> -> memref<80xi32, #tpu.memory_space<vmem>>
        %dma_wait3A_214 = arith.constant 0 : i32
        %dma_wait3A_215 = arith.constant 0 : i32
        %dma_wait3A_216 = tpu.memref_slice %arg12[%dma_wait3A_214, %dma_wait3A_215] : memref<10000x128xf32, #tpu.memory_space<vmem_shared>> -> memref<10000x128xf32, #tpu.memory_space<vmem_shared>>
        tpu.wait_indirect_dma semaphore(%run_scoped3A_204 : memref<!tpu.dma_semaphore, #tpu.memory_space<semaphore_mem>>) src(%arg9 : memref<80x128xf32, #tpu.memory_space<vmem>>) dst(%dma_wait3A_216 : memref<10000x128xf32, #tpu.memory_space<vmem_shared>>)
        tpu.yield
      }) : () -> ()
      %add3A_197 = arith.constant 2 : i32
      %add3A_198 = arith.addi %add3A_176, %add3A_197 : i32
      %lt3A_199 = arith.constant 25 : i32
      %lt3A_200 = arith.cmpi slt, %add3A_198, %lt3A_199 : i32
      %convert_element_type3A_201 = arith.extui %lt3A_200 : i1 to i32
      %cond3A_202 = arith.constant 0 : i32
      %cond3A_203 = arith.cmpi ne, %convert_element_type3A_201, %cond3A_202 : i32
      scf.if %cond3A_203 {
        %add3A_204 = arith.constant 2 : i32
        %add3A_205 = arith.addi %add3A_176, %add3A_204 : i32
        %mul3A_206 = arith.constant 80 : i32
        %mul3A_207 = arith.muli %add3A_205, %mul3A_206 : i32
        %dma_start3A_208 = tpu.memref_slice %arg6[%mul3A_207] : memref<2000xi32, #tpu.memory_space<vmem>> -> memref<80xi32, #tpu.memory_space<vmem>>
        %dma_start3A_209 = arith.constant 0 : i32
        %dma_start3A_210 = arith.constant 0 : i32
        %dma_start3A_211 = tpu.memref_slice %arg2[%dma_start3A_209, %dma_start3A_210] : memref<20000x128xf32, #tpu.memory_space<hbm>> -> memref<20000x128xf32, #tpu.memory_space<hbm>>
        tpu.enqueue_indirect_dma source(%dma_start3A_211 : memref<20000x128xf32, #tpu.memory_space<hbm>>) target(%arg9 : memref<80x128xf32, #tpu.memory_space<vmem>>) offsets(%dma_start3A_208 : memref<80xi32, #tpu.memory_space<vmem>>) semaphore(%arg11 : memref<!tpu.dma_semaphore, #tpu.memory_space<semaphore_mem>>)
      } else {
      }
    }
    %scan3A_28 = arith.constant 12 : i32
    %dma_wait3A = arith.constant 1920 : i32
    %dma_wait3A_29 = tpu.memref_slice %arg6[%dma_wait3A] : memref<2000xi32, #tpu.memory_space<vmem>> -> memref<80xi32, #tpu.memory_space<vmem>>
    %dma_wait3A_30 = arith.constant 0 : i32
    %dma_wait3A_31 = arith.constant 0 : i32
    %dma_wait3A_32 = tpu.memref_slice %arg2[%dma_wait3A_30, %dma_wait3A_31] : memref<20000x128xf32, #tpu.memory_space<hbm>> -> memref<20000x128xf32, #tpu.memory_space<hbm>>
    tpu.wait_indirect_dma semaphore(%arg10 : memref<!tpu.dma_semaphore, #tpu.memory_space<semaphore_mem>>) src(%dma_wait3A_32 : memref<20000x128xf32, #tpu.memory_space<hbm>>) dst(%arg8 : memref<80x128xf32, #tpu.memory_space<vmem>>)
    %run_scoped3A = arith.constant 24 : i32
    %run_scoped3A_33 = arith.constant 0 : i32
    "tpu.region"() ({
      %run_scoped3A_172 = tpu.sem_alloc : memref<!tpu.dma_semaphore, #tpu.memory_space<semaphore_mem>>
      %dma_start3A_173 = arith.constant 0 : i32
      %dma_start3A_174 = tpu.memref_slice %arg7[%run_scoped3A, %run_scoped3A_33, %dma_start3A_173] : memref<25x1x80xi32, #tpu.memory_space<vmem>> -> memref<1x1x80xi32, #tpu.memory_space<vmem>>
      %dma_start3A_175 = tpu.memref_squeeze %dma_start3A_174 : memref<1x1x80xi32, #tpu.memory_space<vmem>> -> memref<80xi32, #tpu.memory_space<vmem>>
      %dma_start3A_176 = arith.constant 0 : i32
      %dma_start3A_177 = arith.constant 0 : i32
      %dma_start3A_178 = tpu.memref_slice %arg12[%dma_start3A_176, %dma_start3A_177] : memref<10000x128xf32, #tpu.memory_space<vmem_shared>> -> memref<10000x128xf32, #tpu.memory_space<vmem_shared>>
      tpu.enqueue_indirect_dma source(%arg8 : memref<80x128xf32, #tpu.memory_space<vmem>>) target(%dma_start3A_178 : memref<10000x128xf32, #tpu.memory_space<vmem_shared>>) offsets(%dma_start3A_175 : memref<80xi32, #tpu.memory_space<vmem>>) semaphore(%run_scoped3A_172 : memref<!tpu.dma_semaphore, #tpu.memory_space<semaphore_mem>>) {add = true}
      %dma_wait3A_179 = arith.constant 0 : i32
      %dma_wait3A_180 = tpu.memref_slice %arg7[%run_scoped3A, %run_scoped3A_33, %dma_wait3A_179] : memref<25x1x80xi32, #tpu.memory_space<vmem>> -> memref<1x1x80xi32, #tpu.memory_space<vmem>>
      %dma_wait3A_181 = tpu.memref_squeeze %dma_wait3A_180 : memref<1x1x80xi32, #tpu.memory_space<vmem>> -> memref<80xi32, #tpu.memory_space<vmem>>
      %dma_wait3A_182 = arith.constant 0 : i32
      %dma_wait3A_183 = arith.constant 0 : i32
      %dma_wait3A_184 = tpu.memref_slice %arg12[%dma_wait3A_182, %dma_wait3A_183] : memref<10000x128xf32, #tpu.memory_space<vmem_shared>> -> memref<10000x128xf32, #tpu.memory_space<vmem_shared>>
      tpu.wait_indirect_dma semaphore(%run_scoped3A_172 : memref<!tpu.dma_semaphore, #tpu.memory_space<semaphore_mem>>) src(%arg8 : memref<80x128xf32, #tpu.memory_space<vmem>>) dst(%dma_wait3A_184 : memref<10000x128xf32, #tpu.memory_space<vmem_shared>>)
      tpu.yield
    }) : () -> ()
    %mul3A_34 = arith.constant 160000 : i32
    %mul3A_35 = arith.muli %arg0, %mul3A_34 : i32
    %mul3A_36 = arith.constant 10000 : i32
    %mul3A_37 = arith.muli %arg1, %mul3A_36 : i32
    %add3A_38 = arith.addi %mul3A_35, %mul3A_37 : i32
    %add3A_39 = arith.constant 2000 : i32
    %add3A_40 = arith.addi %add3A_38, %add3A_39 : i32
    "tpu.region"() ({
      %run_scoped3A_172 = tpu.sem_alloc : memref<!tpu.dma_semaphore, #tpu.memory_space<semaphore_mem>>
      %dma_start3A_173 = tpu.memref_slice %arg3[%add3A_40] : memref<320000xi32, #tpu.memory_space<hbm>> -> memref<2000xi32, #tpu.memory_space<hbm>>
      %dma_start3A_174 = tpu.memref_slice %arg3[%add3A_40] : memref<320000xi32, #tpu.memory_space<hbm>> -> memref<2000xi32, #tpu.memory_space<hbm>>
      tpu.enqueue_dma source(%dma_start3A_174 : memref<2000xi32, #tpu.memory_space<hbm>>) target(%arg6 : memref<2000xi32, #tpu.memory_space<vmem>>) target_semaphore(%run_scoped3A_172 : memref<!tpu.dma_semaphore, #tpu.memory_space<semaphore_mem>>)
      %dma_wait3A_175 = tpu.memref_slice %arg3[%add3A_40] : memref<320000xi32, #tpu.memory_space<hbm>> -> memref<2000xi32, #tpu.memory_space<hbm>>
      %dma_wait3A_176 = tpu.memref_slice %arg3[%add3A_40] : memref<320000xi32, #tpu.memory_space<hbm>> -> memref<2000xi32, #tpu.memory_space<hbm>>
      tpu.wait_dma2 semaphore(%run_scoped3A_172 : memref<!tpu.dma_semaphore, #tpu.memory_space<semaphore_mem>>) src(%dma_wait3A_176 : memref<2000xi32, #tpu.memory_space<hbm>>) dst(%arg6 : memref<2000xi32, #tpu.memory_space<vmem>>)
      tpu.yield
    }) : () -> ()
    %mul3A_41 = arith.constant 125 : i32
    %mul3A_42 = arith.muli %arg1, %mul3A_41 : i32
    %add3A_43 = arith.constant 25 : i32
    %add3A_44 = arith.addi %mul3A_42, %add3A_43 : i32
    "tpu.region"() ({
      %run_scoped3A_172 = tpu.sem_alloc : memref<!tpu.dma_semaphore, #tpu.memory_space<semaphore_mem>>
      %dma_start3A_173 = arith.constant 0 : i32
      %dma_start3A_174 = arith.constant 0 : i32
      %dma_start3A_175 = tpu.memref_slice %arg4[%add3A_44, %dma_start3A_173, %dma_start3A_174] : memref<2000x1x80xi32, #tpu.memory_space<hbm>> -> memref<25x1x80xi32, #tpu.memory_space<hbm>>
      %dma_start3A_176 = arith.constant 0 : i32
      %dma_start3A_177 = arith.constant 0 : i32
      %dma_start3A_178 = tpu.memref_slice %arg4[%add3A_44, %dma_start3A_176, %dma_start3A_177] : memref<2000x1x80xi32, #tpu.memory_space<hbm>> -> memref<25x1x80xi32, #tpu.memory_space<hbm>>
      tpu.enqueue_dma source(%dma_start3A_178 : memref<25x1x80xi32, #tpu.memory_space<hbm>>) target(%arg7 : memref<25x1x80xi32, #tpu.memory_space<vmem>>) target_semaphore(%run_scoped3A_172 : memref<!tpu.dma_semaphore, #tpu.memory_space<semaphore_mem>>)
      %dma_wait3A_179 = arith.constant 0 : i32
      %dma_wait3A_180 = arith.constant 0 : i32
      %dma_wait3A_181 = tpu.memref_slice %arg4[%add3A_44, %dma_wait3A_179, %dma_wait3A_180] : memref<2000x1x80xi32, #tpu.memory_space<hbm>> -> memref<25x1x80xi32, #tpu.memory_space<hbm>>
      %dma_wait3A_182 = arith.constant 0 : i32
      %dma_wait3A_183 = arith.constant 0 : i32
      %dma_wait3A_184 = tpu.memref_slice %arg4[%add3A_44, %dma_wait3A_182, %dma_wait3A_183] : memref<2000x1x80xi32, #tpu.memory_space<hbm>> -> memref<25x1x80xi32, #tpu.memory_space<hbm>>
      tpu.wait_dma2 semaphore(%run_scoped3A_172 : memref<!tpu.dma_semaphore, #tpu.memory_space<semaphore_mem>>) src(%dma_wait3A_184 : memref<25x1x80xi32, #tpu.memory_space<hbm>>) dst(%arg7 : memref<25x1x80xi32, #tpu.memory_space<vmem>>)
      tpu.yield
    }) : () -> ()
    %dma_start3A_45 = arith.constant 0 : i32
    %dma_start3A_46 = tpu.memref_slice %arg6[%dma_start3A_45] : memref<2000xi32, #tpu.memory_space<vmem>> -> memref<80xi32, #tpu.memory_space<vmem>>
    %dma_start3A_47 = arith.constant 0 : i32
    %dma_start3A_48 = arith.constant 0 : i32
    %dma_start3A_49 = tpu.memref_slice %arg2[%dma_start3A_47, %dma_start3A_48] : memref<20000x128xf32, #tpu.memory_space<hbm>> -> memref<20000x128xf32, #tpu.memory_space<hbm>>
    tpu.enqueue_indirect_dma source(%dma_start3A_49 : memref<20000x128xf32, #tpu.memory_space<hbm>>) target(%arg8 : memref<80x128xf32, #tpu.memory_space<vmem>>) offsets(%dma_start3A_46 : memref<80xi32, #tpu.memory_space<vmem>>) semaphore(%arg10 : memref<!tpu.dma_semaphore, #tpu.memory_space<semaphore_mem>>)
    %dma_start3A_50 = arith.constant 80 : i32
    %dma_start3A_51 = tpu.memref_slice %arg6[%dma_start3A_50] : memref<2000xi32, #tpu.memory_space<vmem>> -> memref<80xi32, #tpu.memory_space<vmem>>
    %dma_start3A_52 = arith.constant 0 : i32
    %dma_start3A_53 = arith.constant 0 : i32
    %dma_start3A_54 = tpu.memref_slice %arg2[%dma_start3A_52, %dma_start3A_53] : memref<20000x128xf32, #tpu.memory_space<hbm>> -> memref<20000x128xf32, #tpu.memory_space<hbm>>
    tpu.enqueue_indirect_dma source(%dma_start3A_54 : memref<20000x128xf32, #tpu.memory_space<hbm>>) target(%arg9 : memref<80x128xf32, #tpu.memory_space<vmem>>) offsets(%dma_start3A_51 : memref<80xi32, #tpu.memory_space<vmem>>) semaphore(%arg11 : memref<!tpu.dma_semaphore, #tpu.memory_space<semaphore_mem>>)
    %scan3A_55 = arith.constant 0 : i32
    %scan3A_56 = arith.constant 12 : i32
    %scan3A_57 = arith.addi %scan3A_55, %scan3A_56 : i32
    %scan3A_58 = arith.constant 1 : i32
    scf.for %scan3A_172 = %scan3A_55 to %scan3A_57 step %scan3A_58  : i32 {
      %mul3A_173 = arith.constant 2 : i32
      %mul3A_174 = arith.muli %mul3A_173, %scan3A_172 : i32
      %add3A_175 = arith.constant 1 : i32
      %add3A_176 = arith.addi %mul3A_174, %add3A_175 : i32
      %mul3A_177 = arith.constant 80 : i32
      %mul3A_178 = arith.muli %mul3A_174, %mul3A_177 : i32
      %dma_wait3A_179 = tpu.memref_slice %arg6[%mul3A_178] : memref<2000xi32, #tpu.memory_space<vmem>> -> memref<80xi32, #tpu.memory_space<vmem>>
      %dma_wait3A_180 = arith.constant 0 : i32
      %dma_wait3A_181 = arith.constant 0 : i32
      %dma_wait3A_182 = tpu.memref_slice %arg2[%dma_wait3A_180, %dma_wait3A_181] : memref<20000x128xf32, #tpu.memory_space<hbm>> -> memref<20000x128xf32, #tpu.memory_space<hbm>>
      tpu.wait_indirect_dma semaphore(%arg10 : memref<!tpu.dma_semaphore, #tpu.memory_space<semaphore_mem>>) src(%dma_wait3A_182 : memref<20000x128xf32, #tpu.memory_space<hbm>>) dst(%arg8 : memref<80x128xf32, #tpu.memory_space<vmem>>)
      %run_scoped3A_183 = arith.constant 0 : i32
      "tpu.region"() ({
        %run_scoped3A_204 = tpu.sem_alloc : memref<!tpu.dma_semaphore, #tpu.memory_space<semaphore_mem>>
        %dma_start3A_205 = arith.constant 0 : i32
        %dma_start3A_206 = tpu.memref_slice %arg7[%mul3A_174, %run_scoped3A_183, %dma_start3A_205] : memref<25x1x80xi32, #tpu.memory_space<vmem>> -> memref<1x1x80xi32, #tpu.memory_space<vmem>>
        %dma_start3A_207 = tpu.memref_squeeze %dma_start3A_206 : memref<1x1x80xi32, #tpu.memory_space<vmem>> -> memref<80xi32, #tpu.memory_space<vmem>>
        %dma_start3A_208 = arith.constant 0 : i32
        %dma_start3A_209 = arith.constant 0 : i32
        %dma_start3A_210 = tpu.memref_slice %arg12[%dma_start3A_208, %dma_start3A_209] : memref<10000x128xf32, #tpu.memory_space<vmem_shared>> -> memref<10000x128xf32, #tpu.memory_space<vmem_shared>>
        tpu.enqueue_indirect_dma source(%arg8 : memref<80x128xf32, #tpu.memory_space<vmem>>) target(%dma_start3A_210 : memref<10000x128xf32, #tpu.memory_space<vmem_shared>>) offsets(%dma_start3A_207 : memref<80xi32, #tpu.memory_space<vmem>>) semaphore(%run_scoped3A_204 : memref<!tpu.dma_semaphore, #tpu.memory_space<semaphore_mem>>) {add = true}
        %dma_wait3A_211 = arith.constant 0 : i32
        %dma_wait3A_212 = tpu.memref_slice %arg7[%mul3A_174, %run_scoped3A_183, %dma_wait3A_211] : memref<25x1x80xi32, #tpu.memory_space<vmem>> -> memref<1x1x80xi32, #tpu.memory_space<vmem>>
        %dma_wait3A_213 = tpu.memref_squeeze %dma_wait3A_212 : memref<1x1x80xi32, #tpu.memory_space<vmem>> -> memref<80xi32, #tpu.memory_space<vmem>>
        %dma_wait3A_214 = arith.constant 0 : i32
        %dma_wait3A_215 = arith.constant 0 : i32
        %dma_wait3A_216 = tpu.memref_slice %arg12[%dma_wait3A_214, %dma_wait3A_215] : memref<10000x128xf32, #tpu.memory_space<vmem_shared>> -> memref<10000x128xf32, #tpu.memory_space<vmem_shared>>
        tpu.wait_indirect_dma semaphore(%run_scoped3A_204 : memref<!tpu.dma_semaphore, #tpu.memory_space<semaphore_mem>>) src(%arg8 : memref<80x128xf32, #tpu.memory_space<vmem>>) dst(%dma_wait3A_216 : memref<10000x128xf32, #tpu.memory_space<vmem_shared>>)
        tpu.yield
      }) : () -> ()
      %add3A_184 = arith.constant 2 : i32
      %add3A_185 = arith.addi %mul3A_174, %add3A_184 : i32
      %lt3A = arith.constant 25 : i32
      %lt3A_186 = arith.cmpi slt, %add3A_185, %lt3A : i32
      %convert_element_type3A_187 = arith.extui %lt3A_186 : i1 to i32
      %cond3A_188 = arith.constant 0 : i32
      %cond3A_189 = arith.cmpi ne, %convert_element_type3A_187, %cond3A_188 : i32
      scf.if %cond3A_189 {
        %add3A_204 = arith.constant 2 : i32
        %add3A_205 = arith.addi %mul3A_174, %add3A_204 : i32
        %mul3A_206 = arith.constant 80 : i32
        %mul3A_207 = arith.muli %add3A_205, %mul3A_206 : i32
        %dma_start3A_208 = tpu.memref_slice %arg6[%mul3A_207] : memref<2000xi32, #tpu.memory_space<vmem>> -> memref<80xi32, #tpu.memory_space<vmem>>
        %dma_start3A_209 = arith.constant 0 : i32
        %dma_start3A_210 = arith.constant 0 : i32
        %dma_start3A_211 = tpu.memref_slice %arg2[%dma_start3A_209, %dma_start3A_210] : memref<20000x128xf32, #tpu.memory_space<hbm>> -> memref<20000x128xf32, #tpu.memory_space<hbm>>
        tpu.enqueue_indirect_dma source(%dma_start3A_211 : memref<20000x128xf32, #tpu.memory_space<hbm>>) target(%arg8 : memref<80x128xf32, #tpu.memory_space<vmem>>) offsets(%dma_start3A_208 : memref<80xi32, #tpu.memory_space<vmem>>) semaphore(%arg10 : memref<!tpu.dma_semaphore, #tpu.memory_space<semaphore_mem>>)
      } else {
      }
      %mul3A_190 = arith.constant 80 : i32
      %mul3A_191 = arith.muli %add3A_176, %mul3A_190 : i32
      %dma_wait3A_192 = tpu.memref_slice %arg6[%mul3A_191] : memref<2000xi32, #tpu.memory_space<vmem>> -> memref<80xi32, #tpu.memory_space<vmem>>
      %dma_wait3A_193 = arith.constant 0 : i32
      %dma_wait3A_194 = arith.constant 0 : i32
      %dma_wait3A_195 = tpu.memref_slice %arg2[%dma_wait3A_193, %dma_wait3A_194] : memref<20000x128xf32, #tpu.memory_space<hbm>> -> memref<20000x128xf32, #tpu.memory_space<hbm>>
      tpu.wait_indirect_dma semaphore(%arg11 : memref<!tpu.dma_semaphore, #tpu.memory_space<semaphore_mem>>) src(%dma_wait3A_195 : memref<20000x128xf32, #tpu.memory_space<hbm>>) dst(%arg9 : memref<80x128xf32, #tpu.memory_space<vmem>>)
      %run_scoped3A_196 = arith.constant 0 : i32
      "tpu.region"() ({
        %run_scoped3A_204 = tpu.sem_alloc : memref<!tpu.dma_semaphore, #tpu.memory_space<semaphore_mem>>
        %dma_start3A_205 = arith.constant 0 : i32
        %dma_start3A_206 = tpu.memref_slice %arg7[%add3A_176, %run_scoped3A_196, %dma_start3A_205] : memref<25x1x80xi32, #tpu.memory_space<vmem>> -> memref<1x1x80xi32, #tpu.memory_space<vmem>>
        %dma_start3A_207 = tpu.memref_squeeze %dma_start3A_206 : memref<1x1x80xi32, #tpu.memory_space<vmem>> -> memref<80xi32, #tpu.memory_space<vmem>>
        %dma_start3A_208 = arith.constant 0 : i32
        %dma_start3A_209 = arith.constant 0 : i32
        %dma_start3A_210 = tpu.memref_slice %arg12[%dma_start3A_208, %dma_start3A_209] : memref<10000x128xf32, #tpu.memory_space<vmem_shared>> -> memref<10000x128xf32, #tpu.memory_space<vmem_shared>>
        tpu.enqueue_indirect_dma source(%arg9 : memref<80x128xf32, #tpu.memory_space<vmem>>) target(%dma_start3A_210 : memref<10000x128xf32, #tpu.memory_space<vmem_shared>>) offsets(%dma_start3A_207 : memref<80xi32, #tpu.memory_space<vmem>>) semaphore(%run_scoped3A_204 : memref<!tpu.dma_semaphore, #tpu.memory_space<semaphore_mem>>) {add = true}
        %dma_wait3A_211 = arith.constant 0 : i32
        %dma_wait3A_212 = tpu.memref_slice %arg7[%add3A_176, %run_scoped3A_196, %dma_wait3A_211] : memref<25x1x80xi32, #tpu.memory_space<vmem>> -> memref<1x1x80xi32, #tpu.memory_space<vmem>>
        %dma_wait3A_213 = tpu.memref_squeeze %dma_wait3A_212 : memref<1x1x80xi32, #tpu.memory_space<vmem>> -> memref<80xi32, #tpu.memory_space<vmem>>
        %dma_wait3A_214 = arith.constant 0 : i32
        %dma_wait3A_215 = arith.constant 0 : i32
        %dma_wait3A_216 = tpu.memref_slice %arg12[%dma_wait3A_214, %dma_wait3A_215] : memref<10000x128xf32, #tpu.memory_space<vmem_shared>> -> memref<10000x128xf32, #tpu.memory_space<vmem_shared>>
        tpu.wait_indirect_dma semaphore(%run_scoped3A_204 : memref<!tpu.dma_semaphore, #tpu.memory_space<semaphore_mem>>) src(%arg9 : memref<80x128xf32, #tpu.memory_space<vmem>>) dst(%dma_wait3A_216 : memref<10000x128xf32, #tpu.memory_space<vmem_shared>>)
        tpu.yield
      }) : () -> ()
      %add3A_197 = arith.constant 2 : i32
      %add3A_198 = arith.addi %add3A_176, %add3A_197 : i32
      %lt3A_199 = arith.constant 25 : i32
      %lt3A_200 = arith.cmpi slt, %add3A_198, %lt3A_199 : i32
      %convert_element_type3A_201 = arith.extui %lt3A_200 : i1 to i32
      %cond3A_202 = arith.constant 0 : i32
      %cond3A_203 = arith.cmpi ne, %convert_element_type3A_201, %cond3A_202 : i32
      scf.if %cond3A_203 {
        %add3A_204 = arith.constant 2 : i32
        %add3A_205 = arith.addi %add3A_176, %add3A_204 : i32
        %mul3A_206 = arith.constant 80 : i32
        %mul3A_207 = arith.muli %add3A_205, %mul3A_206 : i32
        %dma_start3A_208 = tpu.memref_slice %arg6[%mul3A_207] : memref<2000xi32, #tpu.memory_space<vmem>> -> memref<80xi32, #tpu.memory_space<vmem>>
        %dma_start3A_209 = arith.constant 0 : i32
        %dma_start3A_210 = arith.constant 0 : i32
        %dma_start3A_211 = tpu.memref_slice %arg2[%dma_start3A_209, %dma_start3A_210] : memref<20000x128xf32, #tpu.memory_space<hbm>> -> memref<20000x128xf32, #tpu.memory_space<hbm>>
        tpu.enqueue_indirect_dma source(%dma_start3A_211 : memref<20000x128xf32, #tpu.memory_space<hbm>>) target(%arg9 : memref<80x128xf32, #tpu.memory_space<vmem>>) offsets(%dma_start3A_208 : memref<80xi32, #tpu.memory_space<vmem>>) semaphore(%arg11 : memref<!tpu.dma_semaphore, #tpu.memory_space<semaphore_mem>>)
      } else {
      }
    }
    %scan3A_59 = arith.constant 12 : i32
    %dma_wait3A_60 = arith.constant 1920 : i32
    %dma_wait3A_61 = tpu.memref_slice %arg6[%dma_wait3A_60] : memref<2000xi32, #tpu.memory_space<vmem>> -> memref<80xi32, #tpu.memory_space<vmem>>
    %dma_wait3A_62 = arith.constant 0 : i32
    %dma_wait3A_63 = arith.constant 0 : i32
    %dma_wait3A_64 = tpu.memref_slice %arg2[%dma_wait3A_62, %dma_wait3A_63] : memref<20000x128xf32, #tpu.memory_space<hbm>> -> memref<20000x128xf32, #tpu.memory_space<hbm>>
    tpu.wait_indirect_dma semaphore(%arg10 : memref<!tpu.dma_semaphore, #tpu.memory_space<semaphore_mem>>) src(%dma_wait3A_64 : memref<20000x128xf32, #tpu.memory_space<hbm>>) dst(%arg8 : memref<80x128xf32, #tpu.memory_space<vmem>>)
    %run_scoped3A_65 = arith.constant 24 : i32
    %run_scoped3A_66 = arith.constant 0 : i32
    "tpu.region"() ({
      %run_scoped3A_172 = tpu.sem_alloc : memref<!tpu.dma_semaphore, #tpu.memory_space<semaphore_mem>>
      %dma_start3A_173 = arith.constant 0 : i32
      %dma_start3A_174 = tpu.memref_slice %arg7[%run_scoped3A_65, %run_scoped3A_66, %dma_start3A_173] : memref<25x1x80xi32, #tpu.memory_space<vmem>> -> memref<1x1x80xi32, #tpu.memory_space<vmem>>
      %dma_start3A_175 = tpu.memref_squeeze %dma_start3A_174 : memref<1x1x80xi32, #tpu.memory_space<vmem>> -> memref<80xi32, #tpu.memory_space<vmem>>
      %dma_start3A_176 = arith.constant 0 : i32
      %dma_start3A_177 = arith.constant 0 : i32
      %dma_start3A_178 = tpu.memref_slice %arg12[%dma_start3A_176, %dma_start3A_177] : memref<10000x128xf32, #tpu.memory_space<vmem_shared>> -> memref<10000x128xf32, #tpu.memory_space<vmem_shared>>
      tpu.enqueue_indirect_dma source(%arg8 : memref<80x128xf32, #tpu.memory_space<vmem>>) target(%dma_start3A_178 : memref<10000x128xf32, #tpu.memory_space<vmem_shared>>) offsets(%dma_start3A_175 : memref<80xi32, #tpu.memory_space<vmem>>) semaphore(%run_scoped3A_172 : memref<!tpu.dma_semaphore, #tpu.memory_space<semaphore_mem>>) {add = true}
      %dma_wait3A_179 = arith.constant 0 : i32
      %dma_wait3A_180 = tpu.memref_slice %arg7[%run_scoped3A_65, %run_scoped3A_66, %dma_wait3A_179] : memref<25x1x80xi32, #tpu.memory_space<vmem>> -> memref<1x1x80xi32, #tpu.memory_space<vmem>>
      %dma_wait3A_181 = tpu.memref_squeeze %dma_wait3A_180 : memref<1x1x80xi32, #tpu.memory_space<vmem>> -> memref<80xi32, #tpu.memory_space<vmem>>
      %dma_wait3A_182 = arith.constant 0 : i32
      %dma_wait3A_183 = arith.constant 0 : i32
      %dma_wait3A_184 = tpu.memref_slice %arg12[%dma_wait3A_182, %dma_wait3A_183] : memref<10000x128xf32, #tpu.memory_space<vmem_shared>> -> memref<10000x128xf32, #tpu.memory_space<vmem_shared>>
      tpu.wait_indirect_dma semaphore(%run_scoped3A_172 : memref<!tpu.dma_semaphore, #tpu.memory_space<semaphore_mem>>) src(%arg8 : memref<80x128xf32, #tpu.memory_space<vmem>>) dst(%dma_wait3A_184 : memref<10000x128xf32, #tpu.memory_space<vmem_shared>>)
      tpu.yield
    }) : () -> ()
    %mul3A_67 = arith.constant 160000 : i32
    %mul3A_68 = arith.muli %arg0, %mul3A_67 : i32
    %mul3A_69 = arith.constant 10000 : i32
    %mul3A_70 = arith.muli %arg1, %mul3A_69 : i32
    %add3A_71 = arith.addi %mul3A_68, %mul3A_70 : i32
    %add3A_72 = arith.constant 4000 : i32
    %add3A_73 = arith.addi %add3A_71, %add3A_72 : i32
    "tpu.region"() ({
      %run_scoped3A_172 = tpu.sem_alloc : memref<!tpu.dma_semaphore, #tpu.memory_space<semaphore_mem>>
      %dma_start3A_173 = tpu.memref_slice %arg3[%add3A_73] : memref<320000xi32, #tpu.memory_space<hbm>> -> memref<2000xi32, #tpu.memory_space<hbm>>
      %dma_start3A_174 = tpu.memref_slice %arg3[%add3A_73] : memref<320000xi32, #tpu.memory_space<hbm>> -> memref<2000xi32, #tpu.memory_space<hbm>>
      tpu.enqueue_dma source(%dma_start3A_174 : memref<2000xi32, #tpu.memory_space<hbm>>) target(%arg6 : memref<2000xi32, #tpu.memory_space<vmem>>) target_semaphore(%run_scoped3A_172 : memref<!tpu.dma_semaphore, #tpu.memory_space<semaphore_mem>>)
      %dma_wait3A_175 = tpu.memref_slice %arg3[%add3A_73] : memref<320000xi32, #tpu.memory_space<hbm>> -> memref<2000xi32, #tpu.memory_space<hbm>>
      %dma_wait3A_176 = tpu.memref_slice %arg3[%add3A_73] : memref<320000xi32, #tpu.memory_space<hbm>> -> memref<2000xi32, #tpu.memory_space<hbm>>
      tpu.wait_dma2 semaphore(%run_scoped3A_172 : memref<!tpu.dma_semaphore, #tpu.memory_space<semaphore_mem>>) src(%dma_wait3A_176 : memref<2000xi32, #tpu.memory_space<hbm>>) dst(%arg6 : memref<2000xi32, #tpu.memory_space<vmem>>)
      tpu.yield
    }) : () -> ()
    %mul3A_74 = arith.constant 125 : i32
    %mul3A_75 = arith.muli %arg1, %mul3A_74 : i32
    %add3A_76 = arith.constant 50 : i32
    %add3A_77 = arith.addi %mul3A_75, %add3A_76 : i32
    "tpu.region"() ({
      %run_scoped3A_172 = tpu.sem_alloc : memref<!tpu.dma_semaphore, #tpu.memory_space<semaphore_mem>>
      %dma_start3A_173 = arith.constant 0 : i32
      %dma_start3A_174 = arith.constant 0 : i32
      %dma_start3A_175 = tpu.memref_slice %arg4[%add3A_77, %dma_start3A_173, %dma_start3A_174] : memref<2000x1x80xi32, #tpu.memory_space<hbm>> -> memref<25x1x80xi32, #tpu.memory_space<hbm>>
      %dma_start3A_176 = arith.constant 0 : i32
      %dma_start3A_177 = arith.constant 0 : i32
      %dma_start3A_178 = tpu.memref_slice %arg4[%add3A_77, %dma_start3A_176, %dma_start3A_177] : memref<2000x1x80xi32, #tpu.memory_space<hbm>> -> memref<25x1x80xi32, #tpu.memory_space<hbm>>
      tpu.enqueue_dma source(%dma_start3A_178 : memref<25x1x80xi32, #tpu.memory_space<hbm>>) target(%arg7 : memref<25x1x80xi32, #tpu.memory_space<vmem>>) target_semaphore(%run_scoped3A_172 : memref<!tpu.dma_semaphore, #tpu.memory_space<semaphore_mem>>)
      %dma_wait3A_179 = arith.constant 0 : i32
      %dma_wait3A_180 = arith.constant 0 : i32
      %dma_wait3A_181 = tpu.memref_slice %arg4[%add3A_77, %dma_wait3A_179, %dma_wait3A_180] : memref<2000x1x80xi32, #tpu.memory_space<hbm>> -> memref<25x1x80xi32, #tpu.memory_space<hbm>>
      %dma_wait3A_182 = arith.constant 0 : i32
      %dma_wait3A_183 = arith.constant 0 : i32
      %dma_wait3A_184 = tpu.memref_slice %arg4[%add3A_77, %dma_wait3A_182, %dma_wait3A_183] : memref<2000x1x80xi32, #tpu.memory_space<hbm>> -> memref<25x1x80xi32, #tpu.memory_space<hbm>>
      tpu.wait_dma2 semaphore(%run_scoped3A_172 : memref<!tpu.dma_semaphore, #tpu.memory_space<semaphore_mem>>) src(%dma_wait3A_184 : memref<25x1x80xi32, #tpu.memory_space<hbm>>) dst(%arg7 : memref<25x1x80xi32, #tpu.memory_space<vmem>>)
      tpu.yield
    }) : () -> ()
    %dma_start3A_78 = arith.constant 0 : i32
    %dma_start3A_79 = tpu.memref_slice %arg6[%dma_start3A_78] : memref<2000xi32, #tpu.memory_space<vmem>> -> memref<80xi32, #tpu.memory_space<vmem>>
    %dma_start3A_80 = arith.constant 0 : i32
    %dma_start3A_81 = arith.constant 0 : i32
    %dma_start3A_82 = tpu.memref_slice %arg2[%dma_start3A_80, %dma_start3A_81] : memref<20000x128xf32, #tpu.memory_space<hbm>> -> memref<20000x128xf32, #tpu.memory_space<hbm>>
    tpu.enqueue_indirect_dma source(%dma_start3A_82 : memref<20000x128xf32, #tpu.memory_space<hbm>>) target(%arg8 : memref<80x128xf32, #tpu.memory_space<vmem>>) offsets(%dma_start3A_79 : memref<80xi32, #tpu.memory_space<vmem>>) semaphore(%arg10 : memref<!tpu.dma_semaphore, #tpu.memory_space<semaphore_mem>>)
    %dma_start3A_83 = arith.constant 80 : i32
    %dma_start3A_84 = tpu.memref_slice %arg6[%dma_start3A_83] : memref<2000xi32, #tpu.memory_space<vmem>> -> memref<80xi32, #tpu.memory_space<vmem>>
    %dma_start3A_85 = arith.constant 0 : i32
    %dma_start3A_86 = arith.constant 0 : i32
    %dma_start3A_87 = tpu.memref_slice %arg2[%dma_start3A_85, %dma_start3A_86] : memref<20000x128xf32, #tpu.memory_space<hbm>> -> memref<20000x128xf32, #tpu.memory_space<hbm>>
    tpu.enqueue_indirect_dma source(%dma_start3A_87 : memref<20000x128xf32, #tpu.memory_space<hbm>>) target(%arg9 : memref<80x128xf32, #tpu.memory_space<vmem>>) offsets(%dma_start3A_84 : memref<80xi32, #tpu.memory_space<vmem>>) semaphore(%arg11 : memref<!tpu.dma_semaphore, #tpu.memory_space<semaphore_mem>>)
    %scan3A_88 = arith.constant 0 : i32
    %scan3A_89 = arith.constant 12 : i32
    %scan3A_90 = arith.addi %scan3A_88, %scan3A_89 : i32
    %scan3A_91 = arith.constant 1 : i32
    scf.for %scan3A_172 = %scan3A_88 to %scan3A_90 step %scan3A_91  : i32 {
      %mul3A_173 = arith.constant 2 : i32
      %mul3A_174 = arith.muli %mul3A_173, %scan3A_172 : i32
      %add3A_175 = arith.constant 1 : i32
      %add3A_176 = arith.addi %mul3A_174, %add3A_175 : i32
      %mul3A_177 = arith.constant 80 : i32
      %mul3A_178 = arith.muli %mul3A_174, %mul3A_177 : i32
      %dma_wait3A_179 = tpu.memref_slice %arg6[%mul3A_178] : memref<2000xi32, #tpu.memory_space<vmem>> -> memref<80xi32, #tpu.memory_space<vmem>>
      %dma_wait3A_180 = arith.constant 0 : i32
      %dma_wait3A_181 = arith.constant 0 : i32
      %dma_wait3A_182 = tpu.memref_slice %arg2[%dma_wait3A_180, %dma_wait3A_181] : memref<20000x128xf32, #tpu.memory_space<hbm>> -> memref<20000x128xf32, #tpu.memory_space<hbm>>
      tpu.wait_indirect_dma semaphore(%arg10 : memref<!tpu.dma_semaphore, #tpu.memory_space<semaphore_mem>>) src(%dma_wait3A_182 : memref<20000x128xf32, #tpu.memory_space<hbm>>) dst(%arg8 : memref<80x128xf32, #tpu.memory_space<vmem>>)
      %run_scoped3A_183 = arith.constant 0 : i32
      "tpu.region"() ({
        %run_scoped3A_204 = tpu.sem_alloc : memref<!tpu.dma_semaphore, #tpu.memory_space<semaphore_mem>>
        %dma_start3A_205 = arith.constant 0 : i32
        %dma_start3A_206 = tpu.memref_slice %arg7[%mul3A_174, %run_scoped3A_183, %dma_start3A_205] : memref<25x1x80xi32, #tpu.memory_space<vmem>> -> memref<1x1x80xi32, #tpu.memory_space<vmem>>
        %dma_start3A_207 = tpu.memref_squeeze %dma_start3A_206 : memref<1x1x80xi32, #tpu.memory_space<vmem>> -> memref<80xi32, #tpu.memory_space<vmem>>
        %dma_start3A_208 = arith.constant 0 : i32
        %dma_start3A_209 = arith.constant 0 : i32
        %dma_start3A_210 = tpu.memref_slice %arg12[%dma_start3A_208, %dma_start3A_209] : memref<10000x128xf32, #tpu.memory_space<vmem_shared>> -> memref<10000x128xf32, #tpu.memory_space<vmem_shared>>
        tpu.enqueue_indirect_dma source(%arg8 : memref<80x128xf32, #tpu.memory_space<vmem>>) target(%dma_start3A_210 : memref<10000x128xf32, #tpu.memory_space<vmem_shared>>) offsets(%dma_start3A_207 : memref<80xi32, #tpu.memory_space<vmem>>) semaphore(%run_scoped3A_204 : memref<!tpu.dma_semaphore, #tpu.memory_space<semaphore_mem>>) {add = true}
        %dma_wait3A_211 = arith.constant 0 : i32
        %dma_wait3A_212 = tpu.memref_slice %arg7[%mul3A_174, %run_scoped3A_183, %dma_wait3A_211] : memref<25x1x80xi32, #tpu.memory_space<vmem>> -> memref<1x1x80xi32, #tpu.memory_space<vmem>>
        %dma_wait3A_213 = tpu.memref_squeeze %dma_wait3A_212 : memref<1x1x80xi32, #tpu.memory_space<vmem>> -> memref<80xi32, #tpu.memory_space<vmem>>
        %dma_wait3A_214 = arith.constant 0 : i32
        %dma_wait3A_215 = arith.constant 0 : i32
        %dma_wait3A_216 = tpu.memref_slice %arg12[%dma_wait3A_214, %dma_wait3A_215] : memref<10000x128xf32, #tpu.memory_space<vmem_shared>> -> memref<10000x128xf32, #tpu.memory_space<vmem_shared>>
        tpu.wait_indirect_dma semaphore(%run_scoped3A_204 : memref<!tpu.dma_semaphore, #tpu.memory_space<semaphore_mem>>) src(%arg8 : memref<80x128xf32, #tpu.memory_space<vmem>>) dst(%dma_wait3A_216 : memref<10000x128xf32, #tpu.memory_space<vmem_shared>>)
        tpu.yield
      }) : () -> ()
      %add3A_184 = arith.constant 2 : i32
      %add3A_185 = arith.addi %mul3A_174, %add3A_184 : i32
      %lt3A = arith.constant 25 : i32
      %lt3A_186 = arith.cmpi slt, %add3A_185, %lt3A : i32
      %convert_element_type3A_187 = arith.extui %lt3A_186 : i1 to i32
      %cond3A_188 = arith.constant 0 : i32
      %cond3A_189 = arith.cmpi ne, %convert_element_type3A_187, %cond3A_188 : i32
      scf.if %cond3A_189 {
        %add3A_204 = arith.constant 2 : i32
        %add3A_205 = arith.addi %mul3A_174, %add3A_204 : i32
        %mul3A_206 = arith.constant 80 : i32
        %mul3A_207 = arith.muli %add3A_205, %mul3A_206 : i32
        %dma_start3A_208 = tpu.memref_slice %arg6[%mul3A_207] : memref<2000xi32, #tpu.memory_space<vmem>> -> memref<80xi32, #tpu.memory_space<vmem>>
        %dma_start3A_209 = arith.constant 0 : i32
        %dma_start3A_210 = arith.constant 0 : i32
        %dma_start3A_211 = tpu.memref_slice %arg2[%dma_start3A_209, %dma_start3A_210] : memref<20000x128xf32, #tpu.memory_space<hbm>> -> memref<20000x128xf32, #tpu.memory_space<hbm>>
        tpu.enqueue_indirect_dma source(%dma_start3A_211 : memref<20000x128xf32, #tpu.memory_space<hbm>>) target(%arg8 : memref<80x128xf32, #tpu.memory_space<vmem>>) offsets(%dma_start3A_208 : memref<80xi32, #tpu.memory_space<vmem>>) semaphore(%arg10 : memref<!tpu.dma_semaphore, #tpu.memory_space<semaphore_mem>>)
      } else {
      }
      %mul3A_190 = arith.constant 80 : i32
      %mul3A_191 = arith.muli %add3A_176, %mul3A_190 : i32
      %dma_wait3A_192 = tpu.memref_slice %arg6[%mul3A_191] : memref<2000xi32, #tpu.memory_space<vmem>> -> memref<80xi32, #tpu.memory_space<vmem>>
      %dma_wait3A_193 = arith.constant 0 : i32
      %dma_wait3A_194 = arith.constant 0 : i32
      %dma_wait3A_195 = tpu.memref_slice %arg2[%dma_wait3A_193, %dma_wait3A_194] : memref<20000x128xf32, #tpu.memory_space<hbm>> -> memref<20000x128xf32, #tpu.memory_space<hbm>>
      tpu.wait_indirect_dma semaphore(%arg11 : memref<!tpu.dma_semaphore, #tpu.memory_space<semaphore_mem>>) src(%dma_wait3A_195 : memref<20000x128xf32, #tpu.memory_space<hbm>>) dst(%arg9 : memref<80x128xf32, #tpu.memory_space<vmem>>)
      %run_scoped3A_196 = arith.constant 0 : i32
      "tpu.region"() ({
        %run_scoped3A_204 = tpu.sem_alloc : memref<!tpu.dma_semaphore, #tpu.memory_space<semaphore_mem>>
        %dma_start3A_205 = arith.constant 0 : i32
        %dma_start3A_206 = tpu.memref_slice %arg7[%add3A_176, %run_scoped3A_196, %dma_start3A_205] : memref<25x1x80xi32, #tpu.memory_space<vmem>> -> memref<1x1x80xi32, #tpu.memory_space<vmem>>
        %dma_start3A_207 = tpu.memref_squeeze %dma_start3A_206 : memref<1x1x80xi32, #tpu.memory_space<vmem>> -> memref<80xi32, #tpu.memory_space<vmem>>
        %dma_start3A_208 = arith.constant 0 : i32
        %dma_start3A_209 = arith.constant 0 : i32
        %dma_start3A_210 = tpu.memref_slice %arg12[%dma_start3A_208, %dma_start3A_209] : memref<10000x128xf32, #tpu.memory_space<vmem_shared>> -> memref<10000x128xf32, #tpu.memory_space<vmem_shared>>
        tpu.enqueue_indirect_dma source(%arg9 : memref<80x128xf32, #tpu.memory_space<vmem>>) target(%dma_start3A_210 : memref<10000x128xf32, #tpu.memory_space<vmem_shared>>) offsets(%dma_start3A_207 : memref<80xi32, #tpu.memory_space<vmem>>) semaphore(%run_scoped3A_204 : memref<!tpu.dma_semaphore, #tpu.memory_space<semaphore_mem>>) {add = true}
        %dma_wait3A_211 = arith.constant 0 : i32
        %dma_wait3A_212 = tpu.memref_slice %arg7[%add3A_176, %run_scoped3A_196, %dma_wait3A_211] : memref<25x1x80xi32, #tpu.memory_space<vmem>> -> memref<1x1x80xi32, #tpu.memory_space<vmem>>
        %dma_wait3A_213 = tpu.memref_squeeze %dma_wait3A_212 : memref<1x1x80xi32, #tpu.memory_space<vmem>> -> memref<80xi32, #tpu.memory_space<vmem>>
        %dma_wait3A_214 = arith.constant 0 : i32
        %dma_wait3A_215 = arith.constant 0 : i32
        %dma_wait3A_216 = tpu.memref_slice %arg12[%dma_wait3A_214, %dma_wait3A_215] : memref<10000x128xf32, #tpu.memory_space<vmem_shared>> -> memref<10000x128xf32, #tpu.memory_space<vmem_shared>>
        tpu.wait_indirect_dma semaphore(%run_scoped3A_204 : memref<!tpu.dma_semaphore, #tpu.memory_space<semaphore_mem>>) src(%arg9 : memref<80x128xf32, #tpu.memory_space<vmem>>) dst(%dma_wait3A_216 : memref<10000x128xf32, #tpu.memory_space<vmem_shared>>)
        tpu.yield
      }) : () -> ()
      %add3A_197 = arith.constant 2 : i32
      %add3A_198 = arith.addi %add3A_176, %add3A_197 : i32
      %lt3A_199 = arith.constant 25 : i32
      %lt3A_200 = arith.cmpi slt, %add3A_198, %lt3A_199 : i32
      %convert_element_type3A_201 = arith.extui %lt3A_200 : i1 to i32
      %cond3A_202 = arith.constant 0 : i32
      %cond3A_203 = arith.cmpi ne, %convert_element_type3A_201, %cond3A_202 : i32
      scf.if %cond3A_203 {
        %add3A_204 = arith.constant 2 : i32
        %add3A_205 = arith.addi %add3A_176, %add3A_204 : i32
        %mul3A_206 = arith.constant 80 : i32
        %mul3A_207 = arith.muli %add3A_205, %mul3A_206 : i32
        %dma_start3A_208 = tpu.memref_slice %arg6[%mul3A_207] : memref<2000xi32, #tpu.memory_space<vmem>> -> memref<80xi32, #tpu.memory_space<vmem>>
        %dma_start3A_209 = arith.constant 0 : i32
        %dma_start3A_210 = arith.constant 0 : i32
        %dma_start3A_211 = tpu.memref_slice %arg2[%dma_start3A_209, %dma_start3A_210] : memref<20000x128xf32, #tpu.memory_space<hbm>> -> memref<20000x128xf32, #tpu.memory_space<hbm>>
        tpu.enqueue_indirect_dma source(%dma_start3A_211 : memref<20000x128xf32, #tpu.memory_space<hbm>>) target(%arg9 : memref<80x128xf32, #tpu.memory_space<vmem>>) offsets(%dma_start3A_208 : memref<80xi32, #tpu.memory_space<vmem>>) semaphore(%arg11 : memref<!tpu.dma_semaphore, #tpu.memory_space<semaphore_mem>>)
      } else {
      }
    }
    %scan3A_92 = arith.constant 12 : i32
    %dma_wait3A_93 = arith.constant 1920 : i32
    %dma_wait3A_94 = tpu.memref_slice %arg6[%dma_wait3A_93] : memref<2000xi32, #tpu.memory_space<vmem>> -> memref<80xi32, #tpu.memory_space<vmem>>
    %dma_wait3A_95 = arith.constant 0 : i32
    %dma_wait3A_96 = arith.constant 0 : i32
    %dma_wait3A_97 = tpu.memref_slice %arg2[%dma_wait3A_95, %dma_wait3A_96] : memref<20000x128xf32, #tpu.memory_space<hbm>> -> memref<20000x128xf32, #tpu.memory_space<hbm>>
    tpu.wait_indirect_dma semaphore(%arg10 : memref<!tpu.dma_semaphore, #tpu.memory_space<semaphore_mem>>) src(%dma_wait3A_97 : memref<20000x128xf32, #tpu.memory_space<hbm>>) dst(%arg8 : memref<80x128xf32, #tpu.memory_space<vmem>>)
    %run_scoped3A_98 = arith.constant 24 : i32
    %run_scoped3A_99 = arith.constant 0 : i32
    "tpu.region"() ({
      %run_scoped3A_172 = tpu.sem_alloc : memref<!tpu.dma_semaphore, #tpu.memory_space<semaphore_mem>>
      %dma_start3A_173 = arith.constant 0 : i32
      %dma_start3A_174 = tpu.memref_slice %arg7[%run_scoped3A_98, %run_scoped3A_99, %dma_start3A_173] : memref<25x1x80xi32, #tpu.memory_space<vmem>> -> memref<1x1x80xi32, #tpu.memory_space<vmem>>
      %dma_start3A_175 = tpu.memref_squeeze %dma_start3A_174 : memref<1x1x80xi32, #tpu.memory_space<vmem>> -> memref<80xi32, #tpu.memory_space<vmem>>
      %dma_start3A_176 = arith.constant 0 : i32
      %dma_start3A_177 = arith.constant 0 : i32
      %dma_start3A_178 = tpu.memref_slice %arg12[%dma_start3A_176, %dma_start3A_177] : memref<10000x128xf32, #tpu.memory_space<vmem_shared>> -> memref<10000x128xf32, #tpu.memory_space<vmem_shared>>
      tpu.enqueue_indirect_dma source(%arg8 : memref<80x128xf32, #tpu.memory_space<vmem>>) target(%dma_start3A_178 : memref<10000x128xf32, #tpu.memory_space<vmem_shared>>) offsets(%dma_start3A_175 : memref<80xi32, #tpu.memory_space<vmem>>) semaphore(%run_scoped3A_172 : memref<!tpu.dma_semaphore, #tpu.memory_space<semaphore_mem>>) {add = true}
      %dma_wait3A_179 = arith.constant 0 : i32
      %dma_wait3A_180 = tpu.memref_slice %arg7[%run_scoped3A_98, %run_scoped3A_99, %dma_wait3A_179] : memref<25x1x80xi32, #tpu.memory_space<vmem>> -> memref<1x1x80xi32, #tpu.memory_space<vmem>>
      %dma_wait3A_181 = tpu.memref_squeeze %dma_wait3A_180 : memref<1x1x80xi32, #tpu.memory_space<vmem>> -> memref<80xi32, #tpu.memory_space<vmem>>
      %dma_wait3A_182 = arith.constant 0 : i32
      %dma_wait3A_183 = arith.constant 0 : i32
      %dma_wait3A_184 = tpu.memref_slice %arg12[%dma_wait3A_182, %dma_wait3A_183] : memref<10000x128xf32, #tpu.memory_space<vmem_shared>> -> memref<10000x128xf32, #tpu.memory_space<vmem_shared>>
      tpu.wait_indirect_dma semaphore(%run_scoped3A_172 : memref<!tpu.dma_semaphore, #tpu.memory_space<semaphore_mem>>) src(%arg8 : memref<80x128xf32, #tpu.memory_space<vmem>>) dst(%dma_wait3A_184 : memref<10000x128xf32, #tpu.memory_space<vmem_shared>>)
      tpu.yield
    }) : () -> ()
    %mul3A_100 = arith.constant 160000 : i32
    %mul3A_101 = arith.muli %arg0, %mul3A_100 : i32
    %mul3A_102 = arith.constant 10000 : i32
    %mul3A_103 = arith.muli %arg1, %mul3A_102 : i32
    %add3A_104 = arith.addi %mul3A_101, %mul3A_103 : i32
    %add3A_105 = arith.constant 6000 : i32
    %add3A_106 = arith.addi %add3A_104, %add3A_105 : i32
    "tpu.region"() ({
      %run_scoped3A_172 = tpu.sem_alloc : memref<!tpu.dma_semaphore, #tpu.memory_space<semaphore_mem>>
      %dma_start3A_173 = tpu.memref_slice %arg3[%add3A_106] : memref<320000xi32, #tpu.memory_space<hbm>> -> memref<2000xi32, #tpu.memory_space<hbm>>
      %dma_start3A_174 = tpu.memref_slice %arg3[%add3A_106] : memref<320000xi32, #tpu.memory_space<hbm>> -> memref<2000xi32, #tpu.memory_space<hbm>>
      tpu.enqueue_dma source(%dma_start3A_174 : memref<2000xi32, #tpu.memory_space<hbm>>) target(%arg6 : memref<2000xi32, #tpu.memory_space<vmem>>) target_semaphore(%run_scoped3A_172 : memref<!tpu.dma_semaphore, #tpu.memory_space<semaphore_mem>>)
      %dma_wait3A_175 = tpu.memref_slice %arg3[%add3A_106] : memref<320000xi32, #tpu.memory_space<hbm>> -> memref<2000xi32, #tpu.memory_space<hbm>>
      %dma_wait3A_176 = tpu.memref_slice %arg3[%add3A_106] : memref<320000xi32, #tpu.memory_space<hbm>> -> memref<2000xi32, #tpu.memory_space<hbm>>
      tpu.wait_dma2 semaphore(%run_scoped3A_172 : memref<!tpu.dma_semaphore, #tpu.memory_space<semaphore_mem>>) src(%dma_wait3A_176 : memref<2000xi32, #tpu.memory_space<hbm>>) dst(%arg6 : memref<2000xi32, #tpu.memory_space<vmem>>)
      tpu.yield
    }) : () -> ()
    %mul3A_107 = arith.constant 125 : i32
    %mul3A_108 = arith.muli %arg1, %mul3A_107 : i32
    %add3A_109 = arith.constant 75 : i32
    %add3A_110 = arith.addi %mul3A_108, %add3A_109 : i32
    "tpu.region"() ({
      %run_scoped3A_172 = tpu.sem_alloc : memref<!tpu.dma_semaphore, #tpu.memory_space<semaphore_mem>>
      %dma_start3A_173 = arith.constant 0 : i32
      %dma_start3A_174 = arith.constant 0 : i32
      %dma_start3A_175 = tpu.memref_slice %arg4[%add3A_110, %dma_start3A_173, %dma_start3A_174] : memref<2000x1x80xi32, #tpu.memory_space<hbm>> -> memref<25x1x80xi32, #tpu.memory_space<hbm>>
      %dma_start3A_176 = arith.constant 0 : i32
      %dma_start3A_177 = arith.constant 0 : i32
      %dma_start3A_178 = tpu.memref_slice %arg4[%add3A_110, %dma_start3A_176, %dma_start3A_177] : memref<2000x1x80xi32, #tpu.memory_space<hbm>> -> memref<25x1x80xi32, #tpu.memory_space<hbm>>
      tpu.enqueue_dma source(%dma_start3A_178 : memref<25x1x80xi32, #tpu.memory_space<hbm>>) target(%arg7 : memref<25x1x80xi32, #tpu.memory_space<vmem>>) target_semaphore(%run_scoped3A_172 : memref<!tpu.dma_semaphore, #tpu.memory_space<semaphore_mem>>)
      %dma_wait3A_179 = arith.constant 0 : i32
      %dma_wait3A_180 = arith.constant 0 : i32
      %dma_wait3A_181 = tpu.memref_slice %arg4[%add3A_110, %dma_wait3A_179, %dma_wait3A_180] : memref<2000x1x80xi32, #tpu.memory_space<hbm>> -> memref<25x1x80xi32, #tpu.memory_space<hbm>>
      %dma_wait3A_182 = arith.constant 0 : i32
      %dma_wait3A_183 = arith.constant 0 : i32
      %dma_wait3A_184 = tpu.memref_slice %arg4[%add3A_110, %dma_wait3A_182, %dma_wait3A_183] : memref<2000x1x80xi32, #tpu.memory_space<hbm>> -> memref<25x1x80xi32, #tpu.memory_space<hbm>>
      tpu.wait_dma2 semaphore(%run_scoped3A_172 : memref<!tpu.dma_semaphore, #tpu.memory_space<semaphore_mem>>) src(%dma_wait3A_184 : memref<25x1x80xi32, #tpu.memory_space<hbm>>) dst(%arg7 : memref<25x1x80xi32, #tpu.memory_space<vmem>>)
      tpu.yield
    }) : () -> ()
    %dma_start3A_111 = arith.constant 0 : i32
    %dma_start3A_112 = tpu.memref_slice %arg6[%dma_start3A_111] : memref<2000xi32, #tpu.memory_space<vmem>> -> memref<80xi32, #tpu.memory_space<vmem>>
    %dma_start3A_113 = arith.constant 0 : i32
    %dma_start3A_114 = arith.constant 0 : i32
    %dma_start3A_115 = tpu.memref_slice %arg2[%dma_start3A_113, %dma_start3A_114] : memref<20000x128xf32, #tpu.memory_space<hbm>> -> memref<20000x128xf32, #tpu.memory_space<hbm>>
    tpu.enqueue_indirect_dma source(%dma_start3A_115 : memref<20000x128xf32, #tpu.memory_space<hbm>>) target(%arg8 : memref<80x128xf32, #tpu.memory_space<vmem>>) offsets(%dma_start3A_112 : memref<80xi32, #tpu.memory_space<vmem>>) semaphore(%arg10 : memref<!tpu.dma_semaphore, #tpu.memory_space<semaphore_mem>>)
    %dma_start3A_116 = arith.constant 80 : i32
    %dma_start3A_117 = tpu.memref_slice %arg6[%dma_start3A_116] : memref<2000xi32, #tpu.memory_space<vmem>> -> memref<80xi32, #tpu.memory_space<vmem>>
    %dma_start3A_118 = arith.constant 0 : i32
    %dma_start3A_119 = arith.constant 0 : i32
    %dma_start3A_120 = tpu.memref_slice %arg2[%dma_start3A_118, %dma_start3A_119] : memref<20000x128xf32, #tpu.memory_space<hbm>> -> memref<20000x128xf32, #tpu.memory_space<hbm>>
    tpu.enqueue_indirect_dma source(%dma_start3A_120 : memref<20000x128xf32, #tpu.memory_space<hbm>>) target(%arg9 : memref<80x128xf32, #tpu.memory_space<vmem>>) offsets(%dma_start3A_117 : memref<80xi32, #tpu.memory_space<vmem>>) semaphore(%arg11 : memref<!tpu.dma_semaphore, #tpu.memory_space<semaphore_mem>>)
    %scan3A_121 = arith.constant 0 : i32
    %scan3A_122 = arith.constant 12 : i32
    %scan3A_123 = arith.addi %scan3A_121, %scan3A_122 : i32
    %scan3A_124 = arith.constant 1 : i32
    scf.for %scan3A_172 = %scan3A_121 to %scan3A_123 step %scan3A_124  : i32 {
      %mul3A_173 = arith.constant 2 : i32
      %mul3A_174 = arith.muli %mul3A_173, %scan3A_172 : i32
      %add3A_175 = arith.constant 1 : i32
      %add3A_176 = arith.addi %mul3A_174, %add3A_175 : i32
      %mul3A_177 = arith.constant 80 : i32
      %mul3A_178 = arith.muli %mul3A_174, %mul3A_177 : i32
      %dma_wait3A_179 = tpu.memref_slice %arg6[%mul3A_178] : memref<2000xi32, #tpu.memory_space<vmem>> -> memref<80xi32, #tpu.memory_space<vmem>>
      %dma_wait3A_180 = arith.constant 0 : i32
      %dma_wait3A_181 = arith.constant 0 : i32
      %dma_wait3A_182 = tpu.memref_slice %arg2[%dma_wait3A_180, %dma_wait3A_181] : memref<20000x128xf32, #tpu.memory_space<hbm>> -> memref<20000x128xf32, #tpu.memory_space<hbm>>
      tpu.wait_indirect_dma semaphore(%arg10 : memref<!tpu.dma_semaphore, #tpu.memory_space<semaphore_mem>>) src(%dma_wait3A_182 : memref<20000x128xf32, #tpu.memory_space<hbm>>) dst(%arg8 : memref<80x128xf32, #tpu.memory_space<vmem>>)
      %run_scoped3A_183 = arith.constant 0 : i32
      "tpu.region"() ({
        %run_scoped3A_204 = tpu.sem_alloc : memref<!tpu.dma_semaphore, #tpu.memory_space<semaphore_mem>>
        %dma_start3A_205 = arith.constant 0 : i32
        %dma_start3A_206 = tpu.memref_slice %arg7[%mul3A_174, %run_scoped3A_183, %dma_start3A_205] : memref<25x1x80xi32, #tpu.memory_space<vmem>> -> memref<1x1x80xi32, #tpu.memory_space<vmem>>
        %dma_start3A_207 = tpu.memref_squeeze %dma_start3A_206 : memref<1x1x80xi32, #tpu.memory_space<vmem>> -> memref<80xi32, #tpu.memory_space<vmem>>
        %dma_start3A_208 = arith.constant 0 : i32
        %dma_start3A_209 = arith.constant 0 : i32
        %dma_start3A_210 = tpu.memref_slice %arg12[%dma_start3A_208, %dma_start3A_209] : memref<10000x128xf32, #tpu.memory_space<vmem_shared>> -> memref<10000x128xf32, #tpu.memory_space<vmem_shared>>
        tpu.enqueue_indirect_dma source(%arg8 : memref<80x128xf32, #tpu.memory_space<vmem>>) target(%dma_start3A_210 : memref<10000x128xf32, #tpu.memory_space<vmem_shared>>) offsets(%dma_start3A_207 : memref<80xi32, #tpu.memory_space<vmem>>) semaphore(%run_scoped3A_204 : memref<!tpu.dma_semaphore, #tpu.memory_space<semaphore_mem>>) {add = true}
        %dma_wait3A_211 = arith.constant 0 : i32
        %dma_wait3A_212 = tpu.memref_slice %arg7[%mul3A_174, %run_scoped3A_183, %dma_wait3A_211] : memref<25x1x80xi32, #tpu.memory_space<vmem>> -> memref<1x1x80xi32, #tpu.memory_space<vmem>>
        %dma_wait3A_213 = tpu.memref_squeeze %dma_wait3A_212 : memref<1x1x80xi32, #tpu.memory_space<vmem>> -> memref<80xi32, #tpu.memory_space<vmem>>
        %dma_wait3A_214 = arith.constant 0 : i32
        %dma_wait3A_215 = arith.constant 0 : i32
        %dma_wait3A_216 = tpu.memref_slice %arg12[%dma_wait3A_214, %dma_wait3A_215] : memref<10000x128xf32, #tpu.memory_space<vmem_shared>> -> memref<10000x128xf32, #tpu.memory_space<vmem_shared>>
        tpu.wait_indirect_dma semaphore(%run_scoped3A_204 : memref<!tpu.dma_semaphore, #tpu.memory_space<semaphore_mem>>) src(%arg8 : memref<80x128xf32, #tpu.memory_space<vmem>>) dst(%dma_wait3A_216 : memref<10000x128xf32, #tpu.memory_space<vmem_shared>>)
        tpu.yield
      }) : () -> ()
      %add3A_184 = arith.constant 2 : i32
      %add3A_185 = arith.addi %mul3A_174, %add3A_184 : i32
      %lt3A = arith.constant 25 : i32
      %lt3A_186 = arith.cmpi slt, %add3A_185, %lt3A : i32
      %convert_element_type3A_187 = arith.extui %lt3A_186 : i1 to i32
      %cond3A_188 = arith.constant 0 : i32
      %cond3A_189 = arith.cmpi ne, %convert_element_type3A_187, %cond3A_188 : i32
      scf.if %cond3A_189 {
        %add3A_204 = arith.constant 2 : i32
        %add3A_205 = arith.addi %mul3A_174, %add3A_204 : i32
        %mul3A_206 = arith.constant 80 : i32
        %mul3A_207 = arith.muli %add3A_205, %mul3A_206 : i32
        %dma_start3A_208 = tpu.memref_slice %arg6[%mul3A_207] : memref<2000xi32, #tpu.memory_space<vmem>> -> memref<80xi32, #tpu.memory_space<vmem>>
        %dma_start3A_209 = arith.constant 0 : i32
        %dma_start3A_210 = arith.constant 0 : i32
        %dma_start3A_211 = tpu.memref_slice %arg2[%dma_start3A_209, %dma_start3A_210] : memref<20000x128xf32, #tpu.memory_space<hbm>> -> memref<20000x128xf32, #tpu.memory_space<hbm>>
        tpu.enqueue_indirect_dma source(%dma_start3A_211 : memref<20000x128xf32, #tpu.memory_space<hbm>>) target(%arg8 : memref<80x128xf32, #tpu.memory_space<vmem>>) offsets(%dma_start3A_208 : memref<80xi32, #tpu.memory_space<vmem>>) semaphore(%arg10 : memref<!tpu.dma_semaphore, #tpu.memory_space<semaphore_mem>>)
      } else {
      }
      %mul3A_190 = arith.constant 80 : i32
      %mul3A_191 = arith.muli %add3A_176, %mul3A_190 : i32
      %dma_wait3A_192 = tpu.memref_slice %arg6[%mul3A_191] : memref<2000xi32, #tpu.memory_space<vmem>> -> memref<80xi32, #tpu.memory_space<vmem>>
      %dma_wait3A_193 = arith.constant 0 : i32
      %dma_wait3A_194 = arith.constant 0 : i32
      %dma_wait3A_195 = tpu.memref_slice %arg2[%dma_wait3A_193, %dma_wait3A_194] : memref<20000x128xf32, #tpu.memory_space<hbm>> -> memref<20000x128xf32, #tpu.memory_space<hbm>>
      tpu.wait_indirect_dma semaphore(%arg11 : memref<!tpu.dma_semaphore, #tpu.memory_space<semaphore_mem>>) src(%dma_wait3A_195 : memref<20000x128xf32, #tpu.memory_space<hbm>>) dst(%arg9 : memref<80x128xf32, #tpu.memory_space<vmem>>)
      %run_scoped3A_196 = arith.constant 0 : i32
      "tpu.region"() ({
        %run_scoped3A_204 = tpu.sem_alloc : memref<!tpu.dma_semaphore, #tpu.memory_space<semaphore_mem>>
        %dma_start3A_205 = arith.constant 0 : i32
        %dma_start3A_206 = tpu.memref_slice %arg7[%add3A_176, %run_scoped3A_196, %dma_start3A_205] : memref<25x1x80xi32, #tpu.memory_space<vmem>> -> memref<1x1x80xi32, #tpu.memory_space<vmem>>
        %dma_start3A_207 = tpu.memref_squeeze %dma_start3A_206 : memref<1x1x80xi32, #tpu.memory_space<vmem>> -> memref<80xi32, #tpu.memory_space<vmem>>
        %dma_start3A_208 = arith.constant 0 : i32
        %dma_start3A_209 = arith.constant 0 : i32
        %dma_start3A_210 = tpu.memref_slice %arg12[%dma_start3A_208, %dma_start3A_209] : memref<10000x128xf32, #tpu.memory_space<vmem_shared>> -> memref<10000x128xf32, #tpu.memory_space<vmem_shared>>
        tpu.enqueue_indirect_dma source(%arg9 : memref<80x128xf32, #tpu.memory_space<vmem>>) target(%dma_start3A_210 : memref<10000x128xf32, #tpu.memory_space<vmem_shared>>) offsets(%dma_start3A_207 : memref<80xi32, #tpu.memory_space<vmem>>) semaphore(%run_scoped3A_204 : memref<!tpu.dma_semaphore, #tpu.memory_space<semaphore_mem>>) {add = true}
        %dma_wait3A_211 = arith.constant 0 : i32
        %dma_wait3A_212 = tpu.memref_slice %arg7[%add3A_176, %run_scoped3A_196, %dma_wait3A_211] : memref<25x1x80xi32, #tpu.memory_space<vmem>> -> memref<1x1x80xi32, #tpu.memory_space<vmem>>
        %dma_wait3A_213 = tpu.memref_squeeze %dma_wait3A_212 : memref<1x1x80xi32, #tpu.memory_space<vmem>> -> memref<80xi32, #tpu.memory_space<vmem>>
        %dma_wait3A_214 = arith.constant 0 : i32
        %dma_wait3A_215 = arith.constant 0 : i32
        %dma_wait3A_216 = tpu.memref_slice %arg12[%dma_wait3A_214, %dma_wait3A_215] : memref<10000x128xf32, #tpu.memory_space<vmem_shared>> -> memref<10000x128xf32, #tpu.memory_space<vmem_shared>>
        tpu.wait_indirect_dma semaphore(%run_scoped3A_204 : memref<!tpu.dma_semaphore, #tpu.memory_space<semaphore_mem>>) src(%arg9 : memref<80x128xf32, #tpu.memory_space<vmem>>) dst(%dma_wait3A_216 : memref<10000x128xf32, #tpu.memory_space<vmem_shared>>)
        tpu.yield
      }) : () -> ()
      %add3A_197 = arith.constant 2 : i32
      %add3A_198 = arith.addi %add3A_176, %add3A_197 : i32
      %lt3A_199 = arith.constant 25 : i32
      %lt3A_200 = arith.cmpi slt, %add3A_198, %lt3A_199 : i32
      %convert_element_type3A_201 = arith.extui %lt3A_200 : i1 to i32
      %cond3A_202 = arith.constant 0 : i32
      %cond3A_203 = arith.cmpi ne, %convert_element_type3A_201, %cond3A_202 : i32
      scf.if %cond3A_203 {
        %add3A_204 = arith.constant 2 : i32
        %add3A_205 = arith.addi %add3A_176, %add3A_204 : i32
        %mul3A_206 = arith.constant 80 : i32
        %mul3A_207 = arith.muli %add3A_205, %mul3A_206 : i32
        %dma_start3A_208 = tpu.memref_slice %arg6[%mul3A_207] : memref<2000xi32, #tpu.memory_space<vmem>> -> memref<80xi32, #tpu.memory_space<vmem>>
        %dma_start3A_209 = arith.constant 0 : i32
        %dma_start3A_210 = arith.constant 0 : i32
        %dma_start3A_211 = tpu.memref_slice %arg2[%dma_start3A_209, %dma_start3A_210] : memref<20000x128xf32, #tpu.memory_space<hbm>> -> memref<20000x128xf32, #tpu.memory_space<hbm>>
        tpu.enqueue_indirect_dma source(%dma_start3A_211 : memref<20000x128xf32, #tpu.memory_space<hbm>>) target(%arg9 : memref<80x128xf32, #tpu.memory_space<vmem>>) offsets(%dma_start3A_208 : memref<80xi32, #tpu.memory_space<vmem>>) semaphore(%arg11 : memref<!tpu.dma_semaphore, #tpu.memory_space<semaphore_mem>>)
      } else {
      }
    }
    %scan3A_125 = arith.constant 12 : i32
    %dma_wait3A_126 = arith.constant 1920 : i32
    %dma_wait3A_127 = tpu.memref_slice %arg6[%dma_wait3A_126] : memref<2000xi32, #tpu.memory_space<vmem>> -> memref<80xi32, #tpu.memory_space<vmem>>
    %dma_wait3A_128 = arith.constant 0 : i32
    %dma_wait3A_129 = arith.constant 0 : i32
    %dma_wait3A_130 = tpu.memref_slice %arg2[%dma_wait3A_128, %dma_wait3A_129] : memref<20000x128xf32, #tpu.memory_space<hbm>> -> memref<20000x128xf32, #tpu.memory_space<hbm>>
    tpu.wait_indirect_dma semaphore(%arg10 : memref<!tpu.dma_semaphore, #tpu.memory_space<semaphore_mem>>) src(%dma_wait3A_130 : memref<20000x128xf32, #tpu.memory_space<hbm>>) dst(%arg8 : memref<80x128xf32, #tpu.memory_space<vmem>>)
    %run_scoped3A_131 = arith.constant 24 : i32
    %run_scoped3A_132 = arith.constant 0 : i32
    "tpu.region"() ({
      %run_scoped3A_172 = tpu.sem_alloc : memref<!tpu.dma_semaphore, #tpu.memory_space<semaphore_mem>>
      %dma_start3A_173 = arith.constant 0 : i32
      %dma_start3A_174 = tpu.memref_slice %arg7[%run_scoped3A_131, %run_scoped3A_132, %dma_start3A_173] : memref<25x1x80xi32, #tpu.memory_space<vmem>> -> memref<1x1x80xi32, #tpu.memory_space<vmem>>
      %dma_start3A_175 = tpu.memref_squeeze %dma_start3A_174 : memref<1x1x80xi32, #tpu.memory_space<vmem>> -> memref<80xi32, #tpu.memory_space<vmem>>
      %dma_start3A_176 = arith.constant 0 : i32
      %dma_start3A_177 = arith.constant 0 : i32
      %dma_start3A_178 = tpu.memref_slice %arg12[%dma_start3A_176, %dma_start3A_177] : memref<10000x128xf32, #tpu.memory_space<vmem_shared>> -> memref<10000x128xf32, #tpu.memory_space<vmem_shared>>
      tpu.enqueue_indirect_dma source(%arg8 : memref<80x128xf32, #tpu.memory_space<vmem>>) target(%dma_start3A_178 : memref<10000x128xf32, #tpu.memory_space<vmem_shared>>) offsets(%dma_start3A_175 : memref<80xi32, #tpu.memory_space<vmem>>) semaphore(%run_scoped3A_172 : memref<!tpu.dma_semaphore, #tpu.memory_space<semaphore_mem>>) {add = true}
      %dma_wait3A_179 = arith.constant 0 : i32
      %dma_wait3A_180 = tpu.memref_slice %arg7[%run_scoped3A_131, %run_scoped3A_132, %dma_wait3A_179] : memref<25x1x80xi32, #tpu.memory_space<vmem>> -> memref<1x1x80xi32, #tpu.memory_space<vmem>>
      %dma_wait3A_181 = tpu.memref_squeeze %dma_wait3A_180 : memref<1x1x80xi32, #tpu.memory_space<vmem>> -> memref<80xi32, #tpu.memory_space<vmem>>
      %dma_wait3A_182 = arith.constant 0 : i32
      %dma_wait3A_183 = arith.constant 0 : i32
      %dma_wait3A_184 = tpu.memref_slice %arg12[%dma_wait3A_182, %dma_wait3A_183] : memref<10000x128xf32, #tpu.memory_space<vmem_shared>> -> memref<10000x128xf32, #tpu.memory_space<vmem_shared>>
      tpu.wait_indirect_dma semaphore(%run_scoped3A_172 : memref<!tpu.dma_semaphore, #tpu.memory_space<semaphore_mem>>) src(%arg8 : memref<80x128xf32, #tpu.memory_space<vmem>>) dst(%dma_wait3A_184 : memref<10000x128xf32, #tpu.memory_space<vmem_shared>>)
      tpu.yield
    }) : () -> ()
    %mul3A_133 = arith.constant 160000 : i32
    %mul3A_134 = arith.muli %arg0, %mul3A_133 : i32
    %mul3A_135 = arith.constant 10000 : i32
    %mul3A_136 = arith.muli %arg1, %mul3A_135 : i32
    %add3A_137 = arith.addi %mul3A_134, %mul3A_136 : i32
    %add3A_138 = arith.constant 8000 : i32
    %add3A_139 = arith.addi %add3A_137, %add3A_138 : i32
    "tpu.region"() ({
      %run_scoped3A_172 = tpu.sem_alloc : memref<!tpu.dma_semaphore, #tpu.memory_space<semaphore_mem>>
      %dma_start3A_173 = tpu.memref_slice %arg3[%add3A_139] : memref<320000xi32, #tpu.memory_space<hbm>> -> memref<2000xi32, #tpu.memory_space<hbm>>
      %dma_start3A_174 = tpu.memref_slice %arg3[%add3A_139] : memref<320000xi32, #tpu.memory_space<hbm>> -> memref<2000xi32, #tpu.memory_space<hbm>>
      tpu.enqueue_dma source(%dma_start3A_174 : memref<2000xi32, #tpu.memory_space<hbm>>) target(%arg6 : memref<2000xi32, #tpu.memory_space<vmem>>) target_semaphore(%run_scoped3A_172 : memref<!tpu.dma_semaphore, #tpu.memory_space<semaphore_mem>>)
      %dma_wait3A_175 = tpu.memref_slice %arg3[%add3A_139] : memref<320000xi32, #tpu.memory_space<hbm>> -> memref<2000xi32, #tpu.memory_space<hbm>>
      %dma_wait3A_176 = tpu.memref_slice %arg3[%add3A_139] : memref<320000xi32, #tpu.memory_space<hbm>> -> memref<2000xi32, #tpu.memory_space<hbm>>
      tpu.wait_dma2 semaphore(%run_scoped3A_172 : memref<!tpu.dma_semaphore, #tpu.memory_space<semaphore_mem>>) src(%dma_wait3A_176 : memref<2000xi32, #tpu.memory_space<hbm>>) dst(%arg6 : memref<2000xi32, #tpu.memory_space<vmem>>)
      tpu.yield
    }) : () -> ()
    %mul3A_140 = arith.constant 125 : i32
    %mul3A_141 = arith.muli %arg1, %mul3A_140 : i32
    %add3A_142 = arith.constant 100 : i32
    %add3A_143 = arith.addi %mul3A_141, %add3A_142 : i32
    "tpu.region"() ({
      %run_scoped3A_172 = tpu.sem_alloc : memref<!tpu.dma_semaphore, #tpu.memory_space<semaphore_mem>>
      %dma_start3A_173 = arith.constant 0 : i32
      %dma_start3A_174 = arith.constant 0 : i32
      %dma_start3A_175 = tpu.memref_slice %arg4[%add3A_143, %dma_start3A_173, %dma_start3A_174] : memref<2000x1x80xi32, #tpu.memory_space<hbm>> -> memref<25x1x80xi32, #tpu.memory_space<hbm>>
      %dma_start3A_176 = arith.constant 0 : i32
      %dma_start3A_177 = arith.constant 0 : i32
      %dma_start3A_178 = tpu.memref_slice %arg4[%add3A_143, %dma_start3A_176, %dma_start3A_177] : memref<2000x1x80xi32, #tpu.memory_space<hbm>> -> memref<25x1x80xi32, #tpu.memory_space<hbm>>
      tpu.enqueue_dma source(%dma_start3A_178 : memref<25x1x80xi32, #tpu.memory_space<hbm>>) target(%arg7 : memref<25x1x80xi32, #tpu.memory_space<vmem>>) target_semaphore(%run_scoped3A_172 : memref<!tpu.dma_semaphore, #tpu.memory_space<semaphore_mem>>)
      %dma_wait3A_179 = arith.constant 0 : i32
      %dma_wait3A_180 = arith.constant 0 : i32
      %dma_wait3A_181 = tpu.memref_slice %arg4[%add3A_143, %dma_wait3A_179, %dma_wait3A_180] : memref<2000x1x80xi32, #tpu.memory_space<hbm>> -> memref<25x1x80xi32, #tpu.memory_space<hbm>>
      %dma_wait3A_182 = arith.constant 0 : i32
      %dma_wait3A_183 = arith.constant 0 : i32
      %dma_wait3A_184 = tpu.memref_slice %arg4[%add3A_143, %dma_wait3A_182, %dma_wait3A_183] : memref<2000x1x80xi32, #tpu.memory_space<hbm>> -> memref<25x1x80xi32, #tpu.memory_space<hbm>>
      tpu.wait_dma2 semaphore(%run_scoped3A_172 : memref<!tpu.dma_semaphore, #tpu.memory_space<semaphore_mem>>) src(%dma_wait3A_184 : memref<25x1x80xi32, #tpu.memory_space<hbm>>) dst(%arg7 : memref<25x1x80xi32, #tpu.memory_space<vmem>>)
      tpu.yield
    }) : () -> ()
    %dma_start3A_144 = arith.constant 0 : i32
    %dma_start3A_145 = tpu.memref_slice %arg6[%dma_start3A_144] : memref<2000xi32, #tpu.memory_space<vmem>> -> memref<80xi32, #tpu.memory_space<vmem>>
    %dma_start3A_146 = arith.constant 0 : i32
    %dma_start3A_147 = arith.constant 0 : i32
    %dma_start3A_148 = tpu.memref_slice %arg2[%dma_start3A_146, %dma_start3A_147] : memref<20000x128xf32, #tpu.memory_space<hbm>> -> memref<20000x128xf32, #tpu.memory_space<hbm>>
    tpu.enqueue_indirect_dma source(%dma_start3A_148 : memref<20000x128xf32, #tpu.memory_space<hbm>>) target(%arg8 : memref<80x128xf32, #tpu.memory_space<vmem>>) offsets(%dma_start3A_145 : memref<80xi32, #tpu.memory_space<vmem>>) semaphore(%arg10 : memref<!tpu.dma_semaphore, #tpu.memory_space<semaphore_mem>>)
    %dma_start3A_149 = arith.constant 80 : i32
    %dma_start3A_150 = tpu.memref_slice %arg6[%dma_start3A_149] : memref<2000xi32, #tpu.memory_space<vmem>> -> memref<80xi32, #tpu.memory_space<vmem>>
    %dma_start3A_151 = arith.constant 0 : i32
    %dma_start3A_152 = arith.constant 0 : i32
    %dma_start3A_153 = tpu.memref_slice %arg2[%dma_start3A_151, %dma_start3A_152] : memref<20000x128xf32, #tpu.memory_space<hbm>> -> memref<20000x128xf32, #tpu.memory_space<hbm>>
    tpu.enqueue_indirect_dma source(%dma_start3A_153 : memref<20000x128xf32, #tpu.memory_space<hbm>>) target(%arg9 : memref<80x128xf32, #tpu.memory_space<vmem>>) offsets(%dma_start3A_150 : memref<80xi32, #tpu.memory_space<vmem>>) semaphore(%arg11 : memref<!tpu.dma_semaphore, #tpu.memory_space<semaphore_mem>>)
    %scan3A_154 = arith.constant 0 : i32
    %scan3A_155 = arith.constant 12 : i32
    %scan3A_156 = arith.addi %scan3A_154, %scan3A_155 : i32
    %scan3A_157 = arith.constant 1 : i32
    scf.for %scan3A_172 = %scan3A_154 to %scan3A_156 step %scan3A_157  : i32 {
      %mul3A_173 = arith.constant 2 : i32
      %mul3A_174 = arith.muli %mul3A_173, %scan3A_172 : i32
      %add3A_175 = arith.constant 1 : i32
      %add3A_176 = arith.addi %mul3A_174, %add3A_175 : i32
      %mul3A_177 = arith.constant 80 : i32
      %mul3A_178 = arith.muli %mul3A_174, %mul3A_177 : i32
      %dma_wait3A_179 = tpu.memref_slice %arg6[%mul3A_178] : memref<2000xi32, #tpu.memory_space<vmem>> -> memref<80xi32, #tpu.memory_space<vmem>>
      %dma_wait3A_180 = arith.constant 0 : i32
      %dma_wait3A_181 = arith.constant 0 : i32
      %dma_wait3A_182 = tpu.memref_slice %arg2[%dma_wait3A_180, %dma_wait3A_181] : memref<20000x128xf32, #tpu.memory_space<hbm>> -> memref<20000x128xf32, #tpu.memory_space<hbm>>
      tpu.wait_indirect_dma semaphore(%arg10 : memref<!tpu.dma_semaphore, #tpu.memory_space<semaphore_mem>>) src(%dma_wait3A_182 : memref<20000x128xf32, #tpu.memory_space<hbm>>) dst(%arg8 : memref<80x128xf32, #tpu.memory_space<vmem>>)
      %run_scoped3A_183 = arith.constant 0 : i32
      "tpu.region"() ({
        %run_scoped3A_204 = tpu.sem_alloc : memref<!tpu.dma_semaphore, #tpu.memory_space<semaphore_mem>>
        %dma_start3A_205 = arith.constant 0 : i32
        %dma_start3A_206 = tpu.memref_slice %arg7[%mul3A_174, %run_scoped3A_183, %dma_start3A_205] : memref<25x1x80xi32, #tpu.memory_space<vmem>> -> memref<1x1x80xi32, #tpu.memory_space<vmem>>
        %dma_start3A_207 = tpu.memref_squeeze %dma_start3A_206 : memref<1x1x80xi32, #tpu.memory_space<vmem>> -> memref<80xi32, #tpu.memory_space<vmem>>
        %dma_start3A_208 = arith.constant 0 : i32
        %dma_start3A_209 = arith.constant 0 : i32
        %dma_start3A_210 = tpu.memref_slice %arg12[%dma_start3A_208, %dma_start3A_209] : memref<10000x128xf32, #tpu.memory_space<vmem_shared>> -> memref<10000x128xf32, #tpu.memory_space<vmem_shared>>
        tpu.enqueue_indirect_dma source(%arg8 : memref<80x128xf32, #tpu.memory_space<vmem>>) target(%dma_start3A_210 : memref<10000x128xf32, #tpu.memory_space<vmem_shared>>) offsets(%dma_start3A_207 : memref<80xi32, #tpu.memory_space<vmem>>) semaphore(%run_scoped3A_204 : memref<!tpu.dma_semaphore, #tpu.memory_space<semaphore_mem>>) {add = true}
        %dma_wait3A_211 = arith.constant 0 : i32
        %dma_wait3A_212 = tpu.memref_slice %arg7[%mul3A_174, %run_scoped3A_183, %dma_wait3A_211] : memref<25x1x80xi32, #tpu.memory_space<vmem>> -> memref<1x1x80xi32, #tpu.memory_space<vmem>>
        %dma_wait3A_213 = tpu.memref_squeeze %dma_wait3A_212 : memref<1x1x80xi32, #tpu.memory_space<vmem>> -> memref<80xi32, #tpu.memory_space<vmem>>
        %dma_wait3A_214 = arith.constant 0 : i32
        %dma_wait3A_215 = arith.constant 0 : i32
        %dma_wait3A_216 = tpu.memref_slice %arg12[%dma_wait3A_214, %dma_wait3A_215] : memref<10000x128xf32, #tpu.memory_space<vmem_shared>> -> memref<10000x128xf32, #tpu.memory_space<vmem_shared>>
        tpu.wait_indirect_dma semaphore(%run_scoped3A_204 : memref<!tpu.dma_semaphore, #tpu.memory_space<semaphore_mem>>) src(%arg8 : memref<80x128xf32, #tpu.memory_space<vmem>>) dst(%dma_wait3A_216 : memref<10000x128xf32, #tpu.memory_space<vmem_shared>>)
        tpu.yield
      }) : () -> ()
      %add3A_184 = arith.constant 2 : i32
      %add3A_185 = arith.addi %mul3A_174, %add3A_184 : i32
      %lt3A = arith.constant 25 : i32
      %lt3A_186 = arith.cmpi slt, %add3A_185, %lt3A : i32
      %convert_element_type3A_187 = arith.extui %lt3A_186 : i1 to i32
      %cond3A_188 = arith.constant 0 : i32
      %cond3A_189 = arith.cmpi ne, %convert_element_type3A_187, %cond3A_188 : i32
      scf.if %cond3A_189 {
        %add3A_204 = arith.constant 2 : i32
        %add3A_205 = arith.addi %mul3A_174, %add3A_204 : i32
        %mul3A_206 = arith.constant 80 : i32
        %mul3A_207 = arith.muli %add3A_205, %mul3A_206 : i32
        %dma_start3A_208 = tpu.memref_slice %arg6[%mul3A_207] : memref<2000xi32, #tpu.memory_space<vmem>> -> memref<80xi32, #tpu.memory_space<vmem>>
        %dma_start3A_209 = arith.constant 0 : i32
        %dma_start3A_210 = arith.constant 0 : i32
        %dma_start3A_211 = tpu.memref_slice %arg2[%dma_start3A_209, %dma_start3A_210] : memref<20000x128xf32, #tpu.memory_space<hbm>> -> memref<20000x128xf32, #tpu.memory_space<hbm>>
        tpu.enqueue_indirect_dma source(%dma_start3A_211 : memref<20000x128xf32, #tpu.memory_space<hbm>>) target(%arg8 : memref<80x128xf32, #tpu.memory_space<vmem>>) offsets(%dma_start3A_208 : memref<80xi32, #tpu.memory_space<vmem>>) semaphore(%arg10 : memref<!tpu.dma_semaphore, #tpu.memory_space<semaphore_mem>>)
      } else {
      }
      %mul3A_190 = arith.constant 80 : i32
      %mul3A_191 = arith.muli %add3A_176, %mul3A_190 : i32
      %dma_wait3A_192 = tpu.memref_slice %arg6[%mul3A_191] : memref<2000xi32, #tpu.memory_space<vmem>> -> memref<80xi32, #tpu.memory_space<vmem>>
      %dma_wait3A_193 = arith.constant 0 : i32
      %dma_wait3A_194 = arith.constant 0 : i32
      %dma_wait3A_195 = tpu.memref_slice %arg2[%dma_wait3A_193, %dma_wait3A_194] : memref<20000x128xf32, #tpu.memory_space<hbm>> -> memref<20000x128xf32, #tpu.memory_space<hbm>>
      tpu.wait_indirect_dma semaphore(%arg11 : memref<!tpu.dma_semaphore, #tpu.memory_space<semaphore_mem>>) src(%dma_wait3A_195 : memref<20000x128xf32, #tpu.memory_space<hbm>>) dst(%arg9 : memref<80x128xf32, #tpu.memory_space<vmem>>)
      %run_scoped3A_196 = arith.constant 0 : i32
      "tpu.region"() ({
        %run_scoped3A_204 = tpu.sem_alloc : memref<!tpu.dma_semaphore, #tpu.memory_space<semaphore_mem>>
        %dma_start3A_205 = arith.constant 0 : i32
        %dma_start3A_206 = tpu.memref_slice %arg7[%add3A_176, %run_scoped3A_196, %dma_start3A_205] : memref<25x1x80xi32, #tpu.memory_space<vmem>> -> memref<1x1x80xi32, #tpu.memory_space<vmem>>
        %dma_start3A_207 = tpu.memref_squeeze %dma_start3A_206 : memref<1x1x80xi32, #tpu.memory_space<vmem>> -> memref<80xi32, #tpu.memory_space<vmem>>
        %dma_start3A_208 = arith.constant 0 : i32
        %dma_start3A_209 = arith.constant 0 : i32
        %dma_start3A_210 = tpu.memref_slice %arg12[%dma_start3A_208, %dma_start3A_209] : memref<10000x128xf32, #tpu.memory_space<vmem_shared>> -> memref<10000x128xf32, #tpu.memory_space<vmem_shared>>
        tpu.enqueue_indirect_dma source(%arg9 : memref<80x128xf32, #tpu.memory_space<vmem>>) target(%dma_start3A_210 : memref<10000x128xf32, #tpu.memory_space<vmem_shared>>) offsets(%dma_start3A_207 : memref<80xi32, #tpu.memory_space<vmem>>) semaphore(%run_scoped3A_204 : memref<!tpu.dma_semaphore, #tpu.memory_space<semaphore_mem>>) {add = true}
        %dma_wait3A_211 = arith.constant 0 : i32
        %dma_wait3A_212 = tpu.memref_slice %arg7[%add3A_176, %run_scoped3A_196, %dma_wait3A_211] : memref<25x1x80xi32, #tpu.memory_space<vmem>> -> memref<1x1x80xi32, #tpu.memory_space<vmem>>
        %dma_wait3A_213 = tpu.memref_squeeze %dma_wait3A_212 : memref<1x1x80xi32, #tpu.memory_space<vmem>> -> memref<80xi32, #tpu.memory_space<vmem>>
        %dma_wait3A_214 = arith.constant 0 : i32
        %dma_wait3A_215 = arith.constant 0 : i32
        %dma_wait3A_216 = tpu.memref_slice %arg12[%dma_wait3A_214, %dma_wait3A_215] : memref<10000x128xf32, #tpu.memory_space<vmem_shared>> -> memref<10000x128xf32, #tpu.memory_space<vmem_shared>>
        tpu.wait_indirect_dma semaphore(%run_scoped3A_204 : memref<!tpu.dma_semaphore, #tpu.memory_space<semaphore_mem>>) src(%arg9 : memref<80x128xf32, #tpu.memory_space<vmem>>) dst(%dma_wait3A_216 : memref<10000x128xf32, #tpu.memory_space<vmem_shared>>)
        tpu.yield
      }) : () -> ()
      %add3A_197 = arith.constant 2 : i32
      %add3A_198 = arith.addi %add3A_176, %add3A_197 : i32
      %lt3A_199 = arith.constant 25 : i32
      %lt3A_200 = arith.cmpi slt, %add3A_198, %lt3A_199 : i32
      %convert_element_type3A_201 = arith.extui %lt3A_200 : i1 to i32
      %cond3A_202 = arith.constant 0 : i32
      %cond3A_203 = arith.cmpi ne, %convert_element_type3A_201, %cond3A_202 : i32
      scf.if %cond3A_203 {
        %add3A_204 = arith.constant 2 : i32
        %add3A_205 = arith.addi %add3A_176, %add3A_204 : i32
        %mul3A_206 = arith.constant 80 : i32
        %mul3A_207 = arith.muli %add3A_205, %mul3A_206 : i32
        %dma_start3A_208 = tpu.memref_slice %arg6[%mul3A_207] : memref<2000xi32, #tpu.memory_space<vmem>> -> memref<80xi32, #tpu.memory_space<vmem>>
        %dma_start3A_209 = arith.constant 0 : i32
        %dma_start3A_210 = arith.constant 0 : i32
        %dma_start3A_211 = tpu.memref_slice %arg2[%dma_start3A_209, %dma_start3A_210] : memref<20000x128xf32, #tpu.memory_space<hbm>> -> memref<20000x128xf32, #tpu.memory_space<hbm>>
        tpu.enqueue_indirect_dma source(%dma_start3A_211 : memref<20000x128xf32, #tpu.memory_space<hbm>>) target(%arg9 : memref<80x128xf32, #tpu.memory_space<vmem>>) offsets(%dma_start3A_208 : memref<80xi32, #tpu.memory_space<vmem>>) semaphore(%arg11 : memref<!tpu.dma_semaphore, #tpu.memory_space<semaphore_mem>>)
      } else {
      }
    }
    %scan3A_158 = arith.constant 12 : i32
    %dma_wait3A_159 = arith.constant 1920 : i32
    %dma_wait3A_160 = tpu.memref_slice %arg6[%dma_wait3A_159] : memref<2000xi32, #tpu.memory_space<vmem>> -> memref<80xi32, #tpu.memory_space<vmem>>
    %dma_wait3A_161 = arith.constant 0 : i32
    %dma_wait3A_162 = arith.constant 0 : i32
    %dma_wait3A_163 = tpu.memref_slice %arg2[%dma_wait3A_161, %dma_wait3A_162] : memref<20000x128xf32, #tpu.memory_space<hbm>> -> memref<20000x128xf32, #tpu.memory_space<hbm>>
    tpu.wait_indirect_dma semaphore(%arg10 : memref<!tpu.dma_semaphore, #tpu.memory_space<semaphore_mem>>) src(%dma_wait3A_163 : memref<20000x128xf32, #tpu.memory_space<hbm>>) dst(%arg8 : memref<80x128xf32, #tpu.memory_space<vmem>>)
    %run_scoped3A_164 = arith.constant 24 : i32
    %run_scoped3A_165 = arith.constant 0 : i32
    "tpu.region"() ({
      %run_scoped3A_172 = tpu.sem_alloc : memref<!tpu.dma_semaphore, #tpu.memory_space<semaphore_mem>>
      %dma_start3A_173 = arith.constant 0 : i32
      %dma_start3A_174 = tpu.memref_slice %arg7[%run_scoped3A_164, %run_scoped3A_165, %dma_start3A_173] : memref<25x1x80xi32, #tpu.memory_space<vmem>> -> memref<1x1x80xi32, #tpu.memory_space<vmem>>
      %dma_start3A_175 = tpu.memref_squeeze %dma_start3A_174 : memref<1x1x80xi32, #tpu.memory_space<vmem>> -> memref<80xi32, #tpu.memory_space<vmem>>
      %dma_start3A_176 = arith.constant 0 : i32
      %dma_start3A_177 = arith.constant 0 : i32
      %dma_start3A_178 = tpu.memref_slice %arg12[%dma_start3A_176, %dma_start3A_177] : memref<10000x128xf32, #tpu.memory_space<vmem_shared>> -> memref<10000x128xf32, #tpu.memory_space<vmem_shared>>
      tpu.enqueue_indirect_dma source(%arg8 : memref<80x128xf32, #tpu.memory_space<vmem>>) target(%dma_start3A_178 : memref<10000x128xf32, #tpu.memory_space<vmem_shared>>) offsets(%dma_start3A_175 : memref<80xi32, #tpu.memory_space<vmem>>) semaphore(%run_scoped3A_172 : memref<!tpu.dma_semaphore, #tpu.memory_space<semaphore_mem>>) {add = true}
      %dma_wait3A_179 = arith.constant 0 : i32
      %dma_wait3A_180 = tpu.memref_slice %arg7[%run_scoped3A_164, %run_scoped3A_165, %dma_wait3A_179] : memref<25x1x80xi32, #tpu.memory_space<vmem>> -> memref<1x1x80xi32, #tpu.memory_space<vmem>>
      %dma_wait3A_181 = tpu.memref_squeeze %dma_wait3A_180 : memref<1x1x80xi32, #tpu.memory_space<vmem>> -> memref<80xi32, #tpu.memory_space<vmem>>
      %dma_wait3A_182 = arith.constant 0 : i32
      %dma_wait3A_183 = arith.constant 0 : i32
      %dma_wait3A_184 = tpu.memref_slice %arg12[%dma_wait3A_182, %dma_wait3A_183] : memref<10000x128xf32, #tpu.memory_space<vmem_shared>> -> memref<10000x128xf32, #tpu.memory_space<vmem_shared>>
      tpu.wait_indirect_dma semaphore(%run_scoped3A_172 : memref<!tpu.dma_semaphore, #tpu.memory_space<semaphore_mem>>) src(%arg8 : memref<80x128xf32, #tpu.memory_space<vmem>>) dst(%dma_wait3A_184 : memref<10000x128xf32, #tpu.memory_space<vmem_shared>>)
      tpu.yield
    }) : () -> ()
    %barrier3A_166 = arith.constant 0 : index
    tpu.barrier barrier_id(%barrier3A_166)
    "tpu.region"() ({
      %run_scoped3A_172 = tpu.sem_alloc : memref<!tpu.dma_semaphore, #tpu.memory_space<semaphore_mem>>
      %dma_start3A_173 = arith.constant 0 : i32
      %dma_start3A_174 = tpu.memref_slice %arg5[%arg0, %mul3A_0, %dma_start3A_173] : memref<2x10000x128xf32, #tpu.memory_space<hbm>> -> memref<1x624x128xf32, #tpu.memory_space<hbm>>
      %dma_start3A_175 = tpu.memref_squeeze %dma_start3A_174 : memref<1x624x128xf32, #tpu.memory_space<hbm>> -> memref<624x128xf32, #tpu.memory_space<hbm>>
      %dma_start3A_176 = arith.constant 0 : i32
      %dma_start3A_177 = tpu.memref_slice %arg12[%mul3A_0, %dma_start3A_176] : memref<10000x128xf32, #tpu.memory_space<vmem_shared>> -> memref<624x128xf32, #tpu.memory_space<vmem_shared>>
      tpu.enqueue_dma source(%dma_start3A_177 : memref<624x128xf32, #tpu.memory_space<vmem_shared>>) target(%dma_start3A_175 : memref<624x128xf32, #tpu.memory_space<hbm>>) target_semaphore(%run_scoped3A_172 : memref<!tpu.dma_semaphore, #tpu.memory_space<semaphore_mem>>)
      %dma_wait3A_178 = arith.constant 0 : i32
      %dma_wait3A_179 = tpu.memref_slice %arg5[%arg0, %mul3A_0, %dma_wait3A_178] : memref<2x10000x128xf32, #tpu.memory_space<hbm>> -> memref<1x624x128xf32, #tpu.memory_space<hbm>>
      %dma_wait3A_180 = tpu.memref_squeeze %dma_wait3A_179 : memref<1x624x128xf32, #tpu.memory_space<hbm>> -> memref<624x128xf32, #tpu.memory_space<hbm>>
      %dma_wait3A_181 = arith.constant 0 : i32
      %dma_wait3A_182 = tpu.memref_slice %arg12[%mul3A_0, %dma_wait3A_181] : memref<10000x128xf32, #tpu.memory_space<vmem_shared>> -> memref<624x128xf32, #tpu.memory_space<vmem_shared>>
      tpu.wait_dma2 semaphore(%run_scoped3A_172 : memref<!tpu.dma_semaphore, #tpu.memory_space<semaphore_mem>>) src(%dma_wait3A_182 : memref<624x128xf32, #tpu.memory_space<vmem_shared>>) dst(%dma_wait3A_180 : memref<624x128xf32, #tpu.memory_space<hbm>>)
      tpu.yield
    }) : () -> ()
    %eq3A_167 = arith.constant 15 : i32
    %eq3A_168 = arith.cmpi eq, %arg1, %eq3A_167 : i32
    %convert_element_type3A_169 = arith.extui %eq3A_168 : i1 to i32
    %cond3A_170 = arith.constant 0 : i32
    %cond3A_171 = arith.cmpi ne, %convert_element_type3A_169, %cond3A_170 : i32
    scf.if %cond3A_171 {
      "tpu.region"() ({
        %run_scoped3A_172 = tpu.sem_alloc : memref<!tpu.dma_semaphore, #tpu.memory_space<semaphore_mem>>
        %dma_start3A_173 = arith.constant 9984 : i32
        %dma_start3A_174 = arith.constant 0 : i32
        %dma_start3A_175 = tpu.memref_slice %arg5[%arg0, %dma_start3A_173, %dma_start3A_174] : memref<2x10000x128xf32, #tpu.memory_space<hbm>> -> memref<1x16x128xf32, #tpu.memory_space<hbm>>
        %dma_start3A_176 = tpu.memref_squeeze %dma_start3A_175 : memref<1x16x128xf32, #tpu.memory_space<hbm>> -> memref<16x128xf32, #tpu.memory_space<hbm>>
        %dma_start3A_177 = arith.constant 9984 : i32
        %dma_start3A_178 = arith.constant 0 : i32
        %dma_start3A_179 = tpu.memref_slice %arg12[%dma_start3A_177, %dma_start3A_178] : memref<10000x128xf32, #tpu.memory_space<vmem_shared>> -> memref<16x128xf32, #tpu.memory_space<vmem_shared>>
        tpu.enqueue_dma source(%dma_start3A_179 : memref<16x128xf32, #tpu.memory_space<vmem_shared>>) target(%dma_start3A_176 : memref<16x128xf32, #tpu.memory_space<hbm>>) target_semaphore(%run_scoped3A_172 : memref<!tpu.dma_semaphore, #tpu.memory_space<semaphore_mem>>)
        %dma_wait3A_180 = arith.constant 9984 : i32
        %dma_wait3A_181 = arith.constant 0 : i32
        %dma_wait3A_182 = tpu.memref_slice %arg5[%arg0, %dma_wait3A_180, %dma_wait3A_181] : memref<2x10000x128xf32, #tpu.memory_space<hbm>> -> memref<1x16x128xf32, #tpu.memory_space<hbm>>
        %dma_wait3A_183 = tpu.memref_squeeze %dma_wait3A_182 : memref<1x16x128xf32, #tpu.memory_space<hbm>> -> memref<16x128xf32, #tpu.memory_space<hbm>>
        %dma_wait3A_184 = arith.constant 9984 : i32
        %dma_wait3A_185 = arith.constant 0 : i32
        %dma_wait3A_186 = tpu.memref_slice %arg12[%dma_wait3A_184, %dma_wait3A_185] : memref<10000x128xf32, #tpu.memory_space<vmem_shared>> -> memref<16x128xf32, #tpu.memory_space<vmem_shared>>
        tpu.wait_dma2 semaphore(%run_scoped3A_172 : memref<!tpu.dma_semaphore, #tpu.memory_space<semaphore_mem>>) src(%dma_wait3A_186 : memref<16x128xf32, #tpu.memory_space<vmem_shared>>) dst(%dma_wait3A_183 : memref<16x128xf32, #tpu.memory_space<hbm>>)
        tpu.yield
      }) : () -> ()
    } else {
    }
    return
  }
}

#map = affine_map<(d0, d1) -> (0, 0)>
#map1 = affine_map<(d0, d1) -> (0)>
#map2 = affine_map<(d0, d1) -> (0, 0, 0)>
module attributes {stable_mosaic.version = 14 : i64} {
  func.func @_spmm_body(%arg0: i32, %arg1: i32, %arg2: memref<20000x128xf32, #tpu.memory_space<hbm>>, %arg3: memref<320000xi32, #tpu.memory_space<hbm>>, %arg4: memref<2000x1x80xi32, #tpu.memory_space<hbm>>, %arg5: memref<2x10000x128xf32, #tpu.memory_space<hbm>>, %arg6: memref<2000xi32, #tpu.memory_space<vmem>>, %arg7: memref<25x1x80xi32, #tpu.memory_space<vmem>>, %arg8: memref<80x128xf32, #tpu.memory_space<vmem>>, %arg9: memref<80x128xf32, #tpu.memory_space<vmem>>, %arg10: memref<!tpu.dma_semaphore, #tpu.memory_space<semaphore_mem>>, %arg11: memref<!tpu.dma_semaphore, #tpu.memory_space<semaphore_mem>>, %arg12: memref<10000x128xf32, #tpu.memory_space<vmem_shared>>) attributes {dimension_semantics = [#tpu.dimension_semantics<core_parallel>, #tpu.dimension_semantics<subcore_parallel>], iteration_bounds = array<i64: 2, 16>, scalar_prefetch = 0 : i64, scratch_operands = 7 : i64, tpu.core_type = #tpu.core_type<sc_vector_subcore>, window_params = [{transform_indices = #map}, {transform_indices = #map1}, {transform_indices = #map2}, {transform_indices = #map2}]} {
    %mul3A = arith.constant 624 : i32
    %mul3A_0 = arith.muli %arg1, %mul3A : i32
    %mul3A_1 = arith.constant 10000 : i32
    %mul3A_2 = arith.muli %arg0, %mul3A_1 : i32
    %add3A = arith.addi %mul3A_2, %mul3A_0 : i32
    "tpu.region"() ({
      %run_scoped3A_172 = tpu.sem_alloc : memref<!tpu.dma_semaphore, #tpu.memory_space<semaphore_mem>>
      %dma_start3A_173 = arith.constant 0 : i32
      %dma_start3A_174 = tpu.memref_slice %arg12[%mul3A_0, %dma_start3A_173] : memref<10000x128xf32, #tpu.memory_space<vmem_shared>> -> memref<624x128xf32, #tpu.memory_space<vmem_shared>>
      %dma_start3A_175 = arith.constant 0 : i32
      %dma_start3A_176 = tpu.memref_slice %arg2[%add3A, %dma_start3A_175] : memref<20000x128xf32, #tpu.memory_space<hbm>> -> memref<624x128xf32, #tpu.memory_space<hbm>>
      tpu.enqueue_dma source(%dma_start3A_176 : memref<624x128xf32, #tpu.memory_space<hbm>>) target(%dma_start3A_174 : memref<624x128xf32, #tpu.memory_space<vmem_shared>>) target_semaphore(%run_scoped3A_172 : memref<!tpu.dma_semaphore, #tpu.memory_space<semaphore_mem>>)
      %dma_wait3A_177 = arith.constant 0 : i32
      %dma_wait3A_178 = tpu.memref_slice %arg12[%mul3A_0, %dma_wait3A_177] : memref<10000x128xf32, #tpu.memory_space<vmem_shared>> -> memref<624x128xf32, #tpu.memory_space<vmem_shared>>
      %dma_wait3A_179 = arith.constant 0 : i32
      %dma_wait3A_180 = tpu.memref_slice %arg2[%add3A, %dma_wait3A_179] : memref<20000x128xf32, #tpu.memory_space<hbm>> -> memref<624x128xf32, #tpu.memory_space<hbm>>
      tpu.wait_dma2 semaphore(%run_scoped3A_172 : memref<!tpu.dma_semaphore, #tpu.memory_space<semaphore_mem>>) src(%dma_wait3A_180 : memref<624x128xf32, #tpu.memory_space<hbm>>) dst(%dma_wait3A_178 : memref<624x128xf32, #tpu.memory_space<vmem_shared>>)
      tpu.yield
    }) : () -> ()
    %eq3A = arith.constant 15 : i32
    %eq3A_3 = arith.cmpi eq, %arg1, %eq3A : i32
    %convert_element_type3A = arith.extui %eq3A_3 : i1 to i32
    %cond3A = arith.constant 0 : i32
    %cond3A_4 = arith.cmpi ne, %convert_element_type3A, %cond3A : i32
    scf.if %cond3A_4 {
      %mul3A_172 = arith.constant 10000 : i32
      %mul3A_173 = arith.muli %arg0, %mul3A_172 : i32
      %add3A_174 = arith.constant 9984 : i32
      %add3A_175 = arith.addi %mul3A_173, %add3A_174 : i32
      "tpu.region"() ({
        %run_scoped3A_176 = tpu.sem_alloc : memref<!tpu.dma_semaphore, #tpu.memory_space<semaphore_mem>>
        %dma_start3A_177 = arith.constant 9984 : i32
        %dma_start3A_178 = arith.constant 0 : i32
        %dma_start3A_179 = tpu.memref_slice %arg12[%dma_start3A_177, %dma_start3A_178] : memref<10000x128xf32, #tpu.memory_space<vmem_shared>> -> memref<16x128xf32, #tpu.memory_space<vmem_shared>>
        %dma_start3A_180 = arith.constant 0 : i32
        %dma_start3A_181 = tpu.memref_slice %arg2[%add3A_175, %dma_start3A_180] : memref<20000x128xf32, #tpu.memory_space<hbm>> -> memref<16x128xf32, #tpu.memory_space<hbm>>
        tpu.enqueue_dma source(%dma_start3A_181 : memref<16x128xf32, #tpu.memory_space<hbm>>) target(%dma_start3A_179 : memref<16x128xf32, #tpu.memory_space<vmem_shared>>) target_semaphore(%run_scoped3A_176 : memref<!tpu.dma_semaphore, #tpu.memory_space<semaphore_mem>>)
        %dma_wait3A_182 = arith.constant 9984 : i32
        %dma_wait3A_183 = arith.constant 0 : i32
        %dma_wait3A_184 = tpu.memref_slice %arg12[%dma_wait3A_182, %dma_wait3A_183] : memref<10000x128xf32, #tpu.memory_space<vmem_shared>> -> memref<16x128xf32, #tpu.memory_space<vmem_shared>>
        %dma_wait3A_185 = arith.constant 0 : i32
        %dma_wait3A_186 = tpu.memref_slice %arg2[%add3A_175, %dma_wait3A_185] : memref<20000x128xf32, #tpu.memory_space<hbm>> -> memref<16x128xf32, #tpu.memory_space<hbm>>
        tpu.wait_dma2 semaphore(%run_scoped3A_176 : memref<!tpu.dma_semaphore, #tpu.memory_space<semaphore_mem>>) src(%dma_wait3A_186 : memref<16x128xf32, #tpu.memory_space<hbm>>) dst(%dma_wait3A_184 : memref<16x128xf32, #tpu.memory_space<vmem_shared>>)
        tpu.yield
      }) : () -> ()
    } else {
    }
    %barrier3A = arith.constant 0 : index
    tpu.barrier barrier_id(%barrier3A)
    %mul3A_5 = arith.constant 160000 : i32
    %mul3A_6 = arith.muli %arg0, %mul3A_5 : i32
    %mul3A_7 = arith.constant 10000 : i32
    %mul3A_8 = arith.muli %arg1, %mul3A_7 : i32
    %add3A_9 = arith.addi %mul3A_6, %mul3A_8 : i32
    %add3A_10 = arith.constant 0 : i32
    %add3A_11 = arith.addi %add3A_9, %add3A_10 : i32
    "tpu.region"() ({
      %run_scoped3A_172 = tpu.sem_alloc : memref<!tpu.dma_semaphore, #tpu.memory_space<semaphore_mem>>
      %dma_start3A_173 = tpu.memref_slice %arg3[%add3A_11] : memref<320000xi32, #tpu.memory_space<hbm>> -> memref<2000xi32, #tpu.memory_space<hbm>>
      %dma_start3A_174 = tpu.memref_slice %arg3[%add3A_11] : memref<320000xi32, #tpu.memory_space<hbm>> -> memref<2000xi32, #tpu.memory_space<hbm>>
      tpu.enqueue_dma source(%dma_start3A_174 : memref<2000xi32, #tpu.memory_space<hbm>>) target(%arg6 : memref<2000xi32, #tpu.memory_space<vmem>>) target_semaphore(%run_scoped3A_172 : memref<!tpu.dma_semaphore, #tpu.memory_space<semaphore_mem>>)
      %dma_wait3A_175 = tpu.memref_slice %arg3[%add3A_11] : memref<320000xi32, #tpu.memory_space<hbm>> -> memref<2000xi32, #tpu.memory_space<hbm>>
      %dma_wait3A_176 = tpu.memref_slice %arg3[%add3A_11] : memref<320000xi32, #tpu.memory_space<hbm>> -> memref<2000xi32, #tpu.memory_space<hbm>>
      tpu.wait_dma2 semaphore(%run_scoped3A_172 : memref<!tpu.dma_semaphore, #tpu.memory_space<semaphore_mem>>) src(%dma_wait3A_176 : memref<2000xi32, #tpu.memory_space<hbm>>) dst(%arg6 : memref<2000xi32, #tpu.memory_space<vmem>>)
      tpu.yield
    }) : () -> ()
    %mul3A_12 = arith.constant 125 : i32
    %mul3A_13 = arith.muli %arg1, %mul3A_12 : i32
    %add3A_14 = arith.constant 0 : i32
    %add3A_15 = arith.addi %mul3A_13, %add3A_14 : i32
    "tpu.region"() ({
      %run_scoped3A_172 = tpu.sem_alloc : memref<!tpu.dma_semaphore, #tpu.memory_space<semaphore_mem>>
      %dma_start3A_173 = arith.constant 0 : i32
      %dma_start3A_174 = arith.constant 0 : i32
      %dma_start3A_175 = tpu.memref_slice %arg4[%add3A_15, %dma_start3A_173, %dma_start3A_174] : memref<2000x1x80xi32, #tpu.memory_space<hbm>> -> memref<25x1x80xi32, #tpu.memory_space<hbm>>
      %dma_start3A_176 = arith.constant 0 : i32
      %dma_start3A_177 = arith.constant 0 : i32
      %dma_start3A_178 = tpu.memref_slice %arg4[%add3A_15, %dma_start3A_176, %dma_start3A_177] : memref<2000x1x80xi32, #tpu.memory_space<hbm>> -> memref<25x1x80xi32, #tpu.memory_space<hbm>>
      tpu.enqueue_dma source(%dma_start3A_178 : memref<25x1x80xi32, #tpu.memory_space<hbm>>) target(%arg7 : memref<25x1x80xi32, #tpu.memory_space<vmem>>) target_semaphore(%run_scoped3A_172 : memref<!tpu.dma_semaphore, #tpu.memory_space<semaphore_mem>>)
      %dma_wait3A_179 = arith.constant 0 : i32
      %dma_wait3A_180 = arith.constant 0 : i32
      %dma_wait3A_181 = tpu.memref_slice %arg4[%add3A_15, %dma_wait3A_179, %dma_wait3A_180] : memref<2000x1x80xi32, #tpu.memory_space<hbm>> -> memref<25x1x80xi32, #tpu.memory_space<hbm>>
      %dma_wait3A_182 = arith.constant 0 : i32
      %dma_wait3A_183 = arith.constant 0 : i32
      %dma_wait3A_184 = tpu.memref_slice %arg4[%add3A_15, %dma_wait3A_182, %dma_wait3A_183] : memref<2000x1x80xi32, #tpu.memory_space<hbm>> -> memref<25x1x80xi32, #tpu.memory_space<hbm>>
      tpu.wait_dma2 semaphore(%run_scoped3A_172 : memref<!tpu.dma_semaphore, #tpu.memory_space<semaphore_mem>>) src(%dma_wait3A_184 : memref<25x1x80xi32, #tpu.memory_space<hbm>>) dst(%arg7 : memref<25x1x80xi32, #tpu.memory_space<vmem>>)
      tpu.yield
    }) : () -> ()
    %dma_start3A = arith.constant 0 : i32
    %dma_start3A_16 = tpu.memref_slice %arg6[%dma_start3A] : memref<2000xi32, #tpu.memory_space<vmem>> -> memref<80xi32, #tpu.memory_space<vmem>>
    %dma_start3A_17 = arith.constant 0 : i32
    %dma_start3A_18 = arith.constant 0 : i32
    %dma_start3A_19 = tpu.memref_slice %arg2[%dma_start3A_17, %dma_start3A_18] : memref<20000x128xf32, #tpu.memory_space<hbm>> -> memref<20000x128xf32, #tpu.memory_space<hbm>>
    tpu.enqueue_indirect_dma source(%dma_start3A_19 : memref<20000x128xf32, #tpu.memory_space<hbm>>) target(%arg8 : memref<80x128xf32, #tpu.memory_space<vmem>>) offsets(%dma_start3A_16 : memref<80xi32, #tpu.memory_space<vmem>>) semaphore(%arg10 : memref<!tpu.dma_semaphore, #tpu.memory_space<semaphore_mem>>)
    %dma_start3A_20 = arith.constant 80 : i32
    %dma_start3A_21 = tpu.memref_slice %arg6[%dma_start3A_20] : memref<2000xi32, #tpu.memory_space<vmem>> -> memref<80xi32, #tpu.memory_space<vmem>>
    %dma_start3A_22 = arith.constant 0 : i32
    %dma_start3A_23 = arith.constant 0 : i32
    %dma_start3A_24 = tpu.memref_slice %arg2[%dma_start3A_22, %dma_start3A_23] : memref<20000x128xf32, #tpu.memory_space<hbm>> -> memref<20000x128xf32, #tpu.memory_space<hbm>>
    tpu.enqueue_indirect_dma source(%dma_start3A_24 : memref<20000x128xf32, #tpu.memory_space<hbm>>) target(%arg9 : memref<80x128xf32, #tpu.memory_space<vmem>>) offsets(%dma_start3A_21 : memref<80xi32, #tpu.memory_space<vmem>>) semaphore(%arg11 : memref<!tpu.dma_semaphore, #tpu.memory_space<semaphore_mem>>)
    %scan3A = arith.constant 0 : i32
    %scan3A_25 = arith.constant 12 : i32
    %scan3A_26 = arith.addi %scan3A, %scan3A_25 : i32
    %scan3A_27 = arith.constant 1 : i32
    scf.for %scan3A_172 = %scan3A to %scan3A_26 step %scan3A_27  : i32 {
      %mul3A_173 = arith.constant 2 : i32
      %mul3A_174 = arith.muli %mul3A_173, %scan3A_172 : i32
      %add3A_175 = arith.constant 1 : i32
      %add3A_176 = arith.addi %mul3A_174, %add3A_175 : i32
      %mul3A_177 = arith.constant 80 : i32
      %mul3A_178 = arith.muli %mul3A_174, %mul3A_177 : i32
      %dma_wait3A_179 = tpu.memref_slice %arg6[%mul3A_178] : memref<2000xi32, #tpu.memory_space<vmem>> -> memref<80xi32, #tpu.memory_space<vmem>>
      %dma_wait3A_180 = arith.constant 0 : i32
      %dma_wait3A_181 = arith.constant 0 : i32
      %dma_wait3A_182 = tpu.memref_slice %arg2[%dma_wait3A_180, %dma_wait3A_181] : memref<20000x128xf32, #tpu.memory_space<hbm>> -> memref<20000x128xf32, #tpu.memory_space<hbm>>
      tpu.wait_indirect_dma semaphore(%arg10 : memref<!tpu.dma_semaphore, #tpu.memory_space<semaphore_mem>>) src(%dma_wait3A_182 : memref<20000x128xf32, #tpu.memory_space<hbm>>) dst(%arg8 : memref<80x128xf32, #tpu.memory_space<vmem>>)
      %run_scoped3A_183 = arith.constant 0 : i32
      "tpu.region"() ({
        %run_scoped3A_204 = tpu.sem_alloc : memref<!tpu.dma_semaphore, #tpu.memory_space<semaphore_mem>>
        %dma_start3A_205 = arith.constant 0 : i32
        %dma_start3A_206 = tpu.memref_slice %arg7[%mul3A_174, %run_scoped3A_183, %dma_start3A_205] : memref<25x1x80xi32, #tpu.memory_space<vmem>> -> memref<1x1x80xi32, #tpu.memory_space<vmem>>
        %dma_start3A_207 = tpu.memref_squeeze %dma_start3A_206 : memref<1x1x80xi32, #tpu.memory_space<vmem>> -> memref<80xi32, #tpu.memory_space<vmem>>
        %dma_start3A_208 = arith.constant 0 : i32
        %dma_start3A_209 = arith.constant 0 : i32
        %dma_start3A_210 = tpu.memref_slice %arg12[%dma_start3A_208, %dma_start3A_209] : memref<10000x128xf32, #tpu.memory_space<vmem_shared>> -> memref<10000x128xf32, #tpu.memory_space<vmem_shared>>
        tpu.enqueue_indirect_dma source(%arg8 : memref<80x128xf32, #tpu.memory_space<vmem>>) target(%dma_start3A_210 : memref<10000x128xf32, #tpu.memory_space<vmem_shared>>) offsets(%dma_start3A_207 : memref<80xi32, #tpu.memory_space<vmem>>) semaphore(%run_scoped3A_204 : memref<!tpu.dma_semaphore, #tpu.memory_space<semaphore_mem>>) {add = true}
        %dma_wait3A_211 = arith.constant 0 : i32
        %dma_wait3A_212 = tpu.memref_slice %arg7[%mul3A_174, %run_scoped3A_183, %dma_wait3A_211] : memref<25x1x80xi32, #tpu.memory_space<vmem>> -> memref<1x1x80xi32, #tpu.memory_space<vmem>>
        %dma_wait3A_213 = tpu.memref_squeeze %dma_wait3A_212 : memref<1x1x80xi32, #tpu.memory_space<vmem>> -> memref<80xi32, #tpu.memory_space<vmem>>
        %dma_wait3A_214 = arith.constant 0 : i32
        %dma_wait3A_215 = arith.constant 0 : i32
        %dma_wait3A_216 = tpu.memref_slice %arg12[%dma_wait3A_214, %dma_wait3A_215] : memref<10000x128xf32, #tpu.memory_space<vmem_shared>> -> memref<10000x128xf32, #tpu.memory_space<vmem_shared>>
        tpu.wait_indirect_dma semaphore(%run_scoped3A_204 : memref<!tpu.dma_semaphore, #tpu.memory_space<semaphore_mem>>) src(%arg8 : memref<80x128xf32, #tpu.memory_space<vmem>>) dst(%dma_wait3A_216 : memref<10000x128xf32, #tpu.memory_space<vmem_shared>>)
        tpu.yield
      }) : () -> ()
      %add3A_184 = arith.constant 2 : i32
      %add3A_185 = arith.addi %mul3A_174, %add3A_184 : i32
      %lt3A = arith.constant 25 : i32
      %lt3A_186 = arith.cmpi slt, %add3A_185, %lt3A : i32
      %convert_element_type3A_187 = arith.extui %lt3A_186 : i1 to i32
      %cond3A_188 = arith.constant 0 : i32
      %cond3A_189 = arith.cmpi ne, %convert_element_type3A_187, %cond3A_188 : i32
      scf.if %cond3A_189 {
        %add3A_204 = arith.constant 2 : i32
        %add3A_205 = arith.addi %mul3A_174, %add3A_204 : i32
        %mul3A_206 = arith.constant 80 : i32
        %mul3A_207 = arith.muli %add3A_205, %mul3A_206 : i32
        %dma_start3A_208 = tpu.memref_slice %arg6[%mul3A_207] : memref<2000xi32, #tpu.memory_space<vmem>> -> memref<80xi32, #tpu.memory_space<vmem>>
        %dma_start3A_209 = arith.constant 0 : i32
        %dma_start3A_210 = arith.constant 0 : i32
        %dma_start3A_211 = tpu.memref_slice %arg2[%dma_start3A_209, %dma_start3A_210] : memref<20000x128xf32, #tpu.memory_space<hbm>> -> memref<20000x128xf32, #tpu.memory_space<hbm>>
        tpu.enqueue_indirect_dma source(%dma_start3A_211 : memref<20000x128xf32, #tpu.memory_space<hbm>>) target(%arg8 : memref<80x128xf32, #tpu.memory_space<vmem>>) offsets(%dma_start3A_208 : memref<80xi32, #tpu.memory_space<vmem>>) semaphore(%arg10 : memref<!tpu.dma_semaphore, #tpu.memory_space<semaphore_mem>>)
      } else {
      }
      %mul3A_190 = arith.constant 80 : i32
      %mul3A_191 = arith.muli %add3A_176, %mul3A_190 : i32
      %dma_wait3A_192 = tpu.memref_slice %arg6[%mul3A_191] : memref<2000xi32, #tpu.memory_space<vmem>> -> memref<80xi32, #tpu.memory_space<vmem>>
      %dma_wait3A_193 = arith.constant 0 : i32
      %dma_wait3A_194 = arith.constant 0 : i32
      %dma_wait3A_195 = tpu.memref_slice %arg2[%dma_wait3A_193, %dma_wait3A_194] : memref<20000x128xf32, #tpu.memory_space<hbm>> -> memref<20000x128xf32, #tpu.memory_space<hbm>>
      tpu.wait_indirect_dma semaphore(%arg11 : memref<!tpu.dma_semaphore, #tpu.memory_space<semaphore_mem>>) src(%dma_wait3A_195 : memref<20000x128xf32, #tpu.memory_space<hbm>>) dst(%arg9 : memref<80x128xf32, #tpu.memory_space<vmem>>)
      %run_scoped3A_196 = arith.constant 0 : i32
      "tpu.region"() ({
        %run_scoped3A_204 = tpu.sem_alloc : memref<!tpu.dma_semaphore, #tpu.memory_space<semaphore_mem>>
        %dma_start3A_205 = arith.constant 0 : i32
        %dma_start3A_206 = tpu.memref_slice %arg7[%add3A_176, %run_scoped3A_196, %dma_start3A_205] : memref<25x1x80xi32, #tpu.memory_space<vmem>> -> memref<1x1x80xi32, #tpu.memory_space<vmem>>
        %dma_start3A_207 = tpu.memref_squeeze %dma_start3A_206 : memref<1x1x80xi32, #tpu.memory_space<vmem>> -> memref<80xi32, #tpu.memory_space<vmem>>
        %dma_start3A_208 = arith.constant 0 : i32
        %dma_start3A_209 = arith.constant 0 : i32
        %dma_start3A_210 = tpu.memref_slice %arg12[%dma_start3A_208, %dma_start3A_209] : memref<10000x128xf32, #tpu.memory_space<vmem_shared>> -> memref<10000x128xf32, #tpu.memory_space<vmem_shared>>
        tpu.enqueue_indirect_dma source(%arg9 : memref<80x128xf32, #tpu.memory_space<vmem>>) target(%dma_start3A_210 : memref<10000x128xf32, #tpu.memory_space<vmem_shared>>) offsets(%dma_start3A_207 : memref<80xi32, #tpu.memory_space<vmem>>) semaphore(%run_scoped3A_204 : memref<!tpu.dma_semaphore, #tpu.memory_space<semaphore_mem>>) {add = true}
        %dma_wait3A_211 = arith.constant 0 : i32
        %dma_wait3A_212 = tpu.memref_slice %arg7[%add3A_176, %run_scoped3A_196, %dma_wait3A_211] : memref<25x1x80xi32, #tpu.memory_space<vmem>> -> memref<1x1x80xi32, #tpu.memory_space<vmem>>
        %dma_wait3A_213 = tpu.memref_squeeze %dma_wait3A_212 : memref<1x1x80xi32, #tpu.memory_space<vmem>> -> memref<80xi32, #tpu.memory_space<vmem>>
        %dma_wait3A_214 = arith.constant 0 : i32
        %dma_wait3A_215 = arith.constant 0 : i32
        %dma_wait3A_216 = tpu.memref_slice %arg12[%dma_wait3A_214, %dma_wait3A_215] : memref<10000x128xf32, #tpu.memory_space<vmem_shared>> -> memref<10000x128xf32, #tpu.memory_space<vmem_shared>>
        tpu.wait_indirect_dma semaphore(%run_scoped3A_204 : memref<!tpu.dma_semaphore, #tpu.memory_space<semaphore_mem>>) src(%arg9 : memref<80x128xf32, #tpu.memory_space<vmem>>) dst(%dma_wait3A_216 : memref<10000x128xf32, #tpu.memory_space<vmem_shared>>)
        tpu.yield
      }) : () -> ()
      %add3A_197 = arith.constant 2 : i32
      %add3A_198 = arith.addi %add3A_176, %add3A_197 : i32
      %lt3A_199 = arith.constant 25 : i32
      %lt3A_200 = arith.cmpi slt, %add3A_198, %lt3A_199 : i32
      %convert_element_type3A_201 = arith.extui %lt3A_200 : i1 to i32
      %cond3A_202 = arith.constant 0 : i32
      %cond3A_203 = arith.cmpi ne, %convert_element_type3A_201, %cond3A_202 : i32
      scf.if %cond3A_203 {
        %add3A_204 = arith.constant 2 : i32
        %add3A_205 = arith.addi %add3A_176, %add3A_204 : i32
        %mul3A_206 = arith.constant 80 : i32
        %mul3A_207 = arith.muli %add3A_205, %mul3A_206 : i32
        %dma_start3A_208 = tpu.memref_slice %arg6[%mul3A_207] : memref<2000xi32, #tpu.memory_space<vmem>> -> memref<80xi32, #tpu.memory_space<vmem>>
        %dma_start3A_209 = arith.constant 0 : i32
        %dma_start3A_210 = arith.constant 0 : i32
        %dma_start3A_211 = tpu.memref_slice %arg2[%dma_start3A_209, %dma_start3A_210] : memref<20000x128xf32, #tpu.memory_space<hbm>> -> memref<20000x128xf32, #tpu.memory_space<hbm>>
        tpu.enqueue_indirect_dma source(%dma_start3A_211 : memref<20000x128xf32, #tpu.memory_space<hbm>>) target(%arg9 : memref<80x128xf32, #tpu.memory_space<vmem>>) offsets(%dma_start3A_208 : memref<80xi32, #tpu.memory_space<vmem>>) semaphore(%arg11 : memref<!tpu.dma_semaphore, #tpu.memory_space<semaphore_mem>>)
      } else {
      }
    }
    %scan3A_28 = arith.constant 12 : i32
    %dma_wait3A = arith.constant 1920 : i32
    %dma_wait3A_29 = tpu.memref_slice %arg6[%dma_wait3A] : memref<2000xi32, #tpu.memory_space<vmem>> -> memref<80xi32, #tpu.memory_space<vmem>>
    %dma_wait3A_30 = arith.constant 0 : i32
    %dma_wait3A_31 = arith.constant 0 : i32
    %dma_wait3A_32 = tpu.memref_slice %arg2[%dma_wait3A_30, %dma_wait3A_31] : memref<20000x128xf32, #tpu.memory_space<hbm>> -> memref<20000x128xf32, #tpu.memory_space<hbm>>
    tpu.wait_indirect_dma semaphore(%arg10 : memref<!tpu.dma_semaphore, #tpu.memory_space<semaphore_mem>>) src(%dma_wait3A_32 : memref<20000x128xf32, #tpu.memory_space<hbm>>) dst(%arg8 : memref<80x128xf32, #tpu.memory_space<vmem>>)
    %run_scoped3A = arith.constant 24 : i32
    %run_scoped3A_33 = arith.constant 0 : i32
    "tpu.region"() ({
      %run_scoped3A_172 = tpu.sem_alloc : memref<!tpu.dma_semaphore, #tpu.memory_space<semaphore_mem>>
      %dma_start3A_173 = arith.constant 0 : i32
      %dma_start3A_174 = tpu.memref_slice %arg7[%run_scoped3A, %run_scoped3A_33, %dma_start3A_173] : memref<25x1x80xi32, #tpu.memory_space<vmem>> -> memref<1x1x80xi32, #tpu.memory_space<vmem>>
      %dma_start3A_175 = tpu.memref_squeeze %dma_start3A_174 : memref<1x1x80xi32, #tpu.memory_space<vmem>> -> memref<80xi32, #tpu.memory_space<vmem>>
      %dma_start3A_176 = arith.constant 0 : i32
      %dma_start3A_177 = arith.constant 0 : i32
      %dma_start3A_178 = tpu.memref_slice %arg12[%dma_start3A_176, %dma_start3A_177] : memref<10000x128xf32, #tpu.memory_space<vmem_shared>> -> memref<10000x128xf32, #tpu.memory_space<vmem_shared>>
      tpu.enqueue_indirect_dma source(%arg8 : memref<80x128xf32, #tpu.memory_space<vmem>>) target(%dma_start3A_178 : memref<10000x128xf32, #tpu.memory_space<vmem_shared>>) offsets(%dma_start3A_175 : memref<80xi32, #tpu.memory_space<vmem>>) semaphore(%run_scoped3A_172 : memref<!tpu.dma_semaphore, #tpu.memory_space<semaphore_mem>>) {add = true}
      %dma_wait3A_179 = arith.constant 0 : i32
      %dma_wait3A_180 = tpu.memref_slice %arg7[%run_scoped3A, %run_scoped3A_33, %dma_wait3A_179] : memref<25x1x80xi32, #tpu.memory_space<vmem>> -> memref<1x1x80xi32, #tpu.memory_space<vmem>>
      %dma_wait3A_181 = tpu.memref_squeeze %dma_wait3A_180 : memref<1x1x80xi32, #tpu.memory_space<vmem>> -> memref<80xi32, #tpu.memory_space<vmem>>
      %dma_wait3A_182 = arith.constant 0 : i32
      %dma_wait3A_183 = arith.constant 0 : i32
      %dma_wait3A_184 = tpu.memref_slice %arg12[%dma_wait3A_182, %dma_wait3A_183] : memref<10000x128xf32, #tpu.memory_space<vmem_shared>> -> memref<10000x128xf32, #tpu.memory_space<vmem_shared>>
      tpu.wait_indirect_dma semaphore(%run_scoped3A_172 : memref<!tpu.dma_semaphore, #tpu.memory_space<semaphore_mem>>) src(%arg8 : memref<80x128xf32, #tpu.memory_space<vmem>>) dst(%dma_wait3A_184 : memref<10000x128xf32, #tpu.memory_space<vmem_shared>>)
      tpu.yield
    }) : () -> ()
    %mul3A_34 = arith.constant 160000 : i32
    %mul3A_35 = arith.muli %arg0, %mul3A_34 : i32
    %mul3A_36 = arith.constant 10000 : i32
    %mul3A_37 = arith.muli %arg1, %mul3A_36 : i32
    %add3A_38 = arith.addi %mul3A_35, %mul3A_37 : i32
    %add3A_39 = arith.constant 2000 : i32
    %add3A_40 = arith.addi %add3A_38, %add3A_39 : i32
    "tpu.region"() ({
      %run_scoped3A_172 = tpu.sem_alloc : memref<!tpu.dma_semaphore, #tpu.memory_space<semaphore_mem>>
      %dma_start3A_173 = tpu.memref_slice %arg3[%add3A_40] : memref<320000xi32, #tpu.memory_space<hbm>> -> memref<2000xi32, #tpu.memory_space<hbm>>
      %dma_start3A_174 = tpu.memref_slice %arg3[%add3A_40] : memref<320000xi32, #tpu.memory_space<hbm>> -> memref<2000xi32, #tpu.memory_space<hbm>>
      tpu.enqueue_dma source(%dma_start3A_174 : memref<2000xi32, #tpu.memory_space<hbm>>) target(%arg6 : memref<2000xi32, #tpu.memory_space<vmem>>) target_semaphore(%run_scoped3A_172 : memref<!tpu.dma_semaphore, #tpu.memory_space<semaphore_mem>>)
      %dma_wait3A_175 = tpu.memref_slice %arg3[%add3A_40] : memref<320000xi32, #tpu.memory_space<hbm>> -> memref<2000xi32, #tpu.memory_space<hbm>>
      %dma_wait3A_176 = tpu.memref_slice %arg3[%add3A_40] : memref<320000xi32, #tpu.memory_space<hbm>> -> memref<2000xi32, #tpu.memory_space<hbm>>
      tpu.wait_dma2 semaphore(%run_scoped3A_172 : memref<!tpu.dma_semaphore, #tpu.memory_space<semaphore_mem>>) src(%dma_wait3A_176 : memref<2000xi32, #tpu.memory_space<hbm>>) dst(%arg6 : memref<2000xi32, #tpu.memory_space<vmem>>)
      tpu.yield
    }) : () -> ()
    %mul3A_41 = arith.constant 125 : i32
    %mul3A_42 = arith.muli %arg1, %mul3A_41 : i32
    %add3A_43 = arith.constant 25 : i32
    %add3A_44 = arith.addi %mul3A_42, %add3A_43 : i32
    "tpu.region"() ({
      %run_scoped3A_172 = tpu.sem_alloc : memref<!tpu.dma_semaphore, #tpu.memory_space<semaphore_mem>>
      %dma_start3A_173 = arith.constant 0 : i32
      %dma_start3A_174 = arith.constant 0 : i32
      %dma_start3A_175 = tpu.memref_slice %arg4[%add3A_44, %dma_start3A_173, %dma_start3A_174] : memref<2000x1x80xi32, #tpu.memory_space<hbm>> -> memref<25x1x80xi32, #tpu.memory_space<hbm>>
      %dma_start3A_176 = arith.constant 0 : i32
      %dma_start3A_177 = arith.constant 0 : i32
      %dma_start3A_178 = tpu.memref_slice %arg4[%add3A_44, %dma_start3A_176, %dma_start3A_177] : memref<2000x1x80xi32, #tpu.memory_space<hbm>> -> memref<25x1x80xi32, #tpu.memory_space<hbm>>
      tpu.enqueue_dma source(%dma_start3A_178 : memref<25x1x80xi32, #tpu.memory_space<hbm>>) target(%arg7 : memref<25x1x80xi32, #tpu.memory_space<vmem>>) target_semaphore(%run_scoped3A_172 : memref<!tpu.dma_semaphore, #tpu.memory_space<semaphore_mem>>)
      %dma_wait3A_179 = arith.constant 0 : i32
      %dma_wait3A_180 = arith.constant 0 : i32
      %dma_wait3A_181 = tpu.memref_slice %arg4[%add3A_44, %dma_wait3A_179, %dma_wait3A_180] : memref<2000x1x80xi32, #tpu.memory_space<hbm>> -> memref<25x1x80xi32, #tpu.memory_space<hbm>>
      %dma_wait3A_182 = arith.constant 0 : i32
      %dma_wait3A_183 = arith.constant 0 : i32
      %dma_wait3A_184 = tpu.memref_slice %arg4[%add3A_44, %dma_wait3A_182, %dma_wait3A_183] : memref<2000x1x80xi32, #tpu.memory_space<hbm>> -> memref<25x1x80xi32, #tpu.memory_space<hbm>>
      tpu.wait_dma2 semaphore(%run_scoped3A_172 : memref<!tpu.dma_semaphore, #tpu.memory_space<semaphore_mem>>) src(%dma_wait3A_184 : memref<25x1x80xi32, #tpu.memory_space<hbm>>) dst(%arg7 : memref<25x1x80xi32, #tpu.memory_space<vmem>>)
      tpu.yield
    }) : () -> ()
    %dma_start3A_45 = arith.constant 0 : i32
    %dma_start3A_46 = tpu.memref_slice %arg6[%dma_start3A_45] : memref<2000xi32, #tpu.memory_space<vmem>> -> memref<80xi32, #tpu.memory_space<vmem>>
    %dma_start3A_47 = arith.constant 0 : i32
    %dma_start3A_48 = arith.constant 0 : i32
    %dma_start3A_49 = tpu.memref_slice %arg2[%dma_start3A_47, %dma_start3A_48] : memref<20000x128xf32, #tpu.memory_space<hbm>> -> memref<20000x128xf32, #tpu.memory_space<hbm>>
    tpu.enqueue_indirect_dma source(%dma_start3A_49 : memref<20000x128xf32, #tpu.memory_space<hbm>>) target(%arg8 : memref<80x128xf32, #tpu.memory_space<vmem>>) offsets(%dma_start3A_46 : memref<80xi32, #tpu.memory_space<vmem>>) semaphore(%arg10 : memref<!tpu.dma_semaphore, #tpu.memory_space<semaphore_mem>>)
    %dma_start3A_50 = arith.constant 80 : i32
    %dma_start3A_51 = tpu.memref_slice %arg6[%dma_start3A_50] : memref<2000xi32, #tpu.memory_space<vmem>> -> memref<80xi32, #tpu.memory_space<vmem>>
    %dma_start3A_52 = arith.constant 0 : i32
    %dma_start3A_53 = arith.constant 0 : i32
    %dma_start3A_54 = tpu.memref_slice %arg2[%dma_start3A_52, %dma_start3A_53] : memref<20000x128xf32, #tpu.memory_space<hbm>> -> memref<20000x128xf32, #tpu.memory_space<hbm>>
    tpu.enqueue_indirect_dma source(%dma_start3A_54 : memref<20000x128xf32, #tpu.memory_space<hbm>>) target(%arg9 : memref<80x128xf32, #tpu.memory_space<vmem>>) offsets(%dma_start3A_51 : memref<80xi32, #tpu.memory_space<vmem>>) semaphore(%arg11 : memref<!tpu.dma_semaphore, #tpu.memory_space<semaphore_mem>>)
    %scan3A_55 = arith.constant 0 : i32
    %scan3A_56 = arith.constant 12 : i32
    %scan3A_57 = arith.addi %scan3A_55, %scan3A_56 : i32
    %scan3A_58 = arith.constant 1 : i32
    scf.for %scan3A_172 = %scan3A_55 to %scan3A_57 step %scan3A_58  : i32 {
      %mul3A_173 = arith.constant 2 : i32
      %mul3A_174 = arith.muli %mul3A_173, %scan3A_172 : i32
      %add3A_175 = arith.constant 1 : i32
      %add3A_176 = arith.addi %mul3A_174, %add3A_175 : i32
      %mul3A_177 = arith.constant 80 : i32
      %mul3A_178 = arith.muli %mul3A_174, %mul3A_177 : i32
      %dma_wait3A_179 = tpu.memref_slice %arg6[%mul3A_178] : memref<2000xi32, #tpu.memory_space<vmem>> -> memref<80xi32, #tpu.memory_space<vmem>>
      %dma_wait3A_180 = arith.constant 0 : i32
      %dma_wait3A_181 = arith.constant 0 : i32
      %dma_wait3A_182 = tpu.memref_slice %arg2[%dma_wait3A_180, %dma_wait3A_181] : memref<20000x128xf32, #tpu.memory_space<hbm>> -> memref<20000x128xf32, #tpu.memory_space<hbm>>
      tpu.wait_indirect_dma semaphore(%arg10 : memref<!tpu.dma_semaphore, #tpu.memory_space<semaphore_mem>>) src(%dma_wait3A_182 : memref<20000x128xf32, #tpu.memory_space<hbm>>) dst(%arg8 : memref<80x128xf32, #tpu.memory_space<vmem>>)
      %run_scoped3A_183 = arith.constant 0 : i32
      "tpu.region"() ({
        %run_scoped3A_204 = tpu.sem_alloc : memref<!tpu.dma_semaphore, #tpu.memory_space<semaphore_mem>>
        %dma_start3A_205 = arith.constant 0 : i32
        %dma_start3A_206 = tpu.memref_slice %arg7[%mul3A_174, %run_scoped3A_183, %dma_start3A_205] : memref<25x1x80xi32, #tpu.memory_space<vmem>> -> memref<1x1x80xi32, #tpu.memory_space<vmem>>
        %dma_start3A_207 = tpu.memref_squeeze %dma_start3A_206 : memref<1x1x80xi32, #tpu.memory_space<vmem>> -> memref<80xi32, #tpu.memory_space<vmem>>
        %dma_start3A_208 = arith.constant 0 : i32
        %dma_start3A_209 = arith.constant 0 : i32
        %dma_start3A_210 = tpu.memref_slice %arg12[%dma_start3A_208, %dma_start3A_209] : memref<10000x128xf32, #tpu.memory_space<vmem_shared>> -> memref<10000x128xf32, #tpu.memory_space<vmem_shared>>
        tpu.enqueue_indirect_dma source(%arg8 : memref<80x128xf32, #tpu.memory_space<vmem>>) target(%dma_start3A_210 : memref<10000x128xf32, #tpu.memory_space<vmem_shared>>) offsets(%dma_start3A_207 : memref<80xi32, #tpu.memory_space<vmem>>) semaphore(%run_scoped3A_204 : memref<!tpu.dma_semaphore, #tpu.memory_space<semaphore_mem>>) {add = true}
        %dma_wait3A_211 = arith.constant 0 : i32
        %dma_wait3A_212 = tpu.memref_slice %arg7[%mul3A_174, %run_scoped3A_183, %dma_wait3A_211] : memref<25x1x80xi32, #tpu.memory_space<vmem>> -> memref<1x1x80xi32, #tpu.memory_space<vmem>>
        %dma_wait3A_213 = tpu.memref_squeeze %dma_wait3A_212 : memref<1x1x80xi32, #tpu.memory_space<vmem>> -> memref<80xi32, #tpu.memory_space<vmem>>
        %dma_wait3A_214 = arith.constant 0 : i32
        %dma_wait3A_215 = arith.constant 0 : i32
        %dma_wait3A_216 = tpu.memref_slice %arg12[%dma_wait3A_214, %dma_wait3A_215] : memref<10000x128xf32, #tpu.memory_space<vmem_shared>> -> memref<10000x128xf32, #tpu.memory_space<vmem_shared>>
        tpu.wait_indirect_dma semaphore(%run_scoped3A_204 : memref<!tpu.dma_semaphore, #tpu.memory_space<semaphore_mem>>) src(%arg8 : memref<80x128xf32, #tpu.memory_space<vmem>>) dst(%dma_wait3A_216 : memref<10000x128xf32, #tpu.memory_space<vmem_shared>>)
        tpu.yield
      }) : () -> ()
      %add3A_184 = arith.constant 2 : i32
      %add3A_185 = arith.addi %mul3A_174, %add3A_184 : i32
      %lt3A = arith.constant 25 : i32
      %lt3A_186 = arith.cmpi slt, %add3A_185, %lt3A : i32
      %convert_element_type3A_187 = arith.extui %lt3A_186 : i1 to i32
      %cond3A_188 = arith.constant 0 : i32
      %cond3A_189 = arith.cmpi ne, %convert_element_type3A_187, %cond3A_188 : i32
      scf.if %cond3A_189 {
        %add3A_204 = arith.constant 2 : i32
        %add3A_205 = arith.addi %mul3A_174, %add3A_204 : i32
        %mul3A_206 = arith.constant 80 : i32
        %mul3A_207 = arith.muli %add3A_205, %mul3A_206 : i32
        %dma_start3A_208 = tpu.memref_slice %arg6[%mul3A_207] : memref<2000xi32, #tpu.memory_space<vmem>> -> memref<80xi32, #tpu.memory_space<vmem>>
        %dma_start3A_209 = arith.constant 0 : i32
        %dma_start3A_210 = arith.constant 0 : i32
        %dma_start3A_211 = tpu.memref_slice %arg2[%dma_start3A_209, %dma_start3A_210] : memref<20000x128xf32, #tpu.memory_space<hbm>> -> memref<20000x128xf32, #tpu.memory_space<hbm>>
        tpu.enqueue_indirect_dma source(%dma_start3A_211 : memref<20000x128xf32, #tpu.memory_space<hbm>>) target(%arg8 : memref<80x128xf32, #tpu.memory_space<vmem>>) offsets(%dma_start3A_208 : memref<80xi32, #tpu.memory_space<vmem>>) semaphore(%arg10 : memref<!tpu.dma_semaphore, #tpu.memory_space<semaphore_mem>>)
      } else {
      }
      %mul3A_190 = arith.constant 80 : i32
      %mul3A_191 = arith.muli %add3A_176, %mul3A_190 : i32
      %dma_wait3A_192 = tpu.memref_slice %arg6[%mul3A_191] : memref<2000xi32, #tpu.memory_space<vmem>> -> memref<80xi32, #tpu.memory_space<vmem>>
      %dma_wait3A_193 = arith.constant 0 : i32
      %dma_wait3A_194 = arith.constant 0 : i32
      %dma_wait3A_195 = tpu.memref_slice %arg2[%dma_wait3A_193, %dma_wait3A_194] : memref<20000x128xf32, #tpu.memory_space<hbm>> -> memref<20000x128xf32, #tpu.memory_space<hbm>>
      tpu.wait_indirect_dma semaphore(%arg11 : memref<!tpu.dma_semaphore, #tpu.memory_space<semaphore_mem>>) src(%dma_wait3A_195 : memref<20000x128xf32, #tpu.memory_space<hbm>>) dst(%arg9 : memref<80x128xf32, #tpu.memory_space<vmem>>)
      %run_scoped3A_196 = arith.constant 0 : i32
      "tpu.region"() ({
        %run_scoped3A_204 = tpu.sem_alloc : memref<!tpu.dma_semaphore, #tpu.memory_space<semaphore_mem>>
        %dma_start3A_205 = arith.constant 0 : i32
        %dma_start3A_206 = tpu.memref_slice %arg7[%add3A_176, %run_scoped3A_196, %dma_start3A_205] : memref<25x1x80xi32, #tpu.memory_space<vmem>> -> memref<1x1x80xi32, #tpu.memory_space<vmem>>
        %dma_start3A_207 = tpu.memref_squeeze %dma_start3A_206 : memref<1x1x80xi32, #tpu.memory_space<vmem>> -> memref<80xi32, #tpu.memory_space<vmem>>
        %dma_start3A_208 = arith.constant 0 : i32
        %dma_start3A_209 = arith.constant 0 : i32
        %dma_start3A_210 = tpu.memref_slice %arg12[%dma_start3A_208, %dma_start3A_209] : memref<10000x128xf32, #tpu.memory_space<vmem_shared>> -> memref<10000x128xf32, #tpu.memory_space<vmem_shared>>
        tpu.enqueue_indirect_dma source(%arg9 : memref<80x128xf32, #tpu.memory_space<vmem>>) target(%dma_start3A_210 : memref<10000x128xf32, #tpu.memory_space<vmem_shared>>) offsets(%dma_start3A_207 : memref<80xi32, #tpu.memory_space<vmem>>) semaphore(%run_scoped3A_204 : memref<!tpu.dma_semaphore, #tpu.memory_space<semaphore_mem>>) {add = true}
        %dma_wait3A_211 = arith.constant 0 : i32
        %dma_wait3A_212 = tpu.memref_slice %arg7[%add3A_176, %run_scoped3A_196, %dma_wait3A_211] : memref<25x1x80xi32, #tpu.memory_space<vmem>> -> memref<1x1x80xi32, #tpu.memory_space<vmem>>
        %dma_wait3A_213 = tpu.memref_squeeze %dma_wait3A_212 : memref<1x1x80xi32, #tpu.memory_space<vmem>> -> memref<80xi32, #tpu.memory_space<vmem>>
        %dma_wait3A_214 = arith.constant 0 : i32
        %dma_wait3A_215 = arith.constant 0 : i32
        %dma_wait3A_216 = tpu.memref_slice %arg12[%dma_wait3A_214, %dma_wait3A_215] : memref<10000x128xf32, #tpu.memory_space<vmem_shared>> -> memref<10000x128xf32, #tpu.memory_space<vmem_shared>>
        tpu.wait_indirect_dma semaphore(%run_scoped3A_204 : memref<!tpu.dma_semaphore, #tpu.memory_space<semaphore_mem>>) src(%arg9 : memref<80x128xf32, #tpu.memory_space<vmem>>) dst(%dma_wait3A_216 : memref<10000x128xf32, #tpu.memory_space<vmem_shared>>)
        tpu.yield
      }) : () -> ()
      %add3A_197 = arith.constant 2 : i32
      %add3A_198 = arith.addi %add3A_176, %add3A_197 : i32
      %lt3A_199 = arith.constant 25 : i32
      %lt3A_200 = arith.cmpi slt, %add3A_198, %lt3A_199 : i32
      %convert_element_type3A_201 = arith.extui %lt3A_200 : i1 to i32
      %cond3A_202 = arith.constant 0 : i32
      %cond3A_203 = arith.cmpi ne, %convert_element_type3A_201, %cond3A_202 : i32
      scf.if %cond3A_203 {
        %add3A_204 = arith.constant 2 : i32
        %add3A_205 = arith.addi %add3A_176, %add3A_204 : i32
        %mul3A_206 = arith.constant 80 : i32
        %mul3A_207 = arith.muli %add3A_205, %mul3A_206 : i32
        %dma_start3A_208 = tpu.memref_slice %arg6[%mul3A_207] : memref<2000xi32, #tpu.memory_space<vmem>> -> memref<80xi32, #tpu.memory_space<vmem>>
        %dma_start3A_209 = arith.constant 0 : i32
        %dma_start3A_210 = arith.constant 0 : i32
        %dma_start3A_211 = tpu.memref_slice %arg2[%dma_start3A_209, %dma_start3A_210] : memref<20000x128xf32, #tpu.memory_space<hbm>> -> memref<20000x128xf32, #tpu.memory_space<hbm>>
        tpu.enqueue_indirect_dma source(%dma_start3A_211 : memref<20000x128xf32, #tpu.memory_space<hbm>>) target(%arg9 : memref<80x128xf32, #tpu.memory_space<vmem>>) offsets(%dma_start3A_208 : memref<80xi32, #tpu.memory_space<vmem>>) semaphore(%arg11 : memref<!tpu.dma_semaphore, #tpu.memory_space<semaphore_mem>>)
      } else {
      }
    }
    %scan3A_59 = arith.constant 12 : i32
    %dma_wait3A_60 = arith.constant 1920 : i32
    %dma_wait3A_61 = tpu.memref_slice %arg6[%dma_wait3A_60] : memref<2000xi32, #tpu.memory_space<vmem>> -> memref<80xi32, #tpu.memory_space<vmem>>
    %dma_wait3A_62 = arith.constant 0 : i32
    %dma_wait3A_63 = arith.constant 0 : i32
    %dma_wait3A_64 = tpu.memref_slice %arg2[%dma_wait3A_62, %dma_wait3A_63] : memref<20000x128xf32, #tpu.memory_space<hbm>> -> memref<20000x128xf32, #tpu.memory_space<hbm>>
    tpu.wait_indirect_dma semaphore(%arg10 : memref<!tpu.dma_semaphore, #tpu.memory_space<semaphore_mem>>) src(%dma_wait3A_64 : memref<20000x128xf32, #tpu.memory_space<hbm>>) dst(%arg8 : memref<80x128xf32, #tpu.memory_space<vmem>>)
    %run_scoped3A_65 = arith.constant 24 : i32
    %run_scoped3A_66 = arith.constant 0 : i32
    "tpu.region"() ({
      %run_scoped3A_172 = tpu.sem_alloc : memref<!tpu.dma_semaphore, #tpu.memory_space<semaphore_mem>>
      %dma_start3A_173 = arith.constant 0 : i32
      %dma_start3A_174 = tpu.memref_slice %arg7[%run_scoped3A_65, %run_scoped3A_66, %dma_start3A_173] : memref<25x1x80xi32, #tpu.memory_space<vmem>> -> memref<1x1x80xi32, #tpu.memory_space<vmem>>
      %dma_start3A_175 = tpu.memref_squeeze %dma_start3A_174 : memref<1x1x80xi32, #tpu.memory_space<vmem>> -> memref<80xi32, #tpu.memory_space<vmem>>
      %dma_start3A_176 = arith.constant 0 : i32
      %dma_start3A_177 = arith.constant 0 : i32
      %dma_start3A_178 = tpu.memref_slice %arg12[%dma_start3A_176, %dma_start3A_177] : memref<10000x128xf32, #tpu.memory_space<vmem_shared>> -> memref<10000x128xf32, #tpu.memory_space<vmem_shared>>
      tpu.enqueue_indirect_dma source(%arg8 : memref<80x128xf32, #tpu.memory_space<vmem>>) target(%dma_start3A_178 : memref<10000x128xf32, #tpu.memory_space<vmem_shared>>) offsets(%dma_start3A_175 : memref<80xi32, #tpu.memory_space<vmem>>) semaphore(%run_scoped3A_172 : memref<!tpu.dma_semaphore, #tpu.memory_space<semaphore_mem>>) {add = true}
      %dma_wait3A_179 = arith.constant 0 : i32
      %dma_wait3A_180 = tpu.memref_slice %arg7[%run_scoped3A_65, %run_scoped3A_66, %dma_wait3A_179] : memref<25x1x80xi32, #tpu.memory_space<vmem>> -> memref<1x1x80xi32, #tpu.memory_space<vmem>>
      %dma_wait3A_181 = tpu.memref_squeeze %dma_wait3A_180 : memref<1x1x80xi32, #tpu.memory_space<vmem>> -> memref<80xi32, #tpu.memory_space<vmem>>
      %dma_wait3A_182 = arith.constant 0 : i32
      %dma_wait3A_183 = arith.constant 0 : i32
      %dma_wait3A_184 = tpu.memref_slice %arg12[%dma_wait3A_182, %dma_wait3A_183] : memref<10000x128xf32, #tpu.memory_space<vmem_shared>> -> memref<10000x128xf32, #tpu.memory_space<vmem_shared>>
      tpu.wait_indirect_dma semaphore(%run_scoped3A_172 : memref<!tpu.dma_semaphore, #tpu.memory_space<semaphore_mem>>) src(%arg8 : memref<80x128xf32, #tpu.memory_space<vmem>>) dst(%dma_wait3A_184 : memref<10000x128xf32, #tpu.memory_space<vmem_shared>>)
      tpu.yield
    }) : () -> ()
    %mul3A_67 = arith.constant 160000 : i32
    %mul3A_68 = arith.muli %arg0, %mul3A_67 : i32
    %mul3A_69 = arith.constant 10000 : i32
    %mul3A_70 = arith.muli %arg1, %mul3A_69 : i32
    %add3A_71 = arith.addi %mul3A_68, %mul3A_70 : i32
    %add3A_72 = arith.constant 4000 : i32
    %add3A_73 = arith.addi %add3A_71, %add3A_72 : i32
    "tpu.region"() ({
      %run_scoped3A_172 = tpu.sem_alloc : memref<!tpu.dma_semaphore, #tpu.memory_space<semaphore_mem>>
      %dma_start3A_173 = tpu.memref_slice %arg3[%add3A_73] : memref<320000xi32, #tpu.memory_space<hbm>> -> memref<2000xi32, #tpu.memory_space<hbm>>
      %dma_start3A_174 = tpu.memref_slice %arg3[%add3A_73] : memref<320000xi32, #tpu.memory_space<hbm>> -> memref<2000xi32, #tpu.memory_space<hbm>>
      tpu.enqueue_dma source(%dma_start3A_174 : memref<2000xi32, #tpu.memory_space<hbm>>) target(%arg6 : memref<2000xi32, #tpu.memory_space<vmem>>) target_semaphore(%run_scoped3A_172 : memref<!tpu.dma_semaphore, #tpu.memory_space<semaphore_mem>>)
      %dma_wait3A_175 = tpu.memref_slice %arg3[%add3A_73] : memref<320000xi32, #tpu.memory_space<hbm>> -> memref<2000xi32, #tpu.memory_space<hbm>>
      %dma_wait3A_176 = tpu.memref_slice %arg3[%add3A_73] : memref<320000xi32, #tpu.memory_space<hbm>> -> memref<2000xi32, #tpu.memory_space<hbm>>
      tpu.wait_dma2 semaphore(%run_scoped3A_172 : memref<!tpu.dma_semaphore, #tpu.memory_space<semaphore_mem>>) src(%dma_wait3A_176 : memref<2000xi32, #tpu.memory_space<hbm>>) dst(%arg6 : memref<2000xi32, #tpu.memory_space<vmem>>)
      tpu.yield
    }) : () -> ()
    %mul3A_74 = arith.constant 125 : i32
    %mul3A_75 = arith.muli %arg1, %mul3A_74 : i32
    %add3A_76 = arith.constant 50 : i32
    %add3A_77 = arith.addi %mul3A_75, %add3A_76 : i32
    "tpu.region"() ({
      %run_scoped3A_172 = tpu.sem_alloc : memref<!tpu.dma_semaphore, #tpu.memory_space<semaphore_mem>>
      %dma_start3A_173 = arith.constant 0 : i32
      %dma_start3A_174 = arith.constant 0 : i32
      %dma_start3A_175 = tpu.memref_slice %arg4[%add3A_77, %dma_start3A_173, %dma_start3A_174] : memref<2000x1x80xi32, #tpu.memory_space<hbm>> -> memref<25x1x80xi32, #tpu.memory_space<hbm>>
      %dma_start3A_176 = arith.constant 0 : i32
      %dma_start3A_177 = arith.constant 0 : i32
      %dma_start3A_178 = tpu.memref_slice %arg4[%add3A_77, %dma_start3A_176, %dma_start3A_177] : memref<2000x1x80xi32, #tpu.memory_space<hbm>> -> memref<25x1x80xi32, #tpu.memory_space<hbm>>
      tpu.enqueue_dma source(%dma_start3A_178 : memref<25x1x80xi32, #tpu.memory_space<hbm>>) target(%arg7 : memref<25x1x80xi32, #tpu.memory_space<vmem>>) target_semaphore(%run_scoped3A_172 : memref<!tpu.dma_semaphore, #tpu.memory_space<semaphore_mem>>)
      %dma_wait3A_179 = arith.constant 0 : i32
      %dma_wait3A_180 = arith.constant 0 : i32
      %dma_wait3A_181 = tpu.memref_slice %arg4[%add3A_77, %dma_wait3A_179, %dma_wait3A_180] : memref<2000x1x80xi32, #tpu.memory_space<hbm>> -> memref<25x1x80xi32, #tpu.memory_space<hbm>>
      %dma_wait3A_182 = arith.constant 0 : i32
      %dma_wait3A_183 = arith.constant 0 : i32
      %dma_wait3A_184 = tpu.memref_slice %arg4[%add3A_77, %dma_wait3A_182, %dma_wait3A_183] : memref<2000x1x80xi32, #tpu.memory_space<hbm>> -> memref<25x1x80xi32, #tpu.memory_space<hbm>>
      tpu.wait_dma2 semaphore(%run_scoped3A_172 : memref<!tpu.dma_semaphore, #tpu.memory_space<semaphore_mem>>) src(%dma_wait3A_184 : memref<25x1x80xi32, #tpu.memory_space<hbm>>) dst(%arg7 : memref<25x1x80xi32, #tpu.memory_space<vmem>>)
      tpu.yield
    }) : () -> ()
    %dma_start3A_78 = arith.constant 0 : i32
    %dma_start3A_79 = tpu.memref_slice %arg6[%dma_start3A_78] : memref<2000xi32, #tpu.memory_space<vmem>> -> memref<80xi32, #tpu.memory_space<vmem>>
    %dma_start3A_80 = arith.constant 0 : i32
    %dma_start3A_81 = arith.constant 0 : i32
    %dma_start3A_82 = tpu.memref_slice %arg2[%dma_start3A_80, %dma_start3A_81] : memref<20000x128xf32, #tpu.memory_space<hbm>> -> memref<20000x128xf32, #tpu.memory_space<hbm>>
    tpu.enqueue_indirect_dma source(%dma_start3A_82 : memref<20000x128xf32, #tpu.memory_space<hbm>>) target(%arg8 : memref<80x128xf32, #tpu.memory_space<vmem>>) offsets(%dma_start3A_79 : memref<80xi32, #tpu.memory_space<vmem>>) semaphore(%arg10 : memref<!tpu.dma_semaphore, #tpu.memory_space<semaphore_mem>>)
    %dma_start3A_83 = arith.constant 80 : i32
    %dma_start3A_84 = tpu.memref_slice %arg6[%dma_start3A_83] : memref<2000xi32, #tpu.memory_space<vmem>> -> memref<80xi32, #tpu.memory_space<vmem>>
    %dma_start3A_85 = arith.constant 0 : i32
    %dma_start3A_86 = arith.constant 0 : i32
    %dma_start3A_87 = tpu.memref_slice %arg2[%dma_start3A_85, %dma_start3A_86] : memref<20000x128xf32, #tpu.memory_space<hbm>> -> memref<20000x128xf32, #tpu.memory_space<hbm>>
    tpu.enqueue_indirect_dma source(%dma_start3A_87 : memref<20000x128xf32, #tpu.memory_space<hbm>>) target(%arg9 : memref<80x128xf32, #tpu.memory_space<vmem>>) offsets(%dma_start3A_84 : memref<80xi32, #tpu.memory_space<vmem>>) semaphore(%arg11 : memref<!tpu.dma_semaphore, #tpu.memory_space<semaphore_mem>>)
    %scan3A_88 = arith.constant 0 : i32
    %scan3A_89 = arith.constant 12 : i32
    %scan3A_90 = arith.addi %scan3A_88, %scan3A_89 : i32
    %scan3A_91 = arith.constant 1 : i32
    scf.for %scan3A_172 = %scan3A_88 to %scan3A_90 step %scan3A_91  : i32 {
      %mul3A_173 = arith.constant 2 : i32
      %mul3A_174 = arith.muli %mul3A_173, %scan3A_172 : i32
      %add3A_175 = arith.constant 1 : i32
      %add3A_176 = arith.addi %mul3A_174, %add3A_175 : i32
      %mul3A_177 = arith.constant 80 : i32
      %mul3A_178 = arith.muli %mul3A_174, %mul3A_177 : i32
      %dma_wait3A_179 = tpu.memref_slice %arg6[%mul3A_178] : memref<2000xi32, #tpu.memory_space<vmem>> -> memref<80xi32, #tpu.memory_space<vmem>>
      %dma_wait3A_180 = arith.constant 0 : i32
      %dma_wait3A_181 = arith.constant 0 : i32
      %dma_wait3A_182 = tpu.memref_slice %arg2[%dma_wait3A_180, %dma_wait3A_181] : memref<20000x128xf32, #tpu.memory_space<hbm>> -> memref<20000x128xf32, #tpu.memory_space<hbm>>
      tpu.wait_indirect_dma semaphore(%arg10 : memref<!tpu.dma_semaphore, #tpu.memory_space<semaphore_mem>>) src(%dma_wait3A_182 : memref<20000x128xf32, #tpu.memory_space<hbm>>) dst(%arg8 : memref<80x128xf32, #tpu.memory_space<vmem>>)
      %run_scoped3A_183 = arith.constant 0 : i32
      "tpu.region"() ({
        %run_scoped3A_204 = tpu.sem_alloc : memref<!tpu.dma_semaphore, #tpu.memory_space<semaphore_mem>>
        %dma_start3A_205 = arith.constant 0 : i32
        %dma_start3A_206 = tpu.memref_slice %arg7[%mul3A_174, %run_scoped3A_183, %dma_start3A_205] : memref<25x1x80xi32, #tpu.memory_space<vmem>> -> memref<1x1x80xi32, #tpu.memory_space<vmem>>
        %dma_start3A_207 = tpu.memref_squeeze %dma_start3A_206 : memref<1x1x80xi32, #tpu.memory_space<vmem>> -> memref<80xi32, #tpu.memory_space<vmem>>
        %dma_start3A_208 = arith.constant 0 : i32
        %dma_start3A_209 = arith.constant 0 : i32
        %dma_start3A_210 = tpu.memref_slice %arg12[%dma_start3A_208, %dma_start3A_209] : memref<10000x128xf32, #tpu.memory_space<vmem_shared>> -> memref<10000x128xf32, #tpu.memory_space<vmem_shared>>
        tpu.enqueue_indirect_dma source(%arg8 : memref<80x128xf32, #tpu.memory_space<vmem>>) target(%dma_start3A_210 : memref<10000x128xf32, #tpu.memory_space<vmem_shared>>) offsets(%dma_start3A_207 : memref<80xi32, #tpu.memory_space<vmem>>) semaphore(%run_scoped3A_204 : memref<!tpu.dma_semaphore, #tpu.memory_space<semaphore_mem>>) {add = true}
        %dma_wait3A_211 = arith.constant 0 : i32
        %dma_wait3A_212 = tpu.memref_slice %arg7[%mul3A_174, %run_scoped3A_183, %dma_wait3A_211] : memref<25x1x80xi32, #tpu.memory_space<vmem>> -> memref<1x1x80xi32, #tpu.memory_space<vmem>>
        %dma_wait3A_213 = tpu.memref_squeeze %dma_wait3A_212 : memref<1x1x80xi32, #tpu.memory_space<vmem>> -> memref<80xi32, #tpu.memory_space<vmem>>
        %dma_wait3A_214 = arith.constant 0 : i32
        %dma_wait3A_215 = arith.constant 0 : i32
        %dma_wait3A_216 = tpu.memref_slice %arg12[%dma_wait3A_214, %dma_wait3A_215] : memref<10000x128xf32, #tpu.memory_space<vmem_shared>> -> memref<10000x128xf32, #tpu.memory_space<vmem_shared>>
        tpu.wait_indirect_dma semaphore(%run_scoped3A_204 : memref<!tpu.dma_semaphore, #tpu.memory_space<semaphore_mem>>) src(%arg8 : memref<80x128xf32, #tpu.memory_space<vmem>>) dst(%dma_wait3A_216 : memref<10000x128xf32, #tpu.memory_space<vmem_shared>>)
        tpu.yield
      }) : () -> ()
      %add3A_184 = arith.constant 2 : i32
      %add3A_185 = arith.addi %mul3A_174, %add3A_184 : i32
      %lt3A = arith.constant 25 : i32
      %lt3A_186 = arith.cmpi slt, %add3A_185, %lt3A : i32
      %convert_element_type3A_187 = arith.extui %lt3A_186 : i1 to i32
      %cond3A_188 = arith.constant 0 : i32
      %cond3A_189 = arith.cmpi ne, %convert_element_type3A_187, %cond3A_188 : i32
      scf.if %cond3A_189 {
        %add3A_204 = arith.constant 2 : i32
        %add3A_205 = arith.addi %mul3A_174, %add3A_204 : i32
        %mul3A_206 = arith.constant 80 : i32
        %mul3A_207 = arith.muli %add3A_205, %mul3A_206 : i32
        %dma_start3A_208 = tpu.memref_slice %arg6[%mul3A_207] : memref<2000xi32, #tpu.memory_space<vmem>> -> memref<80xi32, #tpu.memory_space<vmem>>
        %dma_start3A_209 = arith.constant 0 : i32
        %dma_start3A_210 = arith.constant 0 : i32
        %dma_start3A_211 = tpu.memref_slice %arg2[%dma_start3A_209, %dma_start3A_210] : memref<20000x128xf32, #tpu.memory_space<hbm>> -> memref<20000x128xf32, #tpu.memory_space<hbm>>
        tpu.enqueue_indirect_dma source(%dma_start3A_211 : memref<20000x128xf32, #tpu.memory_space<hbm>>) target(%arg8 : memref<80x128xf32, #tpu.memory_space<vmem>>) offsets(%dma_start3A_208 : memref<80xi32, #tpu.memory_space<vmem>>) semaphore(%arg10 : memref<!tpu.dma_semaphore, #tpu.memory_space<semaphore_mem>>)
      } else {
      }
      %mul3A_190 = arith.constant 80 : i32
      %mul3A_191 = arith.muli %add3A_176, %mul3A_190 : i32
      %dma_wait3A_192 = tpu.memref_slice %arg6[%mul3A_191] : memref<2000xi32, #tpu.memory_space<vmem>> -> memref<80xi32, #tpu.memory_space<vmem>>
      %dma_wait3A_193 = arith.constant 0 : i32
      %dma_wait3A_194 = arith.constant 0 : i32
      %dma_wait3A_195 = tpu.memref_slice %arg2[%dma_wait3A_193, %dma_wait3A_194] : memref<20000x128xf32, #tpu.memory_space<hbm>> -> memref<20000x128xf32, #tpu.memory_space<hbm>>
      tpu.wait_indirect_dma semaphore(%arg11 : memref<!tpu.dma_semaphore, #tpu.memory_space<semaphore_mem>>) src(%dma_wait3A_195 : memref<20000x128xf32, #tpu.memory_space<hbm>>) dst(%arg9 : memref<80x128xf32, #tpu.memory_space<vmem>>)
      %run_scoped3A_196 = arith.constant 0 : i32
      "tpu.region"() ({
        %run_scoped3A_204 = tpu.sem_alloc : memref<!tpu.dma_semaphore, #tpu.memory_space<semaphore_mem>>
        %dma_start3A_205 = arith.constant 0 : i32
        %dma_start3A_206 = tpu.memref_slice %arg7[%add3A_176, %run_scoped3A_196, %dma_start3A_205] : memref<25x1x80xi32, #tpu.memory_space<vmem>> -> memref<1x1x80xi32, #tpu.memory_space<vmem>>
        %dma_start3A_207 = tpu.memref_squeeze %dma_start3A_206 : memref<1x1x80xi32, #tpu.memory_space<vmem>> -> memref<80xi32, #tpu.memory_space<vmem>>
        %dma_start3A_208 = arith.constant 0 : i32
        %dma_start3A_209 = arith.constant 0 : i32
        %dma_start3A_210 = tpu.memref_slice %arg12[%dma_start3A_208, %dma_start3A_209] : memref<10000x128xf32, #tpu.memory_space<vmem_shared>> -> memref<10000x128xf32, #tpu.memory_space<vmem_shared>>
        tpu.enqueue_indirect_dma source(%arg9 : memref<80x128xf32, #tpu.memory_space<vmem>>) target(%dma_start3A_210 : memref<10000x128xf32, #tpu.memory_space<vmem_shared>>) offsets(%dma_start3A_207 : memref<80xi32, #tpu.memory_space<vmem>>) semaphore(%run_scoped3A_204 : memref<!tpu.dma_semaphore, #tpu.memory_space<semaphore_mem>>) {add = true}
        %dma_wait3A_211 = arith.constant 0 : i32
        %dma_wait3A_212 = tpu.memref_slice %arg7[%add3A_176, %run_scoped3A_196, %dma_wait3A_211] : memref<25x1x80xi32, #tpu.memory_space<vmem>> -> memref<1x1x80xi32, #tpu.memory_space<vmem>>
        %dma_wait3A_213 = tpu.memref_squeeze %dma_wait3A_212 : memref<1x1x80xi32, #tpu.memory_space<vmem>> -> memref<80xi32, #tpu.memory_space<vmem>>
        %dma_wait3A_214 = arith.constant 0 : i32
        %dma_wait3A_215 = arith.constant 0 : i32
        %dma_wait3A_216 = tpu.memref_slice %arg12[%dma_wait3A_214, %dma_wait3A_215] : memref<10000x128xf32, #tpu.memory_space<vmem_shared>> -> memref<10000x128xf32, #tpu.memory_space<vmem_shared>>
        tpu.wait_indirect_dma semaphore(%run_scoped3A_204 : memref<!tpu.dma_semaphore, #tpu.memory_space<semaphore_mem>>) src(%arg9 : memref<80x128xf32, #tpu.memory_space<vmem>>) dst(%dma_wait3A_216 : memref<10000x128xf32, #tpu.memory_space<vmem_shared>>)
        tpu.yield
      }) : () -> ()
      %add3A_197 = arith.constant 2 : i32
      %add3A_198 = arith.addi %add3A_176, %add3A_197 : i32
      %lt3A_199 = arith.constant 25 : i32
      %lt3A_200 = arith.cmpi slt, %add3A_198, %lt3A_199 : i32
      %convert_element_type3A_201 = arith.extui %lt3A_200 : i1 to i32
      %cond3A_202 = arith.constant 0 : i32
      %cond3A_203 = arith.cmpi ne, %convert_element_type3A_201, %cond3A_202 : i32
      scf.if %cond3A_203 {
        %add3A_204 = arith.constant 2 : i32
        %add3A_205 = arith.addi %add3A_176, %add3A_204 : i32
        %mul3A_206 = arith.constant 80 : i32
        %mul3A_207 = arith.muli %add3A_205, %mul3A_206 : i32
        %dma_start3A_208 = tpu.memref_slice %arg6[%mul3A_207] : memref<2000xi32, #tpu.memory_space<vmem>> -> memref<80xi32, #tpu.memory_space<vmem>>
        %dma_start3A_209 = arith.constant 0 : i32
        %dma_start3A_210 = arith.constant 0 : i32
        %dma_start3A_211 = tpu.memref_slice %arg2[%dma_start3A_209, %dma_start3A_210] : memref<20000x128xf32, #tpu.memory_space<hbm>> -> memref<20000x128xf32, #tpu.memory_space<hbm>>
        tpu.enqueue_indirect_dma source(%dma_start3A_211 : memref<20000x128xf32, #tpu.memory_space<hbm>>) target(%arg9 : memref<80x128xf32, #tpu.memory_space<vmem>>) offsets(%dma_start3A_208 : memref<80xi32, #tpu.memory_space<vmem>>) semaphore(%arg11 : memref<!tpu.dma_semaphore, #tpu.memory_space<semaphore_mem>>)
      } else {
      }
    }
    %scan3A_92 = arith.constant 12 : i32
    %dma_wait3A_93 = arith.constant 1920 : i32
    %dma_wait3A_94 = tpu.memref_slice %arg6[%dma_wait3A_93] : memref<2000xi32, #tpu.memory_space<vmem>> -> memref<80xi32, #tpu.memory_space<vmem>>
    %dma_wait3A_95 = arith.constant 0 : i32
    %dma_wait3A_96 = arith.constant 0 : i32
    %dma_wait3A_97 = tpu.memref_slice %arg2[%dma_wait3A_95, %dma_wait3A_96] : memref<20000x128xf32, #tpu.memory_space<hbm>> -> memref<20000x128xf32, #tpu.memory_space<hbm>>
    tpu.wait_indirect_dma semaphore(%arg10 : memref<!tpu.dma_semaphore, #tpu.memory_space<semaphore_mem>>) src(%dma_wait3A_97 : memref<20000x128xf32, #tpu.memory_space<hbm>>) dst(%arg8 : memref<80x128xf32, #tpu.memory_space<vmem>>)
    %run_scoped3A_98 = arith.constant 24 : i32
    %run_scoped3A_99 = arith.constant 0 : i32
    "tpu.region"() ({
      %run_scoped3A_172 = tpu.sem_alloc : memref<!tpu.dma_semaphore, #tpu.memory_space<semaphore_mem>>
      %dma_start3A_173 = arith.constant 0 : i32
      %dma_start3A_174 = tpu.memref_slice %arg7[%run_scoped3A_98, %run_scoped3A_99, %dma_start3A_173] : memref<25x1x80xi32, #tpu.memory_space<vmem>> -> memref<1x1x80xi32, #tpu.memory_space<vmem>>
      %dma_start3A_175 = tpu.memref_squeeze %dma_start3A_174 : memref<1x1x80xi32, #tpu.memory_space<vmem>> -> memref<80xi32, #tpu.memory_space<vmem>>
      %dma_start3A_176 = arith.constant 0 : i32
      %dma_start3A_177 = arith.constant 0 : i32
      %dma_start3A_178 = tpu.memref_slice %arg12[%dma_start3A_176, %dma_start3A_177] : memref<10000x128xf32, #tpu.memory_space<vmem_shared>> -> memref<10000x128xf32, #tpu.memory_space<vmem_shared>>
      tpu.enqueue_indirect_dma source(%arg8 : memref<80x128xf32, #tpu.memory_space<vmem>>) target(%dma_start3A_178 : memref<10000x128xf32, #tpu.memory_space<vmem_shared>>) offsets(%dma_start3A_175 : memref<80xi32, #tpu.memory_space<vmem>>) semaphore(%run_scoped3A_172 : memref<!tpu.dma_semaphore, #tpu.memory_space<semaphore_mem>>) {add = true}
      %dma_wait3A_179 = arith.constant 0 : i32
      %dma_wait3A_180 = tpu.memref_slice %arg7[%run_scoped3A_98, %run_scoped3A_99, %dma_wait3A_179] : memref<25x1x80xi32, #tpu.memory_space<vmem>> -> memref<1x1x80xi32, #tpu.memory_space<vmem>>
      %dma_wait3A_181 = tpu.memref_squeeze %dma_wait3A_180 : memref<1x1x80xi32, #tpu.memory_space<vmem>> -> memref<80xi32, #tpu.memory_space<vmem>>
      %dma_wait3A_182 = arith.constant 0 : i32
      %dma_wait3A_183 = arith.constant 0 : i32
      %dma_wait3A_184 = tpu.memref_slice %arg12[%dma_wait3A_182, %dma_wait3A_183] : memref<10000x128xf32, #tpu.memory_space<vmem_shared>> -> memref<10000x128xf32, #tpu.memory_space<vmem_shared>>
      tpu.wait_indirect_dma semaphore(%run_scoped3A_172 : memref<!tpu.dma_semaphore, #tpu.memory_space<semaphore_mem>>) src(%arg8 : memref<80x128xf32, #tpu.memory_space<vmem>>) dst(%dma_wait3A_184 : memref<10000x128xf32, #tpu.memory_space<vmem_shared>>)
      tpu.yield
    }) : () -> ()
    %mul3A_100 = arith.constant 160000 : i32
    %mul3A_101 = arith.muli %arg0, %mul3A_100 : i32
    %mul3A_102 = arith.constant 10000 : i32
    %mul3A_103 = arith.muli %arg1, %mul3A_102 : i32
    %add3A_104 = arith.addi %mul3A_101, %mul3A_103 : i32
    %add3A_105 = arith.constant 6000 : i32
    %add3A_106 = arith.addi %add3A_104, %add3A_105 : i32
    "tpu.region"() ({
      %run_scoped3A_172 = tpu.sem_alloc : memref<!tpu.dma_semaphore, #tpu.memory_space<semaphore_mem>>
      %dma_start3A_173 = tpu.memref_slice %arg3[%add3A_106] : memref<320000xi32, #tpu.memory_space<hbm>> -> memref<2000xi32, #tpu.memory_space<hbm>>
      %dma_start3A_174 = tpu.memref_slice %arg3[%add3A_106] : memref<320000xi32, #tpu.memory_space<hbm>> -> memref<2000xi32, #tpu.memory_space<hbm>>
      tpu.enqueue_dma source(%dma_start3A_174 : memref<2000xi32, #tpu.memory_space<hbm>>) target(%arg6 : memref<2000xi32, #tpu.memory_space<vmem>>) target_semaphore(%run_scoped3A_172 : memref<!tpu.dma_semaphore, #tpu.memory_space<semaphore_mem>>)
      %dma_wait3A_175 = tpu.memref_slice %arg3[%add3A_106] : memref<320000xi32, #tpu.memory_space<hbm>> -> memref<2000xi32, #tpu.memory_space<hbm>>
      %dma_wait3A_176 = tpu.memref_slice %arg3[%add3A_106] : memref<320000xi32, #tpu.memory_space<hbm>> -> memref<2000xi32, #tpu.memory_space<hbm>>
      tpu.wait_dma2 semaphore(%run_scoped3A_172 : memref<!tpu.dma_semaphore, #tpu.memory_space<semaphore_mem>>) src(%dma_wait3A_176 : memref<2000xi32, #tpu.memory_space<hbm>>) dst(%arg6 : memref<2000xi32, #tpu.memory_space<vmem>>)
      tpu.yield
    }) : () -> ()
    %mul3A_107 = arith.constant 125 : i32
    %mul3A_108 = arith.muli %arg1, %mul3A_107 : i32
    %add3A_109 = arith.constant 75 : i32
    %add3A_110 = arith.addi %mul3A_108, %add3A_109 : i32
    "tpu.region"() ({
      %run_scoped3A_172 = tpu.sem_alloc : memref<!tpu.dma_semaphore, #tpu.memory_space<semaphore_mem>>
      %dma_start3A_173 = arith.constant 0 : i32
      %dma_start3A_174 = arith.constant 0 : i32
      %dma_start3A_175 = tpu.memref_slice %arg4[%add3A_110, %dma_start3A_173, %dma_start3A_174] : memref<2000x1x80xi32, #tpu.memory_space<hbm>> -> memref<25x1x80xi32, #tpu.memory_space<hbm>>
      %dma_start3A_176 = arith.constant 0 : i32
      %dma_start3A_177 = arith.constant 0 : i32
      %dma_start3A_178 = tpu.memref_slice %arg4[%add3A_110, %dma_start3A_176, %dma_start3A_177] : memref<2000x1x80xi32, #tpu.memory_space<hbm>> -> memref<25x1x80xi32, #tpu.memory_space<hbm>>
      tpu.enqueue_dma source(%dma_start3A_178 : memref<25x1x80xi32, #tpu.memory_space<hbm>>) target(%arg7 : memref<25x1x80xi32, #tpu.memory_space<vmem>>) target_semaphore(%run_scoped3A_172 : memref<!tpu.dma_semaphore, #tpu.memory_space<semaphore_mem>>)
      %dma_wait3A_179 = arith.constant 0 : i32
      %dma_wait3A_180 = arith.constant 0 : i32
      %dma_wait3A_181 = tpu.memref_slice %arg4[%add3A_110, %dma_wait3A_179, %dma_wait3A_180] : memref<2000x1x80xi32, #tpu.memory_space<hbm>> -> memref<25x1x80xi32, #tpu.memory_space<hbm>>
      %dma_wait3A_182 = arith.constant 0 : i32
      %dma_wait3A_183 = arith.constant 0 : i32
      %dma_wait3A_184 = tpu.memref_slice %arg4[%add3A_110, %dma_wait3A_182, %dma_wait3A_183] : memref<2000x1x80xi32, #tpu.memory_space<hbm>> -> memref<25x1x80xi32, #tpu.memory_space<hbm>>
      tpu.wait_dma2 semaphore(%run_scoped3A_172 : memref<!tpu.dma_semaphore, #tpu.memory_space<semaphore_mem>>) src(%dma_wait3A_184 : memref<25x1x80xi32, #tpu.memory_space<hbm>>) dst(%arg7 : memref<25x1x80xi32, #tpu.memory_space<vmem>>)
      tpu.yield
    }) : () -> ()
    %dma_start3A_111 = arith.constant 0 : i32
    %dma_start3A_112 = tpu.memref_slice %arg6[%dma_start3A_111] : memref<2000xi32, #tpu.memory_space<vmem>> -> memref<80xi32, #tpu.memory_space<vmem>>
    %dma_start3A_113 = arith.constant 0 : i32
    %dma_start3A_114 = arith.constant 0 : i32
    %dma_start3A_115 = tpu.memref_slice %arg2[%dma_start3A_113, %dma_start3A_114] : memref<20000x128xf32, #tpu.memory_space<hbm>> -> memref<20000x128xf32, #tpu.memory_space<hbm>>
    tpu.enqueue_indirect_dma source(%dma_start3A_115 : memref<20000x128xf32, #tpu.memory_space<hbm>>) target(%arg8 : memref<80x128xf32, #tpu.memory_space<vmem>>) offsets(%dma_start3A_112 : memref<80xi32, #tpu.memory_space<vmem>>) semaphore(%arg10 : memref<!tpu.dma_semaphore, #tpu.memory_space<semaphore_mem>>)
    %dma_start3A_116 = arith.constant 80 : i32
    %dma_start3A_117 = tpu.memref_slice %arg6[%dma_start3A_116] : memref<2000xi32, #tpu.memory_space<vmem>> -> memref<80xi32, #tpu.memory_space<vmem>>
    %dma_start3A_118 = arith.constant 0 : i32
    %dma_start3A_119 = arith.constant 0 : i32
    %dma_start3A_120 = tpu.memref_slice %arg2[%dma_start3A_118, %dma_start3A_119] : memref<20000x128xf32, #tpu.memory_space<hbm>> -> memref<20000x128xf32, #tpu.memory_space<hbm>>
    tpu.enqueue_indirect_dma source(%dma_start3A_120 : memref<20000x128xf32, #tpu.memory_space<hbm>>) target(%arg9 : memref<80x128xf32, #tpu.memory_space<vmem>>) offsets(%dma_start3A_117 : memref<80xi32, #tpu.memory_space<vmem>>) semaphore(%arg11 : memref<!tpu.dma_semaphore, #tpu.memory_space<semaphore_mem>>)
    %scan3A_121 = arith.constant 0 : i32
    %scan3A_122 = arith.constant 12 : i32
    %scan3A_123 = arith.addi %scan3A_121, %scan3A_122 : i32
    %scan3A_124 = arith.constant 1 : i32
    scf.for %scan3A_172 = %scan3A_121 to %scan3A_123 step %scan3A_124  : i32 {
      %mul3A_173 = arith.constant 2 : i32
      %mul3A_174 = arith.muli %mul3A_173, %scan3A_172 : i32
      %add3A_175 = arith.constant 1 : i32
      %add3A_176 = arith.addi %mul3A_174, %add3A_175 : i32
      %mul3A_177 = arith.constant 80 : i32
      %mul3A_178 = arith.muli %mul3A_174, %mul3A_177 : i32
      %dma_wait3A_179 = tpu.memref_slice %arg6[%mul3A_178] : memref<2000xi32, #tpu.memory_space<vmem>> -> memref<80xi32, #tpu.memory_space<vmem>>
      %dma_wait3A_180 = arith.constant 0 : i32
      %dma_wait3A_181 = arith.constant 0 : i32
      %dma_wait3A_182 = tpu.memref_slice %arg2[%dma_wait3A_180, %dma_wait3A_181] : memref<20000x128xf32, #tpu.memory_space<hbm>> -> memref<20000x128xf32, #tpu.memory_space<hbm>>
      tpu.wait_indirect_dma semaphore(%arg10 : memref<!tpu.dma_semaphore, #tpu.memory_space<semaphore_mem>>) src(%dma_wait3A_182 : memref<20000x128xf32, #tpu.memory_space<hbm>>) dst(%arg8 : memref<80x128xf32, #tpu.memory_space<vmem>>)
      %run_scoped3A_183 = arith.constant 0 : i32
      "tpu.region"() ({
        %run_scoped3A_204 = tpu.sem_alloc : memref<!tpu.dma_semaphore, #tpu.memory_space<semaphore_mem>>
        %dma_start3A_205 = arith.constant 0 : i32
        %dma_start3A_206 = tpu.memref_slice %arg7[%mul3A_174, %run_scoped3A_183, %dma_start3A_205] : memref<25x1x80xi32, #tpu.memory_space<vmem>> -> memref<1x1x80xi32, #tpu.memory_space<vmem>>
        %dma_start3A_207 = tpu.memref_squeeze %dma_start3A_206 : memref<1x1x80xi32, #tpu.memory_space<vmem>> -> memref<80xi32, #tpu.memory_space<vmem>>
        %dma_start3A_208 = arith.constant 0 : i32
        %dma_start3A_209 = arith.constant 0 : i32
        %dma_start3A_210 = tpu.memref_slice %arg12[%dma_start3A_208, %dma_start3A_209] : memref<10000x128xf32, #tpu.memory_space<vmem_shared>> -> memref<10000x128xf32, #tpu.memory_space<vmem_shared>>
        tpu.enqueue_indirect_dma source(%arg8 : memref<80x128xf32, #tpu.memory_space<vmem>>) target(%dma_start3A_210 : memref<10000x128xf32, #tpu.memory_space<vmem_shared>>) offsets(%dma_start3A_207 : memref<80xi32, #tpu.memory_space<vmem>>) semaphore(%run_scoped3A_204 : memref<!tpu.dma_semaphore, #tpu.memory_space<semaphore_mem>>) {add = true}
        %dma_wait3A_211 = arith.constant 0 : i32
        %dma_wait3A_212 = tpu.memref_slice %arg7[%mul3A_174, %run_scoped3A_183, %dma_wait3A_211] : memref<25x1x80xi32, #tpu.memory_space<vmem>> -> memref<1x1x80xi32, #tpu.memory_space<vmem>>
        %dma_wait3A_213 = tpu.memref_squeeze %dma_wait3A_212 : memref<1x1x80xi32, #tpu.memory_space<vmem>> -> memref<80xi32, #tpu.memory_space<vmem>>
        %dma_wait3A_214 = arith.constant 0 : i32
        %dma_wait3A_215 = arith.constant 0 : i32
        %dma_wait3A_216 = tpu.memref_slice %arg12[%dma_wait3A_214, %dma_wait3A_215] : memref<10000x128xf32, #tpu.memory_space<vmem_shared>> -> memref<10000x128xf32, #tpu.memory_space<vmem_shared>>
        tpu.wait_indirect_dma semaphore(%run_scoped3A_204 : memref<!tpu.dma_semaphore, #tpu.memory_space<semaphore_mem>>) src(%arg8 : memref<80x128xf32, #tpu.memory_space<vmem>>) dst(%dma_wait3A_216 : memref<10000x128xf32, #tpu.memory_space<vmem_shared>>)
        tpu.yield
      }) : () -> ()
      %add3A_184 = arith.constant 2 : i32
      %add3A_185 = arith.addi %mul3A_174, %add3A_184 : i32
      %lt3A = arith.constant 25 : i32
      %lt3A_186 = arith.cmpi slt, %add3A_185, %lt3A : i32
      %convert_element_type3A_187 = arith.extui %lt3A_186 : i1 to i32
      %cond3A_188 = arith.constant 0 : i32
      %cond3A_189 = arith.cmpi ne, %convert_element_type3A_187, %cond3A_188 : i32
      scf.if %cond3A_189 {
        %add3A_204 = arith.constant 2 : i32
        %add3A_205 = arith.addi %mul3A_174, %add3A_204 : i32
        %mul3A_206 = arith.constant 80 : i32
        %mul3A_207 = arith.muli %add3A_205, %mul3A_206 : i32
        %dma_start3A_208 = tpu.memref_slice %arg6[%mul3A_207] : memref<2000xi32, #tpu.memory_space<vmem>> -> memref<80xi32, #tpu.memory_space<vmem>>
        %dma_start3A_209 = arith.constant 0 : i32
        %dma_start3A_210 = arith.constant 0 : i32
        %dma_start3A_211 = tpu.memref_slice %arg2[%dma_start3A_209, %dma_start3A_210] : memref<20000x128xf32, #tpu.memory_space<hbm>> -> memref<20000x128xf32, #tpu.memory_space<hbm>>
        tpu.enqueue_indirect_dma source(%dma_start3A_211 : memref<20000x128xf32, #tpu.memory_space<hbm>>) target(%arg8 : memref<80x128xf32, #tpu.memory_space<vmem>>) offsets(%dma_start3A_208 : memref<80xi32, #tpu.memory_space<vmem>>) semaphore(%arg10 : memref<!tpu.dma_semaphore, #tpu.memory_space<semaphore_mem>>)
      } else {
      }
      %mul3A_190 = arith.constant 80 : i32
      %mul3A_191 = arith.muli %add3A_176, %mul3A_190 : i32
      %dma_wait3A_192 = tpu.memref_slice %arg6[%mul3A_191] : memref<2000xi32, #tpu.memory_space<vmem>> -> memref<80xi32, #tpu.memory_space<vmem>>
      %dma_wait3A_193 = arith.constant 0 : i32
      %dma_wait3A_194 = arith.constant 0 : i32
      %dma_wait3A_195 = tpu.memref_slice %arg2[%dma_wait3A_193, %dma_wait3A_194] : memref<20000x128xf32, #tpu.memory_space<hbm>> -> memref<20000x128xf32, #tpu.memory_space<hbm>>
      tpu.wait_indirect_dma semaphore(%arg11 : memref<!tpu.dma_semaphore, #tpu.memory_space<semaphore_mem>>) src(%dma_wait3A_195 : memref<20000x128xf32, #tpu.memory_space<hbm>>) dst(%arg9 : memref<80x128xf32, #tpu.memory_space<vmem>>)
      %run_scoped3A_196 = arith.constant 0 : i32
      "tpu.region"() ({
        %run_scoped3A_204 = tpu.sem_alloc : memref<!tpu.dma_semaphore, #tpu.memory_space<semaphore_mem>>
        %dma_start3A_205 = arith.constant 0 : i32
        %dma_start3A_206 = tpu.memref_slice %arg7[%add3A_176, %run_scoped3A_196, %dma_start3A_205] : memref<25x1x80xi32, #tpu.memory_space<vmem>> -> memref<1x1x80xi32, #tpu.memory_space<vmem>>
        %dma_start3A_207 = tpu.memref_squeeze %dma_start3A_206 : memref<1x1x80xi32, #tpu.memory_space<vmem>> -> memref<80xi32, #tpu.memory_space<vmem>>
        %dma_start3A_208 = arith.constant 0 : i32
        %dma_start3A_209 = arith.constant 0 : i32
        %dma_start3A_210 = tpu.memref_slice %arg12[%dma_start3A_208, %dma_start3A_209] : memref<10000x128xf32, #tpu.memory_space<vmem_shared>> -> memref<10000x128xf32, #tpu.memory_space<vmem_shared>>
        tpu.enqueue_indirect_dma source(%arg9 : memref<80x128xf32, #tpu.memory_space<vmem>>) target(%dma_start3A_210 : memref<10000x128xf32, #tpu.memory_space<vmem_shared>>) offsets(%dma_start3A_207 : memref<80xi32, #tpu.memory_space<vmem>>) semaphore(%run_scoped3A_204 : memref<!tpu.dma_semaphore, #tpu.memory_space<semaphore_mem>>) {add = true}
        %dma_wait3A_211 = arith.constant 0 : i32
        %dma_wait3A_212 = tpu.memref_slice %arg7[%add3A_176, %run_scoped3A_196, %dma_wait3A_211] : memref<25x1x80xi32, #tpu.memory_space<vmem>> -> memref<1x1x80xi32, #tpu.memory_space<vmem>>
        %dma_wait3A_213 = tpu.memref_squeeze %dma_wait3A_212 : memref<1x1x80xi32, #tpu.memory_space<vmem>> -> memref<80xi32, #tpu.memory_space<vmem>>
        %dma_wait3A_214 = arith.constant 0 : i32
        %dma_wait3A_215 = arith.constant 0 : i32
        %dma_wait3A_216 = tpu.memref_slice %arg12[%dma_wait3A_214, %dma_wait3A_215] : memref<10000x128xf32, #tpu.memory_space<vmem_shared>> -> memref<10000x128xf32, #tpu.memory_space<vmem_shared>>
        tpu.wait_indirect_dma semaphore(%run_scoped3A_204 : memref<!tpu.dma_semaphore, #tpu.memory_space<semaphore_mem>>) src(%arg9 : memref<80x128xf32, #tpu.memory_space<vmem>>) dst(%dma_wait3A_216 : memref<10000x128xf32, #tpu.memory_space<vmem_shared>>)
        tpu.yield
      }) : () -> ()
      %add3A_197 = arith.constant 2 : i32
      %add3A_198 = arith.addi %add3A_176, %add3A_197 : i32
      %lt3A_199 = arith.constant 25 : i32
      %lt3A_200 = arith.cmpi slt, %add3A_198, %lt3A_199 : i32
      %convert_element_type3A_201 = arith.extui %lt3A_200 : i1 to i32
      %cond3A_202 = arith.constant 0 : i32
      %cond3A_203 = arith.cmpi ne, %convert_element_type3A_201, %cond3A_202 : i32
      scf.if %cond3A_203 {
        %add3A_204 = arith.constant 2 : i32
        %add3A_205 = arith.addi %add3A_176, %add3A_204 : i32
        %mul3A_206 = arith.constant 80 : i32
        %mul3A_207 = arith.muli %add3A_205, %mul3A_206 : i32
        %dma_start3A_208 = tpu.memref_slice %arg6[%mul3A_207] : memref<2000xi32, #tpu.memory_space<vmem>> -> memref<80xi32, #tpu.memory_space<vmem>>
        %dma_start3A_209 = arith.constant 0 : i32
        %dma_start3A_210 = arith.constant 0 : i32
        %dma_start3A_211 = tpu.memref_slice %arg2[%dma_start3A_209, %dma_start3A_210] : memref<20000x128xf32, #tpu.memory_space<hbm>> -> memref<20000x128xf32, #tpu.memory_space<hbm>>
        tpu.enqueue_indirect_dma source(%dma_start3A_211 : memref<20000x128xf32, #tpu.memory_space<hbm>>) target(%arg9 : memref<80x128xf32, #tpu.memory_space<vmem>>) offsets(%dma_start3A_208 : memref<80xi32, #tpu.memory_space<vmem>>) semaphore(%arg11 : memref<!tpu.dma_semaphore, #tpu.memory_space<semaphore_mem>>)
      } else {
      }
    }
    %scan3A_125 = arith.constant 12 : i32
    %dma_wait3A_126 = arith.constant 1920 : i32
    %dma_wait3A_127 = tpu.memref_slice %arg6[%dma_wait3A_126] : memref<2000xi32, #tpu.memory_space<vmem>> -> memref<80xi32, #tpu.memory_space<vmem>>
    %dma_wait3A_128 = arith.constant 0 : i32
    %dma_wait3A_129 = arith.constant 0 : i32
    %dma_wait3A_130 = tpu.memref_slice %arg2[%dma_wait3A_128, %dma_wait3A_129] : memref<20000x128xf32, #tpu.memory_space<hbm>> -> memref<20000x128xf32, #tpu.memory_space<hbm>>
    tpu.wait_indirect_dma semaphore(%arg10 : memref<!tpu.dma_semaphore, #tpu.memory_space<semaphore_mem>>) src(%dma_wait3A_130 : memref<20000x128xf32, #tpu.memory_space<hbm>>) dst(%arg8 : memref<80x128xf32, #tpu.memory_space<vmem>>)
    %run_scoped3A_131 = arith.constant 24 : i32
    %run_scoped3A_132 = arith.constant 0 : i32
    "tpu.region"() ({
      %run_scoped3A_172 = tpu.sem_alloc : memref<!tpu.dma_semaphore, #tpu.memory_space<semaphore_mem>>
      %dma_start3A_173 = arith.constant 0 : i32
      %dma_start3A_174 = tpu.memref_slice %arg7[%run_scoped3A_131, %run_scoped3A_132, %dma_start3A_173] : memref<25x1x80xi32, #tpu.memory_space<vmem>> -> memref<1x1x80xi32, #tpu.memory_space<vmem>>
      %dma_start3A_175 = tpu.memref_squeeze %dma_start3A_174 : memref<1x1x80xi32, #tpu.memory_space<vmem>> -> memref<80xi32, #tpu.memory_space<vmem>>
      %dma_start3A_176 = arith.constant 0 : i32
      %dma_start3A_177 = arith.constant 0 : i32
      %dma_start3A_178 = tpu.memref_slice %arg12[%dma_start3A_176, %dma_start3A_177] : memref<10000x128xf32, #tpu.memory_space<vmem_shared>> -> memref<10000x128xf32, #tpu.memory_space<vmem_shared>>
      tpu.enqueue_indirect_dma source(%arg8 : memref<80x128xf32, #tpu.memory_space<vmem>>) target(%dma_start3A_178 : memref<10000x128xf32, #tpu.memory_space<vmem_shared>>) offsets(%dma_start3A_175 : memref<80xi32, #tpu.memory_space<vmem>>) semaphore(%run_scoped3A_172 : memref<!tpu.dma_semaphore, #tpu.memory_space<semaphore_mem>>) {add = true}
      %dma_wait3A_179 = arith.constant 0 : i32
      %dma_wait3A_180 = tpu.memref_slice %arg7[%run_scoped3A_131, %run_scoped3A_132, %dma_wait3A_179] : memref<25x1x80xi32, #tpu.memory_space<vmem>> -> memref<1x1x80xi32, #tpu.memory_space<vmem>>
      %dma_wait3A_181 = tpu.memref_squeeze %dma_wait3A_180 : memref<1x1x80xi32, #tpu.memory_space<vmem>> -> memref<80xi32, #tpu.memory_space<vmem>>
      %dma_wait3A_182 = arith.constant 0 : i32
      %dma_wait3A_183 = arith.constant 0 : i32
      %dma_wait3A_184 = tpu.memref_slice %arg12[%dma_wait3A_182, %dma_wait3A_183] : memref<10000x128xf32, #tpu.memory_space<vmem_shared>> -> memref<10000x128xf32, #tpu.memory_space<vmem_shared>>
      tpu.wait_indirect_dma semaphore(%run_scoped3A_172 : memref<!tpu.dma_semaphore, #tpu.memory_space<semaphore_mem>>) src(%arg8 : memref<80x128xf32, #tpu.memory_space<vmem>>) dst(%dma_wait3A_184 : memref<10000x128xf32, #tpu.memory_space<vmem_shared>>)
      tpu.yield
    }) : () -> ()
    %mul3A_133 = arith.constant 160000 : i32
    %mul3A_134 = arith.muli %arg0, %mul3A_133 : i32
    %mul3A_135 = arith.constant 10000 : i32
    %mul3A_136 = arith.muli %arg1, %mul3A_135 : i32
    %add3A_137 = arith.addi %mul3A_134, %mul3A_136 : i32
    %add3A_138 = arith.constant 8000 : i32
    %add3A_139 = arith.addi %add3A_137, %add3A_138 : i32
    "tpu.region"() ({
      %run_scoped3A_172 = tpu.sem_alloc : memref<!tpu.dma_semaphore, #tpu.memory_space<semaphore_mem>>
      %dma_start3A_173 = tpu.memref_slice %arg3[%add3A_139] : memref<320000xi32, #tpu.memory_space<hbm>> -> memref<2000xi32, #tpu.memory_space<hbm>>
      %dma_start3A_174 = tpu.memref_slice %arg3[%add3A_139] : memref<320000xi32, #tpu.memory_space<hbm>> -> memref<2000xi32, #tpu.memory_space<hbm>>
      tpu.enqueue_dma source(%dma_start3A_174 : memref<2000xi32, #tpu.memory_space<hbm>>) target(%arg6 : memref<2000xi32, #tpu.memory_space<vmem>>) target_semaphore(%run_scoped3A_172 : memref<!tpu.dma_semaphore, #tpu.memory_space<semaphore_mem>>)
      %dma_wait3A_175 = tpu.memref_slice %arg3[%add3A_139] : memref<320000xi32, #tpu.memory_space<hbm>> -> memref<2000xi32, #tpu.memory_space<hbm>>
      %dma_wait3A_176 = tpu.memref_slice %arg3[%add3A_139] : memref<320000xi32, #tpu.memory_space<hbm>> -> memref<2000xi32, #tpu.memory_space<hbm>>
      tpu.wait_dma2 semaphore(%run_scoped3A_172 : memref<!tpu.dma_semaphore, #tpu.memory_space<semaphore_mem>>) src(%dma_wait3A_176 : memref<2000xi32, #tpu.memory_space<hbm>>) dst(%arg6 : memref<2000xi32, #tpu.memory_space<vmem>>)
      tpu.yield
    }) : () -> ()
    %mul3A_140 = arith.constant 125 : i32
    %mul3A_141 = arith.muli %arg1, %mul3A_140 : i32
    %add3A_142 = arith.constant 100 : i32
    %add3A_143 = arith.addi %mul3A_141, %add3A_142 : i32
    "tpu.region"() ({
      %run_scoped3A_172 = tpu.sem_alloc : memref<!tpu.dma_semaphore, #tpu.memory_space<semaphore_mem>>
      %dma_start3A_173 = arith.constant 0 : i32
      %dma_start3A_174 = arith.constant 0 : i32
      %dma_start3A_175 = tpu.memref_slice %arg4[%add3A_143, %dma_start3A_173, %dma_start3A_174] : memref<2000x1x80xi32, #tpu.memory_space<hbm>> -> memref<25x1x80xi32, #tpu.memory_space<hbm>>
      %dma_start3A_176 = arith.constant 0 : i32
      %dma_start3A_177 = arith.constant 0 : i32
      %dma_start3A_178 = tpu.memref_slice %arg4[%add3A_143, %dma_start3A_176, %dma_start3A_177] : memref<2000x1x80xi32, #tpu.memory_space<hbm>> -> memref<25x1x80xi32, #tpu.memory_space<hbm>>
      tpu.enqueue_dma source(%dma_start3A_178 : memref<25x1x80xi32, #tpu.memory_space<hbm>>) target(%arg7 : memref<25x1x80xi32, #tpu.memory_space<vmem>>) target_semaphore(%run_scoped3A_172 : memref<!tpu.dma_semaphore, #tpu.memory_space<semaphore_mem>>)
      %dma_wait3A_179 = arith.constant 0 : i32
      %dma_wait3A_180 = arith.constant 0 : i32
      %dma_wait3A_181 = tpu.memref_slice %arg4[%add3A_143, %dma_wait3A_179, %dma_wait3A_180] : memref<2000x1x80xi32, #tpu.memory_space<hbm>> -> memref<25x1x80xi32, #tpu.memory_space<hbm>>
      %dma_wait3A_182 = arith.constant 0 : i32
      %dma_wait3A_183 = arith.constant 0 : i32
      %dma_wait3A_184 = tpu.memref_slice %arg4[%add3A_143, %dma_wait3A_182, %dma_wait3A_183] : memref<2000x1x80xi32, #tpu.memory_space<hbm>> -> memref<25x1x80xi32, #tpu.memory_space<hbm>>
      tpu.wait_dma2 semaphore(%run_scoped3A_172 : memref<!tpu.dma_semaphore, #tpu.memory_space<semaphore_mem>>) src(%dma_wait3A_184 : memref<25x1x80xi32, #tpu.memory_space<hbm>>) dst(%arg7 : memref<25x1x80xi32, #tpu.memory_space<vmem>>)
      tpu.yield
    }) : () -> ()
    %dma_start3A_144 = arith.constant 0 : i32
    %dma_start3A_145 = tpu.memref_slice %arg6[%dma_start3A_144] : memref<2000xi32, #tpu.memory_space<vmem>> -> memref<80xi32, #tpu.memory_space<vmem>>
    %dma_start3A_146 = arith.constant 0 : i32
    %dma_start3A_147 = arith.constant 0 : i32
    %dma_start3A_148 = tpu.memref_slice %arg2[%dma_start3A_146, %dma_start3A_147] : memref<20000x128xf32, #tpu.memory_space<hbm>> -> memref<20000x128xf32, #tpu.memory_space<hbm>>
    tpu.enqueue_indirect_dma source(%dma_start3A_148 : memref<20000x128xf32, #tpu.memory_space<hbm>>) target(%arg8 : memref<80x128xf32, #tpu.memory_space<vmem>>) offsets(%dma_start3A_145 : memref<80xi32, #tpu.memory_space<vmem>>) semaphore(%arg10 : memref<!tpu.dma_semaphore, #tpu.memory_space<semaphore_mem>>)
    %dma_start3A_149 = arith.constant 80 : i32
    %dma_start3A_150 = tpu.memref_slice %arg6[%dma_start3A_149] : memref<2000xi32, #tpu.memory_space<vmem>> -> memref<80xi32, #tpu.memory_space<vmem>>
    %dma_start3A_151 = arith.constant 0 : i32
    %dma_start3A_152 = arith.constant 0 : i32
    %dma_start3A_153 = tpu.memref_slice %arg2[%dma_start3A_151, %dma_start3A_152] : memref<20000x128xf32, #tpu.memory_space<hbm>> -> memref<20000x128xf32, #tpu.memory_space<hbm>>
    tpu.enqueue_indirect_dma source(%dma_start3A_153 : memref<20000x128xf32, #tpu.memory_space<hbm>>) target(%arg9 : memref<80x128xf32, #tpu.memory_space<vmem>>) offsets(%dma_start3A_150 : memref<80xi32, #tpu.memory_space<vmem>>) semaphore(%arg11 : memref<!tpu.dma_semaphore, #tpu.memory_space<semaphore_mem>>)
    %scan3A_154 = arith.constant 0 : i32
    %scan3A_155 = arith.constant 12 : i32
    %scan3A_156 = arith.addi %scan3A_154, %scan3A_155 : i32
    %scan3A_157 = arith.constant 1 : i32
    scf.for %scan3A_172 = %scan3A_154 to %scan3A_156 step %scan3A_157  : i32 {
      %mul3A_173 = arith.constant 2 : i32
      %mul3A_174 = arith.muli %mul3A_173, %scan3A_172 : i32
      %add3A_175 = arith.constant 1 : i32
      %add3A_176 = arith.addi %mul3A_174, %add3A_175 : i32
      %mul3A_177 = arith.constant 80 : i32
      %mul3A_178 = arith.muli %mul3A_174, %mul3A_177 : i32
      %dma_wait3A_179 = tpu.memref_slice %arg6[%mul3A_178] : memref<2000xi32, #tpu.memory_space<vmem>> -> memref<80xi32, #tpu.memory_space<vmem>>
      %dma_wait3A_180 = arith.constant 0 : i32
      %dma_wait3A_181 = arith.constant 0 : i32
      %dma_wait3A_182 = tpu.memref_slice %arg2[%dma_wait3A_180, %dma_wait3A_181] : memref<20000x128xf32, #tpu.memory_space<hbm>> -> memref<20000x128xf32, #tpu.memory_space<hbm>>
      tpu.wait_indirect_dma semaphore(%arg10 : memref<!tpu.dma_semaphore, #tpu.memory_space<semaphore_mem>>) src(%dma_wait3A_182 : memref<20000x128xf32, #tpu.memory_space<hbm>>) dst(%arg8 : memref<80x128xf32, #tpu.memory_space<vmem>>)
      %run_scoped3A_183 = arith.constant 0 : i32
      "tpu.region"() ({
        %run_scoped3A_204 = tpu.sem_alloc : memref<!tpu.dma_semaphore, #tpu.memory_space<semaphore_mem>>
        %dma_start3A_205 = arith.constant 0 : i32
        %dma_start3A_206 = tpu.memref_slice %arg7[%mul3A_174, %run_scoped3A_183, %dma_start3A_205] : memref<25x1x80xi32, #tpu.memory_space<vmem>> -> memref<1x1x80xi32, #tpu.memory_space<vmem>>
        %dma_start3A_207 = tpu.memref_squeeze %dma_start3A_206 : memref<1x1x80xi32, #tpu.memory_space<vmem>> -> memref<80xi32, #tpu.memory_space<vmem>>
        %dma_start3A_208 = arith.constant 0 : i32
        %dma_start3A_209 = arith.constant 0 : i32
        %dma_start3A_210 = tpu.memref_slice %arg12[%dma_start3A_208, %dma_start3A_209] : memref<10000x128xf32, #tpu.memory_space<vmem_shared>> -> memref<10000x128xf32, #tpu.memory_space<vmem_shared>>
        tpu.enqueue_indirect_dma source(%arg8 : memref<80x128xf32, #tpu.memory_space<vmem>>) target(%dma_start3A_210 : memref<10000x128xf32, #tpu.memory_space<vmem_shared>>) offsets(%dma_start3A_207 : memref<80xi32, #tpu.memory_space<vmem>>) semaphore(%run_scoped3A_204 : memref<!tpu.dma_semaphore, #tpu.memory_space<semaphore_mem>>) {add = true}
        %dma_wait3A_211 = arith.constant 0 : i32
        %dma_wait3A_212 = tpu.memref_slice %arg7[%mul3A_174, %run_scoped3A_183, %dma_wait3A_211] : memref<25x1x80xi32, #tpu.memory_space<vmem>> -> memref<1x1x80xi32, #tpu.memory_space<vmem>>
        %dma_wait3A_213 = tpu.memref_squeeze %dma_wait3A_212 : memref<1x1x80xi32, #tpu.memory_space<vmem>> -> memref<80xi32, #tpu.memory_space<vmem>>
        %dma_wait3A_214 = arith.constant 0 : i32
        %dma_wait3A_215 = arith.constant 0 : i32
        %dma_wait3A_216 = tpu.memref_slice %arg12[%dma_wait3A_214, %dma_wait3A_215] : memref<10000x128xf32, #tpu.memory_space<vmem_shared>> -> memref<10000x128xf32, #tpu.memory_space<vmem_shared>>
        tpu.wait_indirect_dma semaphore(%run_scoped3A_204 : memref<!tpu.dma_semaphore, #tpu.memory_space<semaphore_mem>>) src(%arg8 : memref<80x128xf32, #tpu.memory_space<vmem>>) dst(%dma_wait3A_216 : memref<10000x128xf32, #tpu.memory_space<vmem_shared>>)
        tpu.yield
      }) : () -> ()
      %add3A_184 = arith.constant 2 : i32
      %add3A_185 = arith.addi %mul3A_174, %add3A_184 : i32
      %lt3A = arith.constant 25 : i32
      %lt3A_186 = arith.cmpi slt, %add3A_185, %lt3A : i32
      %convert_element_type3A_187 = arith.extui %lt3A_186 : i1 to i32
      %cond3A_188 = arith.constant 0 : i32
      %cond3A_189 = arith.cmpi ne, %convert_element_type3A_187, %cond3A_188 : i32
      scf.if %cond3A_189 {
        %add3A_204 = arith.constant 2 : i32
        %add3A_205 = arith.addi %mul3A_174, %add3A_204 : i32
        %mul3A_206 = arith.constant 80 : i32
        %mul3A_207 = arith.muli %add3A_205, %mul3A_206 : i32
        %dma_start3A_208 = tpu.memref_slice %arg6[%mul3A_207] : memref<2000xi32, #tpu.memory_space<vmem>> -> memref<80xi32, #tpu.memory_space<vmem>>
        %dma_start3A_209 = arith.constant 0 : i32
        %dma_start3A_210 = arith.constant 0 : i32
        %dma_start3A_211 = tpu.memref_slice %arg2[%dma_start3A_209, %dma_start3A_210] : memref<20000x128xf32, #tpu.memory_space<hbm>> -> memref<20000x128xf32, #tpu.memory_space<hbm>>
        tpu.enqueue_indirect_dma source(%dma_start3A_211 : memref<20000x128xf32, #tpu.memory_space<hbm>>) target(%arg8 : memref<80x128xf32, #tpu.memory_space<vmem>>) offsets(%dma_start3A_208 : memref<80xi32, #tpu.memory_space<vmem>>) semaphore(%arg10 : memref<!tpu.dma_semaphore, #tpu.memory_space<semaphore_mem>>)
      } else {
      }
      %mul3A_190 = arith.constant 80 : i32
      %mul3A_191 = arith.muli %add3A_176, %mul3A_190 : i32
      %dma_wait3A_192 = tpu.memref_slice %arg6[%mul3A_191] : memref<2000xi32, #tpu.memory_space<vmem>> -> memref<80xi32, #tpu.memory_space<vmem>>
      %dma_wait3A_193 = arith.constant 0 : i32
      %dma_wait3A_194 = arith.constant 0 : i32
      %dma_wait3A_195 = tpu.memref_slice %arg2[%dma_wait3A_193, %dma_wait3A_194] : memref<20000x128xf32, #tpu.memory_space<hbm>> -> memref<20000x128xf32, #tpu.memory_space<hbm>>
      tpu.wait_indirect_dma semaphore(%arg11 : memref<!tpu.dma_semaphore, #tpu.memory_space<semaphore_mem>>) src(%dma_wait3A_195 : memref<20000x128xf32, #tpu.memory_space<hbm>>) dst(%arg9 : memref<80x128xf32, #tpu.memory_space<vmem>>)
      %run_scoped3A_196 = arith.constant 0 : i32
      "tpu.region"() ({
        %run_scoped3A_204 = tpu.sem_alloc : memref<!tpu.dma_semaphore, #tpu.memory_space<semaphore_mem>>
        %dma_start3A_205 = arith.constant 0 : i32
        %dma_start3A_206 = tpu.memref_slice %arg7[%add3A_176, %run_scoped3A_196, %dma_start3A_205] : memref<25x1x80xi32, #tpu.memory_space<vmem>> -> memref<1x1x80xi32, #tpu.memory_space<vmem>>
        %dma_start3A_207 = tpu.memref_squeeze %dma_start3A_206 : memref<1x1x80xi32, #tpu.memory_space<vmem>> -> memref<80xi32, #tpu.memory_space<vmem>>
        %dma_start3A_208 = arith.constant 0 : i32
        %dma_start3A_209 = arith.constant 0 : i32
        %dma_start3A_210 = tpu.memref_slice %arg12[%dma_start3A_208, %dma_start3A_209] : memref<10000x128xf32, #tpu.memory_space<vmem_shared>> -> memref<10000x128xf32, #tpu.memory_space<vmem_shared>>
        tpu.enqueue_indirect_dma source(%arg9 : memref<80x128xf32, #tpu.memory_space<vmem>>) target(%dma_start3A_210 : memref<10000x128xf32, #tpu.memory_space<vmem_shared>>) offsets(%dma_start3A_207 : memref<80xi32, #tpu.memory_space<vmem>>) semaphore(%run_scoped3A_204 : memref<!tpu.dma_semaphore, #tpu.memory_space<semaphore_mem>>) {add = true}
        %dma_wait3A_211 = arith.constant 0 : i32
        %dma_wait3A_212 = tpu.memref_slice %arg7[%add3A_176, %run_scoped3A_196, %dma_wait3A_211] : memref<25x1x80xi32, #tpu.memory_space<vmem>> -> memref<1x1x80xi32, #tpu.memory_space<vmem>>
        %dma_wait3A_213 = tpu.memref_squeeze %dma_wait3A_212 : memref<1x1x80xi32, #tpu.memory_space<vmem>> -> memref<80xi32, #tpu.memory_space<vmem>>
        %dma_wait3A_214 = arith.constant 0 : i32
        %dma_wait3A_215 = arith.constant 0 : i32
        %dma_wait3A_216 = tpu.memref_slice %arg12[%dma_wait3A_214, %dma_wait3A_215] : memref<10000x128xf32, #tpu.memory_space<vmem_shared>> -> memref<10000x128xf32, #tpu.memory_space<vmem_shared>>
        tpu.wait_indirect_dma semaphore(%run_scoped3A_204 : memref<!tpu.dma_semaphore, #tpu.memory_space<semaphore_mem>>) src(%arg9 : memref<80x128xf32, #tpu.memory_space<vmem>>) dst(%dma_wait3A_216 : memref<10000x128xf32, #tpu.memory_space<vmem_shared>>)
        tpu.yield
      }) : () -> ()
      %add3A_197 = arith.constant 2 : i32
      %add3A_198 = arith.addi %add3A_176, %add3A_197 : i32
      %lt3A_199 = arith.constant 25 : i32
      %lt3A_200 = arith.cmpi slt, %add3A_198, %lt3A_199 : i32
      %convert_element_type3A_201 = arith.extui %lt3A_200 : i1 to i32
      %cond3A_202 = arith.constant 0 : i32
      %cond3A_203 = arith.cmpi ne, %convert_element_type3A_201, %cond3A_202 : i32
      scf.if %cond3A_203 {
        %add3A_204 = arith.constant 2 : i32
        %add3A_205 = arith.addi %add3A_176, %add3A_204 : i32
        %mul3A_206 = arith.constant 80 : i32
        %mul3A_207 = arith.muli %add3A_205, %mul3A_206 : i32
        %dma_start3A_208 = tpu.memref_slice %arg6[%mul3A_207] : memref<2000xi32, #tpu.memory_space<vmem>> -> memref<80xi32, #tpu.memory_space<vmem>>
        %dma_start3A_209 = arith.constant 0 : i32
        %dma_start3A_210 = arith.constant 0 : i32
        %dma_start3A_211 = tpu.memref_slice %arg2[%dma_start3A_209, %dma_start3A_210] : memref<20000x128xf32, #tpu.memory_space<hbm>> -> memref<20000x128xf32, #tpu.memory_space<hbm>>
        tpu.enqueue_indirect_dma source(%dma_start3A_211 : memref<20000x128xf32, #tpu.memory_space<hbm>>) target(%arg9 : memref<80x128xf32, #tpu.memory_space<vmem>>) offsets(%dma_start3A_208 : memref<80xi32, #tpu.memory_space<vmem>>) semaphore(%arg11 : memref<!tpu.dma_semaphore, #tpu.memory_space<semaphore_mem>>)
      } else {
      }
    }
    %scan3A_158 = arith.constant 12 : i32
    %dma_wait3A_159 = arith.constant 1920 : i32
    %dma_wait3A_160 = tpu.memref_slice %arg6[%dma_wait3A_159] : memref<2000xi32, #tpu.memory_space<vmem>> -> memref<80xi32, #tpu.memory_space<vmem>>
    %dma_wait3A_161 = arith.constant 0 : i32
    %dma_wait3A_162 = arith.constant 0 : i32
    %dma_wait3A_163 = tpu.memref_slice %arg2[%dma_wait3A_161, %dma_wait3A_162] : memref<20000x128xf32, #tpu.memory_space<hbm>> -> memref<20000x128xf32, #tpu.memory_space<hbm>>
    tpu.wait_indirect_dma semaphore(%arg10 : memref<!tpu.dma_semaphore, #tpu.memory_space<semaphore_mem>>) src(%dma_wait3A_163 : memref<20000x128xf32, #tpu.memory_space<hbm>>) dst(%arg8 : memref<80x128xf32, #tpu.memory_space<vmem>>)
    %run_scoped3A_164 = arith.constant 24 : i32
    %run_scoped3A_165 = arith.constant 0 : i32
    "tpu.region"() ({
      %run_scoped3A_172 = tpu.sem_alloc : memref<!tpu.dma_semaphore, #tpu.memory_space<semaphore_mem>>
      %dma_start3A_173 = arith.constant 0 : i32
      %dma_start3A_174 = tpu.memref_slice %arg7[%run_scoped3A_164, %run_scoped3A_165, %dma_start3A_173] : memref<25x1x80xi32, #tpu.memory_space<vmem>> -> memref<1x1x80xi32, #tpu.memory_space<vmem>>
      %dma_start3A_175 = tpu.memref_squeeze %dma_start3A_174 : memref<1x1x80xi32, #tpu.memory_space<vmem>> -> memref<80xi32, #tpu.memory_space<vmem>>
      %dma_start3A_176 = arith.constant 0 : i32
      %dma_start3A_177 = arith.constant 0 : i32
      %dma_start3A_178 = tpu.memref_slice %arg12[%dma_start3A_176, %dma_start3A_177] : memref<10000x128xf32, #tpu.memory_space<vmem_shared>> -> memref<10000x128xf32, #tpu.memory_space<vmem_shared>>
      tpu.enqueue_indirect_dma source(%arg8 : memref<80x128xf32, #tpu.memory_space<vmem>>) target(%dma_start3A_178 : memref<10000x128xf32, #tpu.memory_space<vmem_shared>>) offsets(%dma_start3A_175 : memref<80xi32, #tpu.memory_space<vmem>>) semaphore(%run_scoped3A_172 : memref<!tpu.dma_semaphore, #tpu.memory_space<semaphore_mem>>) {add = true}
      %dma_wait3A_179 = arith.constant 0 : i32
      %dma_wait3A_180 = tpu.memref_slice %arg7[%run_scoped3A_164, %run_scoped3A_165, %dma_wait3A_179] : memref<25x1x80xi32, #tpu.memory_space<vmem>> -> memref<1x1x80xi32, #tpu.memory_space<vmem>>
      %dma_wait3A_181 = tpu.memref_squeeze %dma_wait3A_180 : memref<1x1x80xi32, #tpu.memory_space<vmem>> -> memref<80xi32, #tpu.memory_space<vmem>>
      %dma_wait3A_182 = arith.constant 0 : i32
      %dma_wait3A_183 = arith.constant 0 : i32
      %dma_wait3A_184 = tpu.memref_slice %arg12[%dma_wait3A_182, %dma_wait3A_183] : memref<10000x128xf32, #tpu.memory_space<vmem_shared>> -> memref<10000x128xf32, #tpu.memory_space<vmem_shared>>
      tpu.wait_indirect_dma semaphore(%run_scoped3A_172 : memref<!tpu.dma_semaphore, #tpu.memory_space<semaphore_mem>>) src(%arg8 : memref<80x128xf32, #tpu.memory_space<vmem>>) dst(%dma_wait3A_184 : memref<10000x128xf32, #tpu.memory_space<vmem_shared>>)
      tpu.yield
    }) : () -> ()
    %barrier3A_166 = arith.constant 0 : index
    tpu.barrier barrier_id(%barrier3A_166)
    "tpu.region"() ({
      %run_scoped3A_172 = tpu.sem_alloc : memref<!tpu.dma_semaphore, #tpu.memory_space<semaphore_mem>>
      %dma_start3A_173 = arith.constant 0 : i32
      %dma_start3A_174 = tpu.memref_slice %arg5[%arg0, %mul3A_0, %dma_start3A_173] : memref<2x10000x128xf32, #tpu.memory_space<hbm>> -> memref<1x624x128xf32, #tpu.memory_space<hbm>>
      %dma_start3A_175 = tpu.memref_squeeze %dma_start3A_174 : memref<1x624x128xf32, #tpu.memory_space<hbm>> -> memref<624x128xf32, #tpu.memory_space<hbm>>
      %dma_start3A_176 = arith.constant 0 : i32
      %dma_start3A_177 = tpu.memref_slice %arg12[%mul3A_0, %dma_start3A_176] : memref<10000x128xf32, #tpu.memory_space<vmem_shared>> -> memref<624x128xf32, #tpu.memory_space<vmem_shared>>
      tpu.enqueue_dma source(%dma_start3A_177 : memref<624x128xf32, #tpu.memory_space<vmem_shared>>) target(%dma_start3A_175 : memref<624x128xf32, #tpu.memory_space<hbm>>) target_semaphore(%run_scoped3A_172 : memref<!tpu.dma_semaphore, #tpu.memory_space<semaphore_mem>>)
      %dma_wait3A_178 = arith.constant 0 : i32
      %dma_wait3A_179 = tpu.memref_slice %arg5[%arg0, %mul3A_0, %dma_wait3A_178] : memref<2x10000x128xf32, #tpu.memory_space<hbm>> -> memref<1x624x128xf32, #tpu.memory_space<hbm>>
      %dma_wait3A_180 = tpu.memref_squeeze %dma_wait3A_179 : memref<1x624x128xf32, #tpu.memory_space<hbm>> -> memref<624x128xf32, #tpu.memory_space<hbm>>
      %dma_wait3A_181 = arith.constant 0 : i32
      %dma_wait3A_182 = tpu.memref_slice %arg12[%mul3A_0, %dma_wait3A_181] : memref<10000x128xf32, #tpu.memory_space<vmem_shared>> -> memref<624x128xf32, #tpu.memory_space<vmem_shared>>
      tpu.wait_dma2 semaphore(%run_scoped3A_172 : memref<!tpu.dma_semaphore, #tpu.memory_space<semaphore_mem>>) src(%dma_wait3A_182 : memref<624x128xf32, #tpu.memory_space<vmem_shared>>) dst(%dma_wait3A_180 : memref<624x128xf32, #tpu.memory_space<hbm>>)
      tpu.yield
    }) : () -> ()
    %eq3A_167 = arith.constant 15 : i32
    %eq3A_168 = arith.cmpi eq, %arg1, %eq3A_167 : i32
    %convert_element_type3A_169 = arith.extui %eq3A_168 : i1 to i32
    %cond3A_170 = arith.constant 0 : i32
    %cond3A_171 = arith.cmpi ne, %convert_element_type3A_169, %cond3A_170 : i32
    scf.if %cond3A_171 {
      "tpu.region"() ({
        %run_scoped3A_172 = tpu.sem_alloc : memref<!tpu.dma_semaphore, #tpu.memory_space<semaphore_mem>>
        %dma_start3A_173 = arith.constant 9984 : i32
        %dma_start3A_174 = arith.constant 0 : i32
        %dma_start3A_175 = tpu.memref_slice %arg5[%arg0, %dma_start3A_173, %dma_start3A_174] : memref<2x10000x128xf32, #tpu.memory_space<hbm>> -> memref<1x16x128xf32, #tpu.memory_space<hbm>>
        %dma_start3A_176 = tpu.memref_squeeze %dma_start3A_175 : memref<1x16x128xf32, #tpu.memory_space<hbm>> -> memref<16x128xf32, #tpu.memory_space<hbm>>
        %dma_start3A_177 = arith.constant 9984 : i32
        %dma_start3A_178 = arith.constant 0 : i32
        %dma_start3A_179 = tpu.memref_slice %arg12[%dma_start3A_177, %dma_start3A_178] : memref<10000x128xf32, #tpu.memory_space<vmem_shared>> -> memref<16x128xf32, #tpu.memory_space<vmem_shared>>
        tpu.enqueue_dma source(%dma_start3A_179 : memref<16x128xf32, #tpu.memory_space<vmem_shared>>) target(%dma_start3A_176 : memref<16x128xf32, #tpu.memory_space<hbm>>) target_semaphore(%run_scoped3A_172 : memref<!tpu.dma_semaphore, #tpu.memory_space<semaphore_mem>>)
        %dma_wait3A_180 = arith.constant 9984 : i32
        %dma_wait3A_181 = arith.constant 0 : i32
        %dma_wait3A_182 = tpu.memref_slice %arg5[%arg0, %dma_wait3A_180, %dma_wait3A_181] : memref<2x10000x128xf32, #tpu.memory_space<hbm>> -> memref<1x16x128xf32, #tpu.memory_space<hbm>>
        %dma_wait3A_183 = tpu.memref_squeeze %dma_wait3A_182 : memref<1x16x128xf32, #tpu.memory_space<hbm>> -> memref<16x128xf32, #tpu.memory_space<hbm>>
        %dma_wait3A_184 = arith.constant 9984 : i32
        %dma_wait3A_185 = arith.constant 0 : i32
        %dma_wait3A_186 = tpu.memref_slice %arg12[%dma_wait3A_184, %dma_wait3A_185] : memref<10000x128xf32, #tpu.memory_space<vmem_shared>> -> memref<16x128xf32, #tpu.memory_space<vmem_shared>>
        tpu.wait_dma2 semaphore(%run_scoped3A_172 : memref<!tpu.dma_semaphore, #tpu.memory_space<semaphore_mem>>) src(%dma_wait3A_186 : memref<16x128xf32, #tpu.memory_space<vmem_shared>>) dst(%dma_wait3A_183 : memref<16x128xf32, #tpu.memory_space<hbm>>)
        tpu.yield
      }) : () -> ()
    } else {
    }
    return
  }
}

module attributes {stable_mosaic.version = 14 : i64} {
  func.func @_mm1_body(%arg0: i32, %arg1: i32, %arg2: memref<2000x256xf32, #tpu.memory_space<vmem>>, %arg3: memref<256x128xf32, #tpu.memory_space<vmem>>, %arg4: memref<2000x2xf32, #tpu.memory_space<vmem>>, %arg5: memref<1x2000x128xf32, #tpu.memory_space<vmem>>) attributes {dimension_semantics = [#tpu.dimension_semantics<arbitrary>, #tpu.dimension_semantics<arbitrary>], iteration_bounds = array<i64: 5, 2>, scalar_prefetch = 0 : i64, scratch_operands = 0 : i64, tpu.core_type = #tpu.core_type<tc>, window_params = [{transform_indices = @transform_0, window_bounds = array<i64: 2000, 256>}, {transform_indices = @transform_1, window_bounds = array<i64: 256, 128>}, {transform_indices = @transform_2, window_bounds = array<i64: 2000, 2>}, {transform_indices = @transform_3, window_bounds = array<i64: 1, 2000, 128>}]} {
    %get3A = arith.constant 0 : index
    %get3A_0 = arith.constant 0 : index
    %get3A_1 = vector.load %arg4[%get3A, %get3A_0] : memref<2000x2xf32, #tpu.memory_space<vmem>>, vector<2000x1xf32>
    %get3A_2 = arith.constant 0 : index
    %get3A_3 = arith.constant 1 : index
    %get3A_4 = vector.load %arg4[%get3A_2, %get3A_3] : memref<2000x2xf32, #tpu.memory_space<vmem>>, vector<2000x1xf32>
    %add3A = arith.addf %get3A_1, %get3A_4 : vector<2000x1xf32>
    %add3A_5 = arith.constant 1.000000e+00 : f32
    %add3A_6 = vector.broadcast %add3A_5 : f32 to vector<2000x1xf32>
    %add3A_7 = arith.addf %add3A, %add3A_6 : vector<2000x1xf32>
    %rsqrt3A = math.rsqrt %add3A_7 : vector<2000x1xf32>
    %get3A_8 = arith.constant 0 : index
    %get3A_9 = arith.constant 0 : index
    %get3A_10 = vector.load %arg2[%get3A_8, %get3A_9] : memref<2000x256xf32, #tpu.memory_space<vmem>>, vector<2000x256xf32>
    %get3A_11 = arith.constant 0 : index
    %get3A_12 = arith.constant 0 : index
    %get3A_13 = vector.load %arg3[%get3A_11, %get3A_12] : memref<256x128xf32, #tpu.memory_space<vmem>>, vector<256x128xf32>
    %dot_general3A = arith.constant dense<0.000000e+00> : vector<2000x128xf32>
    %dot_general3A_14 = tpu.matmul %get3A_10, %get3A_13, %dot_general3A {dimension_numbers = #tpu.dot_dimension_numbers<[1], [0], [0], [1], [0, 0, 1, 1], [], []>, transpose_lhs_hint = false} : vector<2000x256xf32>, vector<256x128xf32>, vector<2000x128xf32> -> vector<2000x128xf32>
    %mul3A = vector.broadcast %rsqrt3A : vector<2000x1xf32> to vector<2000x128xf32>
    %mul3A_15 = arith.mulf %dot_general3A_14, %mul3A : vector<2000x128xf32>
    %swap3A = arith.constant 0 : index
    %swap3A_16 = arith.constant 0 : index
    %swap3A_17 = arith.constant 0 : index
    %swap3A_18 = vector.load %arg5[%swap3A, %swap3A_16, %swap3A_17] : memref<1x2000x128xf32, #tpu.memory_space<vmem>>, vector<1x2000x128xf32>
    %swap3A_19 = vector.shape_cast %swap3A_18 : vector<1x2000x128xf32> to vector<2000x128xf32>
    %swap3A_20 = vector.shape_cast %mul3A_15 : vector<2000x128xf32> to vector<1x2000x128xf32>
    tpu.vector_store %arg5[%swap3A, %swap3A_16, %swap3A_17], %swap3A_20 {strides = array<i32>} : memref<1x2000x128xf32, #tpu.memory_space<vmem>>, vector<1x2000x128xf32>,
    return
  }
  func.func @transform_0(%arg0: i32, %arg1: i32) -> (i32, i32) {
    %c0_i32 = arith.constant 0 : i32
    %c0_i32_0 = arith.constant 0 : i32
    return %arg0, %c0_i32 : i32, i32
  }
  func.func @transform_1(%arg0: i32, %arg1: i32) -> (i32, i32) {
    %c0_i32 = arith.constant 0 : i32
    %c0_i32_0 = arith.constant 0 : i32
    return %c0_i32, %arg1 : i32, i32
  }
  func.func @transform_2(%arg0: i32, %arg1: i32) -> (i32, i32) {
    %c0_i32 = arith.constant 0 : i32
    %c0_i32_0 = arith.constant 0 : i32
    return %arg0, %c0_i32 : i32, i32
  }
  func.func @transform_3(%arg0: i32, %arg1: i32) -> (i32, i32, i32) {
    %c0_i32 = arith.constant 0 : i32
    %c0_i32_0 = arith.constant 0 : i32
    return %arg1, %arg0, %c0_i32 : i32, i32, i32
  }
}

module attributes {stable_mosaic.version = 14 : i64} {
  func.func @_mm2_body(%arg0: i32, %arg1: i32, %arg2: memref<2x2000x128xf32, #tpu.memory_space<vmem>>, %arg3: memref<1x2x128x128xf32, #tpu.memory_space<vmem>>, %arg4: memref<1x2x128xf32, #tpu.memory_space<vmem>>, %arg5: memref<2000x2xf32, #tpu.memory_space<vmem>>, %arg6: memref<1x2000x128xf32, #tpu.memory_space<vmem>>) attributes {dimension_semantics = [#tpu.dimension_semantics<arbitrary>, #tpu.dimension_semantics<arbitrary>], iteration_bounds = array<i64: 5, 2>, scalar_prefetch = 0 : i64, scratch_operands = 0 : i64, tpu.core_type = #tpu.core_type<tc>, window_params = [{transform_indices = @transform_0, window_bounds = array<i64: 2, 2000, 128>}, {transform_indices = @transform_1, window_bounds = array<i64: 1, 2, 128, 128>}, {pipeline_mode = #tpu.pipeline_mode<synchronous>, transform_indices = @transform_2, window_bounds = array<i64: 1, 2, 128>}, {transform_indices = @transform_3, window_bounds = array<i64: 2000, 2>}, {transform_indices = @transform_4, window_bounds = array<i64: 1, 2000, 128>}]} {
    %get3A = arith.constant 0 : index
    %get3A_0 = arith.constant 0 : index
    %get3A_1 = vector.load %arg5[%get3A, %get3A_0] : memref<2000x2xf32, #tpu.memory_space<vmem>>, vector<2000x1xf32>
    %get3A_2 = arith.constant 0 : index
    %get3A_3 = arith.constant 1 : index
    %get3A_4 = vector.load %arg5[%get3A_2, %get3A_3] : memref<2000x2xf32, #tpu.memory_space<vmem>>, vector<2000x1xf32>
    %add3A = arith.addf %get3A_1, %get3A_4 : vector<2000x1xf32>
    %add3A_5 = arith.constant 1.000000e+00 : f32
    %add3A_6 = vector.broadcast %add3A_5 : f32 to vector<2000x1xf32>
    %add3A_7 = arith.addf %add3A, %add3A_6 : vector<2000x1xf32>
    %rsqrt3A = math.rsqrt %add3A_7 : vector<2000x1xf32>
    %get3A_8 = arith.constant 0 : index
    %get3A_9 = arith.constant 0 : index
    %get3A_10 = arith.constant 0 : index
    %get3A_11 = vector.load %arg2[%get3A_8, %get3A_9, %get3A_10] : memref<2x2000x128xf32, #tpu.memory_space<vmem>>, vector<1x2000x128xf32>
    %get3A_12 = vector.shape_cast %get3A_11 : vector<1x2000x128xf32> to vector<2000x128xf32>
    %mul3A = vector.broadcast %rsqrt3A : vector<2000x1xf32> to vector<2000x128xf32>
    %mul3A_13 = arith.mulf %get3A_12, %mul3A : vector<2000x128xf32>
    %get3A_14 = arith.constant 0 : index
    %get3A_15 = arith.constant 0 : index
    %get3A_16 = arith.constant 0 : index
    %get3A_17 = vector.load %arg4[%get3A_14, %get3A_15, %get3A_16] : memref<1x2x128xf32, #tpu.memory_space<vmem>>, vector<1x1x128xf32>
    %get3A_18 = vector.shape_cast %get3A_17 : vector<1x1x128xf32> to vector<128xf32>
    %broadcast_in_dim3A = vector.shape_cast %get3A_18 : vector<128xf32> to vector<1x128xf32>
    %add3A_19 = vector.broadcast %broadcast_in_dim3A : vector<1x128xf32> to vector<2000x128xf32>
    %add3A_20 = arith.addf %mul3A_13, %add3A_19 : vector<2000x128xf32>
    %max3A = arith.constant 0.000000e+00 : f32
    %max3A_21 = vector.broadcast %max3A : f32 to vector<2000x128xf32>
    %max3A_22 = arith.maximumf %add3A_20, %max3A_21 : vector<2000x128xf32>
    %get3A_23 = arith.constant 1 : index
    %get3A_24 = arith.constant 0 : index
    %get3A_25 = arith.constant 0 : index
    %get3A_26 = vector.load %arg2[%get3A_23, %get3A_24, %get3A_25] : memref<2x2000x128xf32, #tpu.memory_space<vmem>>, vector<1x2000x128xf32>
    %get3A_27 = vector.shape_cast %get3A_26 : vector<1x2000x128xf32> to vector<2000x128xf32>
    %mul3A_28 = vector.broadcast %rsqrt3A : vector<2000x1xf32> to vector<2000x128xf32>
    %mul3A_29 = arith.mulf %get3A_27, %mul3A_28 : vector<2000x128xf32>
    %get3A_30 = arith.constant 0 : index
    %get3A_31 = arith.constant 1 : index
    %get3A_32 = arith.constant 0 : index
    %get3A_33 = vector.load %arg4[%get3A_30, %get3A_31, %get3A_32] : memref<1x2x128xf32, #tpu.memory_space<vmem>>, vector<1x1x128xf32>
    %get3A_34 = vector.shape_cast %get3A_33 : vector<1x1x128xf32> to vector<128xf32>
    %broadcast_in_dim3A_35 = vector.shape_cast %get3A_34 : vector<128xf32> to vector<1x128xf32>
    %add3A_36 = vector.broadcast %broadcast_in_dim3A_35 : vector<1x128xf32> to vector<2000x128xf32>
    %add3A_37 = arith.addf %mul3A_29, %add3A_36 : vector<2000x128xf32>
    %max3A_38 = arith.constant 0.000000e+00 : f32
    %max3A_39 = vector.broadcast %max3A_38 : f32 to vector<2000x128xf32>
    %max3A_40 = arith.maximumf %add3A_37, %max3A_39 : vector<2000x128xf32>
    %get3A_41 = arith.constant 0 : index
    %get3A_42 = arith.constant 0 : index
    %get3A_43 = arith.constant 0 : index
    %get3A_44 = arith.constant 0 : index
    %get3A_45 = vector.load %arg3[%get3A_41, %get3A_42, %get3A_43, %get3A_44] : memref<1x2x128x128xf32, #tpu.memory_space<vmem>>, vector<1x1x128x128xf32>
    %get3A_46 = vector.shape_cast %get3A_45 : vector<1x1x128x128xf32> to vector<128x128xf32>
    %dot_general3A = arith.constant dense<0.000000e+00> : vector<2000x128xf32>
    %dot_general3A_47 = tpu.matmul %max3A_22, %get3A_46, %dot_general3A {dimension_numbers = #tpu.dot_dimension_numbers<[1], [0], [0], [1], [0, 0, 1, 1], [], []>, transpose_lhs_hint = false} : vector<2000x128xf32>, vector<128x128xf32>, vector<2000x128xf32> -> vector<2000x128xf32>
    %get3A_48 = arith.constant 0 : index
    %get3A_49 = arith.constant 1 : index
    %get3A_50 = arith.constant 0 : index
    %get3A_51 = arith.constant 0 : index
    %get3A_52 = vector.load %arg3[%get3A_48, %get3A_49, %get3A_50, %get3A_51] : memref<1x2x128x128xf32, #tpu.memory_space<vmem>>, vector<1x1x128x128xf32>
    %get3A_53 = vector.shape_cast %get3A_52 : vector<1x1x128x128xf32> to vector<128x128xf32>
    %dot_general3A_54 = arith.constant dense<0.000000e+00> : vector<2000x128xf32>
    %dot_general3A_55 = tpu.matmul %max3A_40, %get3A_53, %dot_general3A_54 {dimension_numbers = #tpu.dot_dimension_numbers<[1], [0], [0], [1], [0, 0, 1, 1], [], []>, transpose_lhs_hint = false} : vector<2000x128xf32>, vector<128x128xf32>, vector<2000x128xf32> -> vector<2000x128xf32>
    %add3A_56 = arith.addf %dot_general3A_47, %dot_general3A_55 : vector<2000x128xf32>
    %mul3A_57 = vector.broadcast %rsqrt3A : vector<2000x1xf32> to vector<2000x128xf32>
    %mul3A_58 = arith.mulf %add3A_56, %mul3A_57 : vector<2000x128xf32>
    %swap3A = arith.constant 0 : index
    %swap3A_59 = arith.constant 0 : index
    %swap3A_60 = arith.constant 0 : index
    %swap3A_61 = vector.load %arg6[%swap3A, %swap3A_59, %swap3A_60] : memref<1x2000x128xf32, #tpu.memory_space<vmem>>, vector<1x2000x128xf32>
    %swap3A_62 = vector.shape_cast %swap3A_61 : vector<1x2000x128xf32> to vector<2000x128xf32>
    %swap3A_63 = vector.shape_cast %mul3A_58 : vector<2000x128xf32> to vector<1x2000x128xf32>
    tpu.vector_store %arg6[%swap3A, %swap3A_59, %swap3A_60], %swap3A_63 {strides = array<i32>} : memref<1x2000x128xf32, #tpu.memory_space<vmem>>, vector<1x2000x128xf32>,
    return
  }
  func.func @transform_0(%arg0: i32, %arg1: i32) -> (i32, i32, i32) {
    %c0_i32 = arith.constant 0 : i32
    %c0_i32_0 = arith.constant 0 : i32
    %c0_i32_1 = arith.constant 0 : i32
    return %c0_i32, %arg0, %c0_i32_0 : i32, i32, i32
  }
  func.func @transform_1(%arg0: i32, %arg1: i32) -> (i32, i32, i32, i32) {
    %c0_i32 = arith.constant 0 : i32
    %c0_i32_0 = arith.constant 0 : i32
    %c0_i32_1 = arith.constant 0 : i32
    %c0_i32_2 = arith.constant 0 : i32
    return %c0_i32, %c0_i32_0, %c0_i32_1, %arg1 : i32, i32, i32, i32
  }
  func.func @transform_2(%arg0: i32, %arg1: i32) -> (i32, i32, i32) {
    %c0_i32 = arith.constant 0 : i32
    %c0_i32_0 = arith.constant 0 : i32
    %c0_i32_1 = arith.constant 0 : i32
    %c0_i32_2 = arith.constant 0 : i32
    return %c0_i32, %c0_i32_0, %c0_i32_1 : i32, i32, i32
  }
  func.func @transform_3(%arg0: i32, %arg1: i32) -> (i32, i32) {
    %c0_i32 = arith.constant 0 : i32
    %c0_i32_0 = arith.constant 0 : i32
    return %arg0, %c0_i32 : i32, i32
  }
  func.func @transform_4(%arg0: i32, %arg1: i32) -> (i32, i32, i32) {
    %c0_i32 = arith.constant 0 : i32
    %c0_i32_0 = arith.constant 0 : i32
    return %arg1, %arg0, %c0_i32 : i32, i32, i32
  }
}

module attributes {stable_mosaic.version = 14 : i64} {
  func.func @_pool_body(%arg0: i32, %arg1: memref<2x2000x128xf32, #tpu.memory_space<vmem>>, %arg2: memref<1x2x128xf32, #tpu.memory_space<vmem>>, %arg3: memref<2000x2xf32, #tpu.memory_space<vmem>>, %arg4: memref<1x1x2000xi32, #tpu.memory_space<vmem>>, %arg5: memref<256x12xf32, #tpu.memory_space<vmem>>, %arg6: memref<1x12xf32, #tpu.memory_space<vmem>>, %arg7: memref<64x12xf32, #tpu.memory_space<vmem>>, %arg8: memref<64x256xf32, #tpu.memory_space<vmem>>, %arg9: memref<1x64xf32, #tpu.memory_space<vmem>>) attributes {dimension_semantics = [#tpu.dimension_semantics<arbitrary>], iteration_bounds = array<i64: 5>, scalar_prefetch = 0 : i64, scratch_operands = 2 : i64, tpu.core_type = #tpu.core_type<tc>, window_params = [{transform_indices = @transform_0, window_bounds = array<i64: 2, 2000, 128>}, {pipeline_mode = #tpu.pipeline_mode<synchronous>, transform_indices = @transform_1, window_bounds = array<i64: 1, 2, 128>}, {transform_indices = @transform_2, window_bounds = array<i64: 2000, 2>}, {transform_indices = @transform_3, window_bounds = array<i64: 1, 1, 2000>}, {pipeline_mode = #tpu.pipeline_mode<synchronous>, transform_indices = @transform_4, window_bounds = array<i64: 256, 12>}, {pipeline_mode = #tpu.pipeline_mode<synchronous>, transform_indices = @transform_5, window_bounds = array<i64: 1, 12>}, {pipeline_mode = #tpu.pipeline_mode<synchronous>, transform_indices = @transform_6, window_bounds = array<i64: 64, 12>}]} {
    %eq3A = arith.constant 0 : i32
    %eq3A_0 = arith.cmpi eq, %arg0, %eq3A : i32
    %convert_element_type3A = arith.extui %eq3A_0 : i1 to i32
    %cond3A = arith.constant 0 : i32
    %cond3A_1 = arith.cmpi ne, %convert_element_type3A, %cond3A : i32
    scf.if %cond3A_1 {
      %broadcast_in_dim3A_74 = arith.constant 0.000000e+00 : f32
      %broadcast_in_dim3A_75 = vector.broadcast %broadcast_in_dim3A_74 : f32 to vector<64x256xf32>
      %swap3A_76 = arith.constant 0 : index
      %swap3A_77 = arith.constant 0 : index
      %swap3A_78 = vector.load %arg8[%swap3A_76, %swap3A_77] : memref<64x256xf32, #tpu.memory_space<vmem>>, vector<64x256xf32>
      tpu.vector_store %arg8[%swap3A_76, %swap3A_77], %broadcast_in_dim3A_75 {strides = array<i32>} : memref<64x256xf32, #tpu.memory_space<vmem>>, vector<64x256xf32>,
      %broadcast_in_dim3A_79 = arith.constant 0.000000e+00 : f32
      %broadcast_in_dim3A_80 = vector.broadcast %broadcast_in_dim3A_79 : f32 to vector<1x64xf32>
      %swap3A_81 = arith.constant 0 : index
      %swap3A_82 = arith.constant 0 : index
      %swap3A_83 = vector.load %arg9[%swap3A_81, %swap3A_82] : memref<1x64xf32, #tpu.memory_space<vmem>>, vector<1x64xf32>
      tpu.vector_store %arg9[%swap3A_81, %swap3A_82], %broadcast_in_dim3A_80 {strides = array<i32>} : memref<1x64xf32, #tpu.memory_space<vmem>>, vector<1x64xf32>,
    } else {
    }
    %get3A = arith.constant 0 : index
    %get3A_2 = arith.constant 0 : index
    %get3A_3 = vector.load %arg3[%get3A, %get3A_2] : memref<2000x2xf32, #tpu.memory_space<vmem>>, vector<2000x1xf32>
    %get3A_4 = arith.constant 0 : index
    %get3A_5 = arith.constant 1 : index
    %get3A_6 = vector.load %arg3[%get3A_4, %get3A_5] : memref<2000x2xf32, #tpu.memory_space<vmem>>, vector<2000x1xf32>
    %add3A = arith.addf %get3A_3, %get3A_6 : vector<2000x1xf32>
    %add3A_7 = arith.constant 1.000000e+00 : f32
    %add3A_8 = vector.broadcast %add3A_7 : f32 to vector<2000x1xf32>
    %add3A_9 = arith.addf %add3A, %add3A_8 : vector<2000x1xf32>
    %rsqrt3A = math.rsqrt %add3A_9 : vector<2000x1xf32>
    %get3A_10 = arith.constant 0 : index
    %get3A_11 = arith.constant 0 : index
    %get3A_12 = arith.constant 0 : index
    %get3A_13 = vector.load %arg1[%get3A_10, %get3A_11, %get3A_12] : memref<2x2000x128xf32, #tpu.memory_space<vmem>>, vector<1x2000x128xf32>
    %get3A_14 = vector.shape_cast %get3A_13 : vector<1x2000x128xf32> to vector<2000x128xf32>
    %mul3A = vector.broadcast %rsqrt3A : vector<2000x1xf32> to vector<2000x128xf32>
    %mul3A_15 = arith.mulf %get3A_14, %mul3A : vector<2000x128xf32>
    %get3A_16 = arith.constant 0 : index
    %get3A_17 = arith.constant 0 : index
    %get3A_18 = arith.constant 0 : index
    %get3A_19 = vector.load %arg2[%get3A_16, %get3A_17, %get3A_18] : memref<1x2x128xf32, #tpu.memory_space<vmem>>, vector<1x1x128xf32>
    %get3A_20 = vector.shape_cast %get3A_19 : vector<1x1x128xf32> to vector<128xf32>
    %broadcast_in_dim3A = vector.shape_cast %get3A_20 : vector<128xf32> to vector<1x128xf32>
    %add3A_21 = vector.broadcast %broadcast_in_dim3A : vector<1x128xf32> to vector<2000x128xf32>
    %add3A_22 = arith.addf %mul3A_15, %add3A_21 : vector<2000x128xf32>
    %max3A = arith.constant 0.000000e+00 : f32
    %max3A_23 = vector.broadcast %max3A : f32 to vector<2000x128xf32>
    %max3A_24 = arith.maximumf %add3A_22, %max3A_23 : vector<2000x128xf32>
    %get3A_25 = arith.constant 1 : index
    %get3A_26 = arith.constant 0 : index
    %get3A_27 = arith.constant 0 : index
    %get3A_28 = vector.load %arg1[%get3A_25, %get3A_26, %get3A_27] : memref<2x2000x128xf32, #tpu.memory_space<vmem>>, vector<1x2000x128xf32>
    %get3A_29 = vector.shape_cast %get3A_28 : vector<1x2000x128xf32> to vector<2000x128xf32>
    %mul3A_30 = vector.broadcast %rsqrt3A : vector<2000x1xf32> to vector<2000x128xf32>
    %mul3A_31 = arith.mulf %get3A_29, %mul3A_30 : vector<2000x128xf32>
    %get3A_32 = arith.constant 0 : index
    %get3A_33 = arith.constant 1 : index
    %get3A_34 = arith.constant 0 : index
    %get3A_35 = vector.load %arg2[%get3A_32, %get3A_33, %get3A_34] : memref<1x2x128xf32, #tpu.memory_space<vmem>>, vector<1x1x128xf32>
    %get3A_36 = vector.shape_cast %get3A_35 : vector<1x1x128xf32> to vector<128xf32>
    %broadcast_in_dim3A_37 = vector.shape_cast %get3A_36 : vector<128xf32> to vector<1x128xf32>
    %add3A_38 = vector.broadcast %broadcast_in_dim3A_37 : vector<1x128xf32> to vector<2000x128xf32>
    %add3A_39 = arith.addf %mul3A_31, %add3A_38 : vector<2000x128xf32>
    %max3A_40 = arith.constant 0.000000e+00 : f32
    %max3A_41 = vector.broadcast %max3A_40 : f32 to vector<2000x128xf32>
    %max3A_42 = arith.maximumf %add3A_39, %max3A_41 : vector<2000x128xf32>
    %concatenate3A = tpu.concatenate %max3A_24, %max3A_42 in 1 : vector<2000x128xf32>, vector<2000x128xf32> -> vector<2000x256xf32>
    %get3A_43 = arith.constant 0 : index
    %get3A_44 = arith.constant 0 : index
    %get3A_45 = arith.constant 0 : index
    %get3A_46 = vector.load %arg4[%get3A_43, %get3A_44, %get3A_45] : memref<1x1x2000xi32, #tpu.memory_space<vmem>>, vector<1x1x2000xi32>
    %get3A_47 = vector.shape_cast %get3A_46 : vector<1x1x2000xi32> to vector<2000xi32>
    %iota3A = tpu.iota {dimensions = array<i32: 1>} : vector<2000x64xi32>
    %broadcast_in_dim3A_48 = vector.shape_cast %get3A_47 : vector<2000xi32> to vector<2000x1xi32>
    %eq3A_49 = vector.broadcast %broadcast_in_dim3A_48 : vector<2000x1xi32> to vector<2000x64xi32>
    %eq3A_50 = arith.cmpi eq, %eq3A_49, %iota3A : vector<2000x64xi32>
    %convert_element_type3A_51 = arith.extui %eq3A_50 : vector<2000x64xi1> to vector<2000x64xi32>
    %convert_element_type3A_52 = arith.sitofp %convert_element_type3A_51 : vector<2000x64xi32> to vector<2000x64xf32>
    %get3A_53 = arith.constant 0 : index
    %get3A_54 = arith.constant 0 : index
    %get3A_55 = vector.load %arg8[%get3A_53, %get3A_54] : memref<64x256xf32, #tpu.memory_space<vmem>>, vector<64x256xf32>
    %dot_general3A = arith.constant dense<0.000000e+00> : vector<64x256xf32>
    %dot_general3A_56 = tpu.matmul %convert_element_type3A_52, %concatenate3A, %dot_general3A {dimension_numbers = #tpu.dot_dimension_numbers<[0], [0], [1], [1], [0, 1, 1, 1], [], []>, transpose_lhs_hint = false} : vector<2000x64xf32>, vector<2000x256xf32>, vector<64x256xf32> -> vector<64x256xf32>
    %add3A_57 = arith.addf %get3A_55, %dot_general3A_56 : vector<64x256xf32>
    %swap3A = arith.constant 0 : index
    %swap3A_58 = arith.constant 0 : index
    %swap3A_59 = vector.load %arg8[%swap3A, %swap3A_58] : memref<64x256xf32, #tpu.memory_space<vmem>>, vector<64x256xf32>
    tpu.vector_store %arg8[%swap3A, %swap3A_58], %add3A_57 {strides = array<i32>} : memref<64x256xf32, #tpu.memory_space<vmem>>, vector<64x256xf32>,
    %get3A_60 = arith.constant 0 : index
    %get3A_61 = arith.constant 0 : index
    %get3A_62 = vector.load %arg9[%get3A_60, %get3A_61] : memref<1x64xf32, #tpu.memory_space<vmem>>, vector<1x64xf32>
    %reduce_sum3A = arith.constant dense<0.000000e+00> : vector<64xf32>
    %reduce_sum3A_63 = vector.multi_reduction <add>, %convert_element_type3A_52, %reduce_sum3A [0] : vector<2000x64xf32> to vector<64xf32>
    %broadcast_in_dim3A_64 = vector.shape_cast %reduce_sum3A_63 : vector<64xf32> to vector<1x64xf32>
    %add3A_65 = arith.addf %get3A_62, %broadcast_in_dim3A_64 : vector<1x64xf32>
    %swap3A_66 = arith.constant 0 : index
    %swap3A_67 = arith.constant 0 : index
    %swap3A_68 = vector.load %arg9[%swap3A_66, %swap3A_67] : memref<1x64xf32, #tpu.memory_space<vmem>>, vector<1x64xf32>
    tpu.vector_store %arg9[%swap3A_66, %swap3A_67], %add3A_65 {strides = array<i32>} : memref<1x64xf32, #tpu.memory_space<vmem>>, vector<1x64xf32>,
    %eq3A_69 = arith.constant 4 : i32
    %eq3A_70 = arith.cmpi eq, %arg0, %eq3A_69 : i32
    %convert_element_type3A_71 = arith.extui %eq3A_70 : i1 to i32
    %cond3A_72 = arith.constant 0 : i32
    %cond3A_73 = arith.cmpi ne, %convert_element_type3A_71, %cond3A_72 : i32
    scf.if %cond3A_73 {
      %get3A_74 = arith.constant 0 : index
      %get3A_75 = arith.constant 0 : index
      %get3A_76 = vector.load %arg9[%get3A_74, %get3A_75] : memref<1x64xf32, #tpu.memory_space<vmem>>, vector<1x64xf32>
      %get3A_77 = vector.shape_cast %get3A_76 : vector<1x64xf32> to vector<64xf32>
      %max3A_78 = arith.constant 1.000000e+00 : f32
      %max3A_79 = vector.broadcast %max3A_78 : f32 to vector<64xf32>
      %max3A_80 = arith.maximumf %get3A_77, %max3A_79 : vector<64xf32>
      %get3A_81 = arith.constant 0 : index
      %get3A_82 = arith.constant 0 : index
      %get3A_83 = vector.load %arg8[%get3A_81, %get3A_82] : memref<64x256xf32, #tpu.memory_space<vmem>>, vector<64x256xf32>
      %broadcast_in_dim3A_84 = vector.shape_cast %max3A_80 : vector<64xf32> to vector<64x1xf32>
      %div3A = vector.broadcast %broadcast_in_dim3A_84 : vector<64x1xf32> to vector<64x256xf32>
      %div3A_85 = arith.divf %get3A_83, %div3A : vector<64x256xf32>
      %get3A_86 = arith.constant 0 : index
      %get3A_87 = arith.constant 0 : index
      %get3A_88 = vector.load %arg5[%get3A_86, %get3A_87] : memref<256x12xf32, #tpu.memory_space<vmem>>, vector<256x12xf32>
      %dot_general3A_89 = arith.constant dense<0.000000e+00> : vector<64x12xf32>
      %dot_general3A_90 = tpu.matmul %div3A_85, %get3A_88, %dot_general3A_89 {dimension_numbers = #tpu.dot_dimension_numbers<[1], [0], [0], [1], [0, 0, 1, 1], [], []>, transpose_lhs_hint = false} : vector<64x256xf32>, vector<256x12xf32>, vector<64x12xf32> -> vector<64x12xf32>
      %get3A_91 = arith.constant 0 : index
      %get3A_92 = arith.constant 0 : index
      %get3A_93 = vector.load %arg6[%get3A_91, %get3A_92] : memref<1x12xf32, #tpu.memory_space<vmem>>, vector<1x12xf32>
      %get3A_94 = vector.shape_cast %get3A_93 : vector<1x12xf32> to vector<12xf32>
      %broadcast_in_dim3A_95 = vector.shape_cast %get3A_94 : vector<12xf32> to vector<1x12xf32>
      %add3A_96 = vector.broadcast %broadcast_in_dim3A_95 : vector<1x12xf32> to vector<64x12xf32>
      %add3A_97 = arith.addf %dot_general3A_90, %add3A_96 : vector<64x12xf32>
      %swap3A_98 = arith.constant 0 : index
      %swap3A_99 = arith.constant 0 : index
      %swap3A_100 = vector.load %arg7[%swap3A_98, %swap3A_99] : memref<64x12xf32, #tpu.memory_space<vmem>>, vector<64x12xf32>
      tpu.vector_store %arg7[%swap3A_98, %swap3A_99], %add3A_97 {strides = array<i32>} : memref<64x12xf32, #tpu.memory_space<vmem>>, vector<64x12xf32>,
    } else {
    }
    return
  }
  func.func @transform_0(%arg0: i32) -> (i32, i32, i32) {
    %c0_i32 = arith.constant 0 : i32
    %c0_i32_0 = arith.constant 0 : i32
    %c0_i32_1 = arith.constant 0 : i32
    return %c0_i32, %arg0, %c0_i32_0 : i32, i32, i32
  }
  func.func @transform_1(%arg0: i32) -> (i32, i32, i32) {
    %c0_i32 = arith.constant 0 : i32
    %c0_i32_0 = arith.constant 0 : i32
    %c0_i32_1 = arith.constant 0 : i32
    %c0_i32_2 = arith.constant 0 : i32
    return %c0_i32, %c0_i32_0, %c0_i32_1 : i32, i32, i32
  }
  func.func @transform_2(%arg0: i32) -> (i32, i32) {
    %c0_i32 = arith.constant 0 : i32
    %c0_i32_0 = arith.constant 0 : i32
    return %arg0, %c0_i32 : i32, i32
  }
  func.func @transform_3(%arg0: i32) -> (i32, i32, i32) {
    %c0_i32 = arith.constant 0 : i32
    %c0_i32_0 = arith.constant 0 : i32
    %c0_i32_1 = arith.constant 0 : i32
    return %arg0, %c0_i32, %c0_i32_0 : i32, i32, i32
  }
  func.func @transform_4(%arg0: i32) -> (i32, i32) {
    %c0_i32 = arith.constant 0 : i32
    %c0_i32_0 = arith.constant 0 : i32
    %c0_i32_1 = arith.constant 0 : i32
    return %c0_i32, %c0_i32_0 : i32, i32
  }
  func.func @transform_5(%arg0: i32) -> (i32, i32) {
    %c0_i32 = arith.constant 0 : i32
    %c0_i32_0 = arith.constant 0 : i32
    %c0_i32_1 = arith.constant 0 : i32
    return %c0_i32, %c0_i32_0 : i32, i32
  }
  func.func @transform_6(%arg0: i32) -> (i32, i32) {
    %c0_i32 = arith.constant 0 : i32
    %c0_i32_0 = arith.constant 0 : i32
    %c0_i32_1 = arith.constant 0 : i32
    return %c0_i32, %c0_i32_0 : i32, i32
  }
}

</mosaic_0001>

<sc_bundles>
// kernel: kernel.11.cloned.1.call-start
scs
__scs_entry_jumppad:
0x0: {  	(pc) =	sbr.rel $0x88, $3  }
0x1: {  	(tag) =	ssettag $0x0;
	lr =	simm.s32 $0x1  }
0x2: {  	[smem:$0x3F98] =	sst lr;
	_ =	strace $0xD0000000  }
0x3: {  	_ = 	snop  }
0x4: {  	_ = 	snop  }
0x5: {  	_ = 	snop  }
0x6: {  	_ = 	snop  }
0x7: {  	_ = 	snop  }
__scs_overlays_trampoline_lowered:
0x8: {  	[smem:$0x3FA7] =	sst s0  }
0x9: {  	[smem:$0x3FA8] =	sst s1  }
0xa: {  	[smem:$0x3FA9] =	sst s2  }
0xb: {  	[smem:$0x3FAA] =	sst s3  }
0xc: {  	[smem:$0x3FAB] =	sst s4  }
0xd: {  	[smem:$0x3FAC] =	sst s5  }
0xe: {  	[smem:$0x3FAD] =	sst s6  }
0xf: {  	[smem:$0x3FAE] =	sst s7  }
0x10: {  	[smem:$0x3FAF] =	sst s8  }
0x11: {  	[smem:$0x3FB0] =	sst s9;
	s0 =	simm.s32 @!p0 $0x0  }
0x12: {  	s1 =	sld [smem:$0x3F96];
	s0 =	simm.s32 @p0 $0x1  }
0x13: {  	[smem:$0x3FB1] =	sst s0;
	s0 =	simm.s32 @!p1 $0x0  }
0x14: {  	s2 =	sld [smem:$0x3F95];
	s0 =	simm.s32 @p1 $0x1  }
0x15: {  	[smem:$0x3FB2] =	sst s0;
	s0 =	simm.s32 @!p2 $0x0  }
0x16: {  	s3 =	sld [smem:$0x3FDB];
	s0 =	simm.s32 @p2 $0x1  }
0x17: {  	s4 =	simm.s32 $0x1BF5;
	[smem:$0x3FB4] =	sst s0  }
0x18: {  	s0 =	sld [smem:$0x3F97];
	_ =	swait.ge [sflag:s4], $0x0  }
0x19: {  	s7 =	sld [smem:$0x3F98]  }
0x1a: {  	s8 =	sadd.s32 $0xFFFFE003, lr  }
0x1b: {  	s9 =	sadd.s32 $0xFFFFFEF7, lr;
	s5 =	simm.s32 $0xFFFFFFFF;
	p2 =	slt.u32 s8, $0xFFFFF086  }
0x1c: {  	p1 =	slt.u32 s9, $0xF7A;
	s5 =	simm.s32 @!p2 $0x0  }
0x1d: {  	s5 =	simm.s32 @p1 $0x1;
	p0 =	seq.s32 s7, s2  }
0x1e: {  	s7 =	smul.u32 @!p0 $0xF7A, s2;
	p2 =	seq.s32 @!p0 s5, $0x0  }
0x1f: {  	s9 =	smul.u32 $0xF7A, s1;
	s8 =	simm.s32 @!p0 $0x1BF5;
	p2 =	por !p2, p0  }
0x20: {  	[sflag:s8] =	ssyncset.s32 @!p0 $0xFFFFF086;
	s6 =	sadd.s32 @!p0 s3, s7;
	s7 =	simm.s32 @!p0 $0x108  }
0x21: {  	s3 =	sadd.s32 s3, s9;
	s6 =	sadd.s32 @!p0 $0x88, s6;
	s7 =	simm.s32 @p2 $0x1082  }
0x22: {  	[simem:s7], [sflag:s8] =	dma.local @!p0 [hbm:s6], $0xF7A  }
0x23: {  	s9 =	sor.u32 $0xD0000000, s2;
	s6 =	simm.s32 $0x108;
	_ =	swait.ge @!p0 [sflag:s8], $0x0  }
0x24: {  	s3 =	sadd.s32 $0x88, s3;
	s6 =	simm.s32 @!p1 $0x1082;
	[sflag:s4] =	ssyncset.s32 $0xFFFFF086  }
0x25: {  	[simem:s6], [sflag:s4] =	dma.local [hbm:s3], $0xF7A  }
0x26: {  	[smem:$0x3F98] =	sst s1;
	(tag) =	ssettag s2;
	_ =	strace s9  }
0x27: {  	s1 =	sld [smem:$0x3FA8]  }
0x28: {  	s2 =	sld [smem:$0x3FA9]  }
0x29: {  	s4 =	sld [smem:$0x3FAB]  }
0x2a: {  	p0 =	seq.s32 s5, $0x0;
	s5 =	sld [smem:$0x3FAC]  }
0x2b: {  	s6 =	sld [smem:$0x3FAD]  }
0x2c: {  	s7 =	sld [smem:$0x3FAE]  }
0x2d: {  	s3 =	simm.s32 $0x108;
	s8 =	sld [smem:$0x3FAF]  }
0x2e: {  	s3 =	simm.s32 @!p0 $0x1082;
	s9 =	sld [smem:$0x3FB0]  }
0x2f: {  	lr =	sadd.s32 s0, s3;
	s0 =	sld [smem:$0x3FA7]  }
0x30: {  	s3 =	sld [smem:$0x3FAA]  }
0x31: {  	[smem:$0x3FB3] =	sst s10  }
0x32: {  	s10 =	sld [smem:$0x3FB1];
	_ =	sdelay $0x3  }
0x33: {  	p0 =	seq.s32 s10, $0x1;
	s10 =	sld [smem:$0x3FB3];
	_ =	sdelay $0x3  }
0x34: {  	[smem:$0x3FB3] =	sst s10  }
0x35: {  	s10 =	sld [smem:$0x3FB2];
	_ =	sdelay $0x3  }
0x36: {  	p1 =	seq.s32 s10, $0x1;
	s10 =	sld [smem:$0x3FB3];
	_ =	sdelay $0x3  }
0x37: {  	[smem:$0x3FB3] =	sst s10  }
0x38: {  	s10 =	sld [smem:$0x3FB4]  }
0x39: {  	_ = 	snop;
	(pc) =	sbr.ind lr, $3  }
0x3a: {  	_ = 	snop  }
0x3b: {  	_ = 	snop  }
0x3c: {  	p2 =	seq.s32 s10, $0x1;
	s10 =	sld [smem:$0x3FB3]  }
0x3d: {  	_ =	shalt  }
0x3e: {  	_ =	shalt  }
0x3f: {  	_ =	shalt  }
0x40: {  	_ =	shalt  }
0x41: {  	_ =	shalt  }
0x42: {  	_ =	shalt  }
0x43: {  	_ =	shalt  }
0x44: {  	_ =	shalt  }
0x45: {  	_ =	shalt  }
0x46: {  	_ =	shalt  }
0x47: {  	_ =	shalt  }
0x48: {  	_ =	shalt  }
0x49: {  	_ =	shalt  }
0x4a: {  	_ =	shalt  }
0x4b: {  	_ =	shalt  }
0x4c: {  	_ =	shalt  }
0x4d: {  	_ =	shalt  }
0x4e: {  	_ =	shalt  }
0x4f: {  	_ =	shalt  }
0x50: {  	_ =	shalt  }
0x51: {  	_ =	shalt  }
0x52: {  	_ =	shalt  }
0x53: {  	_ =	shalt  }
0x54: {  	_ =	shalt  }
0x55: {  	_ =	shalt  }
0x56: {  	_ =	shalt  }
0x57: {  	_ =	shalt  }
0x58: {  	_ =	shalt  }
0x59: {  	_ =	shalt  }
0x5a: {  	_ =	shalt  }
0x5b: {  	_ =	shalt  }
0x5c: {  	_ =	shalt  }
0x5d: {  	_ =	shalt  }
0x5e: {  	_ =	shalt  }
0x5f: {  	_ =	shalt  }
0x60: {  	_ =	shalt  }
0x61: {  	_ =	shalt  }
0x62: {  	_ =	shalt  }
0x63: {  	_ =	shalt  }
0x64: {  	_ =	shalt  }
0x65: {  	_ =	shalt  }
0x66: {  	_ =	shalt  }
0x67: {  	_ =	shalt  }
0x68: {  	_ =	shalt  }
0x69: {  	_ =	shalt  }
0x6a: {  	_ =	shalt  }
0x6b: {  	_ =	shalt  }
0x6c: {  	_ =	shalt  }
0x6d: {  	_ =	shalt  }
0x6e: {  	_ =	shalt  }
0x6f: {  	_ =	shalt  }
0x70: {  	_ =	shalt  }
0x71: {  	_ =	shalt  }
0x72: {  	_ =	shalt  }
0x73: {  	_ =	shalt  }
0x74: {  	_ =	shalt  }
0x75: {  	_ =	shalt  }
0x76: {  	_ =	shalt  }
0x77: {  	_ =	shalt  }
0x78: {  	_ =	shalt  }
0x79: {  	_ =	shalt  }
0x7a: {  	_ =	shalt  }
0x7b: {  	_ =	shalt  }
0x7c: {  	_ =	shalt  }
0x7d: {  	_ =	shalt  }
0x7e: {  	_ =	shalt  }
0x7f: {  	_ =	shalt  }
0x80: {  	_ =	shalt  }
0x81: {  	_ =	shalt  }
0x82: {  	_ =	shalt  }
0x83: {  	_ =	shalt  }
0x84: {  	_ =	shalt  }
0x85: {  	_ =	shalt  }
0x86: {  	_ =	shalt  }
0x87: {  	_ =	shalt  }
.Lfunc_end0:
.L_simem_size_0:
called_computation.1_lowered:
.L_overlay_start_0:
0x88: {  	s2 =	sld [smem:$0x3FD9]  }
0x89: {  	s3 =	sld [smem:$0x3FFE];
	_ =	sdelay $0x1  }
0x8a: {  	s1 =	srdreg.scid  }
0x8b: {  	s0 =	sand.u32 $0x1, s1  }
0x8c: {  	s16 =	sshll.u32 s0, $0xA;
	s2 =	sadd.s32 s3, s2  }
0x8d: {  	s2 =	sadd.s32 s2, s16  }
0x8e: {  	[smem:$0x3FBF] =	sst s2  }
0x8f: {  	_ = 	snop  }
0x90: {  	(tm) =	ssettm $0x1  }
0x91: {  	s17 =	sld [smem:$0x3FFB];
	_ =	sdelay $0x3  }
0x92: {  	_ =	strace s17  }
0x93: {  	s2 =	sld [smem:$0x3FFC];
	_ =	sdelay $0x3  }
0x94: {  	_ =	strace s2  }
0x95: {  	s2 =	sld [smem:$0x3FFD];
	_ =	sdelay $0x3  }
0x96: {  	_ =	strace s2  }
0x97: {  	_ =	strace $0x8FFFFFFF  }
0x98: {  	s18 =	sld [smem:$0x3FDB];
	_ =	sdelay $0x1  }
0x99: {  	s19 =	simm.s32 $_scs_section_size  }
0x9a: {  	s4 =	simm.s32 $_size__tile_overlayer_lowered;
	s5 =	simm.s32 $_tile_overlayer_lowered  }
0x9b: {  	s22 =	simm.s32 $0x1BFF;
	s21 =	sshll.u32 s5, $0x1;
	s2 =	sadd.s32 s19, s18  }
0x9c: {  	s6 =	simm.s32 $0x0;
	s20 =	sshll.u32 s4, $0x1;
	s4 =	sadd.s32 s21, s2  }
0x9d: {  	[timem:s6], [sflag:s22] =	dma.local [hbm:s4], s20  }
0x9e: {  	_ =	swait.ge [sflag:s22], s20  }
0x9f: {  	s3 =	ssub.s32 $0x0, s20;
	[sflag:s22] =	ssyncset.done $0x0  }
0xa0: {  	[sflag:s22] =	ssyncadd.s32 s3;
	_ =	sdelay $0x1  }
0xa1: {  	s23 =	simm.s32 $0x1B8B  }
0xa2: {  	_ =	swait.ge [sflag:s23], $0x1  }
0xa3: {  	[sflag:s23] =	ssyncset.done $0x0  }
0xa4: {  	s25 =	simm.s32 $0x1B8E;
	s24 =	sld [smem:$0x3FFE];
	[sflag:s23] =	ssyncadd.s32 $0xFFFFFFFF  }
0xa5: {  	s26 =	simm.s32 $execute0_lowered;
	[smem:$0x3FD2] =	sst s25  }
0xa6: {  	s4 =	sshll.u32 s26, $0x1;
	_ =	strace $0x80000049;
	[dreg:$0x1] =	wrdreg $0xFFFFFFFF  }
0xa7: {  	s28 =	simm.s32 $_size_execute0_lowered;
	s2 =	sadd.s32 s2, s4;
	[dreg:$0x0] =	wrdreg $0x0  }
0xa8: {  	s4 =	sshll.u32 s28, $0x1;
	[dreg:$0x2] =	wrdreg s2  }
0xa9: {  	[dreg:$0x3] =	wrdreg s4  }
0xaa: {  	[dreg:$0x4] =	wrdreg $0xC0  }
0xab: {  	_ =	task [dreg:s6], $0x5FFFF  }
0xac: {  	[dreg:$0x1] =	wrdreg $0xFFFFFFFF  }
0xad: {  	[dreg:$0x0] =	wrdreg $0x60  }
0xae: {  	[dreg:$0x2] =	wrdreg s24  }
0xaf: {  	[dreg:$0x3] =	wrdreg $0x64800  }
0xb0: {  	[dreg:$0x4] =	wrdreg $0x9  }
0xb1: {  	_ =	task.clear_ibuf [dreg:s6], $0x5FFFF;
	_ =	strace $0x90000049  }
0xb2: {  	s29 =	simm.s32 $0x9;
	_ =	strace $0x8000004B  }
0xb3: {  	_ =	swait.ge [sflag:s29], $0x1  }
0xb4: {  	[sflag:s29] =	ssyncadd.s32 $0xFFFFFFFF  }
0xb5: {  	_ =	strace $0x9000004B  }
0xb6: {  	_ =	sfence  }
0xb7: {  	s30 =	sld [smem:$0x0];
	_ =	sdelay $0x2  }
0xb8: {  	s31 =	sshll.u32 s1, $0xD;
	s1 =	sshrl.u32 s1, $0x2  }
0xb9: {  	s3 =	sand.u32 $0x4000, s31;
	s1 =	sadd.s32 s1, s30  }
0xba: {  	s0 =	sor.u32 s3, s0;
	s1 =	sshll.u32 s1, $0x11  }
0xbb: {  	s0 =	sor.u32 s1, s0  }
0xbc: {  	s0 =	sadd.s32 $0x8F2B, s0  }
0xbd: {  	[sflag:s0] =	ssyncadd.remote.s32 $0x1  }
0xbe: {  	_ =	sfence.sel $0xFFFF  }
0xbf: {  	[dreg:$0x0] =	wrdreg $0xFFFFFFFF;
	(pc) =	sbr.abs _section_cstart, $3  }
0xc0: {  	[dreg:$0x1] =	wrdreg $0xFFFFFFFF  }
0xc1: {  	_ =	task.clear_ibuf [dreg:s6], $0x2FFFF;
	_ =	strace $0x9FFFFFFF  }
0xc2: {  	(tm) =	ssettm $0x7FFFFFFF  }
0xc3: {  	_ =	shalt  }
tec
execute0_lowered:
.L_overlay_start_1:
0x0: {  	(tag) =	ssettag $0x1  }
0x1: {  	s0 =	rddreg [dreg:$0x0]  }
0x2: {  	s1 =	srdreg.scid;
	s13 =	stileid.u32  }
0x3: {  	s2 =	rddreg [dreg:$0x1];
	s4 =	smul.u32 $0x2710, s13  }
0x4: {  	s3 =	simm.s32 $0x0;
	s28 =	simm.s32 $0x3C80;
	s7 =	smul.u32 $0x4E000, s13  }
0x5: {  	s29 =	simm.s32 $0x1;
	s30 =	simm.s32 $0x2;
	s9 =	smul.u32 $0x2700, s13  }
0x6: {  	s31 =	simm.s32 $0x1300;
	s1 =	sand.u32 $0x1, s1;
	s19 =	smul.u32 $0x3E80, s13  }
0x7: {  	[smem:$0x7FF] =	sst s3;
	s10 =	sadd.s32 $0x7400, s0;
	s22 =	smul.u32 $0x7D0, s13  }
0x8: {  	s17 =	sshll.u32 s13, $0x6;
	s20 =	sadd.s32 $0x138000, s2;
	s23 =	smul.u32 $0x13800, s13  }
0x9: {  	p0 =	sne.s32 s13, $0xF;
	s5 =	smul.u32 $0x27100, s1;
	_ =	strace $0x8000004A  }
0xa: {  	s8 =	ssub.s32 $0x2, s1;
	s1 =	smul.u32 $0x138800, s1;
	[dreg:$0x5] =	wrdreg s20  }
0xb: {  	s11 =	sshrl.u32 s8, $0x1;
	s7 =	sshrl.u32 s7, $0x2;
	s6 =	sadd.s32 s4, s5  }
0xc: {  	s4 =	sadd.s32 $0x19000, s0;
	s5 =	sadd.s32 s9, s5;
	s8 =	ssub.s32 s8, s11  }
0xd: {  	s7 =	sadd.s32 s7, s2;
	s18 =	sshrl.u32 s1, $0x3;
	s11 =	sshrl.u32 s19, $0x3  }
0xe: {  	s1 =	sadd.s32 s23, s1;
	s23 =	simm.s32 $0x3;
	s6 =	sshrl.u32 s6, $0x3  }
0xf: {  	[dreg:$0x3] =	wrdreg s7;
	s5 =	sadd.s32 s4, s5;
	s7 =	sor.u32 $0x1C03, s17  }
0x10: {  	s21 =	sadd.s32 $0x27000, s18;
	s11 =	sadd.s32 s10, s11;
	s1 =	sshrl.u32 s1, $0x3  }
0x11: {  	s6 =	sadd.s32 s6, s0;
	s0 =	sadd.s32 $0x67200, s0;
	[dreg:$0x4] =	wrdreg s5  }
0x12: {  	s9 =	sadd.s32 s4, s21;
	s25 =	sadd.s32 $0x190, s11;
	s15 =	sadd.s32 $0x320, s11  }
0x13: {  	s17 =	sadd.s32 $0x4B0, s11;
	s19 =	sadd.s32 $0x640, s11;
	s5 =	simm.s32 $0x1400  }
0x14: {  	[dreg:$0x6] =	wrdreg s9;
	s12 =	sadd.s32 $0xF200, s6;
	s9 =	sadd.s32 s10, s22  }
0x15: {  	s24 =	sadd.s32 $0xF2FA, s6;
	[dreg:$0xa] =	wrdreg s25;
	s26 =	sadd.s32 $0xF3F4, s6  }
0x16: {  	s16 =	sadd.s32 $0xF4EE, s6;
	s18 =	sadd.s32 $0xF5E8, s6;
	s20 =	sadd.s32 s0, s1  }
0x17: {  	s21 =	sadd.s32 s0, s21;
	s22 =	smax.u32 s8, $0x1;
	[dreg:$0x7] =	wrdreg s12  }
0x18: {  	s25 =	simm.s32 $0x50;
	s0 =	simm.s32 $0x780;
	[dreg:$0x8] =	wrdreg s9  }
0x19: {  	s1 =	simm.s32 $0x1380;
	s6 =	simm.s32 $0x0;
	[dreg:$0x9] =	wrdreg s24  }
0x1a: {  	[dreg:$0xb] =	wrdreg s26;
	s24 =	simm.s32 $0x800;
	s26 =	simm.s32 $0x1480  }
.LBB2_1:
0x1b: {  	s8 =	rddreg [dreg:$0x3]  }
0x1c: {  	s9 =	rddreg [dreg:$0x4];
	s8 =	sshrl.u32 s8, $0x3  }
0x1d: {  	[spmem:s8], [sflag:s7] =	dma.local [hbm:s9], $0x2700  }
0x1e: {  	_ =	swait.ge [sflag:s23], $0x2700  }
0x1f: {  	[sflag:s23] =	ssyncset.done $0x0;
	s9 =	rddreg [dreg:$0x5]  }
0x20: {  	s10 =	rddreg [dreg:$0x6];
	[sflag:s23] =	ssyncadd.s32 $0xFFFFD900;
	s9 =	sshrl.u32 @!p0 s9, $0x3  }
0x21: {  	[spmem:s9], [sflag:s7] =	dma.local @!p0 [hbm:s10], $0x100  }
0x22: {  	s10 =	simm.s32 @!p0 $0x3  }
0x23: {  	_ =	swait.ge @!p0 [sflag:s10], $0x100  }
0x24: {  	[sflag:s10] =	ssyncset.done @!p0 $0x0  }
0x25: {  	[sflag:s10] =	ssyncadd.s32 @!p0 $0xFFFFFF00  }
0x26: {  	[bflag:$0x0] =	sbarrier.arrive $0xFFFF  }
0x27: {  	s14 =	rddreg [dreg:$0x7]  }
0x28: {  	[tilespmem:s3], [sflag:$0x3] =	stream.linear.gather [hbm4b:s14+s3], $0x7D0, $0x38;
	[tilespmem:$0x19D00] =	vst v63  }
0x29: {  	_ =	swait.ge [sflag:s23], $0x7D0  }
0x2a: {  	[sflag:s23] =	ssyncset.done $0x0  }
0x2b: {  	s11 =	rddreg [dreg:$0x8];
	[sflag:s23] =	ssyncadd.s32 $0xFFFFF830  }
0x2c: {  	[tilespmem:s24], [sflag:$0x3] =	stream.linear.gather [hbm4b:s11+s3], $0xC80, $0x38;
	[tilespmem:$0x19D00] =	vst v63  }
0x2d: {  	_ =	swait.ge [sflag:s23], $0xC80  }
0x2e: {  	[sflag:s23] =	ssyncset.done $0x0  }
0x2f: {  	[sflag:s23] =	ssyncadd.s32 $0xFFFFF380  }
0x30: {  	[tilespmem:s26], [sflag:$0x1] =	stream.indirect.gather [hbm4b:s4+s25], $0x80, s3, s25, $0xb8;
	[tilespmem:$0x19D00] =	vst v63  }
0x31: {  	_ = 	snop  }
0x32: {  	[tilespmem:s28], [sflag:$0x2] =	stream.indirect.gather [hbm4b:s4+s25], $0x80, s25, s25, $0xb8;
	[tilespmem:$0x19D00] =	vst v63  }
0x33: {  	_ =	swait.ge [sflag:s29], $0x2800  }
0x34: {  	[sflag:s29] =	ssyncset.done $0x0  }
0x35: {  	s12 =	simm.s32 $0x800;
	[sflag:s29] =	ssyncadd.s32 $0xFFFFD800  }
0x36: {  	[spmem:s2] =	stream.indirect.scatter.add.f32 [tilespmem:s26], [sflag:$0x3], $0x80, s12, s25, $0xb8;
	[tilespmem:$0x19D00] =	vst v63  }
0x37: {  	_ =	swait.ge [sflag:s23], $0x2800  }
0x38: {  	[sflag:s23] =	ssyncset.done $0x0  }
0x39: {  	s13 =	simm.s32 $0xA0;
	[sflag:s23] =	ssyncadd.s32 $0xFFFFD800  }
0x3a: {  	[tilespmem:s26], [sflag:$0x1] =	stream.indirect.gather [hbm4b:s4+s25], $0x80, s13, s25, $0xb8;
	[tilespmem:$0x19D00] =	vst v63  }
0x3b: {  	_ =	swait.ge [sflag:s30], $0x2800  }
0x3c: {  	[sflag:s30] =	ssyncset.done $0x0  }
0x3d: {  	s14 =	simm.s32 $0x880;
	[sflag:s30] =	ssyncadd.s32 $0xFFFFD800  }
0x3e: {  	[spmem:s2] =	stream.indirect.scatter.add.f32 [tilespmem:s28], [sflag:$0x3], $0x80, s14, s25, $0xb8;
	[tilespmem:$0x19D00] =	vst v63  }
0x3f: {  	_ =	swait.ge [sflag:s23], $0x2800  }
0x40: {  	s10 =	simm.s32 $0xF0;
	[sflag:s23] =	ssyncset.done $0x0  }
0x41: {  	s11 =	simm.s32 $0x400;
	s12 =	simm.s32 $0x190;
	[sflag:s23] =	ssyncadd.s32 $0xFFFFD800  }
.LBB2_2:
0x42: {  	[tilespmem:s28], [sflag:$0x2] =	stream.indirect.gather [hbm4b:s4+s25], $0x80, s10, s25, $0xb8;
	[tilespmem:$0x19D00] =	vst v63  }
0x43: {  	s13 =	smov.u32 s11;
	s10 =	smov.u32 s12  }
0x44: {  	p1 =	sne.s32 s11, $0x2800;
	s11 =	sadd.s32 $0x400, s11;
	_ =	swait.ge [sflag:s29], $0x2800  }
0x45: {  	s13 =	sshra.s32 s13, $0x2;
	[sflag:s29] =	ssyncset.done $0x0  }
0x46: {  	s14 =	sadd.s32 $0x800, s13;
	[sflag:s29] =	ssyncadd.s32 $0xFFFFD800  }
0x47: {  	[spmem:s2] =	stream.indirect.scatter.add.f32 [tilespmem:s26], [sflag:$0x3], $0x80, s14, s25, $0xb8;
	[tilespmem:$0x19D00] =	vst v63  }
0x48: {  	_ =	swait.ge [sflag:s23], $0x2800  }
0x49: {  	[sflag:s23] =	ssyncset.done $0x0  }
0x4a: {  	s14 =	sadd.s32 $0xFFFFFFB0, s12;
	[sflag:s23] =	ssyncadd.s32 $0xFFFFD800  }
0x4b: {  	[tilespmem:s26], [sflag:$0x1] =	stream.indirect.gather [hbm4b:s4+s25], $0x80, s14, s25, $0xb8;
	[tilespmem:$0x19D00] =	vst v63  }
0x4c: {  	_ =	swait.ge [sflag:s30], $0x2800  }
0x4d: {  	[sflag:s30] =	ssyncset.done $0x0  }
.Ltmp0:
0x4e: {  	s13 =	sadd.s32 $0x880, s13;
	[sflag:s30] =	ssyncadd.s32 $0xFFFFD800;
	(pc) =	sbr.rel @p1 .LBB2_2-.Ltmp0, $4  }
0x4f: {  	[spmem:s2] =	stream.indirect.scatter.add.f32 [tilespmem:s28], [sflag:$0x3], $0x80, s13, s25, $0xb8;
	[tilespmem:$0x19D00] =	vst v63  }
0x50: {  	_ =	swait.ge [sflag:s23], $0x2800  }
0x51: {  	[sflag:s23] =	ssyncset.done $0x0  }
0x52: {  	s12 =	sadd.s32 $0xA0, s12;
	[sflag:s23] =	ssyncadd.s32 $0xFFFFD800  }
0x53: {  	[tilespmem:s28], [sflag:$0x2] =	stream.indirect.gather [hbm4b:s4+s25], $0x80, s10, s25, $0xb8;
	[tilespmem:$0x19D00] =	vst v63  }
0x54: {  	_ =	swait.ge [sflag:s29], $0x2800  }
0x55: {  	[sflag:s29] =	ssyncset.done $0x0  }
0x56: {  	[sflag:s29] =	ssyncadd.s32 $0xFFFFD800  }
0x57: {  	[spmem:s2] =	stream.indirect.scatter.add.f32 [tilespmem:s26], [sflag:$0x3], $0x80, s31, s25, $0xb8;
	[tilespmem:$0x19D00] =	vst v63  }
0x58: {  	_ =	swait.ge [sflag:s23], $0x2800  }
0x59: {  	[sflag:s23] =	ssyncset.done $0x0  }
0x5a: {  	[sflag:s23] =	ssyncadd.s32 $0xFFFFD800  }
0x5b: {  	[tilespmem:s26], [sflag:$0x1] =	stream.indirect.gather [hbm4b:s4+s25], $0x80, s0, s25, $0xb8;
	[tilespmem:$0x19D00] =	vst v63  }
0x5c: {  	_ =	swait.ge [sflag:s30], $0x2800  }
0x5d: {  	[sflag:s30] =	ssyncset.done $0x0  }
0x5e: {  	[sflag:s30] =	ssyncadd.s32 $0xFFFFD800  }
0x5f: {  	[spmem:s2] =	stream.indirect.scatter.add.f32 [tilespmem:s28], [sflag:$0x3], $0x80, s1, s25, $0xb8;
	[tilespmem:$0x19D00] =	vst v63  }
0x60: {  	_ =	swait.ge [sflag:s23], $0x2800  }
0x61: {  	[sflag:s23] =	ssyncset.done $0x0  }
0x62: {  	[sflag:s23] =	ssyncadd.s32 $0xFFFFD800  }
0x63: {  	_ =	swait.ge [sflag:s29], $0x2800  }
0x64: {  	[sflag:s29] =	ssyncset.done $0x0  }
0x65: {  	[sflag:s29] =	ssyncadd.s32 $0xFFFFD800  }
0x66: {  	[spmem:s2] =	stream.indirect.scatter.add.f32 [tilespmem:s26], [sflag:$0x3], $0x80, s5, s25, $0xb8;
	[tilespmem:$0x19D00] =	vst v63  }
0x67: {  	_ =	swait.ge [sflag:s23], $0x2800  }
0x68: {  	[sflag:s23] =	ssyncset.done $0x0  }
0x69: {  	s13 =	simm.s32 $0x0;
	s11 =	rddreg [dreg:$0x9];
	[sflag:s23] =	ssyncadd.s32 $0xFFFFD800  }
0x6a: {  	[tilespmem:s13], [sflag:$0x3] =	stream.linear.gather [hbm4b:s11+s13], $0x7D0, $0x38;
	[tilespmem:$0x19D00] =	vst v63  }
0x6b: {  	_ =	swait.ge [sflag:s23], $0x7D0  }
0x6c: {  	[sflag:s23] =	ssyncset.done $0x0  }
0x6d: {  	s14 =	rddreg [dreg:$0xa];
	[sflag:s23] =	ssyncadd.s32 $0xFFFFF830  }
0x6e: {  	[tilespmem:s24], [sflag:$0x3] =	stream.linear.gather [hbm4b:s14+s13], $0xC80, $0x38;
	[tilespmem:$0x19D00] =	vst v63  }
0x6f: {  	_ =	swait.ge [sflag:s23], $0xC80  }
0x70: {  	[sflag:s23] =	ssyncset.done $0x0  }
0x71: {  	[sflag:s23] =	ssyncadd.s32 $0xFFFFF380  }
0x72: {  	[tilespmem:s26], [sflag:$0x1] =	stream.indirect.gather [hbm4b:s4+s25], $0x80, s13, s25, $0xb8;
	[tilespmem:$0x19D00] =	vst v63  }
0x73: {  	_ = 	snop  }
0x74: {  	[tilespmem:s28], [sflag:$0x2] =	stream.indirect.gather [hbm4b:s4+s25], $0x80, s25, s25, $0xb8;
	[tilespmem:$0x19D00] =	vst v63  }
0x75: {  	_ =	swait.ge [sflag:s29], $0x2800  }
0x76: {  	[sflag:s29] =	ssyncset.done $0x0  }
0x77: {  	s12 =	simm.s32 $0x800;
	[sflag:s29] =	ssyncadd.s32 $0xFFFFD800  }
0x78: {  	[spmem:s2] =	stream.indirect.scatter.add.f32 [tilespmem:s26], [sflag:$0x3], $0x80, s12, s25, $0xb8;
	[tilespmem:$0x19D00] =	vst v63  }
0x79: {  	_ =	swait.ge [sflag:s23], $0x2800  }
0x7a: {  	[sflag:s23] =	ssyncset.done $0x0  }
0x7b: {  	s13 =	simm.s32 $0xA0;
	[sflag:s23] =	ssyncadd.s32 $0xFFFFD800  }
0x7c: {  	[tilespmem:s26], [sflag:$0x1] =	stream.indirect.gather [hbm4b:s4+s25], $0x80, s13, s25, $0xb8;
	[tilespmem:$0x19D00] =	vst v63  }
0x7d: {  	_ =	swait.ge [sflag:s30], $0x2800  }
0x7e: {  	[sflag:s30] =	ssyncset.done $0x0  }
0x7f: {  	s14 =	simm.s32 $0x880;
	[sflag:s30] =	ssyncadd.s32 $0xFFFFD800  }
0x80: {  	[spmem:s2] =	stream.indirect.scatter.add.f32 [tilespmem:s28], [sflag:$0x3], $0x80, s14, s25, $0xb8;
	[tilespmem:$0x19D00] =	vst v63  }
0x81: {  	_ =	swait.ge [sflag:s23], $0x2800  }
0x82: {  	s10 =	simm.s32 $0xF0;
	[sflag:s23] =	ssyncset.done $0x0  }
0x83: {  	s11 =	simm.s32 $0x400;
	s12 =	simm.s32 $0x190;
	[sflag:s23] =	ssyncadd.s32 $0xFFFFD800  }
.LBB2_4:
0x84: {  	[tilespmem:s28], [sflag:$0x2] =	stream.indirect.gather [hbm4b:s4+s25], $0x80, s10, s25, $0xb8;
	[tilespmem:$0x19D00] =	vst v63  }
0x85: {  	s13 =	smov.u32 s11;
	s10 =	smov.u32 s12  }
0x86: {  	p1 =	sne.s32 s11, $0x2800;
	s11 =	sadd.s32 $0x400, s11;
	_ =	swait.ge [sflag:s29], $0x2800  }
0x87: {  	s13 =	sshra.s32 s13, $0x2;
	[sflag:s29] =	ssyncset.done $0x0  }
0x88: {  	s14 =	sadd.s32 $0x800, s13;
	[sflag:s29] =	ssyncadd.s32 $0xFFFFD800  }
0x89: {  	[spmem:s2] =	stream.indirect.scatter.add.f32 [tilespmem:s26], [sflag:$0x3], $0x80, s14, s25, $0xb8;
	[tilespmem:$0x19D00] =	vst v63  }
0x8a: {  	_ =	swait.ge [sflag:s23], $0x2800  }
0x8b: {  	[sflag:s23] =	ssyncset.done $0x0  }
0x8c: {  	s14 =	sadd.s32 $0xFFFFFFB0, s12;
	[sflag:s23] =	ssyncadd.s32 $0xFFFFD800  }
0x8d: {  	[tilespmem:s26], [sflag:$0x1] =	stream.indirect.gather [hbm4b:s4+s25], $0x80, s14, s25, $0xb8;
	[tilespmem:$0x19D00] =	vst v63  }
0x8e: {  	_ =	swait.ge [sflag:s30], $0x2800  }
0x8f: {  	[sflag:s30] =	ssyncset.done $0x0  }
.Ltmp1:
0x90: {  	s13 =	sadd.s32 $0x880, s13;
	[sflag:s30] =	ssyncadd.s32 $0xFFFFD800;
	(pc) =	sbr.rel @p1 .LBB2_4-.Ltmp1, $4  }
0x91: {  	[spmem:s2] =	stream.indirect.scatter.add.f32 [tilespmem:s28], [sflag:$0x3], $0x80, s13, s25, $0xb8;
	[tilespmem:$0x19D00] =	vst v63  }
0x92: {  	_ =	swait.ge [sflag:s23], $0x2800  }
0x93: {  	[sflag:s23] =	ssyncset.done $0x0  }
0x94: {  	s12 =	sadd.s32 $0xA0, s12;
	[sflag:s23] =	ssyncadd.s32 $0xFFFFD800  }
0x95: {  	[tilespmem:s28], [sflag:$0x2] =	stream.indirect.gather [hbm4b:s4+s25], $0x80, s10, s25, $0xb8;
	[tilespmem:$0x19D00] =	vst v63  }
0x96: {  	_ =	swait.ge [sflag:s29], $0x2800  }
0x97: {  	[sflag:s29] =	ssyncset.done $0x0  }
0x98: {  	[sflag:s29] =	ssyncadd.s32 $0xFFFFD800  }
0x99: {  	[spmem:s2] =	stream.indirect.scatter.add.f32 [tilespmem:s26], [sflag:$0x3], $0x80, s31, s25, $0xb8;
	[tilespmem:$0x19D00] =	vst v63  }
0x9a: {  	_ =	swait.ge [sflag:s23], $0x2800  }
0x9b: {  	[sflag:s23] =	ssyncset.done $0x0  }
0x9c: {  	[sflag:s23] =	ssyncadd.s32 $0xFFFFD800  }
0x9d: {  	[tilespmem:s26], [sflag:$0x1] =	stream.indirect.gather [hbm4b:s4+s25], $0x80, s0, s25, $0xb8;
	[tilespmem:$0x19D00] =	vst v63  }
0x9e: {  	_ =	swait.ge [sflag:s30], $0x2800  }
0x9f: {  	[sflag:s30] =	ssyncset.done $0x0  }
0xa0: {  	[sflag:s30] =	ssyncadd.s32 $0xFFFFD800  }
0xa1: {  	[spmem:s2] =	stream.indirect.scatter.add.f32 [tilespmem:s28], [sflag:$0x3], $0x80, s1, s25, $0xb8;
	[tilespmem:$0x19D00] =	vst v63  }
0xa2: {  	_ =	swait.ge [sflag:s23], $0x2800  }
0xa3: {  	[sflag:s23] =	ssyncset.done $0x0  }
0xa4: {  	[sflag:s23] =	ssyncadd.s32 $0xFFFFD800  }
0xa5: {  	_ =	swait.ge [sflag:s29], $0x2800  }
0xa6: {  	[sflag:s29] =	ssyncset.done $0x0  }
0xa7: {  	[sflag:s29] =	ssyncadd.s32 $0xFFFFD800  }
0xa8: {  	[spmem:s2] =	stream.indirect.scatter.add.f32 [tilespmem:s26], [sflag:$0x3], $0x80, s5, s25, $0xb8;
	[tilespmem:$0x19D00] =	vst v63  }
0xa9: {  	_ =	swait.ge [sflag:s23], $0x2800  }
0xaa: {  	[sflag:s23] =	ssyncset.done $0x0  }
0xab: {  	s14 =	simm.s32 $0x0;
	s11 =	rddreg [dreg:$0xb];
	[sflag:s23] =	ssyncadd.s32 $0xFFFFD800  }
0xac: {  	[tilespmem:s14], [sflag:$0x3] =	stream.linear.gather [hbm4b:s11+s14], $0x7D0, $0x38;
	[tilespmem:$0x19D00] =	vst v63  }
0xad: {  	_ =	swait.ge [sflag:s23], $0x7D0  }
0xae: {  	[sflag:s23] =	ssyncset.done $0x0  }
0xaf: {  	[sflag:s23] =	ssyncadd.s32 $0xFFFFF830  }
0xb0: {  	[tilespmem:s24], [sflag:$0x3] =	stream.linear.gather [hbm4b:s15+s14], $0xC80, $0x38;
	[tilespmem:$0x19D00] =	vst v63  }
0xb1: {  	_ =	swait.ge [sflag:s23], $0xC80  }
0xb2: {  	[sflag:s23] =	ssyncset.done $0x0  }
0xb3: {  	[sflag:s23] =	ssyncadd.s32 $0xFFFFF380  }
0xb4: {  	[tilespmem:s26], [sflag:$0x1] =	stream.indirect.gather [hbm4b:s4+s25], $0x80, s14, s25, $0xb8;
	[tilespmem:$0x19D00] =	vst v63  }
0xb5: {  	_ = 	snop  }
0xb6: {  	[tilespmem:s28], [sflag:$0x2] =	stream.indirect.gather [hbm4b:s4+s25], $0x80, s25, s25, $0xb8;
	[tilespmem:$0x19D00] =	vst v63  }
0xb7: {  	_ =	swait.ge [sflag:s29], $0x2800  }
0xb8: {  	[sflag:s29] =	ssyncset.done $0x0  }
0xb9: {  	s12 =	simm.s32 $0x800;
	[sflag:s29] =	ssyncadd.s32 $0xFFFFD800  }
0xba: {  	[spmem:s2] =	stream.indirect.scatter.add.f32 [tilespmem:s26], [sflag:$0x3], $0x80, s12, s25, $0xb8;
	[tilespmem:$0x19D00] =	vst v63  }
0xbb: {  	_ =	swait.ge [sflag:s23], $0x2800  }
0xbc: {  	[sflag:s23] =	ssyncset.done $0x0  }
0xbd: {  	s13 =	simm.s32 $0xA0;
	[sflag:s23] =	ssyncadd.s32 $0xFFFFD800  }
0xbe: {  	[tilespmem:s26], [sflag:$0x1] =	stream.indirect.gather [hbm4b:s4+s25], $0x80, s13, s25, $0xb8;
	[tilespmem:$0x19D00] =	vst v63  }
0xbf: {  	_ =	swait.ge [sflag:s30], $0x2800  }
0xc0: {  	[sflag:s30] =	ssyncset.done $0x0  }
0xc1: {  	s14 =	simm.s32 $0x880;
	[sflag:s30] =	ssyncadd.s32 $0xFFFFD800  }
0xc2: {  	[spmem:s2] =	stream.indirect.scatter.add.f32 [tilespmem:s28], [sflag:$0x3], $0x80, s14, s25, $0xb8;
	[tilespmem:$0x19D00] =	vst v63  }
0xc3: {  	_ =	swait.ge [sflag:s23], $0x2800  }
0xc4: {  	s10 =	simm.s32 $0xF0;
	[sflag:s23] =	ssyncset.done $0x0  }
0xc5: {  	s11 =	simm.s32 $0x400;
	s12 =	simm.s32 $0x190;
	[sflag:s23] =	ssyncadd.s32 $0xFFFFD800  }
.LBB2_6:
0xc6: {  	[tilespmem:s28], [sflag:$0x2] =	stream.indirect.gather [hbm4b:s4+s25], $0x80, s10, s25, $0xb8;
	[tilespmem:$0x19D00] =	vst v63  }
0xc7: {  	s13 =	smov.u32 s11;
	s10 =	smov.u32 s12  }
0xc8: {  	p1 =	sne.s32 s11, $0x2800;
	s11 =	sadd.s32 $0x400, s11;
	_ =	swait.ge [sflag:s29], $0x2800  }
0xc9: {  	s13 =	sshra.s32 s13, $0x2;
	[sflag:s29] =	ssyncset.done $0x0  }
0xca: {  	s14 =	sadd.s32 $0x800, s13;
	[sflag:s29] =	ssyncadd.s32 $0xFFFFD800  }
0xcb: {  	[spmem:s2] =	stream.indirect.scatter.add.f32 [tilespmem:s26], [sflag:$0x3], $0x80, s14, s25, $0xb8;
	[tilespmem:$0x19D00] =	vst v63  }
0xcc: {  	_ =	swait.ge [sflag:s23], $0x2800  }
0xcd: {  	[sflag:s23] =	ssyncset.done $0x0  }
0xce: {  	s14 =	sadd.s32 $0xFFFFFFB0, s12;
	[sflag:s23] =	ssyncadd.s32 $0xFFFFD800  }
0xcf: {  	[tilespmem:s26], [sflag:$0x1] =	stream.indirect.gather [hbm4b:s4+s25], $0x80, s14, s25, $0xb8;
	[tilespmem:$0x19D00] =	vst v63  }
0xd0: {  	_ =	swait.ge [sflag:s30], $0x2800  }
0xd1: {  	[sflag:s30] =	ssyncset.done $0x0  }
.Ltmp2:
0xd2: {  	s13 =	sadd.s32 $0x880, s13;
	[sflag:s30] =	ssyncadd.s32 $0xFFFFD800;
	(pc) =	sbr.rel @p1 .LBB2_6-.Ltmp2, $4  }
0xd3: {  	[spmem:s2] =	stream.indirect.scatter.add.f32 [tilespmem:s28], [sflag:$0x3], $0x80, s13, s25, $0xb8;
	[tilespmem:$0x19D00] =	vst v63  }
0xd4: {  	_ =	swait.ge [sflag:s23], $0x2800  }
0xd5: {  	[sflag:s23] =	ssyncset.done $0x0  }
0xd6: {  	s12 =	sadd.s32 $0xA0, s12;
	[sflag:s23] =	ssyncadd.s32 $0xFFFFD800  }
0xd7: {  	[tilespmem:s28], [sflag:$0x2] =	stream.indirect.gather [hbm4b:s4+s25], $0x80, s10, s25, $0xb8;
	[tilespmem:$0x19D00] =	vst v63  }
0xd8: {  	_ =	swait.ge [sflag:s29], $0x2800  }
0xd9: {  	[sflag:s29] =	ssyncset.done $0x0  }
0xda: {  	[sflag:s29] =	ssyncadd.s32 $0xFFFFD800  }
0xdb: {  	[spmem:s2] =	stream.indirect.scatter.add.f32 [tilespmem:s26], [sflag:$0x3], $0x80, s31, s25, $0xb8;
	[tilespmem:$0x19D00] =	vst v63  }
0xdc: {  	_ =	swait.ge [sflag:s23], $0x2800  }
0xdd: {  	[sflag:s23] =	ssyncset.done $0x0  }
0xde: {  	[sflag:s23] =	ssyncadd.s32 $0xFFFFD800  }
0xdf: {  	[tilespmem:s26], [sflag:$0x1] =	stream.indirect.gather [hbm4b:s4+s25], $0x80, s0, s25, $0xb8;
	[tilespmem:$0x19D00] =	vst v63  }
0xe0: {  	_ =	swait.ge [sflag:s30], $0x2800  }
0xe1: {  	[sflag:s30] =	ssyncset.done $0x0  }
0xe2: {  	[sflag:s30] =	ssyncadd.s32 $0xFFFFD800  }
0xe3: {  	[spmem:s2] =	stream.indirect.scatter.add.f32 [tilespmem:s28], [sflag:$0x3], $0x80, s1, s25, $0xb8;
	[tilespmem:$0x19D00] =	vst v63  }
0xe4: {  	_ =	swait.ge [sflag:s23], $0x2800  }
0xe5: {  	[sflag:s23] =	ssyncset.done $0x0  }
0xe6: {  	[sflag:s23] =	ssyncadd.s32 $0xFFFFD800  }
0xe7: {  	_ =	swait.ge [sflag:s29], $0x2800  }
0xe8: {  	[sflag:s29] =	ssyncset.done $0x0  }
0xe9: {  	[sflag:s29] =	ssyncadd.s32 $0xFFFFD800  }
0xea: {  	[spmem:s2] =	stream.indirect.scatter.add.f32 [tilespmem:s26], [sflag:$0x3], $0x80, s5, s25, $0xb8;
	[tilespmem:$0x19D00] =	vst v63  }
0xeb: {  	_ =	swait.ge [sflag:s23], $0x2800  }
0xec: {  	[sflag:s23] =	ssyncset.done $0x0  }
0xed: {  	s11 =	simm.s32 $0x0;
	[sflag:s23] =	ssyncadd.s32 $0xFFFFD800  }
0xee: {  	[tilespmem:s11], [sflag:$0x3] =	stream.linear.gather [hbm4b:s16+s11], $0x7D0, $0x38;
	[tilespmem:$0x19D00] =	vst v63  }
0xef: {  	_ =	swait.ge [sflag:s23], $0x7D0  }
0xf0: {  	[sflag:s23] =	ssyncset.done $0x0  }
0xf1: {  	[sflag:s23] =	ssyncadd.s32 $0xFFFFF830  }
0xf2: {  	[tilespmem:s24], [sflag:$0x3] =	stream.linear.gather [hbm4b:s17+s11], $0xC80, $0x38;
	[tilespmem:$0x19D00] =	vst v63  }
0xf3: {  	_ =	swait.ge [sflag:s23], $0xC80  }
0xf4: {  	[sflag:s23] =	ssyncset.done $0x0  }
0xf5: {  	[sflag:s23] =	ssyncadd.s32 $0xFFFFF380  }
0xf6: {  	[tilespmem:s26], [sflag:$0x1] =	stream.indirect.gather [hbm4b:s4+s25], $0x80, s11, s25, $0xb8;
	[tilespmem:$0x19D00] =	vst v63  }
0xf7: {  	_ = 	snop  }
0xf8: {  	[tilespmem:s28], [sflag:$0x2] =	stream.indirect.gather [hbm4b:s4+s25], $0x80, s25, s25, $0xb8;
	[tilespmem:$0x19D00] =	vst v63  }
0xf9: {  	_ =	swait.ge [sflag:s29], $0x2800  }
0xfa: {  	[sflag:s29] =	ssyncset.done $0x0  }
0xfb: {  	s12 =	simm.s32 $0x800;
	[sflag:s29] =	ssyncadd.s32 $0xFFFFD800  }
0xfc: {  	[spmem:s2] =	stream.indirect.scatter.add.f32 [tilespmem:s26], [sflag:$0x3], $0x80, s12, s25, $0xb8;
	[tilespmem:$0x19D00] =	vst v63  }
0xfd: {  	_ =	swait.ge [sflag:s23], $0x2800  }
0xfe: {  	[sflag:s23] =	ssyncset.done $0x0  }
0xff: {  	s13 =	simm.s32 $0xA0;
	[sflag:s23] =	ssyncadd.s32 $0xFFFFD800  }
0x100: {  	[tilespmem:s26], [sflag:$0x1] =	stream.indirect.gather [hbm4b:s4+s25], $0x80, s13, s25, $0xb8;
	[tilespmem:$0x19D00] =	vst v63  }
0x101: {  	_ =	swait.ge [sflag:s30], $0x2800  }
0x102: {  	[sflag:s30] =	ssyncset.done $0x0  }
0x103: {  	s14 =	simm.s32 $0x880;
	[sflag:s30] =	ssyncadd.s32 $0xFFFFD800  }
0x104: {  	[spmem:s2] =	stream.indirect.scatter.add.f32 [tilespmem:s28], [sflag:$0x3], $0x80, s14, s25, $0xb8;
	[tilespmem:$0x19D00] =	vst v63  }
0x105: {  	_ =	swait.ge [sflag:s23], $0x2800  }
0x106: {  	s10 =	simm.s32 $0xF0;
	[sflag:s23] =	ssyncset.done $0x0  }
0x107: {  	s11 =	simm.s32 $0x400;
	s12 =	simm.s32 $0x190;
	[sflag:s23] =	ssyncadd.s32 $0xFFFFD800  }
.LBB2_8:
0x108: {  	[tilespmem:s28], [sflag:$0x2] =	stream.indirect.gather [hbm4b:s4+s25], $0x80, s10, s25, $0xb8;
	[tilespmem:$0x19D00] =	vst v63  }
0x109: {  	s13 =	smov.u32 s11;
	s10 =	smov.u32 s12  }
0x10a: {  	p1 =	sne.s32 s11, $0x2800;
	s11 =	sadd.s32 $0x400, s11;
	_ =	swait.ge [sflag:s29], $0x2800  }
0x10b: {  	s13 =	sshra.s32 s13, $0x2;
	[sflag:s29] =	ssyncset.done $0x0  }
0x10c: {  	s14 =	sadd.s32 $0x800, s13;
	[sflag:s29] =	ssyncadd.s32 $0xFFFFD800  }
0x10d: {  	[spmem:s2] =	stream.indirect.scatter.add.f32 [tilespmem:s26], [sflag:$0x3], $0x80, s14, s25, $0xb8;
	[tilespmem:$0x19D00] =	vst v63  }
0x10e: {  	_ =	swait.ge [sflag:s23], $0x2800  }
0x10f: {  	[sflag:s23] =	ssyncset.done $0x0  }
0x110: {  	s14 =	sadd.s32 $0xFFFFFFB0, s12;
	[sflag:s23] =	ssyncadd.s32 $0xFFFFD800  }
0x111: {  	[tilespmem:s26], [sflag:$0x1] =	stream.indirect.gather [hbm4b:s4+s25], $0x80, s14, s25, $0xb8;
	[tilespmem:$0x19D00] =	vst v63  }
0x112: {  	_ =	swait.ge [sflag:s30], $0x2800  }
0x113: {  	[sflag:s30] =	ssyncset.done $0x0  }
.Ltmp3:
0x114: {  	s13 =	sadd.s32 $0x880, s13;
	[sflag:s30] =	ssyncadd.s32 $0xFFFFD800;
	(pc) =	sbr.rel @p1 .LBB2_8-.Ltmp3, $4  }
0x115: {  	[spmem:s2] =	stream.indirect.scatter.add.f32 [tilespmem:s28], [sflag:$0x3], $0x80, s13, s25, $0xb8;
	[tilespmem:$0x19D00] =	vst v63  }
0x116: {  	_ =	swait.ge [sflag:s23], $0x2800  }
0x117: {  	[sflag:s23] =	ssyncset.done $0x0  }
0x118: {  	s12 =	sadd.s32 $0xA0, s12;
	[sflag:s23] =	ssyncadd.s32 $0xFFFFD800  }
0x119: {  	[tilespmem:s28], [sflag:$0x2] =	stream.indirect.gather [hbm4b:s4+s25], $0x80, s10, s25, $0xb8;
	[tilespmem:$0x19D00] =	vst v63  }
0x11a: {  	_ =	swait.ge [sflag:s29], $0x2800  }
0x11b: {  	[sflag:s29] =	ssyncset.done $0x0  }
0x11c: {  	[sflag:s29] =	ssyncadd.s32 $0xFFFFD800  }
0x11d: {  	[spmem:s2] =	stream.indirect.scatter.add.f32 [tilespmem:s26], [sflag:$0x3], $0x80, s31, s25, $0xb8;
	[tilespmem:$0x19D00] =	vst v63  }
0x11e: {  	_ =	swait.ge [sflag:s23], $0x2800  }
0x11f: {  	[sflag:s23] =	ssyncset.done $0x0  }
0x120: {  	[sflag:s23] =	ssyncadd.s32 $0xFFFFD800  }
0x121: {  	[tilespmem:s26], [sflag:$0x1] =	stream.indirect.gather [hbm4b:s4+s25], $0x80, s0, s25, $0xb8;
	[tilespmem:$0x19D00] =	vst v63  }
0x122: {  	_ =	swait.ge [sflag:s30], $0x2800  }
0x123: {  	[sflag:s30] =	ssyncset.done $0x0  }
0x124: {  	[sflag:s30] =	ssyncadd.s32 $0xFFFFD800  }
0x125: {  	[spmem:s2] =	stream.indirect.scatter.add.f32 [tilespmem:s28], [sflag:$0x3], $0x80, s1, s25, $0xb8;
	[tilespmem:$0x19D00] =	vst v63  }
0x126: {  	_ =	swait.ge [sflag:s23], $0x2800  }
0x127: {  	[sflag:s23] =	ssyncset.done $0x0  }
0x128: {  	[sflag:s23] =	ssyncadd.s32 $0xFFFFD800  }
0x129: {  	_ =	swait.ge [sflag:s29], $0x2800  }
0x12a: {  	[sflag:s29] =	ssyncset.done $0x0  }
0x12b: {  	[sflag:s29] =	ssyncadd.s32 $0xFFFFD800  }
0x12c: {  	[spmem:s2] =	stream.indirect.scatter.add.f32 [tilespmem:s26], [sflag:$0x3], $0x80, s5, s25, $0xb8;
	[tilespmem:$0x19D00] =	vst v63  }
0x12d: {  	_ =	swait.ge [sflag:s23], $0x2800  }
0x12e: {  	[sflag:s23] =	ssyncset.done $0x0  }
0x12f: {  	s11 =	simm.s32 $0x0;
	[sflag:s23] =	ssyncadd.s32 $0xFFFFD800  }
0x130: {  	[tilespmem:s11], [sflag:$0x3] =	stream.linear.gather [hbm4b:s18+s11], $0x7D0, $0x38;
	[tilespmem:$0x19D00] =	vst v63  }
0x131: {  	_ =	swait.ge [sflag:s23], $0x7D0  }
0x132: {  	[sflag:s23] =	ssyncset.done $0x0  }
0x133: {  	[sflag:s23] =	ssyncadd.s32 $0xFFFFF830  }
0x134: {  	[tilespmem:s24], [sflag:$0x3] =	stream.linear.gather [hbm4b:s19+s11], $0xC80, $0x38;
	[tilespmem:$0x19D00] =	vst v63  }
0x135: {  	_ =	swait.ge [sflag:s23], $0xC80  }
0x136: {  	[sflag:s23] =	ssyncset.done $0x0  }
0x137: {  	[sflag:s23] =	ssyncadd.s32 $0xFFFFF380  }
0x138: {  	[tilespmem:s26], [sflag:$0x1] =	stream.indirect.gather [hbm4b:s4+s25], $0x80, s11, s25, $0xb8;
	[tilespmem:$0x19D00] =	vst v63  }
0x139: {  	_ = 	snop  }
0x13a: {  	[tilespmem:s28], [sflag:$0x2] =	stream.indirect.gather [hbm4b:s4+s25], $0x80, s25, s25, $0xb8;
	[tilespmem:$0x19D00] =	vst v63  }
0x13b: {  	_ =	swait.ge [sflag:s29], $0x2800  }
0x13c: {  	[sflag:s29] =	ssyncset.done $0x0  }
0x13d: {  	s12 =	simm.s32 $0x800;
	[sflag:s29] =	ssyncadd.s32 $0xFFFFD800  }
0x13e: {  	[spmem:s2] =	stream.indirect.scatter.add.f32 [tilespmem:s26], [sflag:$0x3], $0x80, s12, s25, $0xb8;
	[tilespmem:$0x19D00] =	vst v63  }
0x13f: {  	_ =	swait.ge [sflag:s23], $0x2800  }
0x140: {  	[sflag:s23] =	ssyncset.done $0x0  }
0x141: {  	s13 =	simm.s32 $0xA0;
	[sflag:s23] =	ssyncadd.s32 $0xFFFFD800  }
0x142: {  	[tilespmem:s26], [sflag:$0x1] =	stream.indirect.gather [hbm4b:s4+s25], $0x80, s13, s25, $0xb8;
	[tilespmem:$0x19D00] =	vst v63  }
0x143: {  	_ =	swait.ge [sflag:s30], $0x2800  }
0x144: {  	[sflag:s30] =	ssyncset.done $0x0  }
0x145: {  	s14 =	simm.s32 $0x880;
	[sflag:s30] =	ssyncadd.s32 $0xFFFFD800  }
0x146: {  	[spmem:s2] =	stream.indirect.scatter.add.f32 [tilespmem:s28], [sflag:$0x3], $0x80, s14, s25, $0xb8;
	[tilespmem:$0x19D00] =	vst v63  }
0x147: {  	_ =	swait.ge [sflag:s23], $0x2800  }
0x148: {  	s10 =	simm.s32 $0xF0;
	[sflag:s23] =	ssyncset.done $0x0  }
0x149: {  	s11 =	simm.s32 $0x400;
	s12 =	simm.s32 $0x190;
	[sflag:s23] =	ssyncadd.s32 $0xFFFFD800  }
.LBB2_10:
0x14a: {  	[tilespmem:s28], [sflag:$0x2] =	stream.indirect.gather [hbm4b:s4+s25], $0x80, s10, s25, $0xb8;
	[tilespmem:$0x19D00] =	vst v63  }
0x14b: {  	s13 =	smov.u32 s11;
	s10 =	smov.u32 s12  }
0x14c: {  	p1 =	sne.s32 s11, $0x2800;
	s11 =	sadd.s32 $0x400, s11;
	_ =	swait.ge [sflag:s29], $0x2800  }
0x14d: {  	s13 =	sshra.s32 s13, $0x2;
	[sflag:s29] =	ssyncset.done $0x0  }
0x14e: {  	s14 =	sadd.s32 $0x800, s13;
	[sflag:s29] =	ssyncadd.s32 $0xFFFFD800  }
0x14f: {  	[spmem:s2] =	stream.indirect.scatter.add.f32 [tilespmem:s26], [sflag:$0x3], $0x80, s14, s25, $0xb8;
	[tilespmem:$0x19D00] =	vst v63  }
0x150: {  	_ =	swait.ge [sflag:s23], $0x2800  }
0x151: {  	[sflag:s23] =	ssyncset.done $0x0  }
0x152: {  	s14 =	sadd.s32 $0xFFFFFFB0, s12;
	[sflag:s23] =	ssyncadd.s32 $0xFFFFD800  }
0x153: {  	[tilespmem:s26], [sflag:$0x1] =	stream.indirect.gather [hbm4b:s4+s25], $0x80, s14, s25, $0xb8;
	[tilespmem:$0x19D00] =	vst v63  }
0x154: {  	_ =	swait.ge [sflag:s30], $0x2800  }
0x155: {  	[sflag:s30] =	ssyncset.done $0x0  }
.Ltmp4:
0x156: {  	s13 =	sadd.s32 $0x880, s13;
	[sflag:s30] =	ssyncadd.s32 $0xFFFFD800;
	(pc) =	sbr.rel @p1 .LBB2_10-.Ltmp4, $4  }
0x157: {  	[spmem:s2] =	stream.indirect.scatter.add.f32 [tilespmem:s28], [sflag:$0x3], $0x80, s13, s25, $0xb8;
	[tilespmem:$0x19D00] =	vst v63  }
0x158: {  	_ =	swait.ge [sflag:s23], $0x2800  }
0x159: {  	[sflag:s23] =	ssyncset.done $0x0  }
0x15a: {  	s12 =	sadd.s32 $0xA0, s12;
	[sflag:s23] =	ssyncadd.s32 $0xFFFFD800  }
0x15b: {  	[tilespmem:s28], [sflag:$0x2] =	stream.indirect.gather [hbm4b:s4+s25], $0x80, s10, s25, $0xb8;
	[tilespmem:$0x19D00] =	vst v63  }
0x15c: {  	_ =	swait.ge [sflag:s29], $0x2800  }
0x15d: {  	[sflag:s29] =	ssyncset.done $0x0  }
0x15e: {  	[sflag:s29] =	ssyncadd.s32 $0xFFFFD800  }
0x15f: {  	[spmem:s2] =	stream.indirect.scatter.add.f32 [tilespmem:s26], [sflag:$0x3], $0x80, s31, s25, $0xb8;
	[tilespmem:$0x19D00] =	vst v63  }
0x160: {  	_ =	swait.ge [sflag:s23], $0x2800  }
0x161: {  	[sflag:s23] =	ssyncset.done $0x0  }
0x162: {  	[sflag:s23] =	ssyncadd.s32 $0xFFFFD800  }
0x163: {  	[tilespmem:s26], [sflag:$0x1] =	stream.indirect.gather [hbm4b:s4+s25], $0x80, s0, s25, $0xb8;
	[tilespmem:$0x19D00] =	vst v63  }
0x164: {  	_ =	swait.ge [sflag:s30], $0x2800  }
0x165: {  	[sflag:s30] =	ssyncset.done $0x0  }
0x166: {  	[sflag:s30] =	ssyncadd.s32 $0xFFFFD800  }
0x167: {  	[spmem:s2] =	stream.indirect.scatter.add.f32 [tilespmem:s28], [sflag:$0x3], $0x80, s1, s25, $0xb8;
	[tilespmem:$0x19D00] =	vst v63  }
0x168: {  	_ =	swait.ge [sflag:s23], $0x2800  }
0x169: {  	[sflag:s23] =	ssyncset.done $0x0  }
0x16a: {  	[sflag:s23] =	ssyncadd.s32 $0xFFFFD800  }
0x16b: {  	_ =	swait.ge [sflag:s29], $0x2800  }
0x16c: {  	[sflag:s29] =	ssyncset.done $0x0  }
0x16d: {  	[sflag:s29] =	ssyncadd.s32 $0xFFFFD800  }
0x16e: {  	[spmem:s2] =	stream.indirect.scatter.add.f32 [tilespmem:s26], [sflag:$0x3], $0x80, s5, s25, $0xb8;
	[tilespmem:$0x19D00] =	vst v63  }
0x16f: {  	_ =	swait.ge [sflag:s23], $0x2800  }
0x170: {  	[sflag:s23] =	ssyncset.done $0x0  }
0x171: {  	[sflag:s23] =	ssyncadd.s32 $0xFFFFD800  }
0x172: {  	[bflag:$0x0] =	sbarrier.arrive $0xFFFF  }
0x173: {  	[hbm:s20], [sflag:s7] =	dma.local [spmem:s8], $0x2700  }
0x174: {  	s6 =	sadd.s32 $0x1, s6;
	_ =	swait.ge [sflag:s23], $0x2700  }
0x175: {  	p1 =	sne.s32 s6, s22;
	[sflag:s23] =	ssyncset.done $0x0  }
.Ltmp5:
0x176: {  	s8 =	simm.s32 @!p0 $0x3;
	[sflag:s23] =	ssyncadd.s32 $0xFFFFD900;
	(pc) =	sbr.rel @p1 .LBB2_1-.Ltmp5, $4  }
0x177: {  	[hbm:s21], [sflag:s7] =	dma.local @!p0 [spmem:s9], $0x100  }
0x178: {  	_ =	swait.ge @!p0 [sflag:s8], $0x100  }
0x179: {  	[sflag:s8] =	ssyncset.done @!p0 $0x0  }
0x17a: {  	[sflag:s8] =	ssyncadd.s32 @!p0 $0xFFFFFF00  }
0x17b: {  	_ =	sfence.sel $0x180000  }
0x17c: {  	[bflag:$0x0] =	sbarrier.arrive $0xFFFF  }
0x17d: {  	_ =	strace $0x9000004A  }
0x17e: {  	s0 =	stileid.u32;
	[bflag:$0x2] =	sbarrier.arrive $0xFFFF  }
0x17f: {  	p0 =	sne.s32 s0, $0x0;
	s0 =	rddreg [dreg:$0x2]  }
0x180: {  	s0 =	sadd.s32 @!p0 $0x100000, s0  }
0x181: {  	[sflag:s0] =	ssyncadd.tile.s32 @!p0 $0x1;
	_ =	shalt  }
.Lfunc_end2:
_tile_overlayer_lowered:
.L_overlay_start_2:
0x182: {  	(tag) =	ssettag $0x2  }
0x183: {  	s0 =	rddreg [dreg:$0x0];
	s2 =	stileid.u32  }
0x184: {  	s1 =	rddreg [dreg:$0x1];
	p0 =	sne.s32 s2, $0x0  }
0x185: {  	s3 =	rddreg [dreg:$0x2];
	[bflag:$0x3] =	sbarrier.arrive $0xFFFF;
	s2 =	simm.s32 @!p0 $0x1C03  }
0x186: {  	[timem:s3], [sflag:s2] =	dma.local @!p0 [hbm:s0], s1  }
0x187: {  	s0 =	simm.s32 @!p0 $0x3  }
0x188: {  	_ =	swait.ge @!p0 [sflag:s0], s1  }
0x189: {  	s1 =	ssub.s32 @!p0 $0x0, s1;
	[sflag:s0] =	ssyncset.done @!p0 $0x0  }
0x18a: {  	[sflag:s0] =	ssyncadd.s32 @!p0 s1  }
0x18b: {  	[bflag:$0x3] =	sbarrier.arrive $0xFFFF  }
0x18c: {  	_ =	shalt  }

// kernel: kernel.14.cloned.1.call-start
scs
__scs_entry_jumppad:
0x0: {  	(pc) =	sbr.rel $0x88, $3  }
0x1: {  	(tag) =	ssettag $0x0;
	lr =	simm.s32 $0x1  }
0x2: {  	[smem:$0x3F98] =	sst lr;
	_ =	strace $0xD0000000  }
0x3: {  	_ = 	snop  }
0x4: {  	_ = 	snop  }
0x5: {  	_ = 	snop  }
0x6: {  	_ = 	snop  }
0x7: {  	_ = 	snop  }
__scs_overlays_trampoline_lowered:
0x8: {  	[smem:$0x3FA7] =	sst s0  }
0x9: {  	[smem:$0x3FA8] =	sst s1  }
0xa: {  	[smem:$0x3FA9] =	sst s2  }
0xb: {  	[smem:$0x3FAA] =	sst s3  }
0xc: {  	[smem:$0x3FAB] =	sst s4  }
0xd: {  	[smem:$0x3FAC] =	sst s5  }
0xe: {  	[smem:$0x3FAD] =	sst s6  }
0xf: {  	[smem:$0x3FAE] =	sst s7  }
0x10: {  	[smem:$0x3FAF] =	sst s8  }
0x11: {  	[smem:$0x3FB0] =	sst s9;
	s0 =	simm.s32 @!p0 $0x0  }
0x12: {  	s1 =	sld [smem:$0x3F96];
	s0 =	simm.s32 @p0 $0x1  }
0x13: {  	[smem:$0x3FB1] =	sst s0;
	s0 =	simm.s32 @!p1 $0x0  }
0x14: {  	s2 =	sld [smem:$0x3F95];
	s0 =	simm.s32 @p1 $0x1  }
0x15: {  	[smem:$0x3FB2] =	sst s0;
	s0 =	simm.s32 @!p2 $0x0  }
0x16: {  	s3 =	sld [smem:$0x3FDB];
	s0 =	simm.s32 @p2 $0x1  }
0x17: {  	s4 =	simm.s32 $0x1BF5;
	[smem:$0x3FB4] =	sst s0  }
0x18: {  	s0 =	sld [smem:$0x3F97];
	_ =	swait.ge [sflag:s4], $0x0  }
0x19: {  	s7 =	sld [smem:$0x3F98]  }
0x1a: {  	s8 =	sadd.s32 $0xFFFFE003, lr  }
0x1b: {  	s9 =	sadd.s32 $0xFFFFFEF7, lr;
	s5 =	simm.s32 $0xFFFFFFFF;
	p2 =	slt.u32 s8, $0xFFFFF086  }
0x1c: {  	p1 =	slt.u32 s9, $0xF7A;
	s5 =	simm.s32 @!p2 $0x0  }
0x1d: {  	s5 =	simm.s32 @p1 $0x1;
	p0 =	seq.s32 s7, s2  }
0x1e: {  	s7 =	smul.u32 @!p0 $0xF7A, s2;
	p2 =	seq.s32 @!p0 s5, $0x0  }
0x1f: {  	s9 =	smul.u32 $0xF7A, s1;
	s8 =	simm.s32 @!p0 $0x1BF5;
	p2 =	por !p2, p0  }
0x20: {  	[sflag:s8] =	ssyncset.s32 @!p0 $0xFFFFF086;
	s6 =	sadd.s32 @!p0 s3, s7;
	s7 =	simm.s32 @!p0 $0x108  }
0x21: {  	s3 =	sadd.s32 s3, s9;
	s6 =	sadd.s32 @!p0 $0x88, s6;
	s7 =	simm.s32 @p2 $0x1082  }
0x22: {  	[simem:s7], [sflag:s8] =	dma.local @!p0 [hbm:s6], $0xF7A  }
0x23: {  	s9 =	sor.u32 $0xD0000000, s2;
	s6 =	simm.s32 $0x108;
	_ =	swait.ge @!p0 [sflag:s8], $0x0  }
0x24: {  	s3 =	sadd.s32 $0x88, s3;
	s6 =	simm.s32 @!p1 $0x1082;
	[sflag:s4] =	ssyncset.s32 $0xFFFFF086  }
0x25: {  	[simem:s6], [sflag:s4] =	dma.local [hbm:s3], $0xF7A  }
0x26: {  	[smem:$0x3F98] =	sst s1;
	(tag) =	ssettag s2;
	_ =	strace s9  }
0x27: {  	s1 =	sld [smem:$0x3FA8]  }
0x28: {  	s2 =	sld [smem:$0x3FA9]  }
0x29: {  	s4 =	sld [smem:$0x3FAB]  }
0x2a: {  	p0 =	seq.s32 s5, $0x0;
	s5 =	sld [smem:$0x3FAC]  }
0x2b: {  	s6 =	sld [smem:$0x3FAD]  }
0x2c: {  	s7 =	sld [smem:$0x3FAE]  }
0x2d: {  	s3 =	simm.s32 $0x108;
	s8 =	sld [smem:$0x3FAF]  }
0x2e: {  	s3 =	simm.s32 @!p0 $0x1082;
	s9 =	sld [smem:$0x3FB0]  }
0x2f: {  	lr =	sadd.s32 s0, s3;
	s0 =	sld [smem:$0x3FA7]  }
0x30: {  	s3 =	sld [smem:$0x3FAA]  }
0x31: {  	[smem:$0x3FB3] =	sst s10  }
0x32: {  	s10 =	sld [smem:$0x3FB1];
	_ =	sdelay $0x3  }
0x33: {  	p0 =	seq.s32 s10, $0x1;
	s10 =	sld [smem:$0x3FB3];
	_ =	sdelay $0x3  }
0x34: {  	[smem:$0x3FB3] =	sst s10  }
0x35: {  	s10 =	sld [smem:$0x3FB2];
	_ =	sdelay $0x3  }
0x36: {  	p1 =	seq.s32 s10, $0x1;
	s10 =	sld [smem:$0x3FB3];
	_ =	sdelay $0x3  }
0x37: {  	[smem:$0x3FB3] =	sst s10  }
0x38: {  	s10 =	sld [smem:$0x3FB4]  }
0x39: {  	_ = 	snop;
	(pc) =	sbr.ind lr, $3  }
0x3a: {  	_ = 	snop  }
0x3b: {  	_ = 	snop  }
0x3c: {  	p2 =	seq.s32 s10, $0x1;
	s10 =	sld [smem:$0x3FB3]  }
0x3d: {  	_ =	shalt  }
0x3e: {  	_ =	shalt  }
0x3f: {  	_ =	shalt  }
0x40: {  	_ =	shalt  }
0x41: {  	_ =	shalt  }
0x42: {  	_ =	shalt  }
0x43: {  	_ =	shalt  }
0x44: {  	_ =	shalt  }
0x45: {  	_ =	shalt  }
0x46: {  	_ =	shalt  }
0x47: {  	_ =	shalt  }
0x48: {  	_ =	shalt  }
0x49: {  	_ =	shalt  }
0x4a: {  	_ =	shalt  }
0x4b: {  	_ =	shalt  }
0x4c: {  	_ =	shalt  }
0x4d: {  	_ =	shalt  }
0x4e: {  	_ =	shalt  }
0x4f: {  	_ =	shalt  }
0x50: {  	_ =	shalt  }
0x51: {  	_ =	shalt  }
0x52: {  	_ =	shalt  }
0x53: {  	_ =	shalt  }
0x54: {  	_ =	shalt  }
0x55: {  	_ =	shalt  }
0x56: {  	_ =	shalt  }
0x57: {  	_ =	shalt  }
0x58: {  	_ =	shalt  }
0x59: {  	_ =	shalt  }
0x5a: {  	_ =	shalt  }
0x5b: {  	_ =	shalt  }
0x5c: {  	_ =	shalt  }
0x5d: {  	_ =	shalt  }
0x5e: {  	_ =	shalt  }
0x5f: {  	_ =	shalt  }
0x60: {  	_ =	shalt  }
0x61: {  	_ =	shalt  }
0x62: {  	_ =	shalt  }
0x63: {  	_ =	shalt  }
0x64: {  	_ =	shalt  }
0x65: {  	_ =	shalt  }
0x66: {  	_ =	shalt  }
0x67: {  	_ =	shalt  }
0x68: {  	_ =	shalt  }
0x69: {  	_ =	shalt  }
0x6a: {  	_ =	shalt  }
0x6b: {  	_ =	shalt  }
0x6c: {  	_ =	shalt  }
0x6d: {  	_ =	shalt  }
0x6e: {  	_ =	shalt  }
0x6f: {  	_ =	shalt  }
0x70: {  	_ =	shalt  }
0x71: {  	_ =	shalt  }
0x72: {  	_ =	shalt  }
0x73: {  	_ =	shalt  }
0x74: {  	_ =	shalt  }
0x75: {  	_ =	shalt  }
0x76: {  	_ =	shalt  }
0x77: {  	_ =	shalt  }
0x78: {  	_ =	shalt  }
0x79: {  	_ =	shalt  }
0x7a: {  	_ =	shalt  }
0x7b: {  	_ =	shalt  }
0x7c: {  	_ =	shalt  }
0x7d: {  	_ =	shalt  }
0x7e: {  	_ =	shalt  }
0x7f: {  	_ =	shalt  }
0x80: {  	_ =	shalt  }
0x81: {  	_ =	shalt  }
0x82: {  	_ =	shalt  }
0x83: {  	_ =	shalt  }
0x84: {  	_ =	shalt  }
0x85: {  	_ =	shalt  }
0x86: {  	_ =	shalt  }
0x87: {  	_ =	shalt  }
.Lfunc_end0:
.L_simem_size_0:
called_computation.2_lowered:
.L_overlay_start_0:
0x88: {  	s2 =	sld [smem:$0x3FD9]  }
0x89: {  	s3 =	sld [smem:$0x3FFE];
	_ =	sdelay $0x1  }
0x8a: {  	s1 =	srdreg.scid  }
0x8b: {  	s0 =	sand.u32 $0x1, s1  }
0x8c: {  	s16 =	sshll.u32 s0, $0xA;
	s2 =	sadd.s32 s3, s2  }
0x8d: {  	s2 =	sadd.s32 s2, s16  }
0x8e: {  	[smem:$0x3FBF] =	sst s2  }
0x8f: {  	_ = 	snop  }
0x90: {  	(tm) =	ssettm $0x1  }
0x91: {  	s17 =	sld [smem:$0x3FFB];
	_ =	sdelay $0x3  }
0x92: {  	_ =	strace s17  }
0x93: {  	s2 =	sld [smem:$0x3FFC];
	_ =	sdelay $0x3  }
0x94: {  	_ =	strace s2  }
0x95: {  	s2 =	sld [smem:$0x3FFD];
	_ =	sdelay $0x3  }
0x96: {  	_ =	strace s2  }
0x97: {  	_ =	strace $0x8FFFFFFF  }
0x98: {  	s18 =	sld [smem:$0x3FDB];
	_ =	sdelay $0x1  }
0x99: {  	s19 =	simm.s32 $_scs_section_size  }
0x9a: {  	s4 =	simm.s32 $_size__tile_overlayer_lowered;
	s5 =	simm.s32 $_tile_overlayer_lowered  }
0x9b: {  	s22 =	simm.s32 $0x1BFF;
	s21 =	sshll.u32 s5, $0x1;
	s2 =	sadd.s32 s19, s18  }
0x9c: {  	s6 =	simm.s32 $0x0;
	s20 =	sshll.u32 s4, $0x1;
	s4 =	sadd.s32 s21, s2  }
0x9d: {  	[timem:s6], [sflag:s22] =	dma.local [hbm:s4], s20  }
0x9e: {  	_ =	swait.ge [sflag:s22], s20  }
0x9f: {  	s3 =	ssub.s32 $0x0, s20;
	[sflag:s22] =	ssyncset.done $0x0  }
0xa0: {  	[sflag:s22] =	ssyncadd.s32 s3;
	_ =	sdelay $0x1  }
0xa1: {  	s23 =	simm.s32 $0x1B8B  }
0xa2: {  	_ =	swait.ge [sflag:s23], $0x1  }
0xa3: {  	[sflag:s23] =	ssyncset.done $0x0  }
0xa4: {  	s25 =	simm.s32 $0x1B8E;
	s24 =	sld [smem:$0x3FFE];
	[sflag:s23] =	ssyncadd.s32 $0xFFFFFFFF  }
0xa5: {  	s26 =	simm.s32 $execute0_lowered;
	[smem:$0x3FD2] =	sst s25  }
0xa6: {  	s4 =	sshll.u32 s26, $0x1;
	_ =	strace $0x8000004C;
	[dreg:$0x1] =	wrdreg $0xFFFFFFFF  }
0xa7: {  	s28 =	simm.s32 $_size_execute0_lowered;
	s2 =	sadd.s32 s2, s4;
	[dreg:$0x0] =	wrdreg $0x0  }
0xa8: {  	s4 =	sshll.u32 s28, $0x1;
	[dreg:$0x2] =	wrdreg s2  }
0xa9: {  	[dreg:$0x3] =	wrdreg s4  }
0xaa: {  	[dreg:$0x4] =	wrdreg $0xC0  }
0xab: {  	_ =	task [dreg:s6], $0x5FFFF  }
0xac: {  	[dreg:$0x1] =	wrdreg $0xFFFFFFFF  }
0xad: {  	[dreg:$0x0] =	wrdreg $0x60  }
0xae: {  	[dreg:$0x2] =	wrdreg s24  }
0xaf: {  	[dreg:$0x3] =	wrdreg $0x64800  }
0xb0: {  	[dreg:$0x4] =	wrdreg $0x9  }
0xb1: {  	_ =	task.clear_ibuf [dreg:s6], $0x5FFFF;
	_ =	strace $0x9000004C  }
0xb2: {  	s29 =	simm.s32 $0x9;
	_ =	strace $0x8000004E  }
0xb3: {  	_ =	swait.ge [sflag:s29], $0x1  }
0xb4: {  	[sflag:s29] =	ssyncadd.s32 $0xFFFFFFFF  }
0xb5: {  	_ =	strace $0x9000004E  }
0xb6: {  	_ =	sfence  }
0xb7: {  	s30 =	sld [smem:$0x0];
	_ =	sdelay $0x2  }
0xb8: {  	s31 =	sshll.u32 s1, $0xD;
	s1 =	sshrl.u32 s1, $0x2  }
0xb9: {  	s3 =	sand.u32 $0x4000, s31;
	s1 =	sadd.s32 s1, s30  }
0xba: {  	s0 =	sor.u32 s3, s0;
	s1 =	sshll.u32 s1, $0x11  }
0xbb: {  	s0 =	sor.u32 s1, s0  }
0xbc: {  	s0 =	sadd.s32 $0x8F2B, s0  }
0xbd: {  	[sflag:s0] =	ssyncadd.remote.s32 $0x1  }
0xbe: {  	_ =	sfence.sel $0xFFFF  }
0xbf: {  	[dreg:$0x0] =	wrdreg $0xFFFFFFFF;
	(pc) =	sbr.abs _section_cstart, $3  }
0xc0: {  	[dreg:$0x1] =	wrdreg $0xFFFFFFFF  }
0xc1: {  	_ =	task.clear_ibuf [dreg:s6], $0x2FFFF;
	_ =	strace $0x9FFFFFFF  }
0xc2: {  	(tm) =	ssettm $0x7FFFFFFF  }
0xc3: {  	_ =	shalt  }
tec
execute0_lowered:
.L_overlay_start_1:
0x0: {  	(tag) =	ssettag $0x1  }
0x1: {  	s0 =	rddreg [dreg:$0x0]  }
0x2: {  	s1 =	srdreg.scid;
	s13 =	stileid.u32  }
0x3: {  	s2 =	rddreg [dreg:$0x1];
	s4 =	smul.u32 $0x2710, s13  }
0x4: {  	s3 =	simm.s32 $0x0;
	s28 =	simm.s32 $0x3C80;
	s7 =	smul.u32 $0x4E000, s13  }
0x5: {  	s29 =	simm.s32 $0x1;
	s30 =	simm.s32 $0x2;
	s9 =	smul.u32 $0x2700, s13  }
0x6: {  	s31 =	simm.s32 $0x1300;
	s1 =	sand.u32 $0x1, s1;
	s19 =	smul.u32 $0x3E80, s13  }
0x7: {  	[smem:$0x7FF] =	sst s3;
	s10 =	sadd.s32 $0x7400, s0;
	s22 =	smul.u32 $0x7D0, s13  }
0x8: {  	s17 =	sshll.u32 s13, $0x6;
	s20 =	sadd.s32 $0x138000, s2;
	s23 =	smul.u32 $0x13800, s13  }
0x9: {  	p0 =	sne.s32 s13, $0xF;
	s5 =	smul.u32 $0x27100, s1;
	_ =	strace $0x8000004D  }
0xa: {  	s8 =	ssub.s32 $0x2, s1;
	s1 =	smul.u32 $0x138800, s1;
	[dreg:$0x5] =	wrdreg s20  }
0xb: {  	s11 =	sshrl.u32 s8, $0x1;
	s7 =	sshrl.u32 s7, $0x2;
	s6 =	sadd.s32 s4, s5  }
0xc: {  	s4 =	sadd.s32 $0x19000, s0;
	s5 =	sadd.s32 s9, s5;
	s8 =	ssub.s32 s8, s11  }
0xd: {  	s7 =	sadd.s32 s7, s2;
	s18 =	sshrl.u32 s1, $0x3;
	s11 =	sshrl.u32 s19, $0x3  }
0xe: {  	s1 =	sadd.s32 s23, s1;
	s23 =	simm.s32 $0x3;
	s6 =	sshrl.u32 s6, $0x3  }
0xf: {  	[dreg:$0x3] =	wrdreg s7;
	s5 =	sadd.s32 s4, s5;
	s7 =	sor.u32 $0x1C03, s17  }
0x10: {  	s21 =	sadd.s32 $0x27000, s18;
	s11 =	sadd.s32 s10, s11;
	s1 =	sshrl.u32 s1, $0x3  }
0x11: {  	s6 =	sadd.s32 s6, s0;
	s0 =	sadd.s32 $0x67200, s0;
	[dreg:$0x4] =	wrdreg s5  }
0x12: {  	s9 =	sadd.s32 s4, s21;
	s25 =	sadd.s32 $0x190, s11;
	s15 =	sadd.s32 $0x320, s11  }
0x13: {  	s17 =	sadd.s32 $0x4B0, s11;
	s19 =	sadd.s32 $0x640, s11;
	s5 =	simm.s32 $0x1400  }
0x14: {  	[dreg:$0x6] =	wrdreg s9;
	s12 =	sadd.s32 $0xF200, s6;
	s9 =	sadd.s32 s10, s22  }
0x15: {  	s24 =	sadd.s32 $0xF2FA, s6;
	[dreg:$0xa] =	wrdreg s25;
	s26 =	sadd.s32 $0xF3F4, s6  }
0x16: {  	s16 =	sadd.s32 $0xF4EE, s6;
	s18 =	sadd.s32 $0xF5E8, s6;
	s20 =	sadd.s32 s0, s1  }
0x17: {  	s21 =	sadd.s32 s0, s21;
	s22 =	smax.u32 s8, $0x1;
	[dreg:$0x7] =	wrdreg s12  }
0x18: {  	s25 =	simm.s32 $0x50;
	s0 =	simm.s32 $0x780;
	[dreg:$0x8] =	wrdreg s9  }
0x19: {  	s1 =	simm.s32 $0x1380;
	s6 =	simm.s32 $0x0;
	[dreg:$0x9] =	wrdreg s24  }
0x1a: {  	[dreg:$0xb] =	wrdreg s26;
	s24 =	simm.s32 $0x800;
	s26 =	simm.s32 $0x1480  }
.LBB2_1:
0x1b: {  	s8 =	rddreg [dreg:$0x3]  }
0x1c: {  	s9 =	rddreg [dreg:$0x4];
	s8 =	sshrl.u32 s8, $0x3  }
0x1d: {  	[spmem:s8], [sflag:s7] =	dma.local [hbm:s9], $0x2700  }
0x1e: {  	_ =	swait.ge [sflag:s23], $0x2700  }
0x1f: {  	[sflag:s23] =	ssyncset.done $0x0;
	s9 =	rddreg [dreg:$0x5]  }
0x20: {  	s10 =	rddreg [dreg:$0x6];
	[sflag:s23] =	ssyncadd.s32 $0xFFFFD900;
	s9 =	sshrl.u32 @!p0 s9, $0x3  }
0x21: {  	[spmem:s9], [sflag:s7] =	dma.local @!p0 [hbm:s10], $0x100  }
0x22: {  	s10 =	simm.s32 @!p0 $0x3  }
0x23: {  	_ =	swait.ge @!p0 [sflag:s10], $0x100  }
0x24: {  	[sflag:s10] =	ssyncset.done @!p0 $0x0  }
0x25: {  	[sflag:s10] =	ssyncadd.s32 @!p0 $0xFFFFFF00  }
0x26: {  	[bflag:$0x0] =	sbarrier.arrive $0xFFFF  }
0x27: {  	s14 =	rddreg [dreg:$0x7]  }
0x28: {  	[tilespmem:s3], [sflag:$0x3] =	stream.linear.gather [hbm4b:s14+s3], $0x7D0, $0x38;
	[tilespmem:$0x19D00] =	vst v63  }
0x29: {  	_ =	swait.ge [sflag:s23], $0x7D0  }
0x2a: {  	[sflag:s23] =	ssyncset.done $0x0  }
0x2b: {  	s11 =	rddreg [dreg:$0x8];
	[sflag:s23] =	ssyncadd.s32 $0xFFFFF830  }
0x2c: {  	[tilespmem:s24], [sflag:$0x3] =	stream.linear.gather [hbm4b:s11+s3], $0xC80, $0x38;
	[tilespmem:$0x19D00] =	vst v63  }
0x2d: {  	_ =	swait.ge [sflag:s23], $0xC80  }
0x2e: {  	[sflag:s23] =	ssyncset.done $0x0  }
0x2f: {  	[sflag:s23] =	ssyncadd.s32 $0xFFFFF380  }
0x30: {  	[tilespmem:s26], [sflag:$0x1] =	stream.indirect.gather [hbm4b:s4+s25], $0x80, s3, s25, $0xb8;
	[tilespmem:$0x19D00] =	vst v63  }
0x31: {  	_ = 	snop  }
0x32: {  	[tilespmem:s28], [sflag:$0x2] =	stream.indirect.gather [hbm4b:s4+s25], $0x80, s25, s25, $0xb8;
	[tilespmem:$0x19D00] =	vst v63  }
0x33: {  	_ =	swait.ge [sflag:s29], $0x2800  }
0x34: {  	[sflag:s29] =	ssyncset.done $0x0  }
0x35: {  	s12 =	simm.s32 $0x800;
	[sflag:s29] =	ssyncadd.s32 $0xFFFFD800  }
0x36: {  	[spmem:s2] =	stream.indirect.scatter.add.f32 [tilespmem:s26], [sflag:$0x3], $0x80, s12, s25, $0xb8;
	[tilespmem:$0x19D00] =	vst v63  }
0x37: {  	_ =	swait.ge [sflag:s23], $0x2800  }
0x38: {  	[sflag:s23] =	ssyncset.done $0x0  }
0x39: {  	s13 =	simm.s32 $0xA0;
	[sflag:s23] =	ssyncadd.s32 $0xFFFFD800  }
0x3a: {  	[tilespmem:s26], [sflag:$0x1] =	stream.indirect.gather [hbm4b:s4+s25], $0x80, s13, s25, $0xb8;
	[tilespmem:$0x19D00] =	vst v63  }
0x3b: {  	_ =	swait.ge [sflag:s30], $0x2800  }
0x3c: {  	[sflag:s30] =	ssyncset.done $0x0  }
0x3d: {  	s14 =	simm.s32 $0x880;
	[sflag:s30] =	ssyncadd.s32 $0xFFFFD800  }
0x3e: {  	[spmem:s2] =	stream.indirect.scatter.add.f32 [tilespmem:s28], [sflag:$0x3], $0x80, s14, s25, $0xb8;
	[tilespmem:$0x19D00] =	vst v63  }
0x3f: {  	_ =	swait.ge [sflag:s23], $0x2800  }
0x40: {  	s10 =	simm.s32 $0xF0;
	[sflag:s23] =	ssyncset.done $0x0  }
0x41: {  	s11 =	simm.s32 $0x400;
	s12 =	simm.s32 $0x190;
	[sflag:s23] =	ssyncadd.s32 $0xFFFFD800  }
.LBB2_2:
0x42: {  	[tilespmem:s28], [sflag:$0x2] =	stream.indirect.gather [hbm4b:s4+s25], $0x80, s10, s25, $0xb8;
	[tilespmem:$0x19D00] =	vst v63  }
0x43: {  	s13 =	smov.u32 s11;
	s10 =	smov.u32 s12  }
0x44: {  	p1 =	sne.s32 s11, $0x2800;
	s11 =	sadd.s32 $0x400, s11;
	_ =	swait.ge [sflag:s29], $0x2800  }
0x45: {  	s13 =	sshra.s32 s13, $0x2;
	[sflag:s29] =	ssyncset.done $0x0  }
0x46: {  	s14 =	sadd.s32 $0x800, s13;
	[sflag:s29] =	ssyncadd.s32 $0xFFFFD800  }
0x47: {  	[spmem:s2] =	stream.indirect.scatter.add.f32 [tilespmem:s26], [sflag:$0x3], $0x80, s14, s25, $0xb8;
	[tilespmem:$0x19D00] =	vst v63  }
0x48: {  	_ =	swait.ge [sflag:s23], $0x2800  }
0x49: {  	[sflag:s23] =	ssyncset.done $0x0  }
0x4a: {  	s14 =	sadd.s32 $0xFFFFFFB0, s12;
	[sflag:s23] =	ssyncadd.s32 $0xFFFFD800  }
0x4b: {  	[tilespmem:s26], [sflag:$0x1] =	stream.indirect.gather [hbm4b:s4+s25], $0x80, s14, s25, $0xb8;
	[tilespmem:$0x19D00] =	vst v63  }
0x4c: {  	_ =	swait.ge [sflag:s30], $0x2800  }
0x4d: {  	[sflag:s30] =	ssyncset.done $0x0  }
.Ltmp0:
0x4e: {  	s13 =	sadd.s32 $0x880, s13;
	[sflag:s30] =	ssyncadd.s32 $0xFFFFD800;
	(pc) =	sbr.rel @p1 .LBB2_2-.Ltmp0, $4  }
0x4f: {  	[spmem:s2] =	stream.indirect.scatter.add.f32 [tilespmem:s28], [sflag:$0x3], $0x80, s13, s25, $0xb8;
	[tilespmem:$0x19D00] =	vst v63  }
0x50: {  	_ =	swait.ge [sflag:s23], $0x2800  }
0x51: {  	[sflag:s23] =	ssyncset.done $0x0  }
0x52: {  	s12 =	sadd.s32 $0xA0, s12;
	[sflag:s23] =	ssyncadd.s32 $0xFFFFD800  }
0x53: {  	[tilespmem:s28], [sflag:$0x2] =	stream.indirect.gather [hbm4b:s4+s25], $0x80, s10, s25, $0xb8;
	[tilespmem:$0x19D00] =	vst v63  }
0x54: {  	_ =	swait.ge [sflag:s29], $0x2800  }
0x55: {  	[sflag:s29] =	ssyncset.done $0x0  }
0x56: {  	[sflag:s29] =	ssyncadd.s32 $0xFFFFD800  }
0x57: {  	[spmem:s2] =	stream.indirect.scatter.add.f32 [tilespmem:s26], [sflag:$0x3], $0x80, s31, s25, $0xb8;
	[tilespmem:$0x19D00] =	vst v63  }
0x58: {  	_ =	swait.ge [sflag:s23], $0x2800  }
0x59: {  	[sflag:s23] =	ssyncset.done $0x0  }
0x5a: {  	[sflag:s23] =	ssyncadd.s32 $0xFFFFD800  }
0x5b: {  	[tilespmem:s26], [sflag:$0x1] =	stream.indirect.gather [hbm4b:s4+s25], $0x80, s0, s25, $0xb8;
	[tilespmem:$0x19D00] =	vst v63  }
0x5c: {  	_ =	swait.ge [sflag:s30], $0x2800  }
0x5d: {  	[sflag:s30] =	ssyncset.done $0x0  }
0x5e: {  	[sflag:s30] =	ssyncadd.s32 $0xFFFFD800  }
0x5f: {  	[spmem:s2] =	stream.indirect.scatter.add.f32 [tilespmem:s28], [sflag:$0x3], $0x80, s1, s25, $0xb8;
	[tilespmem:$0x19D00] =	vst v63  }
0x60: {  	_ =	swait.ge [sflag:s23], $0x2800  }
0x61: {  	[sflag:s23] =	ssyncset.done $0x0  }
0x62: {  	[sflag:s23] =	ssyncadd.s32 $0xFFFFD800  }
0x63: {  	_ =	swait.ge [sflag:s29], $0x2800  }
0x64: {  	[sflag:s29] =	ssyncset.done $0x0  }
0x65: {  	[sflag:s29] =	ssyncadd.s32 $0xFFFFD800  }
0x66: {  	[spmem:s2] =	stream.indirect.scatter.add.f32 [tilespmem:s26], [sflag:$0x3], $0x80, s5, s25, $0xb8;
	[tilespmem:$0x19D00] =	vst v63  }
0x67: {  	_ =	swait.ge [sflag:s23], $0x2800  }
0x68: {  	[sflag:s23] =	ssyncset.done $0x0  }
0x69: {  	s13 =	simm.s32 $0x0;
	s11 =	rddreg [dreg:$0x9];
	[sflag:s23] =	ssyncadd.s32 $0xFFFFD800  }
0x6a: {  	[tilespmem:s13], [sflag:$0x3] =	stream.linear.gather [hbm4b:s11+s13], $0x7D0, $0x38;
	[tilespmem:$0x19D00] =	vst v63  }
0x6b: {  	_ =	swait.ge [sflag:s23], $0x7D0  }
0x6c: {  	[sflag:s23] =	ssyncset.done $0x0  }
0x6d: {  	s14 =	rddreg [dreg:$0xa];
	[sflag:s23] =	ssyncadd.s32 $0xFFFFF830  }
0x6e: {  	[tilespmem:s24], [sflag:$0x3] =	stream.linear.gather [hbm4b:s14+s13], $0xC80, $0x38;
	[tilespmem:$0x19D00] =	vst v63  }
0x6f: {  	_ =	swait.ge [sflag:s23], $0xC80  }
0x70: {  	[sflag:s23] =	ssyncset.done $0x0  }
0x71: {  	[sflag:s23] =	ssyncadd.s32 $0xFFFFF380  }
0x72: {  	[tilespmem:s26], [sflag:$0x1] =	stream.indirect.gather [hbm4b:s4+s25], $0x80, s13, s25, $0xb8;
	[tilespmem:$0x19D00] =	vst v63  }
0x73: {  	_ = 	snop  }
0x74: {  	[tilespmem:s28], [sflag:$0x2] =	stream.indirect.gather [hbm4b:s4+s25], $0x80, s25, s25, $0xb8;
	[tilespmem:$0x19D00] =	vst v63  }
0x75: {  	_ =	swait.ge [sflag:s29], $0x2800  }
0x76: {  	[sflag:s29] =	ssyncset.done $0x0  }
0x77: {  	s12 =	simm.s32 $0x800;
	[sflag:s29] =	ssyncadd.s32 $0xFFFFD800  }
0x78: {  	[spmem:s2] =	stream.indirect.scatter.add.f32 [tilespmem:s26], [sflag:$0x3], $0x80, s12, s25, $0xb8;
	[tilespmem:$0x19D00] =	vst v63  }
0x79: {  	_ =	swait.ge [sflag:s23], $0x2800  }
0x7a: {  	[sflag:s23] =	ssyncset.done $0x0  }
0x7b: {  	s13 =	simm.s32 $0xA0;
	[sflag:s23] =	ssyncadd.s32 $0xFFFFD800  }
0x7c: {  	[tilespmem:s26], [sflag:$0x1] =	stream.indirect.gather [hbm4b:s4+s25], $0x80, s13, s25, $0xb8;
	[tilespmem:$0x19D00] =	vst v63  }
0x7d: {  	_ =	swait.ge [sflag:s30], $0x2800  }
0x7e: {  	[sflag:s30] =	ssyncset.done $0x0  }
0x7f: {  	s14 =	simm.s32 $0x880;
	[sflag:s30] =	ssyncadd.s32 $0xFFFFD800  }
0x80: {  	[spmem:s2] =	stream.indirect.scatter.add.f32 [tilespmem:s28], [sflag:$0x3], $0x80, s14, s25, $0xb8;
	[tilespmem:$0x19D00] =	vst v63  }
0x81: {  	_ =	swait.ge [sflag:s23], $0x2800  }
0x82: {  	s10 =	simm.s32 $0xF0;
	[sflag:s23] =	ssyncset.done $0x0  }
0x83: {  	s11 =	simm.s32 $0x400;
	s12 =	simm.s32 $0x190;
	[sflag:s23] =	ssyncadd.s32 $0xFFFFD800  }
.LBB2_4:
0x84: {  	[tilespmem:s28], [sflag:$0x2] =	stream.indirect.gather [hbm4b:s4+s25], $0x80, s10, s25, $0xb8;
	[tilespmem:$0x19D00] =	vst v63  }
0x85: {  	s13 =	smov.u32 s11;
	s10 =	smov.u32 s12  }
0x86: {  	p1 =	sne.s32 s11, $0x2800;
	s11 =	sadd.s32 $0x400, s11;
	_ =	swait.ge [sflag:s29], $0x2800  }
0x87: {  	s13 =	sshra.s32 s13, $0x2;
	[sflag:s29] =	ssyncset.done $0x0  }
0x88: {  	s14 =	sadd.s32 $0x800, s13;
	[sflag:s29] =	ssyncadd.s32 $0xFFFFD800  }
0x89: {  	[spmem:s2] =	stream.indirect.scatter.add.f32 [tilespmem:s26], [sflag:$0x3], $0x80, s14, s25, $0xb8;
	[tilespmem:$0x19D00] =	vst v63  }
0x8a: {  	_ =	swait.ge [sflag:s23], $0x2800  }
0x8b: {  	[sflag:s23] =	ssyncset.done $0x0  }
0x8c: {  	s14 =	sadd.s32 $0xFFFFFFB0, s12;
	[sflag:s23] =	ssyncadd.s32 $0xFFFFD800  }
0x8d: {  	[tilespmem:s26], [sflag:$0x1] =	stream.indirect.gather [hbm4b:s4+s25], $0x80, s14, s25, $0xb8;
	[tilespmem:$0x19D00] =	vst v63  }
0x8e: {  	_ =	swait.ge [sflag:s30], $0x2800  }
0x8f: {  	[sflag:s30] =	ssyncset.done $0x0  }
.Ltmp1:
0x90: {  	s13 =	sadd.s32 $0x880, s13;
	[sflag:s30] =	ssyncadd.s32 $0xFFFFD800;
	(pc) =	sbr.rel @p1 .LBB2_4-.Ltmp1, $4  }
0x91: {  	[spmem:s2] =	stream.indirect.scatter.add.f32 [tilespmem:s28], [sflag:$0x3], $0x80, s13, s25, $0xb8;
	[tilespmem:$0x19D00] =	vst v63  }
0x92: {  	_ =	swait.ge [sflag:s23], $0x2800  }
0x93: {  	[sflag:s23] =	ssyncset.done $0x0  }
0x94: {  	s12 =	sadd.s32 $0xA0, s12;
	[sflag:s23] =	ssyncadd.s32 $0xFFFFD800  }
0x95: {  	[tilespmem:s28], [sflag:$0x2] =	stream.indirect.gather [hbm4b:s4+s25], $0x80, s10, s25, $0xb8;
	[tilespmem:$0x19D00] =	vst v63  }
0x96: {  	_ =	swait.ge [sflag:s29], $0x2800  }
0x97: {  	[sflag:s29] =	ssyncset.done $0x0  }
0x98: {  	[sflag:s29] =	ssyncadd.s32 $0xFFFFD800  }
0x99: {  	[spmem:s2] =	stream.indirect.scatter.add.f32 [tilespmem:s26], [sflag:$0x3], $0x80, s31, s25, $0xb8;
	[tilespmem:$0x19D00] =	vst v63  }
0x9a: {  	_ =	swait.ge [sflag:s23], $0x2800  }
0x9b: {  	[sflag:s23] =	ssyncset.done $0x0  }
0x9c: {  	[sflag:s23] =	ssyncadd.s32 $0xFFFFD800  }
0x9d: {  	[tilespmem:s26], [sflag:$0x1] =	stream.indirect.gather [hbm4b:s4+s25], $0x80, s0, s25, $0xb8;
	[tilespmem:$0x19D00] =	vst v63  }
0x9e: {  	_ =	swait.ge [sflag:s30], $0x2800  }
0x9f: {  	[sflag:s30] =	ssyncset.done $0x0  }
0xa0: {  	[sflag:s30] =	ssyncadd.s32 $0xFFFFD800  }
0xa1: {  	[spmem:s2] =	stream.indirect.scatter.add.f32 [tilespmem:s28], [sflag:$0x3], $0x80, s1, s25, $0xb8;
	[tilespmem:$0x19D00] =	vst v63  }
0xa2: {  	_ =	swait.ge [sflag:s23], $0x2800  }
0xa3: {  	[sflag:s23] =	ssyncset.done $0x0  }
0xa4: {  	[sflag:s23] =	ssyncadd.s32 $0xFFFFD800  }
0xa5: {  	_ =	swait.ge [sflag:s29], $0x2800  }
0xa6: {  	[sflag:s29] =	ssyncset.done $0x0  }
0xa7: {  	[sflag:s29] =	ssyncadd.s32 $0xFFFFD800  }
0xa8: {  	[spmem:s2] =	stream.indirect.scatter.add.f32 [tilespmem:s26], [sflag:$0x3], $0x80, s5, s25, $0xb8;
	[tilespmem:$0x19D00] =	vst v63  }
0xa9: {  	_ =	swait.ge [sflag:s23], $0x2800  }
0xaa: {  	[sflag:s23] =	ssyncset.done $0x0  }
0xab: {  	s14 =	simm.s32 $0x0;
	s11 =	rddreg [dreg:$0xb];
	[sflag:s23] =	ssyncadd.s32 $0xFFFFD800  }
0xac: {  	[tilespmem:s14], [sflag:$0x3] =	stream.linear.gather [hbm4b:s11+s14], $0x7D0, $0x38;
	[tilespmem:$0x19D00] =	vst v63  }
0xad: {  	_ =	swait.ge [sflag:s23], $0x7D0  }
0xae: {  	[sflag:s23] =	ssyncset.done $0x0  }
0xaf: {  	[sflag:s23] =	ssyncadd.s32 $0xFFFFF830  }
0xb0: {  	[tilespmem:s24], [sflag:$0x3] =	stream.linear.gather [hbm4b:s15+s14], $0xC80, $0x38;
	[tilespmem:$0x19D00] =	vst v63  }
0xb1: {  	_ =	swait.ge [sflag:s23], $0xC80  }
0xb2: {  	[sflag:s23] =	ssyncset.done $0x0  }
0xb3: {  	[sflag:s23] =	ssyncadd.s32 $0xFFFFF380  }
0xb4: {  	[tilespmem:s26], [sflag:$0x1] =	stream.indirect.gather [hbm4b:s4+s25], $0x80, s14, s25, $0xb8;
	[tilespmem:$0x19D00] =	vst v63  }
0xb5: {  	_ = 	snop  }
0xb6: {  	[tilespmem:s28], [sflag:$0x2] =	stream.indirect.gather [hbm4b:s4+s25], $0x80, s25, s25, $0xb8;
	[tilespmem:$0x19D00] =	vst v63  }
0xb7: {  	_ =	swait.ge [sflag:s29], $0x2800  }
0xb8: {  	[sflag:s29] =	ssyncset.done $0x0  }
0xb9: {  	s12 =	simm.s32 $0x800;
	[sflag:s29] =	ssyncadd.s32 $0xFFFFD800  }
0xba: {  	[spmem:s2] =	stream.indirect.scatter.add.f32 [tilespmem:s26], [sflag:$0x3], $0x80, s12, s25, $0xb8;
	[tilespmem:$0x19D00] =	vst v63  }
0xbb: {  	_ =	swait.ge [sflag:s23], $0x2800  }
0xbc: {  	[sflag:s23] =	ssyncset.done $0x0  }
0xbd: {  	s13 =	simm.s32 $0xA0;
	[sflag:s23] =	ssyncadd.s32 $0xFFFFD800  }
0xbe: {  	[tilespmem:s26], [sflag:$0x1] =	stream.indirect.gather [hbm4b:s4+s25], $0x80, s13, s25, $0xb8;
	[tilespmem:$0x19D00] =	vst v63  }
0xbf: {  	_ =	swait.ge [sflag:s30], $0x2800  }
0xc0: {  	[sflag:s30] =	ssyncset.done $0x0  }
0xc1: {  	s14 =	simm.s32 $0x880;
	[sflag:s30] =	ssyncadd.s32 $0xFFFFD800  }
0xc2: {  	[spmem:s2] =	stream.indirect.scatter.add.f32 [tilespmem:s28], [sflag:$0x3], $0x80, s14, s25, $0xb8;
	[tilespmem:$0x19D00] =	vst v63  }
0xc3: {  	_ =	swait.ge [sflag:s23], $0x2800  }
0xc4: {  	s10 =	simm.s32 $0xF0;
	[sflag:s23] =	ssyncset.done $0x0  }
0xc5: {  	s11 =	simm.s32 $0x400;
	s12 =	simm.s32 $0x190;
	[sflag:s23] =	ssyncadd.s32 $0xFFFFD800  }
.LBB2_6:
0xc6: {  	[tilespmem:s28], [sflag:$0x2] =	stream.indirect.gather [hbm4b:s4+s25], $0x80, s10, s25, $0xb8;
	[tilespmem:$0x19D00] =	vst v63  }
0xc7: {  	s13 =	smov.u32 s11;
	s10 =	smov.u32 s12  }
0xc8: {  	p1 =	sne.s32 s11, $0x2800;
	s11 =	sadd.s32 $0x400, s11;
	_ =	swait.ge [sflag:s29], $0x2800  }
0xc9: {  	s13 =	sshra.s32 s13, $0x2;
	[sflag:s29] =	ssyncset.done $0x0  }
0xca: {  	s14 =	sadd.s32 $0x800, s13;
	[sflag:s29] =	ssyncadd.s32 $0xFFFFD800  }
0xcb: {  	[spmem:s2] =	stream.indirect.scatter.add.f32 [tilespmem:s26], [sflag:$0x3], $0x80, s14, s25, $0xb8;
	[tilespmem:$0x19D00] =	vst v63  }
0xcc: {  	_ =	swait.ge [sflag:s23], $0x2800  }
0xcd: {  	[sflag:s23] =	ssyncset.done $0x0  }
0xce: {  	s14 =	sadd.s32 $0xFFFFFFB0, s12;
	[sflag:s23] =	ssyncadd.s32 $0xFFFFD800  }
0xcf: {  	[tilespmem:s26], [sflag:$0x1] =	stream.indirect.gather [hbm4b:s4+s25], $0x80, s14, s25, $0xb8;
	[tilespmem:$0x19D00] =	vst v63  }
0xd0: {  	_ =	swait.ge [sflag:s30], $0x2800  }
0xd1: {  	[sflag:s30] =	ssyncset.done $0x0  }
.Ltmp2:
0xd2: {  	s13 =	sadd.s32 $0x880, s13;
	[sflag:s30] =	ssyncadd.s32 $0xFFFFD800;
	(pc) =	sbr.rel @p1 .LBB2_6-.Ltmp2, $4  }
0xd3: {  	[spmem:s2] =	stream.indirect.scatter.add.f32 [tilespmem:s28], [sflag:$0x3], $0x80, s13, s25, $0xb8;
	[tilespmem:$0x19D00] =	vst v63  }
0xd4: {  	_ =	swait.ge [sflag:s23], $0x2800  }
0xd5: {  	[sflag:s23] =	ssyncset.done $0x0  }
0xd6: {  	s12 =	sadd.s32 $0xA0, s12;
	[sflag:s23] =	ssyncadd.s32 $0xFFFFD800  }
0xd7: {  	[tilespmem:s28], [sflag:$0x2] =	stream.indirect.gather [hbm4b:s4+s25], $0x80, s10, s25, $0xb8;
	[tilespmem:$0x19D00] =	vst v63  }
0xd8: {  	_ =	swait.ge [sflag:s29], $0x2800  }
0xd9: {  	[sflag:s29] =	ssyncset.done $0x0  }
0xda: {  	[sflag:s29] =	ssyncadd.s32 $0xFFFFD800  }
0xdb: {  	[spmem:s2] =	stream.indirect.scatter.add.f32 [tilespmem:s26], [sflag:$0x3], $0x80, s31, s25, $0xb8;
	[tilespmem:$0x19D00] =	vst v63  }
0xdc: {  	_ =	swait.ge [sflag:s23], $0x2800  }
0xdd: {  	[sflag:s23] =	ssyncset.done $0x0  }
0xde: {  	[sflag:s23] =	ssyncadd.s32 $0xFFFFD800  }
0xdf: {  	[tilespmem:s26], [sflag:$0x1] =	stream.indirect.gather [hbm4b:s4+s25], $0x80, s0, s25, $0xb8;
	[tilespmem:$0x19D00] =	vst v63  }
0xe0: {  	_ =	swait.ge [sflag:s30], $0x2800  }
0xe1: {  	[sflag:s30] =	ssyncset.done $0x0  }
0xe2: {  	[sflag:s30] =	ssyncadd.s32 $0xFFFFD800  }
0xe3: {  	[spmem:s2] =	stream.indirect.scatter.add.f32 [tilespmem:s28], [sflag:$0x3], $0x80, s1, s25, $0xb8;
	[tilespmem:$0x19D00] =	vst v63  }
0xe4: {  	_ =	swait.ge [sflag:s23], $0x2800  }
0xe5: {  	[sflag:s23] =	ssyncset.done $0x0  }
0xe6: {  	[sflag:s23] =	ssyncadd.s32 $0xFFFFD800  }
0xe7: {  	_ =	swait.ge [sflag:s29], $0x2800  }
0xe8: {  	[sflag:s29] =	ssyncset.done $0x0  }
0xe9: {  	[sflag:s29] =	ssyncadd.s32 $0xFFFFD800  }
0xea: {  	[spmem:s2] =	stream.indirect.scatter.add.f32 [tilespmem:s26], [sflag:$0x3], $0x80, s5, s25, $0xb8;
	[tilespmem:$0x19D00] =	vst v63  }
0xeb: {  	_ =	swait.ge [sflag:s23], $0x2800  }
0xec: {  	[sflag:s23] =	ssyncset.done $0x0  }
0xed: {  	s11 =	simm.s32 $0x0;
	[sflag:s23] =	ssyncadd.s32 $0xFFFFD800  }
0xee: {  	[tilespmem:s11], [sflag:$0x3] =	stream.linear.gather [hbm4b:s16+s11], $0x7D0, $0x38;
	[tilespmem:$0x19D00] =	vst v63  }
0xef: {  	_ =	swait.ge [sflag:s23], $0x7D0  }
0xf0: {  	[sflag:s23] =	ssyncset.done $0x0  }
0xf1: {  	[sflag:s23] =	ssyncadd.s32 $0xFFFFF830  }
0xf2: {  	[tilespmem:s24], [sflag:$0x3] =	stream.linear.gather [hbm4b:s17+s11], $0xC80, $0x38;
	[tilespmem:$0x19D00] =	vst v63  }
0xf3: {  	_ =	swait.ge [sflag:s23], $0xC80  }
0xf4: {  	[sflag:s23] =	ssyncset.done $0x0  }
0xf5: {  	[sflag:s23] =	ssyncadd.s32 $0xFFFFF380  }
0xf6: {  	[tilespmem:s26], [sflag:$0x1] =	stream.indirect.gather [hbm4b:s4+s25], $0x80, s11, s25, $0xb8;
	[tilespmem:$0x19D00] =	vst v63  }
0xf7: {  	_ = 	snop  }
0xf8: {  	[tilespmem:s28], [sflag:$0x2] =	stream.indirect.gather [hbm4b:s4+s25], $0x80, s25, s25, $0xb8;
	[tilespmem:$0x19D00] =	vst v63  }
0xf9: {  	_ =	swait.ge [sflag:s29], $0x2800  }
0xfa: {  	[sflag:s29] =	ssyncset.done $0x0  }
0xfb: {  	s12 =	simm.s32 $0x800;
	[sflag:s29] =	ssyncadd.s32 $0xFFFFD800  }
0xfc: {  	[spmem:s2] =	stream.indirect.scatter.add.f32 [tilespmem:s26], [sflag:$0x3], $0x80, s12, s25, $0xb8;
	[tilespmem:$0x19D00] =	vst v63  }
0xfd: {  	_ =	swait.ge [sflag:s23], $0x2800  }
0xfe: {  	[sflag:s23] =	ssyncset.done $0x0  }
0xff: {  	s13 =	simm.s32 $0xA0;
	[sflag:s23] =	ssyncadd.s32 $0xFFFFD800  }
0x100: {  	[tilespmem:s26], [sflag:$0x1] =	stream.indirect.gather [hbm4b:s4+s25], $0x80, s13, s25, $0xb8;
	[tilespmem:$0x19D00] =	vst v63  }
0x101: {  	_ =	swait.ge [sflag:s30], $0x2800  }
0x102: {  	[sflag:s30] =	ssyncset.done $0x0  }
0x103: {  	s14 =	simm.s32 $0x880;
	[sflag:s30] =	ssyncadd.s32 $0xFFFFD800  }
0x104: {  	[spmem:s2] =	stream.indirect.scatter.add.f32 [tilespmem:s28], [sflag:$0x3], $0x80, s14, s25, $0xb8;
	[tilespmem:$0x19D00] =	vst v63  }
0x105: {  	_ =	swait.ge [sflag:s23], $0x2800  }
0x106: {  	s10 =	simm.s32 $0xF0;
	[sflag:s23] =	ssyncset.done $0x0  }
0x107: {  	s11 =	simm.s32 $0x400;
	s12 =	simm.s32 $0x190;
	[sflag:s23] =	ssyncadd.s32 $0xFFFFD800  }
.LBB2_8:
0x108: {  	[tilespmem:s28], [sflag:$0x2] =	stream.indirect.gather [hbm4b:s4+s25], $0x80, s10, s25, $0xb8;
	[tilespmem:$0x19D00] =	vst v63  }
0x109: {  	s13 =	smov.u32 s11;
	s10 =	smov.u32 s12  }
0x10a: {  	p1 =	sne.s32 s11, $0x2800;
	s11 =	sadd.s32 $0x400, s11;
	_ =	swait.ge [sflag:s29], $0x2800  }
0x10b: {  	s13 =	sshra.s32 s13, $0x2;
	[sflag:s29] =	ssyncset.done $0x0  }
0x10c: {  	s14 =	sadd.s32 $0x800, s13;
	[sflag:s29] =	ssyncadd.s32 $0xFFFFD800  }
0x10d: {  	[spmem:s2] =	stream.indirect.scatter.add.f32 [tilespmem:s26], [sflag:$0x3], $0x80, s14, s25, $0xb8;
	[tilespmem:$0x19D00] =	vst v63  }
0x10e: {  	_ =	swait.ge [sflag:s23], $0x2800  }
0x10f: {  	[sflag:s23] =	ssyncset.done $0x0  }
0x110: {  	s14 =	sadd.s32 $0xFFFFFFB0, s12;
	[sflag:s23] =	ssyncadd.s32 $0xFFFFD800  }
0x111: {  	[tilespmem:s26], [sflag:$0x1] =	stream.indirect.gather [hbm4b:s4+s25], $0x80, s14, s25, $0xb8;
	[tilespmem:$0x19D00] =	vst v63  }
0x112: {  	_ =	swait.ge [sflag:s30], $0x2800  }
0x113: {  	[sflag:s30] =	ssyncset.done $0x0  }
.Ltmp3:
0x114: {  	s13 =	sadd.s32 $0x880, s13;
	[sflag:s30] =	ssyncadd.s32 $0xFFFFD800;
	(pc) =	sbr.rel @p1 .LBB2_8-.Ltmp3, $4  }
0x115: {  	[spmem:s2] =	stream.indirect.scatter.add.f32 [tilespmem:s28], [sflag:$0x3], $0x80, s13, s25, $0xb8;
	[tilespmem:$0x19D00] =	vst v63  }
0x116: {  	_ =	swait.ge [sflag:s23], $0x2800  }
0x117: {  	[sflag:s23] =	ssyncset.done $0x0  }
0x118: {  	s12 =	sadd.s32 $0xA0, s12;
	[sflag:s23] =	ssyncadd.s32 $0xFFFFD800  }
0x119: {  	[tilespmem:s28], [sflag:$0x2] =	stream.indirect.gather [hbm4b:s4+s25], $0x80, s10, s25, $0xb8;
	[tilespmem:$0x19D00] =	vst v63  }
0x11a: {  	_ =	swait.ge [sflag:s29], $0x2800  }
0x11b: {  	[sflag:s29] =	ssyncset.done $0x0  }
0x11c: {  	[sflag:s29] =	ssyncadd.s32 $0xFFFFD800  }
0x11d: {  	[spmem:s2] =	stream.indirect.scatter.add.f32 [tilespmem:s26], [sflag:$0x3], $0x80, s31, s25, $0xb8;
	[tilespmem:$0x19D00] =	vst v63  }
0x11e: {  	_ =	swait.ge [sflag:s23], $0x2800  }
0x11f: {  	[sflag:s23] =	ssyncset.done $0x0  }
0x120: {  	[sflag:s23] =	ssyncadd.s32 $0xFFFFD800  }
0x121: {  	[tilespmem:s26], [sflag:$0x1] =	stream.indirect.gather [hbm4b:s4+s25], $0x80, s0, s25, $0xb8;
	[tilespmem:$0x19D00] =	vst v63  }
0x122: {  	_ =	swait.ge [sflag:s30], $0x2800  }
0x123: {  	[sflag:s30] =	ssyncset.done $0x0  }
0x124: {  	[sflag:s30] =	ssyncadd.s32 $0xFFFFD800  }
0x125: {  	[spmem:s2] =	stream.indirect.scatter.add.f32 [tilespmem:s28], [sflag:$0x3], $0x80, s1, s25, $0xb8;
	[tilespmem:$0x19D00] =	vst v63  }
0x126: {  	_ =	swait.ge [sflag:s23], $0x2800  }
0x127: {  	[sflag:s23] =	ssyncset.done $0x0  }
0x128: {  	[sflag:s23] =	ssyncadd.s32 $0xFFFFD800  }
0x129: {  	_ =	swait.ge [sflag:s29], $0x2800  }
0x12a: {  	[sflag:s29] =	ssyncset.done $0x0  }
0x12b: {  	[sflag:s29] =	ssyncadd.s32 $0xFFFFD800  }
0x12c: {  	[spmem:s2] =	stream.indirect.scatter.add.f32 [tilespmem:s26], [sflag:$0x3], $0x80, s5, s25, $0xb8;
	[tilespmem:$0x19D00] =	vst v63  }
0x12d: {  	_ =	swait.ge [sflag:s23], $0x2800  }
0x12e: {  	[sflag:s23] =	ssyncset.done $0x0  }
0x12f: {  	s11 =	simm.s32 $0x0;
	[sflag:s23] =	ssyncadd.s32 $0xFFFFD800  }
0x130: {  	[tilespmem:s11], [sflag:$0x3] =	stream.linear.gather [hbm4b:s18+s11], $0x7D0, $0x38;
	[tilespmem:$0x19D00] =	vst v63  }
0x131: {  	_ =	swait.ge [sflag:s23], $0x7D0  }
0x132: {  	[sflag:s23] =	ssyncset.done $0x0  }
0x133: {  	[sflag:s23] =	ssyncadd.s32 $0xFFFFF830  }
0x134: {  	[tilespmem:s24], [sflag:$0x3] =	stream.linear.gather [hbm4b:s19+s11], $0xC80, $0x38;
	[tilespmem:$0x19D00] =	vst v63  }
0x135: {  	_ =	swait.ge [sflag:s23], $0xC80  }
0x136: {  	[sflag:s23] =	ssyncset.done $0x0  }
0x137: {  	[sflag:s23] =	ssyncadd.s32 $0xFFFFF380  }
0x138: {  	[tilespmem:s26], [sflag:$0x1] =	stream.indirect.gather [hbm4b:s4+s25], $0x80, s11, s25, $0xb8;
	[tilespmem:$0x19D00] =	vst v63  }
0x139: {  	_ = 	snop  }
0x13a: {  	[tilespmem:s28], [sflag:$0x2] =	stream.indirect.gather [hbm4b:s4+s25], $0x80, s25, s25, $0xb8;
	[tilespmem:$0x19D00] =	vst v63  }
0x13b: {  	_ =	swait.ge [sflag:s29], $0x2800  }
0x13c: {  	[sflag:s29] =	ssyncset.done $0x0  }
0x13d: {  	s12 =	simm.s32 $0x800;
	[sflag:s29] =	ssyncadd.s32 $0xFFFFD800  }
0x13e: {  	[spmem:s2] =	stream.indirect.scatter.add.f32 [tilespmem:s26], [sflag:$0x3], $0x80, s12, s25, $0xb8;
	[tilespmem:$0x19D00] =	vst v63  }
0x13f: {  	_ =	swait.ge [sflag:s23], $0x2800  }
0x140: {  	[sflag:s23] =	ssyncset.done $0x0  }
0x141: {  	s13 =	simm.s32 $0xA0;
	[sflag:s23] =	ssyncadd.s32 $0xFFFFD800  }
0x142: {  	[tilespmem:s26], [sflag:$0x1] =	stream.indirect.gather [hbm4b:s4+s25], $0x80, s13, s25, $0xb8;
	[tilespmem:$0x19D00] =	vst v63  }
0x143: {  	_ =	swait.ge [sflag:s30], $0x2800  }
0x144: {  	[sflag:s30] =	ssyncset.done $0x0  }
0x145: {  	s14 =	simm.s32 $0x880;
	[sflag:s30] =	ssyncadd.s32 $0xFFFFD800  }
0x146: {  	[spmem:s2] =	stream.indirect.scatter.add.f32 [tilespmem:s28], [sflag:$0x3], $0x80, s14, s25, $0xb8;
	[tilespmem:$0x19D00] =	vst v63  }
0x147: {  	_ =	swait.ge [sflag:s23], $0x2800  }
0x148: {  	s10 =	simm.s32 $0xF0;
	[sflag:s23] =	ssyncset.done $0x0  }
0x149: {  	s11 =	simm.s32 $0x400;
	s12 =	simm.s32 $0x190;
	[sflag:s23] =	ssyncadd.s32 $0xFFFFD800  }
.LBB2_10:
0x14a: {  	[tilespmem:s28], [sflag:$0x2] =	stream.indirect.gather [hbm4b:s4+s25], $0x80, s10, s25, $0xb8;
	[tilespmem:$0x19D00] =	vst v63  }
0x14b: {  	s13 =	smov.u32 s11;
	s10 =	smov.u32 s12  }
0x14c: {  	p1 =	sne.s32 s11, $0x2800;
	s11 =	sadd.s32 $0x400, s11;
	_ =	swait.ge [sflag:s29], $0x2800  }
0x14d: {  	s13 =	sshra.s32 s13, $0x2;
	[sflag:s29] =	ssyncset.done $0x0  }
0x14e: {  	s14 =	sadd.s32 $0x800, s13;
	[sflag:s29] =	ssyncadd.s32 $0xFFFFD800  }
0x14f: {  	[spmem:s2] =	stream.indirect.scatter.add.f32 [tilespmem:s26], [sflag:$0x3], $0x80, s14, s25, $0xb8;
	[tilespmem:$0x19D00] =	vst v63  }
0x150: {  	_ =	swait.ge [sflag:s23], $0x2800  }
0x151: {  	[sflag:s23] =	ssyncset.done $0x0  }
0x152: {  	s14 =	sadd.s32 $0xFFFFFFB0, s12;
	[sflag:s23] =	ssyncadd.s32 $0xFFFFD800  }
0x153: {  	[tilespmem:s26], [sflag:$0x1] =	stream.indirect.gather [hbm4b:s4+s25], $0x80, s14, s25, $0xb8;
	[tilespmem:$0x19D00] =	vst v63  }
0x154: {  	_ =	swait.ge [sflag:s30], $0x2800  }
0x155: {  	[sflag:s30] =	ssyncset.done $0x0  }
.Ltmp4:
0x156: {  	s13 =	sadd.s32 $0x880, s13;
	[sflag:s30] =	ssyncadd.s32 $0xFFFFD800;
	(pc) =	sbr.rel @p1 .LBB2_10-.Ltmp4, $4  }
0x157: {  	[spmem:s2] =	stream.indirect.scatter.add.f32 [tilespmem:s28], [sflag:$0x3], $0x80, s13, s25, $0xb8;
	[tilespmem:$0x19D00] =	vst v63  }
0x158: {  	_ =	swait.ge [sflag:s23], $0x2800  }
0x159: {  	[sflag:s23] =	ssyncset.done $0x0  }
0x15a: {  	s12 =	sadd.s32 $0xA0, s12;
	[sflag:s23] =	ssyncadd.s32 $0xFFFFD800  }
0x15b: {  	[tilespmem:s28], [sflag:$0x2] =	stream.indirect.gather [hbm4b:s4+s25], $0x80, s10, s25, $0xb8;
	[tilespmem:$0x19D00] =	vst v63  }
0x15c: {  	_ =	swait.ge [sflag:s29], $0x2800  }
0x15d: {  	[sflag:s29] =	ssyncset.done $0x0  }
0x15e: {  	[sflag:s29] =	ssyncadd.s32 $0xFFFFD800  }
0x15f: {  	[spmem:s2] =	stream.indirect.scatter.add.f32 [tilespmem:s26], [sflag:$0x3], $0x80, s31, s25, $0xb8;
	[tilespmem:$0x19D00] =	vst v63  }
0x160: {  	_ =	swait.ge [sflag:s23], $0x2800  }
0x161: {  	[sflag:s23] =	ssyncset.done $0x0  }
0x162: {  	[sflag:s23] =	ssyncadd.s32 $0xFFFFD800  }
0x163: {  	[tilespmem:s26], [sflag:$0x1] =	stream.indirect.gather [hbm4b:s4+s25], $0x80, s0, s25, $0xb8;
	[tilespmem:$0x19D00] =	vst v63  }
0x164: {  	_ =	swait.ge [sflag:s30], $0x2800  }
0x165: {  	[sflag:s30] =	ssyncset.done $0x0  }
0x166: {  	[sflag:s30] =	ssyncadd.s32 $0xFFFFD800  }
0x167: {  	[spmem:s2] =	stream.indirect.scatter.add.f32 [tilespmem:s28], [sflag:$0x3], $0x80, s1, s25, $0xb8;
	[tilespmem:$0x19D00] =	vst v63  }
0x168: {  	_ =	swait.ge [sflag:s23], $0x2800  }
0x169: {  	[sflag:s23] =	ssyncset.done $0x0  }
0x16a: {  	[sflag:s23] =	ssyncadd.s32 $0xFFFFD800  }
0x16b: {  	_ =	swait.ge [sflag:s29], $0x2800  }
0x16c: {  	[sflag:s29] =	ssyncset.done $0x0  }
0x16d: {  	[sflag:s29] =	ssyncadd.s32 $0xFFFFD800  }
0x16e: {  	[spmem:s2] =	stream.indirect.scatter.add.f32 [tilespmem:s26], [sflag:$0x3], $0x80, s5, s25, $0xb8;
	[tilespmem:$0x19D00] =	vst v63  }
0x16f: {  	_ =	swait.ge [sflag:s23], $0x2800  }
0x170: {  	[sflag:s23] =	ssyncset.done $0x0  }
0x171: {  	[sflag:s23] =	ssyncadd.s32 $0xFFFFD800  }
0x172: {  	[bflag:$0x0] =	sbarrier.arrive $0xFFFF  }
0x173: {  	[hbm:s20], [sflag:s7] =	dma.local [spmem:s8], $0x2700  }
0x174: {  	s6 =	sadd.s32 $0x1, s6;
	_ =	swait.ge [sflag:s23], $0x2700  }
0x175: {  	p1 =	sne.s32 s6, s22;
	[sflag:s23] =	ssyncset.done $0x0  }
.Ltmp5:
0x176: {  	s8 =	simm.s32 @!p0 $0x3;
	[sflag:s23] =	ssyncadd.s32 $0xFFFFD900;
	(pc) =	sbr.rel @p1 .LBB2_1-.Ltmp5, $4  }
0x177: {  	[hbm:s21], [sflag:s7] =	dma.local @!p0 [spmem:s9], $0x100  }
0x178: {  	_ =	swait.ge @!p0 [sflag:s8], $0x100  }
0x179: {  	[sflag:s8] =	ssyncset.done @!p0 $0x0  }
0x17a: {  	[sflag:s8] =	ssyncadd.s32 @!p0 $0xFFFFFF00  }
0x17b: {  	_ =	sfence.sel $0x180000  }
0x17c: {  	[bflag:$0x0] =	sbarrier.arrive $0xFFFF  }
0x17d: {  	_ =	strace $0x9000004D  }
0x17e: {  	s0 =	stileid.u32;
	[bflag:$0x2] =	sbarrier.arrive $0xFFFF  }
0x17f: {  	p0 =	sne.s32 s0, $0x0;
	s0 =	rddreg [dreg:$0x2]  }
0x180: {  	s0 =	sadd.s32 @!p0 $0x100000, s0  }
0x181: {  	[sflag:s0] =	ssyncadd.tile.s32 @!p0 $0x1;
	_ =	shalt  }
.Lfunc_end2:
_tile_overlayer_lowered:
.L_overlay_start_2:
0x182: {  	(tag) =	ssettag $0x2  }
0x183: {  	s0 =	rddreg [dreg:$0x0];
	s2 =	stileid.u32  }
0x184: {  	s1 =	rddreg [dreg:$0x1];
	p0 =	sne.s32 s2, $0x0  }
0x185: {  	s3 =	rddreg [dreg:$0x2];
	[bflag:$0x3] =	sbarrier.arrive $0xFFFF;
	s2 =	simm.s32 @!p0 $0x1C03  }
0x186: {  	[timem:s3], [sflag:s2] =	dma.local @!p0 [hbm:s0], s1  }
0x187: {  	s0 =	simm.s32 @!p0 $0x3  }
0x188: {  	_ =	swait.ge @!p0 [sflag:s0], s1  }
0x189: {  	s1 =	ssub.s32 @!p0 $0x0, s1;
	[sflag:s0] =	ssyncset.done @!p0 $0x0  }
0x18a: {  	[sflag:s0] =	ssyncadd.s32 @!p0 s1  }
0x18b: {  	[bflag:$0x3] =	sbarrier.arrive $0xFFFF  }
0x18c: {  	_ =	shalt  }

// kernel: kernel.8.cloned.1.call-start
scs
__scs_entry_jumppad:
0x0: {  	(pc) =	sbr.rel $0x88, $3  }
0x1: {  	(tag) =	ssettag $0x0;
	lr =	simm.s32 $0x1  }
0x2: {  	[smem:$0x3F98] =	sst lr;
	_ =	strace $0xD0000000  }
0x3: {  	_ = 	snop  }
0x4: {  	_ = 	snop  }
0x5: {  	_ = 	snop  }
0x6: {  	_ = 	snop  }
0x7: {  	_ = 	snop  }
__scs_overlays_trampoline_lowered:
0x8: {  	[smem:$0x3FA7] =	sst s0  }
0x9: {  	[smem:$0x3FA8] =	sst s1  }
0xa: {  	[smem:$0x3FA9] =	sst s2  }
0xb: {  	[smem:$0x3FAA] =	sst s3  }
0xc: {  	[smem:$0x3FAB] =	sst s4  }
0xd: {  	[smem:$0x3FAC] =	sst s5  }
0xe: {  	[smem:$0x3FAD] =	sst s6  }
0xf: {  	[smem:$0x3FAE] =	sst s7  }
0x10: {  	[smem:$0x3FAF] =	sst s8  }
0x11: {  	[smem:$0x3FB0] =	sst s9;
	s0 =	simm.s32 @!p0 $0x0  }
0x12: {  	s1 =	sld [smem:$0x3F96];
	s0 =	simm.s32 @p0 $0x1  }
0x13: {  	[smem:$0x3FB1] =	sst s0;
	s0 =	simm.s32 @!p1 $0x0  }
0x14: {  	s2 =	sld [smem:$0x3F95];
	s0 =	simm.s32 @p1 $0x1  }
0x15: {  	[smem:$0x3FB2] =	sst s0;
	s0 =	simm.s32 @!p2 $0x0  }
0x16: {  	s3 =	sld [smem:$0x3FDB];
	s0 =	simm.s32 @p2 $0x1  }
0x17: {  	s4 =	simm.s32 $0x1BF5;
	[smem:$0x3FB4] =	sst s0  }
0x18: {  	s0 =	sld [smem:$0x3F97];
	_ =	swait.ge [sflag:s4], $0x0  }
0x19: {  	s7 =	sld [smem:$0x3F98]  }
0x1a: {  	s8 =	sadd.s32 $0xFFFFE003, lr  }
0x1b: {  	s9 =	sadd.s32 $0xFFFFFEF7, lr;
	s5 =	simm.s32 $0xFFFFFFFF;
	p2 =	slt.u32 s8, $0xFFFFF086  }
0x1c: {  	p1 =	slt.u32 s9, $0xF7A;
	s5 =	simm.s32 @!p2 $0x0  }
0x1d: {  	s5 =	simm.s32 @p1 $0x1;
	p0 =	seq.s32 s7, s2  }
0x1e: {  	s7 =	smul.u32 @!p0 $0xF7A, s2;
	p2 =	seq.s32 @!p0 s5, $0x0  }
0x1f: {  	s9 =	smul.u32 $0xF7A, s1;
	s8 =	simm.s32 @!p0 $0x1BF5;
	p2 =	por !p2, p0  }
0x20: {  	[sflag:s8] =	ssyncset.s32 @!p0 $0xFFFFF086;
	s6 =	sadd.s32 @!p0 s3, s7;
	s7 =	simm.s32 @!p0 $0x108  }
0x21: {  	s3 =	sadd.s32 s3, s9;
	s6 =	sadd.s32 @!p0 $0x88, s6;
	s7 =	simm.s32 @p2 $0x1082  }
0x22: {  	[simem:s7], [sflag:s8] =	dma.local @!p0 [hbm:s6], $0xF7A  }
0x23: {  	s9 =	sor.u32 $0xD0000000, s2;
	s6 =	simm.s32 $0x108;
	_ =	swait.ge @!p0 [sflag:s8], $0x0  }
0x24: {  	s3 =	sadd.s32 $0x88, s3;
	s6 =	simm.s32 @!p1 $0x1082;
	[sflag:s4] =	ssyncset.s32 $0xFFFFF086  }
0x25: {  	[simem:s6], [sflag:s4] =	dma.local [hbm:s3], $0xF7A  }
0x26: {  	[smem:$0x3F98] =	sst s1;
	(tag) =	ssettag s2;
	_ =	strace s9  }
0x27: {  	s1 =	sld [smem:$0x3FA8]  }
0x28: {  	s2 =	sld [smem:$0x3FA9]  }
0x29: {  	s4 =	sld [smem:$0x3FAB]  }
0x2a: {  	p0 =	seq.s32 s5, $0x0;
	s5 =	sld [smem:$0x3FAC]  }
0x2b: {  	s6 =	sld [smem:$0x3FAD]  }
0x2c: {  	s7 =	sld [smem:$0x3FAE]  }
0x2d: {  	s3 =	simm.s32 $0x108;
	s8 =	sld [smem:$0x3FAF]  }
0x2e: {  	s3 =	simm.s32 @!p0 $0x1082;
	s9 =	sld [smem:$0x3FB0]  }
0x2f: {  	lr =	sadd.s32 s0, s3;
	s0 =	sld [smem:$0x3FA7]  }
0x30: {  	s3 =	sld [smem:$0x3FAA]  }
0x31: {  	[smem:$0x3FB3] =	sst s10  }
0x32: {  	s10 =	sld [smem:$0x3FB1];
	_ =	sdelay $0x3  }
0x33: {  	p0 =	seq.s32 s10, $0x1;
	s10 =	sld [smem:$0x3FB3];
	_ =	sdelay $0x3  }
0x34: {  	[smem:$0x3FB3] =	sst s10  }
0x35: {  	s10 =	sld [smem:$0x3FB2];
	_ =	sdelay $0x3  }
0x36: {  	p1 =	seq.s32 s10, $0x1;
	s10 =	sld [smem:$0x3FB3];
	_ =	sdelay $0x3  }
0x37: {  	[smem:$0x3FB3] =	sst s10  }
0x38: {  	s10 =	sld [smem:$0x3FB4]  }
0x39: {  	_ = 	snop;
	(pc) =	sbr.ind lr, $3  }
0x3a: {  	_ = 	snop  }
0x3b: {  	_ = 	snop  }
0x3c: {  	p2 =	seq.s32 s10, $0x1;
	s10 =	sld [smem:$0x3FB3]  }
0x3d: {  	_ =	shalt  }
0x3e: {  	_ =	shalt  }
0x3f: {  	_ =	shalt  }
0x40: {  	_ =	shalt  }
0x41: {  	_ =	shalt  }
0x42: {  	_ =	shalt  }
0x43: {  	_ =	shalt  }
0x44: {  	_ =	shalt  }
0x45: {  	_ =	shalt  }
0x46: {  	_ =	shalt  }
0x47: {  	_ =	shalt  }
0x48: {  	_ =	shalt  }
0x49: {  	_ =	shalt  }
0x4a: {  	_ =	shalt  }
0x4b: {  	_ =	shalt  }
0x4c: {  	_ =	shalt  }
0x4d: {  	_ =	shalt  }
0x4e: {  	_ =	shalt  }
0x4f: {  	_ =	shalt  }
0x50: {  	_ =	shalt  }
0x51: {  	_ =	shalt  }
0x52: {  	_ =	shalt  }
0x53: {  	_ =	shalt  }
0x54: {  	_ =	shalt  }
0x55: {  	_ =	shalt  }
0x56: {  	_ =	shalt  }
0x57: {  	_ =	shalt  }
0x58: {  	_ =	shalt  }
0x59: {  	_ =	shalt  }
0x5a: {  	_ =	shalt  }
0x5b: {  	_ =	shalt  }
0x5c: {  	_ =	shalt  }
0x5d: {  	_ =	shalt  }
0x5e: {  	_ =	shalt  }
0x5f: {  	_ =	shalt  }
0x60: {  	_ =	shalt  }
0x61: {  	_ =	shalt  }
0x62: {  	_ =	shalt  }
0x63: {  	_ =	shalt  }
0x64: {  	_ =	shalt  }
0x65: {  	_ =	shalt  }
0x66: {  	_ =	shalt  }
0x67: {  	_ =	shalt  }
0x68: {  	_ =	shalt  }
0x69: {  	_ =	shalt  }
0x6a: {  	_ =	shalt  }
0x6b: {  	_ =	shalt  }
0x6c: {  	_ =	shalt  }
0x6d: {  	_ =	shalt  }
0x6e: {  	_ =	shalt  }
0x6f: {  	_ =	shalt  }
0x70: {  	_ =	shalt  }
0x71: {  	_ =	shalt  }
0x72: {  	_ =	shalt  }
0x73: {  	_ =	shalt  }
0x74: {  	_ =	shalt  }
0x75: {  	_ =	shalt  }
0x76: {  	_ =	shalt  }
0x77: {  	_ =	shalt  }
0x78: {  	_ =	shalt  }
0x79: {  	_ =	shalt  }
0x7a: {  	_ =	shalt  }
0x7b: {  	_ =	shalt  }
0x7c: {  	_ =	shalt  }
0x7d: {  	_ =	shalt  }
0x7e: {  	_ =	shalt  }
0x7f: {  	_ =	shalt  }
0x80: {  	_ =	shalt  }
0x81: {  	_ =	shalt  }
0x82: {  	_ =	shalt  }
0x83: {  	_ =	shalt  }
0x84: {  	_ =	shalt  }
0x85: {  	_ =	shalt  }
0x86: {  	_ =	shalt  }
0x87: {  	_ =	shalt  }
.Lfunc_end0:
.L_simem_size_0:
called_computation_lowered:
.L_overlay_start_0:
0x88: {  	s2 =	sld [smem:$0x3FD9]  }
0x89: {  	s3 =	sld [smem:$0x3FFE];
	_ =	sdelay $0x1  }
0x8a: {  	s1 =	srdreg.scid  }
0x8b: {  	s0 =	sand.u32 $0x1, s1  }
0x8c: {  	s16 =	sshll.u32 s0, $0xA;
	s2 =	sadd.s32 s3, s2  }
0x8d: {  	s2 =	sadd.s32 s2, s16  }
0x8e: {  	[smem:$0x3FBF] =	sst s2  }
0x8f: {  	_ = 	snop  }
0x90: {  	(tm) =	ssettm $0x1  }
0x91: {  	s17 =	sld [smem:$0x3FFB];
	_ =	sdelay $0x3  }
0x92: {  	_ =	strace s17  }
0x93: {  	s2 =	sld [smem:$0x3FFC];
	_ =	sdelay $0x3  }
0x94: {  	_ =	strace s2  }
0x95: {  	s2 =	sld [smem:$0x3FFD];
	_ =	sdelay $0x3  }
0x96: {  	_ =	strace s2  }
0x97: {  	_ =	strace $0x8FFFFFFF  }
0x98: {  	s18 =	sld [smem:$0x3FDB];
	_ =	sdelay $0x1  }
0x99: {  	s19 =	simm.s32 $_scs_section_size  }
0x9a: {  	s4 =	simm.s32 $_size__tile_overlayer_lowered;
	s5 =	simm.s32 $_tile_overlayer_lowered  }
0x9b: {  	s22 =	simm.s32 $0x1BFF;
	s21 =	sshll.u32 s5, $0x1;
	s2 =	sadd.s32 s19, s18  }
0x9c: {  	s6 =	simm.s32 $0x0;
	s20 =	sshll.u32 s4, $0x1;
	s4 =	sadd.s32 s21, s2  }
0x9d: {  	[timem:s6], [sflag:s22] =	dma.local [hbm:s4], s20  }
0x9e: {  	_ =	swait.ge [sflag:s22], s20  }
0x9f: {  	s3 =	ssub.s32 $0x0, s20;
	[sflag:s22] =	ssyncset.done $0x0  }
0xa0: {  	[sflag:s22] =	ssyncadd.s32 s3;
	_ =	sdelay $0x1  }
0xa1: {  	s23 =	simm.s32 $0x1B8B  }
0xa2: {  	_ =	swait.ge [sflag:s23], $0x1  }
0xa3: {  	[sflag:s23] =	ssyncset.done $0x0  }
0xa4: {  	s25 =	simm.s32 $0x1B8E;
	s24 =	sld [smem:$0x3FFE];
	[sflag:s23] =	ssyncadd.s32 $0xFFFFFFFF  }
0xa5: {  	s26 =	simm.s32 $execute0_lowered;
	[smem:$0x3FD2] =	sst s25  }
0xa6: {  	s4 =	sshll.u32 s26, $0x1;
	_ =	strace $0x80000046;
	[dreg:$0x1] =	wrdreg $0xFFFFFFFF  }
0xa7: {  	s28 =	simm.s32 $_size_execute0_lowered;
	s2 =	sadd.s32 s2, s4;
	[dreg:$0x0] =	wrdreg $0x0  }
0xa8: {  	s4 =	sshll.u32 s28, $0x1;
	[dreg:$0x2] =	wrdreg s2  }
0xa9: {  	[dreg:$0x3] =	wrdreg s4  }
0xaa: {  	[dreg:$0x4] =	wrdreg $0xC0  }
0xab: {  	_ =	task [dreg:s6], $0x5FFFF  }
0xac: {  	[dreg:$0x1] =	wrdreg $0xFFFFFFFF  }
0xad: {  	[dreg:$0x0] =	wrdreg $0x60  }
0xae: {  	[dreg:$0x2] =	wrdreg s24  }
0xaf: {  	[dreg:$0x3] =	wrdreg $0x41000  }
0xb0: {  	[dreg:$0x4] =	wrdreg $0x9  }
0xb1: {  	_ =	task.clear_ibuf [dreg:s6], $0x5FFFF;
	_ =	strace $0x90000046  }
0xb2: {  	s29 =	simm.s32 $0x9;
	_ =	strace $0x80000048  }
0xb3: {  	_ =	swait.ge [sflag:s29], $0x1  }
0xb4: {  	[sflag:s29] =	ssyncadd.s32 $0xFFFFFFFF  }
0xb5: {  	_ =	strace $0x90000048  }
0xb6: {  	_ =	sfence  }
0xb7: {  	s30 =	sld [smem:$0x0];
	_ =	sdelay $0x2  }
0xb8: {  	s31 =	sshll.u32 s1, $0xD;
	s1 =	sshrl.u32 s1, $0x2  }
0xb9: {  	s3 =	sand.u32 $0x4000, s31;
	s1 =	sadd.s32 s1, s30  }
0xba: {  	s0 =	sor.u32 s3, s0;
	s1 =	sshll.u32 s1, $0x11  }
0xbb: {  	s0 =	sor.u32 s1, s0  }
0xbc: {  	s0 =	sadd.s32 $0x8F2B, s0  }
0xbd: {  	[sflag:s0] =	ssyncadd.remote.s32 $0x1  }
0xbe: {  	_ =	sfence.sel $0xFFFF  }
0xbf: {  	[dreg:$0x0] =	wrdreg $0xFFFFFFFF;
	(pc) =	sbr.abs _section_cstart, $3  }
0xc0: {  	[dreg:$0x1] =	wrdreg $0xFFFFFFFF  }
0xc1: {  	_ =	task.clear_ibuf [dreg:s6], $0x2FFFF;
	_ =	strace $0x9FFFFFFF  }
0xc2: {  	(tm) =	ssettm $0x7FFFFFFF  }
0xc3: {  	_ =	shalt  }
tec
execute0_lowered:
.L_overlay_start_1:
0x0: {  	(tag) =	ssettag $0x1  }
0x1: {  	s3 =	rddreg [dreg:$0x0]  }
0x2: {  	s5 =	rddreg [dreg:$0x1];
	s1 =	srdreg.scid  }
0x3: {  	s0 =	rddreg [dreg:$0x2];
	s2 =	simm.s32 $0x0;
	s11 =	simm.s32 $0x3E80  }
0x4: {  	s12 =	simm.s32 $0x2800;
	s4 =	sand.u32 $0x1, s1;
	s1 =	stileid.u32  }
0x5: {  	s13 =	simm.s32 $0x0;
	[smem:$0x7FF] =	sst s2;
	s7 =	smul.u32 $0x2800, s4  }
0x6: {  	s6 =	sshll.u32 s4, $0x4;
	s8 =	smul.u32 $0x280, s1;
	_ =	strace $0x80000047  }
0x7: {  	s28 =	smul.u32 $0x5000, s1;
	s9 =	sand.u32 $0x7, s1;
	s4 =	ssub.s32 $0x2, s4  }
0x8: {  	p0 =	sgt.u32 s1, $0x7;
	s6 =	sor.u32 s1, s6;
	s9 =	smul.u32 $0xA00, s9  }
0x9: {  	s29 =	sshrl.u32 s4, $0x1;
	s6 =	smul.u32 $0x271, s6;
	s7 =	sadd.s32 s8, s7  }
.Ltmp0:
0xa: {  	s10 =	ssub.s32 s4, s29;
	s30 =	sshrl.u32 s28, $0x2;
	(pc) =	sbr.rel .LBB2_1-.Ltmp0, $4  }
0xb: {  	s8 =	simm.s32 $0x1;
	s7 =	sshrl.u32 s7, $0x3;
	s31 =	sshrl.u32 s9, $0x2  }
0xc: {  	s4 =	sadd.s32 s30, s5;
	s9 =	simm.s32 $0x1400;
	s6 =	sadd.s32 s6, s3  }
0xd: {  	s7 =	sadd.s32 s7, s3;
	s5 =	sadd.s32 s31, s5;
	s3 =	sadd.s32 $0x1A00, s6  }
0xe: {  	v0 =	vimm.f32 $0.0e+00;
	v1 =	vimm.s32 $0x2710;
	v2 =	vimm.f32 $1.000000000e+00;
	s6 =	sadd.s32 $0x6A00, s7;
	s7 =	smax.u32 s10, $0x1;
	s10 =	simm.s32 $0x3C00  }
.LBB2_16:
0xf: {  	s13 =	sadd.s32 $0x1, s13  }
0x10: {  	p1 =	sne.s32 s13, s7  }
.Ltmp1:
0x11: {  	_ = 	snop;
	(pc) =	sbr.rel @!p1 .LBB2_17-.Ltmp1, $2  }
0x12: {  	_ =	sdelay $0x1  }
0x13: {  	[bflag:$0x0] =	sbarrier.arrive $0xFFFF;
	_ =	sdelay $0x1  }
.LBB2_1:
0x14: {  	s14 =	simm.s32 $0x40;
	s15 =	simm.s32 $0x0  }
.LBB2_2:
0x15: {  	p1 =	sne.s32 s14, $0x9FC0;
	[tilespmem:s15+$0x1400] =	vst v0;
	s15 =	smov.u32 s14;
	s14 =	sadd.s32 $0x40, s14  }
.Ltmp2:
0x16: {  	(pc) =	sbr.rel @p1 .LBB2_2-.Ltmp2, $2  }
0x17: {  	_ =	sdelay $0x2  }
0x18: {  	s15 =	sshra.s32 s15, $0x2  }
0x19: {  	[tilespmem:s15+$0x1400] =	vst v0  }
0x1a: {  	s14 =	simm.s32 $0x0;
	[tilespmem:$0x1380] =	vst v1  }
0x1b: {  	[tilespmem:s14], [sflag:$0x1] =	stream.linear.gather [hbm4b:s3+s14], $0x1388, $0x38;
	[tilespmem:$0x5500] =	vst v63  }
0x1c: {  	_ =	swait.ge [sflag:s8], $0x1388  }
0x1d: {  	[sflag:s8] =	ssyncset.done $0x0  }
0x1e: {  	s15 =	simm.s32 $0x0;
	s14 =	simm.s32 $0x40;
	[sflag:s8] =	ssyncadd.s32 $0xFFFFEC78  }
.LBB2_4:
0x1f: {  	p1 =	sne.s32 s14, $0x4E00;
	v3 =	vld [tilespmem:s15+$0x0];
	_ =	sdelay $0x3  }
.Ltmp3:
0x20: {  	(pc) =	sbr.rel @p1 .LBB2_4-.Ltmp3, $2  }
0x21: {  	_ =	sdelay $0x2  }
0x22: {  	s15 =	sshra.s32 s14, $0x2;
	s14 =	sadd.s32 $0x40, s14;
	[tilespmem:v3+s9+$0x0] =	vst.idx.add.f32.msk $0xffff, v2  }
0x23: {  	v3 =	vld [tilespmem:s15+$0x0];
	_ =	sdelay $0x7  }
0x24: {  	[tilespmem:v3+s9+$0x0] =	vst.idx.add.f32.msk $0xffff, v2  }
0x25: {  	[spmem:s4] =	stream.linear.scatter [tilespmem:s9], [sflag:$0x1], $0x1400, $0x38;
	[tilespmem:$0x5500] =	vst v63  }
.Ltmp4:
0x26: {  	_ =	swait.ge [sflag:s8], $0x1400;
	(pc) =	sbr.rel @p0 .LBB2_11-.Ltmp4, $3  }
0x27: {  	[sflag:s8] =	ssyncset.done $0x0  }
0x28: {  	[sflag:s8] =	ssyncadd.s32 $0xFFFFEC00  }
0x29: {  	[bflag:$0x0] =	sbarrier.arrive $0xFFFF;
	_ =	sdelay $0x1  }
0x2a: {  	[tilespmem:$0x3E80] =	vst v0  }
0x2b: {  	[tilespmem:$0x3E90] =	vst v0  }
0x2c: {  	[tilespmem:$0x3EA0] =	vst v0  }
0x2d: {  	[tilespmem:$0x3EB0] =	vst v0  }
0x2e: {  	[tilespmem:$0x3EC0] =	vst v0  }
0x2f: {  	[tilespmem:$0x3ED0] =	vst v0  }
0x30: {  	[tilespmem:$0x3EE0] =	vst v0  }
0x31: {  	[tilespmem:$0x3EF0] =	vst v0  }
0x32: {  	[tilespmem:$0x3F00] =	vst v0  }
0x33: {  	[tilespmem:$0x3F10] =	vst v0  }
0x34: {  	[tilespmem:$0x3F20] =	vst v0  }
0x35: {  	[tilespmem:$0x3F30] =	vst v0  }
0x36: {  	[tilespmem:$0x3F40] =	vst v0  }
0x37: {  	[tilespmem:$0x3F50] =	vst v0  }
0x38: {  	[tilespmem:$0x3F60] =	vst v0  }
0x39: {  	[tilespmem:$0x3F70] =	vst v0  }
0x3a: {  	[tilespmem:$0x3F80] =	vst v0  }
0x3b: {  	[tilespmem:$0x3F90] =	vst v0  }
0x3c: {  	[tilespmem:$0x3FA0] =	vst v0  }
0x3d: {  	[tilespmem:$0x3FB0] =	vst v0  }
0x3e: {  	[tilespmem:$0x3FC0] =	vst v0  }
0x3f: {  	[tilespmem:$0x3FD0] =	vst v0  }
0x40: {  	[tilespmem:$0x3FE0] =	vst v0  }
0x41: {  	[tilespmem:$0x3FF0] =	vst v0  }
0x42: {  	[tilespmem:$0x4000] =	vst v0  }
0x43: {  	[tilespmem:$0x4010] =	vst v0  }
0x44: {  	[tilespmem:$0x4020] =	vst v0  }
0x45: {  	[tilespmem:$0x4030] =	vst v0  }
0x46: {  	[tilespmem:$0x4040] =	vst v0  }
0x47: {  	[tilespmem:$0x4050] =	vst v0  }
0x48: {  	[tilespmem:$0x4060] =	vst v0  }
0x49: {  	[tilespmem:$0x4070] =	vst v0  }
0x4a: {  	[tilespmem:$0x4080] =	vst v0  }
0x4b: {  	[tilespmem:$0x4090] =	vst v0  }
0x4c: {  	[tilespmem:$0x40A0] =	vst v0  }
0x4d: {  	[tilespmem:$0x40B0] =	vst v0  }
0x4e: {  	[tilespmem:$0x40C0] =	vst v0  }
0x4f: {  	[tilespmem:$0x40D0] =	vst v0  }
0x50: {  	[tilespmem:$0x40E0] =	vst v0  }
0x51: {  	[tilespmem:$0x40F0] =	vst v0;
	s14 =	simm.s32 $0x0  }
.LBB2_7:
0x52: {  	s15 =	smul.u32 $0x5000, s14;
	_ =	sdelay $0x1  }
0x53: {  	s15 =	sshra.s32 s15, $0x2  }
0x54: {  	s15 =	sadd.s32 s15, s5  }
0x55: {  	[tilespmem:s10], [sflag:$0x1] =	stream.linear.gather [spmem:s15], $0x280, $0x38;
	[tilespmem:$0x5500] =	vst v63  }
0x56: {  	_ =	swait.ge [sflag:s8], $0x280  }
0x57: {  	[sflag:s8] =	ssyncset.done $0x0  }
0x58: {  	s15 =	simm.s32 $0x0;
	[sflag:s8] =	ssyncadd.s32 $0xFFFFFD80  }
0x59: {  	s16 =	simm.s32 $0x40;
	v3 =	vld [tilespmem:s15+$0x3C00]  }
.LBB2_8:
0x5a: {  	p1 =	sne.s32 s16, $0x9C0;
	v4 =	vld [tilespmem:s15+$0x3E80];
	_ =	sdelay $0x2  }
.Ltmp5:
0x5b: {  	(pc) =	sbr.rel @p1 .LBB2_8-.Ltmp5, $4  }
0x5c: {  	_ = 	snop  }
0x5d: {  	v4 =	vadd.f32 v3, v4  }
0x5e: {  	s17 =	sshra.s32 s16, $0x2  }
0x5f: {  	s16 =	sadd.s32 $0x40, s16;
	v3 =	vld [tilespmem:s17+$0x3C00];
	[tilespmem:s15+$0x3E80] =	vst v4;
	s15 =	smov.u32 s17  }
0x60: {  	v4 =	vld [tilespmem:s15+$0x3E80]  }
0x61: {  	s14 =	sadd.s32 $0x1, s14  }
0x62: {  	p1 =	sne.s32 s14, $0x10  }
.Ltmp6:
0x63: {  	_ = 	snop;
	(pc) =	sbr.rel @p1 .LBB2_7-.Ltmp6, $3  }
0x64: {  	_ = 	snop  }
0x65: {  	v3 =	vadd.f32 v3, v4;
	_ =	sdelay $0x1  }
0x66: {  	[tilespmem:s15+$0x3E80] =	vst v3  }
0x67: {  	[hbm4b:s6+s2] =	stream.linear.scatter [tilespmem:s11], [sflag:$0x1], $0x280, $0x38;
	[tilespmem:$0x5500] =	vst v63  }
0x68: {  	_ =	swait.ge [sflag:s8], $0x280  }
0x69: {  	[sflag:s8] =	ssyncset.done $0x0  }
0x6a: {  	[sflag:s8] =	ssyncadd.s32 $0xFFFFFD80  }
0x6b: {  	[bflag:$0x0] =	sbarrier.arrive $0xFFFF  }
0x6c: {  	[spmem:s4] =	stream.linear.scatter [tilespmem:s12], [sflag:$0x1], $0x1400, $0x38;
	[tilespmem:$0x5500] =	vst v63  }
.Ltmp7:
0x6d: {  	_ =	swait.ge [sflag:s8], $0x1400;
	(pc) =	sbr.rel .LBB2_16-.Ltmp7, $3  }
0x6e: {  	[sflag:s8] =	ssyncset.done $0x0  }
0x6f: {  	[sflag:s8] =	ssyncadd.s32 $0xFFFFEC00  }
0x70: {  	[bflag:$0x0] =	sbarrier.arrive $0xFFFF;
	_ =	sdelay $0x1  }
.LBB2_11:
0x71: {  	[bflag:$0x0] =	sbarrier.arrive $0xFFFF  }
0x72: {  	[spmem:s4] =	stream.linear.scatter [tilespmem:s12], [sflag:$0x1], $0x1400, $0x38;
	[tilespmem:$0x5500] =	vst v63  }
0x73: {  	_ =	swait.ge [sflag:s8], $0x1400  }
0x74: {  	[sflag:s8] =	ssyncset.done $0x0  }
0x75: {  	[sflag:s8] =	ssyncadd.s32 $0xFFFFEC00  }
0x76: {  	[bflag:$0x0] =	sbarrier.arrive $0xFFFF  }
0x77: {  	[tilespmem:$0x3E80] =	vst v0  }
0x78: {  	[tilespmem:$0x3E90] =	vst v0  }
0x79: {  	[tilespmem:$0x3EA0] =	vst v0  }
0x7a: {  	[tilespmem:$0x3EB0] =	vst v0  }
0x7b: {  	[tilespmem:$0x3EC0] =	vst v0  }
0x7c: {  	[tilespmem:$0x3ED0] =	vst v0  }
0x7d: {  	[tilespmem:$0x3EE0] =	vst v0  }
0x7e: {  	[tilespmem:$0x3EF0] =	vst v0  }
0x7f: {  	[tilespmem:$0x3F00] =	vst v0  }
0x80: {  	[tilespmem:$0x3F10] =	vst v0  }
0x81: {  	[tilespmem:$0x3F20] =	vst v0  }
0x82: {  	[tilespmem:$0x3F30] =	vst v0  }
0x83: {  	[tilespmem:$0x3F40] =	vst v0  }
0x84: {  	[tilespmem:$0x3F50] =	vst v0  }
0x85: {  	[tilespmem:$0x3F60] =	vst v0  }
0x86: {  	[tilespmem:$0x3F70] =	vst v0  }
0x87: {  	[tilespmem:$0x3F80] =	vst v0  }
0x88: {  	[tilespmem:$0x3F90] =	vst v0  }
0x89: {  	[tilespmem:$0x3FA0] =	vst v0  }
0x8a: {  	[tilespmem:$0x3FB0] =	vst v0  }
0x8b: {  	[tilespmem:$0x3FC0] =	vst v0  }
0x8c: {  	[tilespmem:$0x3FD0] =	vst v0  }
0x8d: {  	[tilespmem:$0x3FE0] =	vst v0  }
0x8e: {  	[tilespmem:$0x3FF0] =	vst v0  }
0x8f: {  	[tilespmem:$0x4000] =	vst v0  }
0x90: {  	[tilespmem:$0x4010] =	vst v0  }
0x91: {  	[tilespmem:$0x4020] =	vst v0  }
0x92: {  	[tilespmem:$0x4030] =	vst v0  }
0x93: {  	[tilespmem:$0x4040] =	vst v0  }
0x94: {  	[tilespmem:$0x4050] =	vst v0  }
0x95: {  	[tilespmem:$0x4060] =	vst v0  }
0x96: {  	[tilespmem:$0x4070] =	vst v0  }
0x97: {  	[tilespmem:$0x4080] =	vst v0  }
0x98: {  	[tilespmem:$0x4090] =	vst v0  }
0x99: {  	[tilespmem:$0x40A0] =	vst v0  }
0x9a: {  	[tilespmem:$0x40B0] =	vst v0  }
0x9b: {  	[tilespmem:$0x40C0] =	vst v0  }
0x9c: {  	[tilespmem:$0x40D0] =	vst v0  }
0x9d: {  	[tilespmem:$0x40E0] =	vst v0  }
0x9e: {  	s14 =	simm.s32 $0x0;
	[tilespmem:$0x40F0] =	vst v0  }
.LBB2_12:
0x9f: {  	s15 =	smul.u32 $0x5000, s14;
	_ =	sdelay $0x1  }
0xa0: {  	s15 =	sshra.s32 s15, $0x2  }
0xa1: {  	s15 =	sadd.s32 s15, s5  }
0xa2: {  	[tilespmem:s10], [sflag:$0x1] =	stream.linear.gather [spmem:s15], $0x280, $0x38;
	[tilespmem:$0x5500] =	vst v63  }
0xa3: {  	_ =	swait.ge [sflag:s8], $0x280  }
0xa4: {  	[sflag:s8] =	ssyncset.done $0x0  }
0xa5: {  	s15 =	simm.s32 $0x0;
	[sflag:s8] =	ssyncadd.s32 $0xFFFFFD80  }
0xa6: {  	s16 =	simm.s32 $0x40;
	v3 =	vld [tilespmem:s15+$0x3C00]  }
.LBB2_13:
0xa7: {  	p1 =	sne.s32 s16, $0x9C0;
	v4 =	vld [tilespmem:s15+$0x3E80];
	_ =	sdelay $0x2  }
.Ltmp8:
0xa8: {  	(pc) =	sbr.rel @p1 .LBB2_13-.Ltmp8, $4  }
0xa9: {  	_ = 	snop  }
0xaa: {  	v4 =	vadd.f32 v3, v4  }
0xab: {  	s17 =	sshra.s32 s16, $0x2  }
0xac: {  	s16 =	sadd.s32 $0x40, s16;
	v3 =	vld [tilespmem:s17+$0x3C00];
	[tilespmem:s15+$0x3E80] =	vst v4;
	s15 =	smov.u32 s17  }
0xad: {  	v4 =	vld [tilespmem:s15+$0x3E80]  }
0xae: {  	s14 =	sadd.s32 $0x1, s14  }
0xaf: {  	p1 =	sne.s32 s14, $0x10  }
.Ltmp9:
0xb0: {  	_ = 	snop;
	(pc) =	sbr.rel @p1 .LBB2_12-.Ltmp9, $3  }
0xb1: {  	_ = 	snop  }
0xb2: {  	v3 =	vadd.f32 v3, v4;
	_ =	sdelay $0x1  }
0xb3: {  	[tilespmem:s15+$0x3E80] =	vst v3  }
.Ltmp10:
0xb4: {  	(pc) =	sbr.rel .LBB2_16-.Ltmp10, $4  }
0xb5: {  	[hbm4b:s6+s2] =	stream.linear.scatter [tilespmem:s11], [sflag:$0x1], $0x280, $0x38;
	[tilespmem:$0x5500] =	vst v63  }
0xb6: {  	_ =	swait.ge [sflag:s8], $0x280  }
0xb7: {  	[sflag:s8] =	ssyncset.done $0x0  }
0xb8: {  	[sflag:s8] =	ssyncadd.s32 $0xFFFFFD80  }
.LBB2_17:
0xb9: {  	_ =	sfence.sel $0x180000  }
0xba: {  	[bflag:$0x0] =	sbarrier.arrive $0xFFFF  }
0xbb: {  	p0 =	sne.s32 s1, $0x0;
	_ =	strace $0x90000047  }
0xbc: {  	s0 =	sadd.s32 @!p0 $0x100000, s0;
	[bflag:$0x2] =	sbarrier.arrive $0xFFFF  }
0xbd: {  	[sflag:s0] =	ssyncadd.tile.s32 @!p0 $0x1;
	_ =	shalt  }
.Lfunc_end2:
_tile_overlayer_lowered:
.L_overlay_start_2:
0xbe: {  	(tag) =	ssettag $0x2  }
0xbf: {  	s0 =	rddreg [dreg:$0x0];
	s2 =	stileid.u32  }
0xc0: {  	s1 =	rddreg [dreg:$0x1];
	p0 =	sne.s32 s2, $0x0  }
0xc1: {  	s3 =	rddreg [dreg:$0x2];
	[bflag:$0x3] =	sbarrier.arrive $0xFFFF;
	s2 =	simm.s32 @!p0 $0x1C01  }
0xc2: {  	[timem:s3], [sflag:s2] =	dma.local @!p0 [hbm:s0], s1  }
0xc3: {  	s0 =	simm.s32 @!p0 $0x1  }
0xc4: {  	_ =	swait.ge @!p0 [sflag:s0], s1  }
0xc5: {  	s1 =	ssub.s32 @!p0 $0x0, s1;
	[sflag:s0] =	ssyncset.done @!p0 $0x0  }
0xc6: {  	[sflag:s0] =	ssyncadd.s32 @!p0 s1  }
0xc7: {  	[bflag:$0x3] =	sbarrier.arrive $0xFFFF  }
0xc8: {  	_ =	shalt  }

</sc_bundles>
